<compile_context>
chip_gen: v7x
topology: tpu7x:2x2x1
jax: 0.10.2.dev20260603
libtpu: 0.0.44.dev20260713+nightly
codegen_flags: <defaults>
</compile_context>

<pallas_src>
import functools

import jax
import jax.numpy as jnp
from jax import lax
from jax.experimental import pallas as pl
from jax.experimental.pallas import tpu as pltpu
from jax.experimental.pallas import tpu_sc as plsc

TOKENS = 8192
M = 2048
T = 64
K = 2
BLK = 1024
LANES = 16

_SC_INFO = plsc.get_sparse_core_info()
NC = _SC_INFO.num_cores
NS = _SC_INFO.num_subcores
NW = NC * NS
COLS_PER_W = TOKENS // NW


def _mm_softplus_block(x_ref, w_ref, b_ref, lot_ref, nst_ref):
    xb = x_ref[...]
    w = w_ref[...]
    acc = jnp.dot(xb.astype(jnp.bfloat16), w.astype(jnp.bfloat16),
                  preferred_element_type=jnp.float32) + b_ref[...]
    logits = acc[:, :T]
    pre = acc[:, T:]
    ns = jnp.maximum(pre, 0.0) + jnp.log1p(jnp.exp(-jnp.abs(pre)))
    lot_ref[...] = logits.T
    nst_ref[...] = ns.T


def _tc_logits_ns(x, w, b):
    return pl.pallas_call(
        _mm_softplus_block,
        grid=(TOKENS // BLK,),
        in_specs=[
            pl.BlockSpec((BLK, M), lambda i: (i, 0)),
            pl.BlockSpec((M, 2 * T), lambda i: (0, 0)),
            pl.BlockSpec((1, 2 * T), lambda i: (0, 0)),
        ],
        out_specs=[
            pl.BlockSpec((T, BLK), lambda i: (0, i)),
            pl.BlockSpec((T, BLK), lambda i: (0, i)),
        ],
        out_shape=[
            jax.ShapeDtypeStruct((T, TOKENS), jnp.float32),
            jax.ShapeDtypeStruct((T, TOKENS), jnp.float32),
        ],
    )(x, w, b)


def _sc_route(lo_t, ns_t, nz_t):
    mesh = plsc.VectorSubcoreMesh(core_axis_name="c", subcore_axis_name="s")

    @functools.partial(
        pl.kernel,
        mesh=mesh,
        out_type=[
            jax.ShapeDtypeStruct((T, TOKENS), jnp.float32),
            jax.ShapeDtypeStruct((T, TOKENS), jnp.float32),
            jax.ShapeDtypeStruct((K, TOKENS), jnp.int32),
        ],
        scratch_types=[
            pltpu.VMEM((T, COLS_PER_W), jnp.float32),
            pltpu.VMEM((T, COLS_PER_W), jnp.float32),
            pltpu.VMEM((T, COLS_PER_W), jnp.float32),
            pltpu.VMEM((T, COLS_PER_W), jnp.float32),
            pltpu.VMEM((T, COLS_PER_W), jnp.float32),
            pltpu.VMEM((K, COLS_PER_W), jnp.int32),
        ],
    )
    def route(lot_hbm, nst_hbm, nzt_hbm, gt_hbm, ht_hbm, ixt_hbm,
              lo_v, ns_v, nz_v, g_v, h_v, ix_v):
        wid = lax.axis_index("s") * NC + lax.axis_index("c")
        base = wid * COLS_PER_W
        csl = pl.ds(base, COLS_PER_W)
        pltpu.sync_copy(lot_hbm.at[:, csl], lo_v)
        pltpu.sync_copy(nst_hbm.at[:, csl], ns_v)
        pltpu.sync_copy(nzt_hbm.at[:, csl], nz_v)

        def group(g, _):
            col = pl.ds(g * LANES, LANES)
            v1 = jnp.full((LANES,), -jnp.inf, jnp.float32)
            v2 = jnp.full((LANES,), -jnp.inf, jnp.float32)
            i1 = jnp.zeros((LANES,), jnp.int32)
            i2 = jnp.zeros((LANES,), jnp.int32)
            for e in range(T):
                he = lo_v[e, col] + nz_v[e, col] * ns_v[e, col]
                h_v[e, col] = he
                new1 = he > v1
                gt2 = he > v2
                v2 = jnp.where(new1, v1, jnp.where(gt2, he, v2))
                i2 = jnp.where(new1, i1, jnp.where(gt2, e, i2))
                v1 = jnp.where(new1, he, v1)
                i1 = jnp.where(new1, e, i1)

            e2 = jnp.exp(v2 - v1)
            denom = 1.0 + e2
            p1 = 1.0 / denom
            p2 = e2 / denom
            zero = jnp.zeros((LANES,), jnp.float32)
            for e in range(T):
                g_v[e, col] = jnp.where(i1 == e, p1,
                                        jnp.where(i2 == e, p2, zero))
            ix_v[0, col] = i1
            ix_v[1, col] = i2
            return 0

        lax.fori_loop(0, COLS_PER_W // LANES, group, 0)

        pltpu.sync_copy(g_v, gt_hbm.at[:, csl])
        pltpu.sync_copy(h_v, ht_hbm.at[:, csl])
        pltpu.sync_copy(ix_v, ixt_hbm.at[:, csl])

    return route(lo_t, ns_t, nz_t)


_NOISE_CACHE = []


def _noise_const_t():
    if not _NOISE_CACHE:
        _NOISE_CACHE.append(jax.random.normal(
            jax.random.key(42), (TOKENS, T), dtype=jnp.float32).T)
    return _NOISE_CACHE[0]


@functools.partial(jax.jit, static_argnums=())
def kernel(x, Wg_w, Wg_b, Wn_w, Wn_b):
    w = jnp.concatenate([Wg_w, Wn_w], axis=0).T
    b = jnp.concatenate([Wg_b, Wn_b], axis=0)[None, :]
    noise_t = _noise_const_t()
    lo_t, ns_t = _tc_logits_ns(x, w, b)
    gates_t, h_t, idx_t = _sc_route(lo_t, ns_t, noise_t)
    return (gates_t.T, h_t.T, idx_t.T, ns_t.T, lo_t.T)

# --- scband reference (transcript-rebuilt; emitter-appended) ---
"""Pipeline reference for scband-noisy-top-kgate-52750788329544 (READ-ONLY COPY).

The authoritative reference and input builder live on the scoring server;
editing this copy changes nothing except your own understanding.
"""

import jax, jax.numpy as jnp
import numpy as np

TOKENS = 8192
M = 2048
T = 64
K = 2


def setup_inputs(seed: int = 0) -> dict:
    key = jax.random.key(seed)
    k0, k1, k2 = jax.random.split(key, 3)
    x = jax.random.normal(k0, (TOKENS, M), dtype=jnp.float32)
    scale = 1.0 / np.sqrt(M)
    Wg_w = jax.random.normal(k1, (T, M), dtype=jnp.float32) * scale
    Wg_b = jnp.zeros((T,), dtype=jnp.float32)
    Wn_w = jax.random.normal(k2, (T, M), dtype=jnp.float32) * scale
    Wn_b = jnp.zeros((T,), dtype=jnp.float32)
    return {"x": x, "Wg_w": Wg_w, "Wg_b": Wg_b, "Wn_w": Wn_w, "Wn_b": Wn_b}


def reference(x, Wg_w, Wg_b, Wn_w, Wn_b):
    # logits = Wg(x)
    logits = x @ Wg_w.T + Wg_b
    # noise_scale = softplus(Wnoise(x))
    noise_scale = jax.nn.softplus(x @ Wn_w.T + Wn_b)
    # noise = randn_like(logits); fixed key for determinism
    noise = jax.random.normal(jax.random.key(42), logits.shape, dtype=logits.dtype)
    H = logits + noise * noise_scale
    topk_vals, topk_idx = jax.lax.top_k(H, K)
    topk_softmax = jax.nn.softmax(topk_vals, axis=-1)
    rows = jnp.arange(H.shape[0])[:, None]
    gates = jnp.zeros_like(H).at[rows, topk_idx].set(topk_softmax)
    return (gates, H, topk_idx, noise_scale, logits)

if __name__ == "__main__":
    import jax
    _d = setup_inputs()
    print(jax.jit(kernel)(*tuple(_d.values())))

</pallas_src>

<mosaic_0001>
#map = affine_map<(d0, d1) -> (0, 0)>
module attributes {stable_mosaic.version = 14 : i64} {
  func.func @route(%arg0: i32, %arg1: i32, %arg2: memref<64x8192xf32, #tpu.memory_space<hbm>>, %arg3: memref<64x8192xf32, #tpu.memory_space<hbm>>, %arg4: memref<64x8192xf32, #tpu.memory_space<hbm>>, %arg5: memref<64x8192xf32, #tpu.memory_space<hbm>>, %arg6: memref<64x8192xf32, #tpu.memory_space<hbm>>, %arg7: memref<2x8192xi32, #tpu.memory_space<hbm>>, %arg8: memref<64x256xf32, #tpu.memory_space<vmem>>, %arg9: memref<64x256xf32, #tpu.memory_space<vmem>>, %arg10: memref<64x256xf32, #tpu.memory_space<vmem>>, %arg11: memref<64x256xf32, #tpu.memory_space<vmem>>, %arg12: memref<64x256xf32, #tpu.memory_space<vmem>>, %arg13: memref<2x256xi32, #tpu.memory_space<vmem>>) attributes {dimension_semantics = [#tpu.dimension_semantics<core_parallel>, #tpu.dimension_semantics<subcore_parallel>], iteration_bounds = array<i64: 2, 16>, scalar_prefetch = 0 : i64, scratch_operands = 6 : i64, tpu.core_type = #tpu.core_type<sc_vector_subcore>, window_params = [{transform_indices = #map}, {transform_indices = #map}, {transform_indices = #map}, {transform_indices = #map}, {transform_indices = #map}, {transform_indices = #map}]} {
    %mul3A = arith.constant 2 : i32
    %mul3A_0 = arith.muli %arg1, %mul3A : i32
    %add3A = arith.addi %mul3A_0, %arg0 : i32
    %mul3A_1 = arith.constant 256 : i32
    %mul3A_2 = arith.muli %add3A, %mul3A_1 : i32
    "tpu.region"() ({
      %run_scoped3A = tpu.sem_alloc : memref<!tpu.dma_semaphore, #tpu.memory_space<semaphore_mem>>
      %dma_start3A = arith.constant 0 : i32
      %dma_start3A_9 = tpu.memref_slice %arg2[%dma_start3A, %mul3A_2] : memref<64x8192xf32, #tpu.memory_space<hbm>> -> memref<64x256xf32, #tpu.memory_space<hbm>>
      %dma_start3A_10 = arith.constant 0 : i32
      %dma_start3A_11 = tpu.memref_slice %arg2[%dma_start3A_10, %mul3A_2] : memref<64x8192xf32, #tpu.memory_space<hbm>> -> memref<64x256xf32, #tpu.memory_space<hbm>>
      tpu.enqueue_dma source(%dma_start3A_11 : memref<64x256xf32, #tpu.memory_space<hbm>>) target(%arg8 : memref<64x256xf32, #tpu.memory_space<vmem>>) target_semaphore(%run_scoped3A : memref<!tpu.dma_semaphore, #tpu.memory_space<semaphore_mem>>)
      %dma_wait3A = arith.constant 0 : i32
      %dma_wait3A_12 = tpu.memref_slice %arg2[%dma_wait3A, %mul3A_2] : memref<64x8192xf32, #tpu.memory_space<hbm>> -> memref<64x256xf32, #tpu.memory_space<hbm>>
      %dma_wait3A_13 = arith.constant 0 : i32
      %dma_wait3A_14 = tpu.memref_slice %arg2[%dma_wait3A_13, %mul3A_2] : memref<64x8192xf32, #tpu.memory_space<hbm>> -> memref<64x256xf32, #tpu.memory_space<hbm>>
      tpu.wait_dma2 semaphore(%run_scoped3A : memref<!tpu.dma_semaphore, #tpu.memory_space<semaphore_mem>>) src(%dma_wait3A_14 : memref<64x256xf32, #tpu.memory_space<hbm>>) dst(%arg8 : memref<64x256xf32, #tpu.memory_space<vmem>>)
      tpu.yield
    }) : () -> ()
    "tpu.region"() ({
      %run_scoped3A = tpu.sem_alloc : memref<!tpu.dma_semaphore, #tpu.memory_space<semaphore_mem>>
      %dma_start3A = arith.constant 0 : i32
      %dma_start3A_9 = tpu.memref_slice %arg3[%dma_start3A, %mul3A_2] : memref<64x8192xf32, #tpu.memory_space<hbm>> -> memref<64x256xf32, #tpu.memory_space<hbm>>
      %dma_start3A_10 = arith.constant 0 : i32
      %dma_start3A_11 = tpu.memref_slice %arg3[%dma_start3A_10, %mul3A_2] : memref<64x8192xf32, #tpu.memory_space<hbm>> -> memref<64x256xf32, #tpu.memory_space<hbm>>
      tpu.enqueue_dma source(%dma_start3A_11 : memref<64x256xf32, #tpu.memory_space<hbm>>) target(%arg9 : memref<64x256xf32, #tpu.memory_space<vmem>>) target_semaphore(%run_scoped3A : memref<!tpu.dma_semaphore, #tpu.memory_space<semaphore_mem>>)
      %dma_wait3A = arith.constant 0 : i32
      %dma_wait3A_12 = tpu.memref_slice %arg3[%dma_wait3A, %mul3A_2] : memref<64x8192xf32, #tpu.memory_space<hbm>> -> memref<64x256xf32, #tpu.memory_space<hbm>>
      %dma_wait3A_13 = arith.constant 0 : i32
      %dma_wait3A_14 = tpu.memref_slice %arg3[%dma_wait3A_13, %mul3A_2] : memref<64x8192xf32, #tpu.memory_space<hbm>> -> memref<64x256xf32, #tpu.memory_space<hbm>>
      tpu.wait_dma2 semaphore(%run_scoped3A : memref<!tpu.dma_semaphore, #tpu.memory_space<semaphore_mem>>) src(%dma_wait3A_14 : memref<64x256xf32, #tpu.memory_space<hbm>>) dst(%arg9 : memref<64x256xf32, #tpu.memory_space<vmem>>)
      tpu.yield
    }) : () -> ()
    "tpu.region"() ({
      %run_scoped3A = tpu.sem_alloc : memref<!tpu.dma_semaphore, #tpu.memory_space<semaphore_mem>>
      %dma_start3A = arith.constant 0 : i32
      %dma_start3A_9 = tpu.memref_slice %arg4[%dma_start3A, %mul3A_2] : memref<64x8192xf32, #tpu.memory_space<hbm>> -> memref<64x256xf32, #tpu.memory_space<hbm>>
      %dma_start3A_10 = arith.constant 0 : i32
      %dma_start3A_11 = tpu.memref_slice %arg4[%dma_start3A_10, %mul3A_2] : memref<64x8192xf32, #tpu.memory_space<hbm>> -> memref<64x256xf32, #tpu.memory_space<hbm>>
      tpu.enqueue_dma source(%dma_start3A_11 : memref<64x256xf32, #tpu.memory_space<hbm>>) target(%arg10 : memref<64x256xf32, #tpu.memory_space<vmem>>) target_semaphore(%run_scoped3A : memref<!tpu.dma_semaphore, #tpu.memory_space<semaphore_mem>>)
      %dma_wait3A = arith.constant 0 : i32
      %dma_wait3A_12 = tpu.memref_slice %arg4[%dma_wait3A, %mul3A_2] : memref<64x8192xf32, #tpu.memory_space<hbm>> -> memref<64x256xf32, #tpu.memory_space<hbm>>
      %dma_wait3A_13 = arith.constant 0 : i32
      %dma_wait3A_14 = tpu.memref_slice %arg4[%dma_wait3A_13, %mul3A_2] : memref<64x8192xf32, #tpu.memory_space<hbm>> -> memref<64x256xf32, #tpu.memory_space<hbm>>
      tpu.wait_dma2 semaphore(%run_scoped3A : memref<!tpu.dma_semaphore, #tpu.memory_space<semaphore_mem>>) src(%dma_wait3A_14 : memref<64x256xf32, #tpu.memory_space<hbm>>) dst(%arg10 : memref<64x256xf32, #tpu.memory_space<vmem>>)
      tpu.yield
    }) : () -> ()
    %scan3A = arith.constant 0 : i32
    %scan3A_3 = arith.constant 0 : i32
    %scan3A_4 = arith.constant 16 : i32
    %scan3A_5 = arith.addi %scan3A_3, %scan3A_4 : i32
    %scan3A_6 = arith.constant 1 : i32
    %scan3A_7 = scf.for %scan3A_9 = %scan3A_3 to %scan3A_5 step %scan3A_6 iter_args(%scan3A_10 = %scan3A) -> (i32)  : i32 {
      %mul3A_11 = arith.constant 16 : i32
      %mul3A_12 = arith.muli %scan3A_9, %mul3A_11 : i32
      %broadcast_in_dim3A = arith.constant 0xFF800000 : f32
      %broadcast_in_dim3A_13 = vector.broadcast %broadcast_in_dim3A : f32 to vector<16xf32>
      %broadcast_in_dim3A_14 = arith.constant 0xFF800000 : f32
      %broadcast_in_dim3A_15 = vector.broadcast %broadcast_in_dim3A_14 : f32 to vector<16xf32>
      %broadcast_in_dim3A_16 = arith.constant 0 : i32
      %broadcast_in_dim3A_17 = vector.broadcast %broadcast_in_dim3A_16 : i32 to vector<16xi32>
      %broadcast_in_dim3A_18 = arith.constant 0 : i32
      %broadcast_in_dim3A_19 = vector.broadcast %broadcast_in_dim3A_18 : i32 to vector<16xi32>
      %get3A = arith.constant 0 : i32
      %get3A_20 = arith.index_cast %get3A : i32 to index
      %get3A_21 = arith.index_cast %mul3A_12 : i32 to index
      %get3A_22 = tpu.vector_load %arg8[%get3A_20, %get3A_21] {strides = array<i32>} : memref<64x256xf32, #tpu.memory_space<vmem>>, vector<1x16xf32>,
      %get3A_23 = vector.shape_cast %get3A_22 : vector<1x16xf32> to vector<16xf32>
      %get3A_24 = arith.constant 0 : i32
      %get3A_25 = arith.index_cast %get3A_24 : i32 to index
      %get3A_26 = arith.index_cast %mul3A_12 : i32 to index
      %get3A_27 = tpu.vector_load %arg10[%get3A_25, %get3A_26] {strides = array<i32>} : memref<64x256xf32, #tpu.memory_space<vmem>>, vector<1x16xf32>,
      %get3A_28 = vector.shape_cast %get3A_27 : vector<1x16xf32> to vector<16xf32>
      %get3A_29 = arith.constant 0 : i32
      %get3A_30 = arith.index_cast %get3A_29 : i32 to index
      %get3A_31 = arith.index_cast %mul3A_12 : i32 to index
      %get3A_32 = tpu.vector_load %arg9[%get3A_30, %get3A_31] {strides = array<i32>} : memref<64x256xf32, #tpu.memory_space<vmem>>, vector<1x16xf32>,
      %get3A_33 = vector.shape_cast %get3A_32 : vector<1x16xf32> to vector<16xf32>
      %mul3A_34 = arith.mulf %get3A_28, %get3A_33 : vector<16xf32>
      %add3A_35 = arith.addf %get3A_23, %mul3A_34 : vector<16xf32>
      %swap3A = arith.constant 0 : i32
      %swap3A_36 = arith.index_cast %swap3A : i32 to index
      %swap3A_37 = arith.index_cast %mul3A_12 : i32 to index
      %swap3A_38 = tpu.vector_load %arg12[%swap3A_36, %swap3A_37] {strides = array<i32>} : memref<64x256xf32, #tpu.memory_space<vmem>>, vector<1x16xf32>,
      %swap3A_39 = vector.shape_cast %swap3A_38 : vector<1x16xf32> to vector<16xf32>
      %swap3A_40 = vector.shape_cast %add3A_35 : vector<16xf32> to vector<1x16xf32>
      tpu.vector_store %arg12[%swap3A_36, %swap3A_37], %swap3A_40 {strides = array<i32>} : memref<64x256xf32, #tpu.memory_space<vmem>>, vector<1x16xf32>,
      %gt3A = arith.cmpf ogt, %add3A_35, %broadcast_in_dim3A_13 : vector<16xf32>
      %gt3A_41 = arith.cmpf ogt, %add3A_35, %broadcast_in_dim3A_15 : vector<16xf32>
      %select_n3A = arith.select %gt3A_41, %add3A_35, %broadcast_in_dim3A_15 : vector<16xi1>, vector<16xf32>
      %select_n3A_42 = arith.select %gt3A, %broadcast_in_dim3A_13, %select_n3A : vector<16xi1>, vector<16xf32>
      %jit3A = arith.constant 0 : i32
      %broadcast_in_dim3A_43 = vector.broadcast %jit3A : i32 to vector<16xi32>
      %select_n3A_44 = arith.select %gt3A_41, %broadcast_in_dim3A_43, %broadcast_in_dim3A_19 : vector<16xi1>, vector<16xi32>
      %select_n3A_45 = arith.select %gt3A, %broadcast_in_dim3A_17, %select_n3A_44 : vector<16xi1>, vector<16xi32>
      %select_n3A_46 = arith.select %gt3A, %add3A_35, %broadcast_in_dim3A_13 : vector<16xi1>, vector<16xf32>
      %jit3A_47 = arith.constant 0 : i32
      %broadcast_in_dim3A_48 = vector.broadcast %jit3A_47 : i32 to vector<16xi32>
      %select_n3A_49 = arith.select %gt3A, %broadcast_in_dim3A_48, %broadcast_in_dim3A_17 : vector<16xi1>, vector<16xi32>
      %get3A_50 = arith.constant 1 : i32
      %get3A_51 = arith.index_cast %get3A_50 : i32 to index
      %get3A_52 = arith.index_cast %mul3A_12 : i32 to index
      %get3A_53 = tpu.vector_load %arg8[%get3A_51, %get3A_52] {strides = array<i32>} : memref<64x256xf32, #tpu.memory_space<vmem>>, vector<1x16xf32>,
      %get3A_54 = vector.shape_cast %get3A_53 : vector<1x16xf32> to vector<16xf32>
      %get3A_55 = arith.constant 1 : i32
      %get3A_56 = arith.index_cast %get3A_55 : i32 to index
      %get3A_57 = arith.index_cast %mul3A_12 : i32 to index
      %get3A_58 = tpu.vector_load %arg10[%get3A_56, %get3A_57] {strides = array<i32>} : memref<64x256xf32, #tpu.memory_space<vmem>>, vector<1x16xf32>,
      %get3A_59 = vector.shape_cast %get3A_58 : vector<1x16xf32> to vector<16xf32>
      %get3A_60 = arith.constant 1 : i32
      %get3A_61 = arith.index_cast %get3A_60 : i32 to index
      %get3A_62 = arith.index_cast %mul3A_12 : i32 to index
      %get3A_63 = tpu.vector_load %arg9[%get3A_61, %get3A_62] {strides = array<i32>} : memref<64x256xf32, #tpu.memory_space<vmem>>, vector<1x16xf32>,
      %get3A_64 = vector.shape_cast %get3A_63 : vector<1x16xf32> to vector<16xf32>
      %mul3A_65 = arith.mulf %get3A_59, %get3A_64 : vector<16xf32>
      %add3A_66 = arith.addf %get3A_54, %mul3A_65 : vector<16xf32>
      %swap3A_67 = arith.constant 1 : i32
      %swap3A_68 = arith.index_cast %swap3A_67 : i32 to index
      %swap3A_69 = arith.index_cast %mul3A_12 : i32 to index
      %swap3A_70 = tpu.vector_load %arg12[%swap3A_68, %swap3A_69] {strides = array<i32>} : memref<64x256xf32, #tpu.memory_space<vmem>>, vector<1x16xf32>,
      %swap3A_71 = vector.shape_cast %swap3A_70 : vector<1x16xf32> to vector<16xf32>
      %swap3A_72 = vector.shape_cast %add3A_66 : vector<16xf32> to vector<1x16xf32>
      tpu.vector_store %arg12[%swap3A_68, %swap3A_69], %swap3A_72 {strides = array<i32>} : memref<64x256xf32, #tpu.memory_space<vmem>>, vector<1x16xf32>,
      %gt3A_73 = arith.cmpf ogt, %add3A_66, %select_n3A_46 : vector<16xf32>
      %gt3A_74 = arith.cmpf ogt, %add3A_66, %select_n3A_42 : vector<16xf32>
      %select_n3A_75 = arith.select %gt3A_74, %add3A_66, %select_n3A_42 : vector<16xi1>, vector<16xf32>
      %select_n3A_76 = arith.select %gt3A_73, %select_n3A_46, %select_n3A_75 : vector<16xi1>, vector<16xf32>
      %jit3A_77 = arith.constant 1 : i32
      %broadcast_in_dim3A_78 = vector.broadcast %jit3A_77 : i32 to vector<16xi32>
      %select_n3A_79 = arith.select %gt3A_74, %broadcast_in_dim3A_78, %select_n3A_45 : vector<16xi1>, vector<16xi32>
      %select_n3A_80 = arith.select %gt3A_73, %select_n3A_49, %select_n3A_79 : vector<16xi1>, vector<16xi32>
      %select_n3A_81 = arith.select %gt3A_73, %add3A_66, %select_n3A_46 : vector<16xi1>, vector<16xf32>
      %jit3A_82 = arith.constant 1 : i32
      %broadcast_in_dim3A_83 = vector.broadcast %jit3A_82 : i32 to vector<16xi32>
      %select_n3A_84 = arith.select %gt3A_73, %broadcast_in_dim3A_83, %select_n3A_49 : vector<16xi1>, vector<16xi32>
      %get3A_85 = arith.constant 2 : i32
      %get3A_86 = arith.index_cast %get3A_85 : i32 to index
      %get3A_87 = arith.index_cast %mul3A_12 : i32 to index
      %get3A_88 = tpu.vector_load %arg8[%get3A_86, %get3A_87] {strides = array<i32>} : memref<64x256xf32, #tpu.memory_space<vmem>>, vector<1x16xf32>,
      %get3A_89 = vector.shape_cast %get3A_88 : vector<1x16xf32> to vector<16xf32>
      %get3A_90 = arith.constant 2 : i32
      %get3A_91 = arith.index_cast %get3A_90 : i32 to index
      %get3A_92 = arith.index_cast %mul3A_12 : i32 to index
      %get3A_93 = tpu.vector_load %arg10[%get3A_91, %get3A_92] {strides = array<i32>} : memref<64x256xf32, #tpu.memory_space<vmem>>, vector<1x16xf32>,
      %get3A_94 = vector.shape_cast %get3A_93 : vector<1x16xf32> to vector<16xf32>
      %get3A_95 = arith.constant 2 : i32
      %get3A_96 = arith.index_cast %get3A_95 : i32 to index
      %get3A_97 = arith.index_cast %mul3A_12 : i32 to index
      %get3A_98 = tpu.vector_load %arg9[%get3A_96, %get3A_97] {strides = array<i32>} : memref<64x256xf32, #tpu.memory_space<vmem>>, vector<1x16xf32>,
      %get3A_99 = vector.shape_cast %get3A_98 : vector<1x16xf32> to vector<16xf32>
      %mul3A_100 = arith.mulf %get3A_94, %get3A_99 : vector<16xf32>
      %add3A_101 = arith.addf %get3A_89, %mul3A_100 : vector<16xf32>
      %swap3A_102 = arith.constant 2 : i32
      %swap3A_103 = arith.index_cast %swap3A_102 : i32 to index
      %swap3A_104 = arith.index_cast %mul3A_12 : i32 to index
      %swap3A_105 = tpu.vector_load %arg12[%swap3A_103, %swap3A_104] {strides = array<i32>} : memref<64x256xf32, #tpu.memory_space<vmem>>, vector<1x16xf32>,
      %swap3A_106 = vector.shape_cast %swap3A_105 : vector<1x16xf32> to vector<16xf32>
      %swap3A_107 = vector.shape_cast %add3A_101 : vector<16xf32> to vector<1x16xf32>
      tpu.vector_store %arg12[%swap3A_103, %swap3A_104], %swap3A_107 {strides = array<i32>} : memref<64x256xf32, #tpu.memory_space<vmem>>, vector<1x16xf32>,
      %gt3A_108 = arith.cmpf ogt, %add3A_101, %select_n3A_81 : vector<16xf32>
      %gt3A_109 = arith.cmpf ogt, %add3A_101, %select_n3A_76 : vector<16xf32>
      %select_n3A_110 = arith.select %gt3A_109, %add3A_101, %select_n3A_76 : vector<16xi1>, vector<16xf32>
      %select_n3A_111 = arith.select %gt3A_108, %select_n3A_81, %select_n3A_110 : vector<16xi1>, vector<16xf32>
      %jit3A_112 = arith.constant 2 : i32
      %broadcast_in_dim3A_113 = vector.broadcast %jit3A_112 : i32 to vector<16xi32>
      %select_n3A_114 = arith.select %gt3A_109, %broadcast_in_dim3A_113, %select_n3A_80 : vector<16xi1>, vector<16xi32>
      %select_n3A_115 = arith.select %gt3A_108, %select_n3A_84, %select_n3A_114 : vector<16xi1>, vector<16xi32>
      %select_n3A_116 = arith.select %gt3A_108, %add3A_101, %select_n3A_81 : vector<16xi1>, vector<16xf32>
      %jit3A_117 = arith.constant 2 : i32
      %broadcast_in_dim3A_118 = vector.broadcast %jit3A_117 : i32 to vector<16xi32>
      %select_n3A_119 = arith.select %gt3A_108, %broadcast_in_dim3A_118, %select_n3A_84 : vector<16xi1>, vector<16xi32>
      %get3A_120 = arith.constant 3 : i32
      %get3A_121 = arith.index_cast %get3A_120 : i32 to index
      %get3A_122 = arith.index_cast %mul3A_12 : i32 to index
      %get3A_123 = tpu.vector_load %arg8[%get3A_121, %get3A_122] {strides = array<i32>} : memref<64x256xf32, #tpu.memory_space<vmem>>, vector<1x16xf32>,
      %get3A_124 = vector.shape_cast %get3A_123 : vector<1x16xf32> to vector<16xf32>
      %get3A_125 = arith.constant 3 : i32
      %get3A_126 = arith.index_cast %get3A_125 : i32 to index
      %get3A_127 = arith.index_cast %mul3A_12 : i32 to index
      %get3A_128 = tpu.vector_load %arg10[%get3A_126, %get3A_127] {strides = array<i32>} : memref<64x256xf32, #tpu.memory_space<vmem>>, vector<1x16xf32>,
      %get3A_129 = vector.shape_cast %get3A_128 : vector<1x16xf32> to vector<16xf32>
      %get3A_130 = arith.constant 3 : i32
      %get3A_131 = arith.index_cast %get3A_130 : i32 to index
      %get3A_132 = arith.index_cast %mul3A_12 : i32 to index
      %get3A_133 = tpu.vector_load %arg9[%get3A_131, %get3A_132] {strides = array<i32>} : memref<64x256xf32, #tpu.memory_space<vmem>>, vector<1x16xf32>,
      %get3A_134 = vector.shape_cast %get3A_133 : vector<1x16xf32> to vector<16xf32>
      %mul3A_135 = arith.mulf %get3A_129, %get3A_134 : vector<16xf32>
      %add3A_136 = arith.addf %get3A_124, %mul3A_135 : vector<16xf32>
      %swap3A_137 = arith.constant 3 : i32
      %swap3A_138 = arith.index_cast %swap3A_137 : i32 to index
      %swap3A_139 = arith.index_cast %mul3A_12 : i32 to index
      %swap3A_140 = tpu.vector_load %arg12[%swap3A_138, %swap3A_139] {strides = array<i32>} : memref<64x256xf32, #tpu.memory_space<vmem>>, vector<1x16xf32>,
      %swap3A_141 = vector.shape_cast %swap3A_140 : vector<1x16xf32> to vector<16xf32>
      %swap3A_142 = vector.shape_cast %add3A_136 : vector<16xf32> to vector<1x16xf32>
      tpu.vector_store %arg12[%swap3A_138, %swap3A_139], %swap3A_142 {strides = array<i32>} : memref<64x256xf32, #tpu.memory_space<vmem>>, vector<1x16xf32>,
      %gt3A_143 = arith.cmpf ogt, %add3A_136, %select_n3A_116 : vector<16xf32>
      %gt3A_144 = arith.cmpf ogt, %add3A_136, %select_n3A_111 : vector<16xf32>
      %select_n3A_145 = arith.select %gt3A_144, %add3A_136, %select_n3A_111 : vector<16xi1>, vector<16xf32>
      %select_n3A_146 = arith.select %gt3A_143, %select_n3A_116, %select_n3A_145 : vector<16xi1>, vector<16xf32>
      %jit3A_147 = arith.constant 3 : i32
      %broadcast_in_dim3A_148 = vector.broadcast %jit3A_147 : i32 to vector<16xi32>
      %select_n3A_149 = arith.select %gt3A_144, %broadcast_in_dim3A_148, %select_n3A_115 : vector<16xi1>, vector<16xi32>
      %select_n3A_150 = arith.select %gt3A_143, %select_n3A_119, %select_n3A_149 : vector<16xi1>, vector<16xi32>
      %select_n3A_151 = arith.select %gt3A_143, %add3A_136, %select_n3A_116 : vector<16xi1>, vector<16xf32>
      %jit3A_152 = arith.constant 3 : i32
      %broadcast_in_dim3A_153 = vector.broadcast %jit3A_152 : i32 to vector<16xi32>
      %select_n3A_154 = arith.select %gt3A_143, %broadcast_in_dim3A_153, %select_n3A_119 : vector<16xi1>, vector<16xi32>
      %get3A_155 = arith.constant 4 : i32
      %get3A_156 = arith.index_cast %get3A_155 : i32 to index
      %get3A_157 = arith.index_cast %mul3A_12 : i32 to index
      %get3A_158 = tpu.vector_load %arg8[%get3A_156, %get3A_157] {strides = array<i32>} : memref<64x256xf32, #tpu.memory_space<vmem>>, vector<1x16xf32>,
      %get3A_159 = vector.shape_cast %get3A_158 : vector<1x16xf32> to vector<16xf32>
      %get3A_160 = arith.constant 4 : i32
      %get3A_161 = arith.index_cast %get3A_160 : i32 to index
      %get3A_162 = arith.index_cast %mul3A_12 : i32 to index
      %get3A_163 = tpu.vector_load %arg10[%get3A_161, %get3A_162] {strides = array<i32>} : memref<64x256xf32, #tpu.memory_space<vmem>>, vector<1x16xf32>,
      %get3A_164 = vector.shape_cast %get3A_163 : vector<1x16xf32> to vector<16xf32>
      %get3A_165 = arith.constant 4 : i32
      %get3A_166 = arith.index_cast %get3A_165 : i32 to index
      %get3A_167 = arith.index_cast %mul3A_12 : i32 to index
      %get3A_168 = tpu.vector_load %arg9[%get3A_166, %get3A_167] {strides = array<i32>} : memref<64x256xf32, #tpu.memory_space<vmem>>, vector<1x16xf32>,
      %get3A_169 = vector.shape_cast %get3A_168 : vector<1x16xf32> to vector<16xf32>
      %mul3A_170 = arith.mulf %get3A_164, %get3A_169 : vector<16xf32>
      %add3A_171 = arith.addf %get3A_159, %mul3A_170 : vector<16xf32>
      %swap3A_172 = arith.constant 4 : i32
      %swap3A_173 = arith.index_cast %swap3A_172 : i32 to index
      %swap3A_174 = arith.index_cast %mul3A_12 : i32 to index
      %swap3A_175 = tpu.vector_load %arg12[%swap3A_173, %swap3A_174] {strides = array<i32>} : memref<64x256xf32, #tpu.memory_space<vmem>>, vector<1x16xf32>,
      %swap3A_176 = vector.shape_cast %swap3A_175 : vector<1x16xf32> to vector<16xf32>
      %swap3A_177 = vector.shape_cast %add3A_171 : vector<16xf32> to vector<1x16xf32>
      tpu.vector_store %arg12[%swap3A_173, %swap3A_174], %swap3A_177 {strides = array<i32>} : memref<64x256xf32, #tpu.memory_space<vmem>>, vector<1x16xf32>,
      %gt3A_178 = arith.cmpf ogt, %add3A_171, %select_n3A_151 : vector<16xf32>
      %gt3A_179 = arith.cmpf ogt, %add3A_171, %select_n3A_146 : vector<16xf32>
      %select_n3A_180 = arith.select %gt3A_179, %add3A_171, %select_n3A_146 : vector<16xi1>, vector<16xf32>
      %select_n3A_181 = arith.select %gt3A_178, %select_n3A_151, %select_n3A_180 : vector<16xi1>, vector<16xf32>
      %jit3A_182 = arith.constant 4 : i32
      %broadcast_in_dim3A_183 = vector.broadcast %jit3A_182 : i32 to vector<16xi32>
      %select_n3A_184 = arith.select %gt3A_179, %broadcast_in_dim3A_183, %select_n3A_150 : vector<16xi1>, vector<16xi32>
      %select_n3A_185 = arith.select %gt3A_178, %select_n3A_154, %select_n3A_184 : vector<16xi1>, vector<16xi32>
      %select_n3A_186 = arith.select %gt3A_178, %add3A_171, %select_n3A_151 : vector<16xi1>, vector<16xf32>
      %jit3A_187 = arith.constant 4 : i32
      %broadcast_in_dim3A_188 = vector.broadcast %jit3A_187 : i32 to vector<16xi32>
      %select_n3A_189 = arith.select %gt3A_178, %broadcast_in_dim3A_188, %select_n3A_154 : vector<16xi1>, vector<16xi32>
      %get3A_190 = arith.constant 5 : i32
      %get3A_191 = arith.index_cast %get3A_190 : i32 to index
      %get3A_192 = arith.index_cast %mul3A_12 : i32 to index
      %get3A_193 = tpu.vector_load %arg8[%get3A_191, %get3A_192] {strides = array<i32>} : memref<64x256xf32, #tpu.memory_space<vmem>>, vector<1x16xf32>,
      %get3A_194 = vector.shape_cast %get3A_193 : vector<1x16xf32> to vector<16xf32>
      %get3A_195 = arith.constant 5 : i32
      %get3A_196 = arith.index_cast %get3A_195 : i32 to index
      %get3A_197 = arith.index_cast %mul3A_12 : i32 to index
      %get3A_198 = tpu.vector_load %arg10[%get3A_196, %get3A_197] {strides = array<i32>} : memref<64x256xf32, #tpu.memory_space<vmem>>, vector<1x16xf32>,
      %get3A_199 = vector.shape_cast %get3A_198 : vector<1x16xf32> to vector<16xf32>
      %get3A_200 = arith.constant 5 : i32
      %get3A_201 = arith.index_cast %get3A_200 : i32 to index
      %get3A_202 = arith.index_cast %mul3A_12 : i32 to index
      %get3A_203 = tpu.vector_load %arg9[%get3A_201, %get3A_202] {strides = array<i32>} : memref<64x256xf32, #tpu.memory_space<vmem>>, vector<1x16xf32>,
      %get3A_204 = vector.shape_cast %get3A_203 : vector<1x16xf32> to vector<16xf32>
      %mul3A_205 = arith.mulf %get3A_199, %get3A_204 : vector<16xf32>
      %add3A_206 = arith.addf %get3A_194, %mul3A_205 : vector<16xf32>
      %swap3A_207 = arith.constant 5 : i32
      %swap3A_208 = arith.index_cast %swap3A_207 : i32 to index
      %swap3A_209 = arith.index_cast %mul3A_12 : i32 to index
      %swap3A_210 = tpu.vector_load %arg12[%swap3A_208, %swap3A_209] {strides = array<i32>} : memref<64x256xf32, #tpu.memory_space<vmem>>, vector<1x16xf32>,
      %swap3A_211 = vector.shape_cast %swap3A_210 : vector<1x16xf32> to vector<16xf32>
      %swap3A_212 = vector.shape_cast %add3A_206 : vector<16xf32> to vector<1x16xf32>
      tpu.vector_store %arg12[%swap3A_208, %swap3A_209], %swap3A_212 {strides = array<i32>} : memref<64x256xf32, #tpu.memory_space<vmem>>, vector<1x16xf32>,
      %gt3A_213 = arith.cmpf ogt, %add3A_206, %select_n3A_186 : vector<16xf32>
      %gt3A_214 = arith.cmpf ogt, %add3A_206, %select_n3A_181 : vector<16xf32>
      %select_n3A_215 = arith.select %gt3A_214, %add3A_206, %select_n3A_181 : vector<16xi1>, vector<16xf32>
      %select_n3A_216 = arith.select %gt3A_213, %select_n3A_186, %select_n3A_215 : vector<16xi1>, vector<16xf32>
      %jit3A_217 = arith.constant 5 : i32
      %broadcast_in_dim3A_218 = vector.broadcast %jit3A_217 : i32 to vector<16xi32>
      %select_n3A_219 = arith.select %gt3A_214, %broadcast_in_dim3A_218, %select_n3A_185 : vector<16xi1>, vector<16xi32>
      %select_n3A_220 = arith.select %gt3A_213, %select_n3A_189, %select_n3A_219 : vector<16xi1>, vector<16xi32>
      %select_n3A_221 = arith.select %gt3A_213, %add3A_206, %select_n3A_186 : vector<16xi1>, vector<16xf32>
      %jit3A_222 = arith.constant 5 : i32
      %broadcast_in_dim3A_223 = vector.broadcast %jit3A_222 : i32 to vector<16xi32>
      %select_n3A_224 = arith.select %gt3A_213, %broadcast_in_dim3A_223, %select_n3A_189 : vector<16xi1>, vector<16xi32>
      %get3A_225 = arith.constant 6 : i32
      %get3A_226 = arith.index_cast %get3A_225 : i32 to index
      %get3A_227 = arith.index_cast %mul3A_12 : i32 to index
      %get3A_228 = tpu.vector_load %arg8[%get3A_226, %get3A_227] {strides = array<i32>} : memref<64x256xf32, #tpu.memory_space<vmem>>, vector<1x16xf32>,
      %get3A_229 = vector.shape_cast %get3A_228 : vector<1x16xf32> to vector<16xf32>
      %get3A_230 = arith.constant 6 : i32
      %get3A_231 = arith.index_cast %get3A_230 : i32 to index
      %get3A_232 = arith.index_cast %mul3A_12 : i32 to index
      %get3A_233 = tpu.vector_load %arg10[%get3A_231, %get3A_232] {strides = array<i32>} : memref<64x256xf32, #tpu.memory_space<vmem>>, vector<1x16xf32>,
      %get3A_234 = vector.shape_cast %get3A_233 : vector<1x16xf32> to vector<16xf32>
      %get3A_235 = arith.constant 6 : i32
      %get3A_236 = arith.index_cast %get3A_235 : i32 to index
      %get3A_237 = arith.index_cast %mul3A_12 : i32 to index
      %get3A_238 = tpu.vector_load %arg9[%get3A_236, %get3A_237] {strides = array<i32>} : memref<64x256xf32, #tpu.memory_space<vmem>>, vector<1x16xf32>,
      %get3A_239 = vector.shape_cast %get3A_238 : vector<1x16xf32> to vector<16xf32>
      %mul3A_240 = arith.mulf %get3A_234, %get3A_239 : vector<16xf32>
      %add3A_241 = arith.addf %get3A_229, %mul3A_240 : vector<16xf32>
      %swap3A_242 = arith.constant 6 : i32
      %swap3A_243 = arith.index_cast %swap3A_242 : i32 to index
      %swap3A_244 = arith.index_cast %mul3A_12 : i32 to index
      %swap3A_245 = tpu.vector_load %arg12[%swap3A_243, %swap3A_244] {strides = array<i32>} : memref<64x256xf32, #tpu.memory_space<vmem>>, vector<1x16xf32>,
      %swap3A_246 = vector.shape_cast %swap3A_245 : vector<1x16xf32> to vector<16xf32>
      %swap3A_247 = vector.shape_cast %add3A_241 : vector<16xf32> to vector<1x16xf32>
      tpu.vector_store %arg12[%swap3A_243, %swap3A_244], %swap3A_247 {strides = array<i32>} : memref<64x256xf32, #tpu.memory_space<vmem>>, vector<1x16xf32>,
      %gt3A_248 = arith.cmpf ogt, %add3A_241, %select_n3A_221 : vector<16xf32>
      %gt3A_249 = arith.cmpf ogt, %add3A_241, %select_n3A_216 : vector<16xf32>
      %select_n3A_250 = arith.select %gt3A_249, %add3A_241, %select_n3A_216 : vector<16xi1>, vector<16xf32>
      %select_n3A_251 = arith.select %gt3A_248, %select_n3A_221, %select_n3A_250 : vector<16xi1>, vector<16xf32>
      %jit3A_252 = arith.constant 6 : i32
      %broadcast_in_dim3A_253 = vector.broadcast %jit3A_252 : i32 to vector<16xi32>
      %select_n3A_254 = arith.select %gt3A_249, %broadcast_in_dim3A_253, %select_n3A_220 : vector<16xi1>, vector<16xi32>
      %select_n3A_255 = arith.select %gt3A_248, %select_n3A_224, %select_n3A_254 : vector<16xi1>, vector<16xi32>
      %select_n3A_256 = arith.select %gt3A_248, %add3A_241, %select_n3A_221 : vector<16xi1>, vector<16xf32>
      %jit3A_257 = arith.constant 6 : i32
      %broadcast_in_dim3A_258 = vector.broadcast %jit3A_257 : i32 to vector<16xi32>
      %select_n3A_259 = arith.select %gt3A_248, %broadcast_in_dim3A_258, %select_n3A_224 : vector<16xi1>, vector<16xi32>
      %get3A_260 = arith.constant 7 : i32
      %get3A_261 = arith.index_cast %get3A_260 : i32 to index
      %get3A_262 = arith.index_cast %mul3A_12 : i32 to index
      %get3A_263 = tpu.vector_load %arg8[%get3A_261, %get3A_262] {strides = array<i32>} : memref<64x256xf32, #tpu.memory_space<vmem>>, vector<1x16xf32>,
      %get3A_264 = vector.shape_cast %get3A_263 : vector<1x16xf32> to vector<16xf32>
      %get3A_265 = arith.constant 7 : i32
      %get3A_266 = arith.index_cast %get3A_265 : i32 to index
      %get3A_267 = arith.index_cast %mul3A_12 : i32 to index
      %get3A_268 = tpu.vector_load %arg10[%get3A_266, %get3A_267] {strides = array<i32>} : memref<64x256xf32, #tpu.memory_space<vmem>>, vector<1x16xf32>,
      %get3A_269 = vector.shape_cast %get3A_268 : vector<1x16xf32> to vector<16xf32>
      %get3A_270 = arith.constant 7 : i32
      %get3A_271 = arith.index_cast %get3A_270 : i32 to index
      %get3A_272 = arith.index_cast %mul3A_12 : i32 to index
      %get3A_273 = tpu.vector_load %arg9[%get3A_271, %get3A_272] {strides = array<i32>} : memref<64x256xf32, #tpu.memory_space<vmem>>, vector<1x16xf32>,
      %get3A_274 = vector.shape_cast %get3A_273 : vector<1x16xf32> to vector<16xf32>
      %mul3A_275 = arith.mulf %get3A_269, %get3A_274 : vector<16xf32>
      %add3A_276 = arith.addf %get3A_264, %mul3A_275 : vector<16xf32>
      %swap3A_277 = arith.constant 7 : i32
      %swap3A_278 = arith.index_cast %swap3A_277 : i32 to index
      %swap3A_279 = arith.index_cast %mul3A_12 : i32 to index
      %swap3A_280 = tpu.vector_load %arg12[%swap3A_278, %swap3A_279] {strides = array<i32>} : memref<64x256xf32, #tpu.memory_space<vmem>>, vector<1x16xf32>,
      %swap3A_281 = vector.shape_cast %swap3A_280 : vector<1x16xf32> to vector<16xf32>
      %swap3A_282 = vector.shape_cast %add3A_276 : vector<16xf32> to vector<1x16xf32>
      tpu.vector_store %arg12[%swap3A_278, %swap3A_279], %swap3A_282 {strides = array<i32>} : memref<64x256xf32, #tpu.memory_space<vmem>>, vector<1x16xf32>,
      %gt3A_283 = arith.cmpf ogt, %add3A_276, %select_n3A_256 : vector<16xf32>
      %gt3A_284 = arith.cmpf ogt, %add3A_276, %select_n3A_251 : vector<16xf32>
      %select_n3A_285 = arith.select %gt3A_284, %add3A_276, %select_n3A_251 : vector<16xi1>, vector<16xf32>
      %select_n3A_286 = arith.select %gt3A_283, %select_n3A_256, %select_n3A_285 : vector<16xi1>, vector<16xf32>
      %jit3A_287 = arith.constant 7 : i32
      %broadcast_in_dim3A_288 = vector.broadcast %jit3A_287 : i32 to vector<16xi32>
      %select_n3A_289 = arith.select %gt3A_284, %broadcast_in_dim3A_288, %select_n3A_255 : vector<16xi1>, vector<16xi32>
      %select_n3A_290 = arith.select %gt3A_283, %select_n3A_259, %select_n3A_289 : vector<16xi1>, vector<16xi32>
      %select_n3A_291 = arith.select %gt3A_283, %add3A_276, %select_n3A_256 : vector<16xi1>, vector<16xf32>
      %jit3A_292 = arith.constant 7 : i32
      %broadcast_in_dim3A_293 = vector.broadcast %jit3A_292 : i32 to vector<16xi32>
      %select_n3A_294 = arith.select %gt3A_283, %broadcast_in_dim3A_293, %select_n3A_259 : vector<16xi1>, vector<16xi32>
      %get3A_295 = arith.constant 8 : i32
      %get3A_296 = arith.index_cast %get3A_295 : i32 to index
      %get3A_297 = arith.index_cast %mul3A_12 : i32 to index
      %get3A_298 = tpu.vector_load %arg8[%get3A_296, %get3A_297] {strides = array<i32>} : memref<64x256xf32, #tpu.memory_space<vmem>>, vector<1x16xf32>,
      %get3A_299 = vector.shape_cast %get3A_298 : vector<1x16xf32> to vector<16xf32>
      %get3A_300 = arith.constant 8 : i32
      %get3A_301 = arith.index_cast %get3A_300 : i32 to index
      %get3A_302 = arith.index_cast %mul3A_12 : i32 to index
      %get3A_303 = tpu.vector_load %arg10[%get3A_301, %get3A_302] {strides = array<i32>} : memref<64x256xf32, #tpu.memory_space<vmem>>, vector<1x16xf32>,
      %get3A_304 = vector.shape_cast %get3A_303 : vector<1x16xf32> to vector<16xf32>
      %get3A_305 = arith.constant 8 : i32
      %get3A_306 = arith.index_cast %get3A_305 : i32 to index
      %get3A_307 = arith.index_cast %mul3A_12 : i32 to index
      %get3A_308 = tpu.vector_load %arg9[%get3A_306, %get3A_307] {strides = array<i32>} : memref<64x256xf32, #tpu.memory_space<vmem>>, vector<1x16xf32>,
      %get3A_309 = vector.shape_cast %get3A_308 : vector<1x16xf32> to vector<16xf32>
      %mul3A_310 = arith.mulf %get3A_304, %get3A_309 : vector<16xf32>
      %add3A_311 = arith.addf %get3A_299, %mul3A_310 : vector<16xf32>
      %swap3A_312 = arith.constant 8 : i32
      %swap3A_313 = arith.index_cast %swap3A_312 : i32 to index
      %swap3A_314 = arith.index_cast %mul3A_12 : i32 to index
      %swap3A_315 = tpu.vector_load %arg12[%swap3A_313, %swap3A_314] {strides = array<i32>} : memref<64x256xf32, #tpu.memory_space<vmem>>, vector<1x16xf32>,
      %swap3A_316 = vector.shape_cast %swap3A_315 : vector<1x16xf32> to vector<16xf32>
      %swap3A_317 = vector.shape_cast %add3A_311 : vector<16xf32> to vector<1x16xf32>
      tpu.vector_store %arg12[%swap3A_313, %swap3A_314], %swap3A_317 {strides = array<i32>} : memref<64x256xf32, #tpu.memory_space<vmem>>, vector<1x16xf32>,
      %gt3A_318 = arith.cmpf ogt, %add3A_311, %select_n3A_291 : vector<16xf32>
      %gt3A_319 = arith.cmpf ogt, %add3A_311, %select_n3A_286 : vector<16xf32>
      %select_n3A_320 = arith.select %gt3A_319, %add3A_311, %select_n3A_286 : vector<16xi1>, vector<16xf32>
      %select_n3A_321 = arith.select %gt3A_318, %select_n3A_291, %select_n3A_320 : vector<16xi1>, vector<16xf32>
      %jit3A_322 = arith.constant 8 : i32
      %broadcast_in_dim3A_323 = vector.broadcast %jit3A_322 : i32 to vector<16xi32>
      %select_n3A_324 = arith.select %gt3A_319, %broadcast_in_dim3A_323, %select_n3A_290 : vector<16xi1>, vector<16xi32>
      %select_n3A_325 = arith.select %gt3A_318, %select_n3A_294, %select_n3A_324 : vector<16xi1>, vector<16xi32>
      %select_n3A_326 = arith.select %gt3A_318, %add3A_311, %select_n3A_291 : vector<16xi1>, vector<16xf32>
      %jit3A_327 = arith.constant 8 : i32
      %broadcast_in_dim3A_328 = vector.broadcast %jit3A_327 : i32 to vector<16xi32>
      %select_n3A_329 = arith.select %gt3A_318, %broadcast_in_dim3A_328, %select_n3A_294 : vector<16xi1>, vector<16xi32>
      %get3A_330 = arith.constant 9 : i32
      %get3A_331 = arith.index_cast %get3A_330 : i32 to index
      %get3A_332 = arith.index_cast %mul3A_12 : i32 to index
      %get3A_333 = tpu.vector_load %arg8[%get3A_331, %get3A_332] {strides = array<i32>} : memref<64x256xf32, #tpu.memory_space<vmem>>, vector<1x16xf32>,
      %get3A_334 = vector.shape_cast %get3A_333 : vector<1x16xf32> to vector<16xf32>
      %get3A_335 = arith.constant 9 : i32
      %get3A_336 = arith.index_cast %get3A_335 : i32 to index
      %get3A_337 = arith.index_cast %mul3A_12 : i32 to index
      %get3A_338 = tpu.vector_load %arg10[%get3A_336, %get3A_337] {strides = array<i32>} : memref<64x256xf32, #tpu.memory_space<vmem>>, vector<1x16xf32>,
      %get3A_339 = vector.shape_cast %get3A_338 : vector<1x16xf32> to vector<16xf32>
      %get3A_340 = arith.constant 9 : i32
      %get3A_341 = arith.index_cast %get3A_340 : i32 to index
      %get3A_342 = arith.index_cast %mul3A_12 : i32 to index
      %get3A_343 = tpu.vector_load %arg9[%get3A_341, %get3A_342] {strides = array<i32>} : memref<64x256xf32, #tpu.memory_space<vmem>>, vector<1x16xf32>,
      %get3A_344 = vector.shape_cast %get3A_343 : vector<1x16xf32> to vector<16xf32>
      %mul3A_345 = arith.mulf %get3A_339, %get3A_344 : vector<16xf32>
      %add3A_346 = arith.addf %get3A_334, %mul3A_345 : vector<16xf32>
      %swap3A_347 = arith.constant 9 : i32
      %swap3A_348 = arith.index_cast %swap3A_347 : i32 to index
      %swap3A_349 = arith.index_cast %mul3A_12 : i32 to index
      %swap3A_350 = tpu.vector_load %arg12[%swap3A_348, %swap3A_349] {strides = array<i32>} : memref<64x256xf32, #tpu.memory_space<vmem>>, vector<1x16xf32>,
      %swap3A_351 = vector.shape_cast %swap3A_350 : vector<1x16xf32> to vector<16xf32>
      %swap3A_352 = vector.shape_cast %add3A_346 : vector<16xf32> to vector<1x16xf32>
      tpu.vector_store %arg12[%swap3A_348, %swap3A_349], %swap3A_352 {strides = array<i32>} : memref<64x256xf32, #tpu.memory_space<vmem>>, vector<1x16xf32>,
      %gt3A_353 = arith.cmpf ogt, %add3A_346, %select_n3A_326 : vector<16xf32>
      %gt3A_354 = arith.cmpf ogt, %add3A_346, %select_n3A_321 : vector<16xf32>
      %select_n3A_355 = arith.select %gt3A_354, %add3A_346, %select_n3A_321 : vector<16xi1>, vector<16xf32>
      %select_n3A_356 = arith.select %gt3A_353, %select_n3A_326, %select_n3A_355 : vector<16xi1>, vector<16xf32>
      %jit3A_357 = arith.constant 9 : i32
      %broadcast_in_dim3A_358 = vector.broadcast %jit3A_357 : i32 to vector<16xi32>
      %select_n3A_359 = arith.select %gt3A_354, %broadcast_in_dim3A_358, %select_n3A_325 : vector<16xi1>, vector<16xi32>
      %select_n3A_360 = arith.select %gt3A_353, %select_n3A_329, %select_n3A_359 : vector<16xi1>, vector<16xi32>
      %select_n3A_361 = arith.select %gt3A_353, %add3A_346, %select_n3A_326 : vector<16xi1>, vector<16xf32>
      %jit3A_362 = arith.constant 9 : i32
      %broadcast_in_dim3A_363 = vector.broadcast %jit3A_362 : i32 to vector<16xi32>
      %select_n3A_364 = arith.select %gt3A_353, %broadcast_in_dim3A_363, %select_n3A_329 : vector<16xi1>, vector<16xi32>
      %get3A_365 = arith.constant 10 : i32
      %get3A_366 = arith.index_cast %get3A_365 : i32 to index
      %get3A_367 = arith.index_cast %mul3A_12 : i32 to index
      %get3A_368 = tpu.vector_load %arg8[%get3A_366, %get3A_367] {strides = array<i32>} : memref<64x256xf32, #tpu.memory_space<vmem>>, vector<1x16xf32>,
      %get3A_369 = vector.shape_cast %get3A_368 : vector<1x16xf32> to vector<16xf32>
      %get3A_370 = arith.constant 10 : i32
      %get3A_371 = arith.index_cast %get3A_370 : i32 to index
      %get3A_372 = arith.index_cast %mul3A_12 : i32 to index
      %get3A_373 = tpu.vector_load %arg10[%get3A_371, %get3A_372] {strides = array<i32>} : memref<64x256xf32, #tpu.memory_space<vmem>>, vector<1x16xf32>,
      %get3A_374 = vector.shape_cast %get3A_373 : vector<1x16xf32> to vector<16xf32>
      %get3A_375 = arith.constant 10 : i32
      %get3A_376 = arith.index_cast %get3A_375 : i32 to index
      %get3A_377 = arith.index_cast %mul3A_12 : i32 to index
      %get3A_378 = tpu.vector_load %arg9[%get3A_376, %get3A_377] {strides = array<i32>} : memref<64x256xf32, #tpu.memory_space<vmem>>, vector<1x16xf32>,
      %get3A_379 = vector.shape_cast %get3A_378 : vector<1x16xf32> to vector<16xf32>
      %mul3A_380 = arith.mulf %get3A_374, %get3A_379 : vector<16xf32>
      %add3A_381 = arith.addf %get3A_369, %mul3A_380 : vector<16xf32>
      %swap3A_382 = arith.constant 10 : i32
      %swap3A_383 = arith.index_cast %swap3A_382 : i32 to index
      %swap3A_384 = arith.index_cast %mul3A_12 : i32 to index
      %swap3A_385 = tpu.vector_load %arg12[%swap3A_383, %swap3A_384] {strides = array<i32>} : memref<64x256xf32, #tpu.memory_space<vmem>>, vector<1x16xf32>,
      %swap3A_386 = vector.shape_cast %swap3A_385 : vector<1x16xf32> to vector<16xf32>
      %swap3A_387 = vector.shape_cast %add3A_381 : vector<16xf32> to vector<1x16xf32>
      tpu.vector_store %arg12[%swap3A_383, %swap3A_384], %swap3A_387 {strides = array<i32>} : memref<64x256xf32, #tpu.memory_space<vmem>>, vector<1x16xf32>,
      %gt3A_388 = arith.cmpf ogt, %add3A_381, %select_n3A_361 : vector<16xf32>
      %gt3A_389 = arith.cmpf ogt, %add3A_381, %select_n3A_356 : vector<16xf32>
      %select_n3A_390 = arith.select %gt3A_389, %add3A_381, %select_n3A_356 : vector<16xi1>, vector<16xf32>
      %select_n3A_391 = arith.select %gt3A_388, %select_n3A_361, %select_n3A_390 : vector<16xi1>, vector<16xf32>
      %jit3A_392 = arith.constant 10 : i32
      %broadcast_in_dim3A_393 = vector.broadcast %jit3A_392 : i32 to vector<16xi32>
      %select_n3A_394 = arith.select %gt3A_389, %broadcast_in_dim3A_393, %select_n3A_360 : vector<16xi1>, vector<16xi32>
      %select_n3A_395 = arith.select %gt3A_388, %select_n3A_364, %select_n3A_394 : vector<16xi1>, vector<16xi32>
      %select_n3A_396 = arith.select %gt3A_388, %add3A_381, %select_n3A_361 : vector<16xi1>, vector<16xf32>
      %jit3A_397 = arith.constant 10 : i32
      %broadcast_in_dim3A_398 = vector.broadcast %jit3A_397 : i32 to vector<16xi32>
      %select_n3A_399 = arith.select %gt3A_388, %broadcast_in_dim3A_398, %select_n3A_364 : vector<16xi1>, vector<16xi32>
      %get3A_400 = arith.constant 11 : i32
      %get3A_401 = arith.index_cast %get3A_400 : i32 to index
      %get3A_402 = arith.index_cast %mul3A_12 : i32 to index
      %get3A_403 = tpu.vector_load %arg8[%get3A_401, %get3A_402] {strides = array<i32>} : memref<64x256xf32, #tpu.memory_space<vmem>>, vector<1x16xf32>,
      %get3A_404 = vector.shape_cast %get3A_403 : vector<1x16xf32> to vector<16xf32>
      %get3A_405 = arith.constant 11 : i32
      %get3A_406 = arith.index_cast %get3A_405 : i32 to index
      %get3A_407 = arith.index_cast %mul3A_12 : i32 to index
      %get3A_408 = tpu.vector_load %arg10[%get3A_406, %get3A_407] {strides = array<i32>} : memref<64x256xf32, #tpu.memory_space<vmem>>, vector<1x16xf32>,
      %get3A_409 = vector.shape_cast %get3A_408 : vector<1x16xf32> to vector<16xf32>
      %get3A_410 = arith.constant 11 : i32
      %get3A_411 = arith.index_cast %get3A_410 : i32 to index
      %get3A_412 = arith.index_cast %mul3A_12 : i32 to index
      %get3A_413 = tpu.vector_load %arg9[%get3A_411, %get3A_412] {strides = array<i32>} : memref<64x256xf32, #tpu.memory_space<vmem>>, vector<1x16xf32>,
      %get3A_414 = vector.shape_cast %get3A_413 : vector<1x16xf32> to vector<16xf32>
      %mul3A_415 = arith.mulf %get3A_409, %get3A_414 : vector<16xf32>
      %add3A_416 = arith.addf %get3A_404, %mul3A_415 : vector<16xf32>
      %swap3A_417 = arith.constant 11 : i32
      %swap3A_418 = arith.index_cast %swap3A_417 : i32 to index
      %swap3A_419 = arith.index_cast %mul3A_12 : i32 to index
      %swap3A_420 = tpu.vector_load %arg12[%swap3A_418, %swap3A_419] {strides = array<i32>} : memref<64x256xf32, #tpu.memory_space<vmem>>, vector<1x16xf32>,
      %swap3A_421 = vector.shape_cast %swap3A_420 : vector<1x16xf32> to vector<16xf32>
      %swap3A_422 = vector.shape_cast %add3A_416 : vector<16xf32> to vector<1x16xf32>
      tpu.vector_store %arg12[%swap3A_418, %swap3A_419], %swap3A_422 {strides = array<i32>} : memref<64x256xf32, #tpu.memory_space<vmem>>, vector<1x16xf32>,
      %gt3A_423 = arith.cmpf ogt, %add3A_416, %select_n3A_396 : vector<16xf32>
      %gt3A_424 = arith.cmpf ogt, %add3A_416, %select_n3A_391 : vector<16xf32>
      %select_n3A_425 = arith.select %gt3A_424, %add3A_416, %select_n3A_391 : vector<16xi1>, vector<16xf32>
      %select_n3A_426 = arith.select %gt3A_423, %select_n3A_396, %select_n3A_425 : vector<16xi1>, vector<16xf32>
      %jit3A_427 = arith.constant 11 : i32
      %broadcast_in_dim3A_428 = vector.broadcast %jit3A_427 : i32 to vector<16xi32>
      %select_n3A_429 = arith.select %gt3A_424, %broadcast_in_dim3A_428, %select_n3A_395 : vector<16xi1>, vector<16xi32>
      %select_n3A_430 = arith.select %gt3A_423, %select_n3A_399, %select_n3A_429 : vector<16xi1>, vector<16xi32>
      %select_n3A_431 = arith.select %gt3A_423, %add3A_416, %select_n3A_396 : vector<16xi1>, vector<16xf32>
      %jit3A_432 = arith.constant 11 : i32
      %broadcast_in_dim3A_433 = vector.broadcast %jit3A_432 : i32 to vector<16xi32>
      %select_n3A_434 = arith.select %gt3A_423, %broadcast_in_dim3A_433, %select_n3A_399 : vector<16xi1>, vector<16xi32>
      %get3A_435 = arith.constant 12 : i32
      %get3A_436 = arith.index_cast %get3A_435 : i32 to index
      %get3A_437 = arith.index_cast %mul3A_12 : i32 to index
      %get3A_438 = tpu.vector_load %arg8[%get3A_436, %get3A_437] {strides = array<i32>} : memref<64x256xf32, #tpu.memory_space<vmem>>, vector<1x16xf32>,
      %get3A_439 = vector.shape_cast %get3A_438 : vector<1x16xf32> to vector<16xf32>
      %get3A_440 = arith.constant 12 : i32
      %get3A_441 = arith.index_cast %get3A_440 : i32 to index
      %get3A_442 = arith.index_cast %mul3A_12 : i32 to index
      %get3A_443 = tpu.vector_load %arg10[%get3A_441, %get3A_442] {strides = array<i32>} : memref<64x256xf32, #tpu.memory_space<vmem>>, vector<1x16xf32>,
      %get3A_444 = vector.shape_cast %get3A_443 : vector<1x16xf32> to vector<16xf32>
      %get3A_445 = arith.constant 12 : i32
      %get3A_446 = arith.index_cast %get3A_445 : i32 to index
      %get3A_447 = arith.index_cast %mul3A_12 : i32 to index
      %get3A_448 = tpu.vector_load %arg9[%get3A_446, %get3A_447] {strides = array<i32>} : memref<64x256xf32, #tpu.memory_space<vmem>>, vector<1x16xf32>,
      %get3A_449 = vector.shape_cast %get3A_448 : vector<1x16xf32> to vector<16xf32>
      %mul3A_450 = arith.mulf %get3A_444, %get3A_449 : vector<16xf32>
      %add3A_451 = arith.addf %get3A_439, %mul3A_450 : vector<16xf32>
      %swap3A_452 = arith.constant 12 : i32
      %swap3A_453 = arith.index_cast %swap3A_452 : i32 to index
      %swap3A_454 = arith.index_cast %mul3A_12 : i32 to index
      %swap3A_455 = tpu.vector_load %arg12[%swap3A_453, %swap3A_454] {strides = array<i32>} : memref<64x256xf32, #tpu.memory_space<vmem>>, vector<1x16xf32>,
      %swap3A_456 = vector.shape_cast %swap3A_455 : vector<1x16xf32> to vector<16xf32>
      %swap3A_457 = vector.shape_cast %add3A_451 : vector<16xf32> to vector<1x16xf32>
      tpu.vector_store %arg12[%swap3A_453, %swap3A_454], %swap3A_457 {strides = array<i32>} : memref<64x256xf32, #tpu.memory_space<vmem>>, vector<1x16xf32>,
      %gt3A_458 = arith.cmpf ogt, %add3A_451, %select_n3A_431 : vector<16xf32>
      %gt3A_459 = arith.cmpf ogt, %add3A_451, %select_n3A_426 : vector<16xf32>
      %select_n3A_460 = arith.select %gt3A_459, %add3A_451, %select_n3A_426 : vector<16xi1>, vector<16xf32>
      %select_n3A_461 = arith.select %gt3A_458, %select_n3A_431, %select_n3A_460 : vector<16xi1>, vector<16xf32>
      %jit3A_462 = arith.constant 12 : i32
      %broadcast_in_dim3A_463 = vector.broadcast %jit3A_462 : i32 to vector<16xi32>
      %select_n3A_464 = arith.select %gt3A_459, %broadcast_in_dim3A_463, %select_n3A_430 : vector<16xi1>, vector<16xi32>
      %select_n3A_465 = arith.select %gt3A_458, %select_n3A_434, %select_n3A_464 : vector<16xi1>, vector<16xi32>
      %select_n3A_466 = arith.select %gt3A_458, %add3A_451, %select_n3A_431 : vector<16xi1>, vector<16xf32>
      %jit3A_467 = arith.constant 12 : i32
      %broadcast_in_dim3A_468 = vector.broadcast %jit3A_467 : i32 to vector<16xi32>
      %select_n3A_469 = arith.select %gt3A_458, %broadcast_in_dim3A_468, %select_n3A_434 : vector<16xi1>, vector<16xi32>
      %get3A_470 = arith.constant 13 : i32
      %get3A_471 = arith.index_cast %get3A_470 : i32 to index
      %get3A_472 = arith.index_cast %mul3A_12 : i32 to index
      %get3A_473 = tpu.vector_load %arg8[%get3A_471, %get3A_472] {strides = array<i32>} : memref<64x256xf32, #tpu.memory_space<vmem>>, vector<1x16xf32>,
      %get3A_474 = vector.shape_cast %get3A_473 : vector<1x16xf32> to vector<16xf32>
      %get3A_475 = arith.constant 13 : i32
      %get3A_476 = arith.index_cast %get3A_475 : i32 to index
      %get3A_477 = arith.index_cast %mul3A_12 : i32 to index
      %get3A_478 = tpu.vector_load %arg10[%get3A_476, %get3A_477] {strides = array<i32>} : memref<64x256xf32, #tpu.memory_space<vmem>>, vector<1x16xf32>,
      %get3A_479 = vector.shape_cast %get3A_478 : vector<1x16xf32> to vector<16xf32>
      %get3A_480 = arith.constant 13 : i32
      %get3A_481 = arith.index_cast %get3A_480 : i32 to index
      %get3A_482 = arith.index_cast %mul3A_12 : i32 to index
      %get3A_483 = tpu.vector_load %arg9[%get3A_481, %get3A_482] {strides = array<i32>} : memref<64x256xf32, #tpu.memory_space<vmem>>, vector<1x16xf32>,
      %get3A_484 = vector.shape_cast %get3A_483 : vector<1x16xf32> to vector<16xf32>
      %mul3A_485 = arith.mulf %get3A_479, %get3A_484 : vector<16xf32>
      %add3A_486 = arith.addf %get3A_474, %mul3A_485 : vector<16xf32>
      %swap3A_487 = arith.constant 13 : i32
      %swap3A_488 = arith.index_cast %swap3A_487 : i32 to index
      %swap3A_489 = arith.index_cast %mul3A_12 : i32 to index
      %swap3A_490 = tpu.vector_load %arg12[%swap3A_488, %swap3A_489] {strides = array<i32>} : memref<64x256xf32, #tpu.memory_space<vmem>>, vector<1x16xf32>,
      %swap3A_491 = vector.shape_cast %swap3A_490 : vector<1x16xf32> to vector<16xf32>
      %swap3A_492 = vector.shape_cast %add3A_486 : vector<16xf32> to vector<1x16xf32>
      tpu.vector_store %arg12[%swap3A_488, %swap3A_489], %swap3A_492 {strides = array<i32>} : memref<64x256xf32, #tpu.memory_space<vmem>>, vector<1x16xf32>,
      %gt3A_493 = arith.cmpf ogt, %add3A_486, %select_n3A_466 : vector<16xf32>
      %gt3A_494 = arith.cmpf ogt, %add3A_486, %select_n3A_461 : vector<16xf32>
      %select_n3A_495 = arith.select %gt3A_494, %add3A_486, %select_n3A_461 : vector<16xi1>, vector<16xf32>
      %select_n3A_496 = arith.select %gt3A_493, %select_n3A_466, %select_n3A_495 : vector<16xi1>, vector<16xf32>
      %jit3A_497 = arith.constant 13 : i32
      %broadcast_in_dim3A_498 = vector.broadcast %jit3A_497 : i32 to vector<16xi32>
      %select_n3A_499 = arith.select %gt3A_494, %broadcast_in_dim3A_498, %select_n3A_465 : vector<16xi1>, vector<16xi32>
      %select_n3A_500 = arith.select %gt3A_493, %select_n3A_469, %select_n3A_499 : vector<16xi1>, vector<16xi32>
      %select_n3A_501 = arith.select %gt3A_493, %add3A_486, %select_n3A_466 : vector<16xi1>, vector<16xf32>
      %jit3A_502 = arith.constant 13 : i32
      %broadcast_in_dim3A_503 = vector.broadcast %jit3A_502 : i32 to vector<16xi32>
      %select_n3A_504 = arith.select %gt3A_493, %broadcast_in_dim3A_503, %select_n3A_469 : vector<16xi1>, vector<16xi32>
      %get3A_505 = arith.constant 14 : i32
      %get3A_506 = arith.index_cast %get3A_505 : i32 to index
      %get3A_507 = arith.index_cast %mul3A_12 : i32 to index
      %get3A_508 = tpu.vector_load %arg8[%get3A_506, %get3A_507] {strides = array<i32>} : memref<64x256xf32, #tpu.memory_space<vmem>>, vector<1x16xf32>,
      %get3A_509 = vector.shape_cast %get3A_508 : vector<1x16xf32> to vector<16xf32>
      %get3A_510 = arith.constant 14 : i32
      %get3A_511 = arith.index_cast %get3A_510 : i32 to index
      %get3A_512 = arith.index_cast %mul3A_12 : i32 to index
      %get3A_513 = tpu.vector_load %arg10[%get3A_511, %get3A_512] {strides = array<i32>} : memref<64x256xf32, #tpu.memory_space<vmem>>, vector<1x16xf32>,
      %get3A_514 = vector.shape_cast %get3A_513 : vector<1x16xf32> to vector<16xf32>
      %get3A_515 = arith.constant 14 : i32
      %get3A_516 = arith.index_cast %get3A_515 : i32 to index
      %get3A_517 = arith.index_cast %mul3A_12 : i32 to index
      %get3A_518 = tpu.vector_load %arg9[%get3A_516, %get3A_517] {strides = array<i32>} : memref<64x256xf32, #tpu.memory_space<vmem>>, vector<1x16xf32>,
      %get3A_519 = vector.shape_cast %get3A_518 : vector<1x16xf32> to vector<16xf32>
      %mul3A_520 = arith.mulf %get3A_514, %get3A_519 : vector<16xf32>
      %add3A_521 = arith.addf %get3A_509, %mul3A_520 : vector<16xf32>
      %swap3A_522 = arith.constant 14 : i32
      %swap3A_523 = arith.index_cast %swap3A_522 : i32 to index
      %swap3A_524 = arith.index_cast %mul3A_12 : i32 to index
      %swap3A_525 = tpu.vector_load %arg12[%swap3A_523, %swap3A_524] {strides = array<i32>} : memref<64x256xf32, #tpu.memory_space<vmem>>, vector<1x16xf32>,
      %swap3A_526 = vector.shape_cast %swap3A_525 : vector<1x16xf32> to vector<16xf32>
      %swap3A_527 = vector.shape_cast %add3A_521 : vector<16xf32> to vector<1x16xf32>
      tpu.vector_store %arg12[%swap3A_523, %swap3A_524], %swap3A_527 {strides = array<i32>} : memref<64x256xf32, #tpu.memory_space<vmem>>, vector<1x16xf32>,
      %gt3A_528 = arith.cmpf ogt, %add3A_521, %select_n3A_501 : vector<16xf32>
      %gt3A_529 = arith.cmpf ogt, %add3A_521, %select_n3A_496 : vector<16xf32>
      %select_n3A_530 = arith.select %gt3A_529, %add3A_521, %select_n3A_496 : vector<16xi1>, vector<16xf32>
      %select_n3A_531 = arith.select %gt3A_528, %select_n3A_501, %select_n3A_530 : vector<16xi1>, vector<16xf32>
      %jit3A_532 = arith.constant 14 : i32
      %broadcast_in_dim3A_533 = vector.broadcast %jit3A_532 : i32 to vector<16xi32>
      %select_n3A_534 = arith.select %gt3A_529, %broadcast_in_dim3A_533, %select_n3A_500 : vector<16xi1>, vector<16xi32>
      %select_n3A_535 = arith.select %gt3A_528, %select_n3A_504, %select_n3A_534 : vector<16xi1>, vector<16xi32>
      %select_n3A_536 = arith.select %gt3A_528, %add3A_521, %select_n3A_501 : vector<16xi1>, vector<16xf32>
      %jit3A_537 = arith.constant 14 : i32
      %broadcast_in_dim3A_538 = vector.broadcast %jit3A_537 : i32 to vector<16xi32>
      %select_n3A_539 = arith.select %gt3A_528, %broadcast_in_dim3A_538, %select_n3A_504 : vector<16xi1>, vector<16xi32>
      %get3A_540 = arith.constant 15 : i32
      %get3A_541 = arith.index_cast %get3A_540 : i32 to index
      %get3A_542 = arith.index_cast %mul3A_12 : i32 to index
      %get3A_543 = tpu.vector_load %arg8[%get3A_541, %get3A_542] {strides = array<i32>} : memref<64x256xf32, #tpu.memory_space<vmem>>, vector<1x16xf32>,
      %get3A_544 = vector.shape_cast %get3A_543 : vector<1x16xf32> to vector<16xf32>
      %get3A_545 = arith.constant 15 : i32
      %get3A_546 = arith.index_cast %get3A_545 : i32 to index
      %get3A_547 = arith.index_cast %mul3A_12 : i32 to index
      %get3A_548 = tpu.vector_load %arg10[%get3A_546, %get3A_547] {strides = array<i32>} : memref<64x256xf32, #tpu.memory_space<vmem>>, vector<1x16xf32>,
      %get3A_549 = vector.shape_cast %get3A_548 : vector<1x16xf32> to vector<16xf32>
      %get3A_550 = arith.constant 15 : i32
      %get3A_551 = arith.index_cast %get3A_550 : i32 to index
      %get3A_552 = arith.index_cast %mul3A_12 : i32 to index
      %get3A_553 = tpu.vector_load %arg9[%get3A_551, %get3A_552] {strides = array<i32>} : memref<64x256xf32, #tpu.memory_space<vmem>>, vector<1x16xf32>,
      %get3A_554 = vector.shape_cast %get3A_553 : vector<1x16xf32> to vector<16xf32>
      %mul3A_555 = arith.mulf %get3A_549, %get3A_554 : vector<16xf32>
      %add3A_556 = arith.addf %get3A_544, %mul3A_555 : vector<16xf32>
      %swap3A_557 = arith.constant 15 : i32
      %swap3A_558 = arith.index_cast %swap3A_557 : i32 to index
      %swap3A_559 = arith.index_cast %mul3A_12 : i32 to index
      %swap3A_560 = tpu.vector_load %arg12[%swap3A_558, %swap3A_559] {strides = array<i32>} : memref<64x256xf32, #tpu.memory_space<vmem>>, vector<1x16xf32>,
      %swap3A_561 = vector.shape_cast %swap3A_560 : vector<1x16xf32> to vector<16xf32>
      %swap3A_562 = vector.shape_cast %add3A_556 : vector<16xf32> to vector<1x16xf32>
      tpu.vector_store %arg12[%swap3A_558, %swap3A_559], %swap3A_562 {strides = array<i32>} : memref<64x256xf32, #tpu.memory_space<vmem>>, vector<1x16xf32>,
      %gt3A_563 = arith.cmpf ogt, %add3A_556, %select_n3A_536 : vector<16xf32>
      %gt3A_564 = arith.cmpf ogt, %add3A_556, %select_n3A_531 : vector<16xf32>
      %select_n3A_565 = arith.select %gt3A_564, %add3A_556, %select_n3A_531 : vector<16xi1>, vector<16xf32>
      %select_n3A_566 = arith.select %gt3A_563, %select_n3A_536, %select_n3A_565 : vector<16xi1>, vector<16xf32>
      %jit3A_567 = arith.constant 15 : i32
      %broadcast_in_dim3A_568 = vector.broadcast %jit3A_567 : i32 to vector<16xi32>
      %select_n3A_569 = arith.select %gt3A_564, %broadcast_in_dim3A_568, %select_n3A_535 : vector<16xi1>, vector<16xi32>
      %select_n3A_570 = arith.select %gt3A_563, %select_n3A_539, %select_n3A_569 : vector<16xi1>, vector<16xi32>
      %select_n3A_571 = arith.select %gt3A_563, %add3A_556, %select_n3A_536 : vector<16xi1>, vector<16xf32>
      %jit3A_572 = arith.constant 15 : i32
      %broadcast_in_dim3A_573 = vector.broadcast %jit3A_572 : i32 to vector<16xi32>
      %select_n3A_574 = arith.select %gt3A_563, %broadcast_in_dim3A_573, %select_n3A_539 : vector<16xi1>, vector<16xi32>
      %get3A_575 = arith.constant 16 : i32
      %get3A_576 = arith.index_cast %get3A_575 : i32 to index
      %get3A_577 = arith.index_cast %mul3A_12 : i32 to index
      %get3A_578 = tpu.vector_load %arg8[%get3A_576, %get3A_577] {strides = array<i32>} : memref<64x256xf32, #tpu.memory_space<vmem>>, vector<1x16xf32>,
      %get3A_579 = vector.shape_cast %get3A_578 : vector<1x16xf32> to vector<16xf32>
      %get3A_580 = arith.constant 16 : i32
      %get3A_581 = arith.index_cast %get3A_580 : i32 to index
      %get3A_582 = arith.index_cast %mul3A_12 : i32 to index
      %get3A_583 = tpu.vector_load %arg10[%get3A_581, %get3A_582] {strides = array<i32>} : memref<64x256xf32, #tpu.memory_space<vmem>>, vector<1x16xf32>,
      %get3A_584 = vector.shape_cast %get3A_583 : vector<1x16xf32> to vector<16xf32>
      %get3A_585 = arith.constant 16 : i32
      %get3A_586 = arith.index_cast %get3A_585 : i32 to index
      %get3A_587 = arith.index_cast %mul3A_12 : i32 to index
      %get3A_588 = tpu.vector_load %arg9[%get3A_586, %get3A_587] {strides = array<i32>} : memref<64x256xf32, #tpu.memory_space<vmem>>, vector<1x16xf32>,
      %get3A_589 = vector.shape_cast %get3A_588 : vector<1x16xf32> to vector<16xf32>
      %mul3A_590 = arith.mulf %get3A_584, %get3A_589 : vector<16xf32>
      %add3A_591 = arith.addf %get3A_579, %mul3A_590 : vector<16xf32>
      %swap3A_592 = arith.constant 16 : i32
      %swap3A_593 = arith.index_cast %swap3A_592 : i32 to index
      %swap3A_594 = arith.index_cast %mul3A_12 : i32 to index
      %swap3A_595 = tpu.vector_load %arg12[%swap3A_593, %swap3A_594] {strides = array<i32>} : memref<64x256xf32, #tpu.memory_space<vmem>>, vector<1x16xf32>,
      %swap3A_596 = vector.shape_cast %swap3A_595 : vector<1x16xf32> to vector<16xf32>
      %swap3A_597 = vector.shape_cast %add3A_591 : vector<16xf32> to vector<1x16xf32>
      tpu.vector_store %arg12[%swap3A_593, %swap3A_594], %swap3A_597 {strides = array<i32>} : memref<64x256xf32, #tpu.memory_space<vmem>>, vector<1x16xf32>,
      %gt3A_598 = arith.cmpf ogt, %add3A_591, %select_n3A_571 : vector<16xf32>
      %gt3A_599 = arith.cmpf ogt, %add3A_591, %select_n3A_566 : vector<16xf32>
      %select_n3A_600 = arith.select %gt3A_599, %add3A_591, %select_n3A_566 : vector<16xi1>, vector<16xf32>
      %select_n3A_601 = arith.select %gt3A_598, %select_n3A_571, %select_n3A_600 : vector<16xi1>, vector<16xf32>
      %jit3A_602 = arith.constant 16 : i32
      %broadcast_in_dim3A_603 = vector.broadcast %jit3A_602 : i32 to vector<16xi32>
      %select_n3A_604 = arith.select %gt3A_599, %broadcast_in_dim3A_603, %select_n3A_570 : vector<16xi1>, vector<16xi32>
      %select_n3A_605 = arith.select %gt3A_598, %select_n3A_574, %select_n3A_604 : vector<16xi1>, vector<16xi32>
      %select_n3A_606 = arith.select %gt3A_598, %add3A_591, %select_n3A_571 : vector<16xi1>, vector<16xf32>
      %jit3A_607 = arith.constant 16 : i32
      %broadcast_in_dim3A_608 = vector.broadcast %jit3A_607 : i32 to vector<16xi32>
      %select_n3A_609 = arith.select %gt3A_598, %broadcast_in_dim3A_608, %select_n3A_574 : vector<16xi1>, vector<16xi32>
      %get3A_610 = arith.constant 17 : i32
      %get3A_611 = arith.index_cast %get3A_610 : i32 to index
      %get3A_612 = arith.index_cast %mul3A_12 : i32 to index
      %get3A_613 = tpu.vector_load %arg8[%get3A_611, %get3A_612] {strides = array<i32>} : memref<64x256xf32, #tpu.memory_space<vmem>>, vector<1x16xf32>,
      %get3A_614 = vector.shape_cast %get3A_613 : vector<1x16xf32> to vector<16xf32>
      %get3A_615 = arith.constant 17 : i32
      %get3A_616 = arith.index_cast %get3A_615 : i32 to index
      %get3A_617 = arith.index_cast %mul3A_12 : i32 to index
      %get3A_618 = tpu.vector_load %arg10[%get3A_616, %get3A_617] {strides = array<i32>} : memref<64x256xf32, #tpu.memory_space<vmem>>, vector<1x16xf32>,
      %get3A_619 = vector.shape_cast %get3A_618 : vector<1x16xf32> to vector<16xf32>
      %get3A_620 = arith.constant 17 : i32
      %get3A_621 = arith.index_cast %get3A_620 : i32 to index
      %get3A_622 = arith.index_cast %mul3A_12 : i32 to index
      %get3A_623 = tpu.vector_load %arg9[%get3A_621, %get3A_622] {strides = array<i32>} : memref<64x256xf32, #tpu.memory_space<vmem>>, vector<1x16xf32>,
      %get3A_624 = vector.shape_cast %get3A_623 : vector<1x16xf32> to vector<16xf32>
      %mul3A_625 = arith.mulf %get3A_619, %get3A_624 : vector<16xf32>
      %add3A_626 = arith.addf %get3A_614, %mul3A_625 : vector<16xf32>
      %swap3A_627 = arith.constant 17 : i32
      %swap3A_628 = arith.index_cast %swap3A_627 : i32 to index
      %swap3A_629 = arith.index_cast %mul3A_12 : i32 to index
      %swap3A_630 = tpu.vector_load %arg12[%swap3A_628, %swap3A_629] {strides = array<i32>} : memref<64x256xf32, #tpu.memory_space<vmem>>, vector<1x16xf32>,
      %swap3A_631 = vector.shape_cast %swap3A_630 : vector<1x16xf32> to vector<16xf32>
      %swap3A_632 = vector.shape_cast %add3A_626 : vector<16xf32> to vector<1x16xf32>
      tpu.vector_store %arg12[%swap3A_628, %swap3A_629], %swap3A_632 {strides = array<i32>} : memref<64x256xf32, #tpu.memory_space<vmem>>, vector<1x16xf32>,
      %gt3A_633 = arith.cmpf ogt, %add3A_626, %select_n3A_606 : vector<16xf32>
      %gt3A_634 = arith.cmpf ogt, %add3A_626, %select_n3A_601 : vector<16xf32>
      %select_n3A_635 = arith.select %gt3A_634, %add3A_626, %select_n3A_601 : vector<16xi1>, vector<16xf32>
      %select_n3A_636 = arith.select %gt3A_633, %select_n3A_606, %select_n3A_635 : vector<16xi1>, vector<16xf32>
      %jit3A_637 = arith.constant 17 : i32
      %broadcast_in_dim3A_638 = vector.broadcast %jit3A_637 : i32 to vector<16xi32>
      %select_n3A_639 = arith.select %gt3A_634, %broadcast_in_dim3A_638, %select_n3A_605 : vector<16xi1>, vector<16xi32>
      %select_n3A_640 = arith.select %gt3A_633, %select_n3A_609, %select_n3A_639 : vector<16xi1>, vector<16xi32>
      %select_n3A_641 = arith.select %gt3A_633, %add3A_626, %select_n3A_606 : vector<16xi1>, vector<16xf32>
      %jit3A_642 = arith.constant 17 : i32
      %broadcast_in_dim3A_643 = vector.broadcast %jit3A_642 : i32 to vector<16xi32>
      %select_n3A_644 = arith.select %gt3A_633, %broadcast_in_dim3A_643, %select_n3A_609 : vector<16xi1>, vector<16xi32>
      %get3A_645 = arith.constant 18 : i32
      %get3A_646 = arith.index_cast %get3A_645 : i32 to index
      %get3A_647 = arith.index_cast %mul3A_12 : i32 to index
      %get3A_648 = tpu.vector_load %arg8[%get3A_646, %get3A_647] {strides = array<i32>} : memref<64x256xf32, #tpu.memory_space<vmem>>, vector<1x16xf32>,
      %get3A_649 = vector.shape_cast %get3A_648 : vector<1x16xf32> to vector<16xf32>
      %get3A_650 = arith.constant 18 : i32
      %get3A_651 = arith.index_cast %get3A_650 : i32 to index
      %get3A_652 = arith.index_cast %mul3A_12 : i32 to index
      %get3A_653 = tpu.vector_load %arg10[%get3A_651, %get3A_652] {strides = array<i32>} : memref<64x256xf32, #tpu.memory_space<vmem>>, vector<1x16xf32>,
      %get3A_654 = vector.shape_cast %get3A_653 : vector<1x16xf32> to vector<16xf32>
      %get3A_655 = arith.constant 18 : i32
      %get3A_656 = arith.index_cast %get3A_655 : i32 to index
      %get3A_657 = arith.index_cast %mul3A_12 : i32 to index
      %get3A_658 = tpu.vector_load %arg9[%get3A_656, %get3A_657] {strides = array<i32>} : memref<64x256xf32, #tpu.memory_space<vmem>>, vector<1x16xf32>,
      %get3A_659 = vector.shape_cast %get3A_658 : vector<1x16xf32> to vector<16xf32>
      %mul3A_660 = arith.mulf %get3A_654, %get3A_659 : vector<16xf32>
      %add3A_661 = arith.addf %get3A_649, %mul3A_660 : vector<16xf32>
      %swap3A_662 = arith.constant 18 : i32
      %swap3A_663 = arith.index_cast %swap3A_662 : i32 to index
      %swap3A_664 = arith.index_cast %mul3A_12 : i32 to index
      %swap3A_665 = tpu.vector_load %arg12[%swap3A_663, %swap3A_664] {strides = array<i32>} : memref<64x256xf32, #tpu.memory_space<vmem>>, vector<1x16xf32>,
      %swap3A_666 = vector.shape_cast %swap3A_665 : vector<1x16xf32> to vector<16xf32>
      %swap3A_667 = vector.shape_cast %add3A_661 : vector<16xf32> to vector<1x16xf32>
      tpu.vector_store %arg12[%swap3A_663, %swap3A_664], %swap3A_667 {strides = array<i32>} : memref<64x256xf32, #tpu.memory_space<vmem>>, vector<1x16xf32>,
      %gt3A_668 = arith.cmpf ogt, %add3A_661, %select_n3A_641 : vector<16xf32>
      %gt3A_669 = arith.cmpf ogt, %add3A_661, %select_n3A_636 : vector<16xf32>
      %select_n3A_670 = arith.select %gt3A_669, %add3A_661, %select_n3A_636 : vector<16xi1>, vector<16xf32>
      %select_n3A_671 = arith.select %gt3A_668, %select_n3A_641, %select_n3A_670 : vector<16xi1>, vector<16xf32>
      %jit3A_672 = arith.constant 18 : i32
      %broadcast_in_dim3A_673 = vector.broadcast %jit3A_672 : i32 to vector<16xi32>
      %select_n3A_674 = arith.select %gt3A_669, %broadcast_in_dim3A_673, %select_n3A_640 : vector<16xi1>, vector<16xi32>
      %select_n3A_675 = arith.select %gt3A_668, %select_n3A_644, %select_n3A_674 : vector<16xi1>, vector<16xi32>
      %select_n3A_676 = arith.select %gt3A_668, %add3A_661, %select_n3A_641 : vector<16xi1>, vector<16xf32>
      %jit3A_677 = arith.constant 18 : i32
      %broadcast_in_dim3A_678 = vector.broadcast %jit3A_677 : i32 to vector<16xi32>
      %select_n3A_679 = arith.select %gt3A_668, %broadcast_in_dim3A_678, %select_n3A_644 : vector<16xi1>, vector<16xi32>
      %get3A_680 = arith.constant 19 : i32
      %get3A_681 = arith.index_cast %get3A_680 : i32 to index
      %get3A_682 = arith.index_cast %mul3A_12 : i32 to index
      %get3A_683 = tpu.vector_load %arg8[%get3A_681, %get3A_682] {strides = array<i32>} : memref<64x256xf32, #tpu.memory_space<vmem>>, vector<1x16xf32>,
      %get3A_684 = vector.shape_cast %get3A_683 : vector<1x16xf32> to vector<16xf32>
      %get3A_685 = arith.constant 19 : i32
      %get3A_686 = arith.index_cast %get3A_685 : i32 to index
      %get3A_687 = arith.index_cast %mul3A_12 : i32 to index
      %get3A_688 = tpu.vector_load %arg10[%get3A_686, %get3A_687] {strides = array<i32>} : memref<64x256xf32, #tpu.memory_space<vmem>>, vector<1x16xf32>,
      %get3A_689 = vector.shape_cast %get3A_688 : vector<1x16xf32> to vector<16xf32>
      %get3A_690 = arith.constant 19 : i32
      %get3A_691 = arith.index_cast %get3A_690 : i32 to index
      %get3A_692 = arith.index_cast %mul3A_12 : i32 to index
      %get3A_693 = tpu.vector_load %arg9[%get3A_691, %get3A_692] {strides = array<i32>} : memref<64x256xf32, #tpu.memory_space<vmem>>, vector<1x16xf32>,
      %get3A_694 = vector.shape_cast %get3A_693 : vector<1x16xf32> to vector<16xf32>
      %mul3A_695 = arith.mulf %get3A_689, %get3A_694 : vector<16xf32>
      %add3A_696 = arith.addf %get3A_684, %mul3A_695 : vector<16xf32>
      %swap3A_697 = arith.constant 19 : i32
      %swap3A_698 = arith.index_cast %swap3A_697 : i32 to index
      %swap3A_699 = arith.index_cast %mul3A_12 : i32 to index
      %swap3A_700 = tpu.vector_load %arg12[%swap3A_698, %swap3A_699] {strides = array<i32>} : memref<64x256xf32, #tpu.memory_space<vmem>>, vector<1x16xf32>,
      %swap3A_701 = vector.shape_cast %swap3A_700 : vector<1x16xf32> to vector<16xf32>
      %swap3A_702 = vector.shape_cast %add3A_696 : vector<16xf32> to vector<1x16xf32>
      tpu.vector_store %arg12[%swap3A_698, %swap3A_699], %swap3A_702 {strides = array<i32>} : memref<64x256xf32, #tpu.memory_space<vmem>>, vector<1x16xf32>,
      %gt3A_703 = arith.cmpf ogt, %add3A_696, %select_n3A_676 : vector<16xf32>
      %gt3A_704 = arith.cmpf ogt, %add3A_696, %select_n3A_671 : vector<16xf32>
      %select_n3A_705 = arith.select %gt3A_704, %add3A_696, %select_n3A_671 : vector<16xi1>, vector<16xf32>
      %select_n3A_706 = arith.select %gt3A_703, %select_n3A_676, %select_n3A_705 : vector<16xi1>, vector<16xf32>
      %jit3A_707 = arith.constant 19 : i32
      %broadcast_in_dim3A_708 = vector.broadcast %jit3A_707 : i32 to vector<16xi32>
      %select_n3A_709 = arith.select %gt3A_704, %broadcast_in_dim3A_708, %select_n3A_675 : vector<16xi1>, vector<16xi32>
      %select_n3A_710 = arith.select %gt3A_703, %select_n3A_679, %select_n3A_709 : vector<16xi1>, vector<16xi32>
      %select_n3A_711 = arith.select %gt3A_703, %add3A_696, %select_n3A_676 : vector<16xi1>, vector<16xf32>
      %jit3A_712 = arith.constant 19 : i32
      %broadcast_in_dim3A_713 = vector.broadcast %jit3A_712 : i32 to vector<16xi32>
      %select_n3A_714 = arith.select %gt3A_703, %broadcast_in_dim3A_713, %select_n3A_679 : vector<16xi1>, vector<16xi32>
      %get3A_715 = arith.constant 20 : i32
      %get3A_716 = arith.index_cast %get3A_715 : i32 to index
      %get3A_717 = arith.index_cast %mul3A_12 : i32 to index
      %get3A_718 = tpu.vector_load %arg8[%get3A_716, %get3A_717] {strides = array<i32>} : memref<64x256xf32, #tpu.memory_space<vmem>>, vector<1x16xf32>,
      %get3A_719 = vector.shape_cast %get3A_718 : vector<1x16xf32> to vector<16xf32>
      %get3A_720 = arith.constant 20 : i32
      %get3A_721 = arith.index_cast %get3A_720 : i32 to index
      %get3A_722 = arith.index_cast %mul3A_12 : i32 to index
      %get3A_723 = tpu.vector_load %arg10[%get3A_721, %get3A_722] {strides = array<i32>} : memref<64x256xf32, #tpu.memory_space<vmem>>, vector<1x16xf32>,
      %get3A_724 = vector.shape_cast %get3A_723 : vector<1x16xf32> to vector<16xf32>
      %get3A_725 = arith.constant 20 : i32
      %get3A_726 = arith.index_cast %get3A_725 : i32 to index
      %get3A_727 = arith.index_cast %mul3A_12 : i32 to index
      %get3A_728 = tpu.vector_load %arg9[%get3A_726, %get3A_727] {strides = array<i32>} : memref<64x256xf32, #tpu.memory_space<vmem>>, vector<1x16xf32>,
      %get3A_729 = vector.shape_cast %get3A_728 : vector<1x16xf32> to vector<16xf32>
      %mul3A_730 = arith.mulf %get3A_724, %get3A_729 : vector<16xf32>
      %add3A_731 = arith.addf %get3A_719, %mul3A_730 : vector<16xf32>
      %swap3A_732 = arith.constant 20 : i32
      %swap3A_733 = arith.index_cast %swap3A_732 : i32 to index
      %swap3A_734 = arith.index_cast %mul3A_12 : i32 to index
      %swap3A_735 = tpu.vector_load %arg12[%swap3A_733, %swap3A_734] {strides = array<i32>} : memref<64x256xf32, #tpu.memory_space<vmem>>, vector<1x16xf32>,
      %swap3A_736 = vector.shape_cast %swap3A_735 : vector<1x16xf32> to vector<16xf32>
      %swap3A_737 = vector.shape_cast %add3A_731 : vector<16xf32> to vector<1x16xf32>
      tpu.vector_store %arg12[%swap3A_733, %swap3A_734], %swap3A_737 {strides = array<i32>} : memref<64x256xf32, #tpu.memory_space<vmem>>, vector<1x16xf32>,
      %gt3A_738 = arith.cmpf ogt, %add3A_731, %select_n3A_711 : vector<16xf32>
      %gt3A_739 = arith.cmpf ogt, %add3A_731, %select_n3A_706 : vector<16xf32>
      %select_n3A_740 = arith.select %gt3A_739, %add3A_731, %select_n3A_706 : vector<16xi1>, vector<16xf32>
      %select_n3A_741 = arith.select %gt3A_738, %select_n3A_711, %select_n3A_740 : vector<16xi1>, vector<16xf32>
      %jit3A_742 = arith.constant 20 : i32
      %broadcast_in_dim3A_743 = vector.broadcast %jit3A_742 : i32 to vector<16xi32>
      %select_n3A_744 = arith.select %gt3A_739, %broadcast_in_dim3A_743, %select_n3A_710 : vector<16xi1>, vector<16xi32>
      %select_n3A_745 = arith.select %gt3A_738, %select_n3A_714, %select_n3A_744 : vector<16xi1>, vector<16xi32>
      %select_n3A_746 = arith.select %gt3A_738, %add3A_731, %select_n3A_711 : vector<16xi1>, vector<16xf32>
      %jit3A_747 = arith.constant 20 : i32
      %broadcast_in_dim3A_748 = vector.broadcast %jit3A_747 : i32 to vector<16xi32>
      %select_n3A_749 = arith.select %gt3A_738, %broadcast_in_dim3A_748, %select_n3A_714 : vector<16xi1>, vector<16xi32>
      %get3A_750 = arith.constant 21 : i32
      %get3A_751 = arith.index_cast %get3A_750 : i32 to index
      %get3A_752 = arith.index_cast %mul3A_12 : i32 to index
      %get3A_753 = tpu.vector_load %arg8[%get3A_751, %get3A_752] {strides = array<i32>} : memref<64x256xf32, #tpu.memory_space<vmem>>, vector<1x16xf32>,
      %get3A_754 = vector.shape_cast %get3A_753 : vector<1x16xf32> to vector<16xf32>
      %get3A_755 = arith.constant 21 : i32
      %get3A_756 = arith.index_cast %get3A_755 : i32 to index
      %get3A_757 = arith.index_cast %mul3A_12 : i32 to index
      %get3A_758 = tpu.vector_load %arg10[%get3A_756, %get3A_757] {strides = array<i32>} : memref<64x256xf32, #tpu.memory_space<vmem>>, vector<1x16xf32>,
      %get3A_759 = vector.shape_cast %get3A_758 : vector<1x16xf32> to vector<16xf32>
      %get3A_760 = arith.constant 21 : i32
      %get3A_761 = arith.index_cast %get3A_760 : i32 to index
      %get3A_762 = arith.index_cast %mul3A_12 : i32 to index
      %get3A_763 = tpu.vector_load %arg9[%get3A_761, %get3A_762] {strides = array<i32>} : memref<64x256xf32, #tpu.memory_space<vmem>>, vector<1x16xf32>,
      %get3A_764 = vector.shape_cast %get3A_763 : vector<1x16xf32> to vector<16xf32>
      %mul3A_765 = arith.mulf %get3A_759, %get3A_764 : vector<16xf32>
      %add3A_766 = arith.addf %get3A_754, %mul3A_765 : vector<16xf32>
      %swap3A_767 = arith.constant 21 : i32
      %swap3A_768 = arith.index_cast %swap3A_767 : i32 to index
      %swap3A_769 = arith.index_cast %mul3A_12 : i32 to index
      %swap3A_770 = tpu.vector_load %arg12[%swap3A_768, %swap3A_769] {strides = array<i32>} : memref<64x256xf32, #tpu.memory_space<vmem>>, vector<1x16xf32>,
      %swap3A_771 = vector.shape_cast %swap3A_770 : vector<1x16xf32> to vector<16xf32>
      %swap3A_772 = vector.shape_cast %add3A_766 : vector<16xf32> to vector<1x16xf32>
      tpu.vector_store %arg12[%swap3A_768, %swap3A_769], %swap3A_772 {strides = array<i32>} : memref<64x256xf32, #tpu.memory_space<vmem>>, vector<1x16xf32>,
      %gt3A_773 = arith.cmpf ogt, %add3A_766, %select_n3A_746 : vector<16xf32>
      %gt3A_774 = arith.cmpf ogt, %add3A_766, %select_n3A_741 : vector<16xf32>
      %select_n3A_775 = arith.select %gt3A_774, %add3A_766, %select_n3A_741 : vector<16xi1>, vector<16xf32>
      %select_n3A_776 = arith.select %gt3A_773, %select_n3A_746, %select_n3A_775 : vector<16xi1>, vector<16xf32>
      %jit3A_777 = arith.constant 21 : i32
      %broadcast_in_dim3A_778 = vector.broadcast %jit3A_777 : i32 to vector<16xi32>
      %select_n3A_779 = arith.select %gt3A_774, %broadcast_in_dim3A_778, %select_n3A_745 : vector<16xi1>, vector<16xi32>
      %select_n3A_780 = arith.select %gt3A_773, %select_n3A_749, %select_n3A_779 : vector<16xi1>, vector<16xi32>
      %select_n3A_781 = arith.select %gt3A_773, %add3A_766, %select_n3A_746 : vector<16xi1>, vector<16xf32>
      %jit3A_782 = arith.constant 21 : i32
      %broadcast_in_dim3A_783 = vector.broadcast %jit3A_782 : i32 to vector<16xi32>
      %select_n3A_784 = arith.select %gt3A_773, %broadcast_in_dim3A_783, %select_n3A_749 : vector<16xi1>, vector<16xi32>
      %get3A_785 = arith.constant 22 : i32
      %get3A_786 = arith.index_cast %get3A_785 : i32 to index
      %get3A_787 = arith.index_cast %mul3A_12 : i32 to index
      %get3A_788 = tpu.vector_load %arg8[%get3A_786, %get3A_787] {strides = array<i32>} : memref<64x256xf32, #tpu.memory_space<vmem>>, vector<1x16xf32>,
      %get3A_789 = vector.shape_cast %get3A_788 : vector<1x16xf32> to vector<16xf32>
      %get3A_790 = arith.constant 22 : i32
      %get3A_791 = arith.index_cast %get3A_790 : i32 to index
      %get3A_792 = arith.index_cast %mul3A_12 : i32 to index
      %get3A_793 = tpu.vector_load %arg10[%get3A_791, %get3A_792] {strides = array<i32>} : memref<64x256xf32, #tpu.memory_space<vmem>>, vector<1x16xf32>,
      %get3A_794 = vector.shape_cast %get3A_793 : vector<1x16xf32> to vector<16xf32>
      %get3A_795 = arith.constant 22 : i32
      %get3A_796 = arith.index_cast %get3A_795 : i32 to index
      %get3A_797 = arith.index_cast %mul3A_12 : i32 to index
      %get3A_798 = tpu.vector_load %arg9[%get3A_796, %get3A_797] {strides = array<i32>} : memref<64x256xf32, #tpu.memory_space<vmem>>, vector<1x16xf32>,
      %get3A_799 = vector.shape_cast %get3A_798 : vector<1x16xf32> to vector<16xf32>
      %mul3A_800 = arith.mulf %get3A_794, %get3A_799 : vector<16xf32>
      %add3A_801 = arith.addf %get3A_789, %mul3A_800 : vector<16xf32>
      %swap3A_802 = arith.constant 22 : i32
      %swap3A_803 = arith.index_cast %swap3A_802 : i32 to index
      %swap3A_804 = arith.index_cast %mul3A_12 : i32 to index
      %swap3A_805 = tpu.vector_load %arg12[%swap3A_803, %swap3A_804] {strides = array<i32>} : memref<64x256xf32, #tpu.memory_space<vmem>>, vector<1x16xf32>,
      %swap3A_806 = vector.shape_cast %swap3A_805 : vector<1x16xf32> to vector<16xf32>
      %swap3A_807 = vector.shape_cast %add3A_801 : vector<16xf32> to vector<1x16xf32>
      tpu.vector_store %arg12[%swap3A_803, %swap3A_804], %swap3A_807 {strides = array<i32>} : memref<64x256xf32, #tpu.memory_space<vmem>>, vector<1x16xf32>,
      %gt3A_808 = arith.cmpf ogt, %add3A_801, %select_n3A_781 : vector<16xf32>
      %gt3A_809 = arith.cmpf ogt, %add3A_801, %select_n3A_776 : vector<16xf32>
      %select_n3A_810 = arith.select %gt3A_809, %add3A_801, %select_n3A_776 : vector<16xi1>, vector<16xf32>
      %select_n3A_811 = arith.select %gt3A_808, %select_n3A_781, %select_n3A_810 : vector<16xi1>, vector<16xf32>
      %jit3A_812 = arith.constant 22 : i32
      %broadcast_in_dim3A_813 = vector.broadcast %jit3A_812 : i32 to vector<16xi32>
      %select_n3A_814 = arith.select %gt3A_809, %broadcast_in_dim3A_813, %select_n3A_780 : vector<16xi1>, vector<16xi32>
      %select_n3A_815 = arith.select %gt3A_808, %select_n3A_784, %select_n3A_814 : vector<16xi1>, vector<16xi32>
      %select_n3A_816 = arith.select %gt3A_808, %add3A_801, %select_n3A_781 : vector<16xi1>, vector<16xf32>
      %jit3A_817 = arith.constant 22 : i32
      %broadcast_in_dim3A_818 = vector.broadcast %jit3A_817 : i32 to vector<16xi32>
      %select_n3A_819 = arith.select %gt3A_808, %broadcast_in_dim3A_818, %select_n3A_784 : vector<16xi1>, vector<16xi32>
      %get3A_820 = arith.constant 23 : i32
      %get3A_821 = arith.index_cast %get3A_820 : i32 to index
      %get3A_822 = arith.index_cast %mul3A_12 : i32 to index
      %get3A_823 = tpu.vector_load %arg8[%get3A_821, %get3A_822] {strides = array<i32>} : memref<64x256xf32, #tpu.memory_space<vmem>>, vector<1x16xf32>,
      %get3A_824 = vector.shape_cast %get3A_823 : vector<1x16xf32> to vector<16xf32>
      %get3A_825 = arith.constant 23 : i32
      %get3A_826 = arith.index_cast %get3A_825 : i32 to index
      %get3A_827 = arith.index_cast %mul3A_12 : i32 to index
      %get3A_828 = tpu.vector_load %arg10[%get3A_826, %get3A_827] {strides = array<i32>} : memref<64x256xf32, #tpu.memory_space<vmem>>, vector<1x16xf32>,
      %get3A_829 = vector.shape_cast %get3A_828 : vector<1x16xf32> to vector<16xf32>
      %get3A_830 = arith.constant 23 : i32
      %get3A_831 = arith.index_cast %get3A_830 : i32 to index
      %get3A_832 = arith.index_cast %mul3A_12 : i32 to index
      %get3A_833 = tpu.vector_load %arg9[%get3A_831, %get3A_832] {strides = array<i32>} : memref<64x256xf32, #tpu.memory_space<vmem>>, vector<1x16xf32>,
      %get3A_834 = vector.shape_cast %get3A_833 : vector<1x16xf32> to vector<16xf32>
      %mul3A_835 = arith.mulf %get3A_829, %get3A_834 : vector<16xf32>
      %add3A_836 = arith.addf %get3A_824, %mul3A_835 : vector<16xf32>
      %swap3A_837 = arith.constant 23 : i32
      %swap3A_838 = arith.index_cast %swap3A_837 : i32 to index
      %swap3A_839 = arith.index_cast %mul3A_12 : i32 to index
      %swap3A_840 = tpu.vector_load %arg12[%swap3A_838, %swap3A_839] {strides = array<i32>} : memref<64x256xf32, #tpu.memory_space<vmem>>, vector<1x16xf32>,
      %swap3A_841 = vector.shape_cast %swap3A_840 : vector<1x16xf32> to vector<16xf32>
      %swap3A_842 = vector.shape_cast %add3A_836 : vector<16xf32> to vector<1x16xf32>
      tpu.vector_store %arg12[%swap3A_838, %swap3A_839], %swap3A_842 {strides = array<i32>} : memref<64x256xf32, #tpu.memory_space<vmem>>, vector<1x16xf32>,
      %gt3A_843 = arith.cmpf ogt, %add3A_836, %select_n3A_816 : vector<16xf32>
      %gt3A_844 = arith.cmpf ogt, %add3A_836, %select_n3A_811 : vector<16xf32>
      %select_n3A_845 = arith.select %gt3A_844, %add3A_836, %select_n3A_811 : vector<16xi1>, vector<16xf32>
      %select_n3A_846 = arith.select %gt3A_843, %select_n3A_816, %select_n3A_845 : vector<16xi1>, vector<16xf32>
      %jit3A_847 = arith.constant 23 : i32
      %broadcast_in_dim3A_848 = vector.broadcast %jit3A_847 : i32 to vector<16xi32>
      %select_n3A_849 = arith.select %gt3A_844, %broadcast_in_dim3A_848, %select_n3A_815 : vector<16xi1>, vector<16xi32>
      %select_n3A_850 = arith.select %gt3A_843, %select_n3A_819, %select_n3A_849 : vector<16xi1>, vector<16xi32>
      %select_n3A_851 = arith.select %gt3A_843, %add3A_836, %select_n3A_816 : vector<16xi1>, vector<16xf32>
      %jit3A_852 = arith.constant 23 : i32
      %broadcast_in_dim3A_853 = vector.broadcast %jit3A_852 : i32 to vector<16xi32>
      %select_n3A_854 = arith.select %gt3A_843, %broadcast_in_dim3A_853, %select_n3A_819 : vector<16xi1>, vector<16xi32>
      %get3A_855 = arith.constant 24 : i32
      %get3A_856 = arith.index_cast %get3A_855 : i32 to index
      %get3A_857 = arith.index_cast %mul3A_12 : i32 to index
      %get3A_858 = tpu.vector_load %arg8[%get3A_856, %get3A_857] {strides = array<i32>} : memref<64x256xf32, #tpu.memory_space<vmem>>, vector<1x16xf32>,
      %get3A_859 = vector.shape_cast %get3A_858 : vector<1x16xf32> to vector<16xf32>
      %get3A_860 = arith.constant 24 : i32
      %get3A_861 = arith.index_cast %get3A_860 : i32 to index
      %get3A_862 = arith.index_cast %mul3A_12 : i32 to index
      %get3A_863 = tpu.vector_load %arg10[%get3A_861, %get3A_862] {strides = array<i32>} : memref<64x256xf32, #tpu.memory_space<vmem>>, vector<1x16xf32>,
      %get3A_864 = vector.shape_cast %get3A_863 : vector<1x16xf32> to vector<16xf32>
      %get3A_865 = arith.constant 24 : i32
      %get3A_866 = arith.index_cast %get3A_865 : i32 to index
      %get3A_867 = arith.index_cast %mul3A_12 : i32 to index
      %get3A_868 = tpu.vector_load %arg9[%get3A_866, %get3A_867] {strides = array<i32>} : memref<64x256xf32, #tpu.memory_space<vmem>>, vector<1x16xf32>,
      %get3A_869 = vector.shape_cast %get3A_868 : vector<1x16xf32> to vector<16xf32>
      %mul3A_870 = arith.mulf %get3A_864, %get3A_869 : vector<16xf32>
      %add3A_871 = arith.addf %get3A_859, %mul3A_870 : vector<16xf32>
      %swap3A_872 = arith.constant 24 : i32
      %swap3A_873 = arith.index_cast %swap3A_872 : i32 to index
      %swap3A_874 = arith.index_cast %mul3A_12 : i32 to index
      %swap3A_875 = tpu.vector_load %arg12[%swap3A_873, %swap3A_874] {strides = array<i32>} : memref<64x256xf32, #tpu.memory_space<vmem>>, vector<1x16xf32>,
      %swap3A_876 = vector.shape_cast %swap3A_875 : vector<1x16xf32> to vector<16xf32>
      %swap3A_877 = vector.shape_cast %add3A_871 : vector<16xf32> to vector<1x16xf32>
      tpu.vector_store %arg12[%swap3A_873, %swap3A_874], %swap3A_877 {strides = array<i32>} : memref<64x256xf32, #tpu.memory_space<vmem>>, vector<1x16xf32>,
      %gt3A_878 = arith.cmpf ogt, %add3A_871, %select_n3A_851 : vector<16xf32>
      %gt3A_879 = arith.cmpf ogt, %add3A_871, %select_n3A_846 : vector<16xf32>
      %select_n3A_880 = arith.select %gt3A_879, %add3A_871, %select_n3A_846 : vector<16xi1>, vector<16xf32>
      %select_n3A_881 = arith.select %gt3A_878, %select_n3A_851, %select_n3A_880 : vector<16xi1>, vector<16xf32>
      %jit3A_882 = arith.constant 24 : i32
      %broadcast_in_dim3A_883 = vector.broadcast %jit3A_882 : i32 to vector<16xi32>
      %select_n3A_884 = arith.select %gt3A_879, %broadcast_in_dim3A_883, %select_n3A_850 : vector<16xi1>, vector<16xi32>
      %select_n3A_885 = arith.select %gt3A_878, %select_n3A_854, %select_n3A_884 : vector<16xi1>, vector<16xi32>
      %select_n3A_886 = arith.select %gt3A_878, %add3A_871, %select_n3A_851 : vector<16xi1>, vector<16xf32>
      %jit3A_887 = arith.constant 24 : i32
      %broadcast_in_dim3A_888 = vector.broadcast %jit3A_887 : i32 to vector<16xi32>
      %select_n3A_889 = arith.select %gt3A_878, %broadcast_in_dim3A_888, %select_n3A_854 : vector<16xi1>, vector<16xi32>
      %get3A_890 = arith.constant 25 : i32
      %get3A_891 = arith.index_cast %get3A_890 : i32 to index
      %get3A_892 = arith.index_cast %mul3A_12 : i32 to index
      %get3A_893 = tpu.vector_load %arg8[%get3A_891, %get3A_892] {strides = array<i32>} : memref<64x256xf32, #tpu.memory_space<vmem>>, vector<1x16xf32>,
      %get3A_894 = vector.shape_cast %get3A_893 : vector<1x16xf32> to vector<16xf32>
      %get3A_895 = arith.constant 25 : i32
      %get3A_896 = arith.index_cast %get3A_895 : i32 to index
      %get3A_897 = arith.index_cast %mul3A_12 : i32 to index
      %get3A_898 = tpu.vector_load %arg10[%get3A_896, %get3A_897] {strides = array<i32>} : memref<64x256xf32, #tpu.memory_space<vmem>>, vector<1x16xf32>,
      %get3A_899 = vector.shape_cast %get3A_898 : vector<1x16xf32> to vector<16xf32>
      %get3A_900 = arith.constant 25 : i32
      %get3A_901 = arith.index_cast %get3A_900 : i32 to index
      %get3A_902 = arith.index_cast %mul3A_12 : i32 to index
      %get3A_903 = tpu.vector_load %arg9[%get3A_901, %get3A_902] {strides = array<i32>} : memref<64x256xf32, #tpu.memory_space<vmem>>, vector<1x16xf32>,
      %get3A_904 = vector.shape_cast %get3A_903 : vector<1x16xf32> to vector<16xf32>
      %mul3A_905 = arith.mulf %get3A_899, %get3A_904 : vector<16xf32>
      %add3A_906 = arith.addf %get3A_894, %mul3A_905 : vector<16xf32>
      %swap3A_907 = arith.constant 25 : i32
      %swap3A_908 = arith.index_cast %swap3A_907 : i32 to index
      %swap3A_909 = arith.index_cast %mul3A_12 : i32 to index
      %swap3A_910 = tpu.vector_load %arg12[%swap3A_908, %swap3A_909] {strides = array<i32>} : memref<64x256xf32, #tpu.memory_space<vmem>>, vector<1x16xf32>,
      %swap3A_911 = vector.shape_cast %swap3A_910 : vector<1x16xf32> to vector<16xf32>
      %swap3A_912 = vector.shape_cast %add3A_906 : vector<16xf32> to vector<1x16xf32>
      tpu.vector_store %arg12[%swap3A_908, %swap3A_909], %swap3A_912 {strides = array<i32>} : memref<64x256xf32, #tpu.memory_space<vmem>>, vector<1x16xf32>,
      %gt3A_913 = arith.cmpf ogt, %add3A_906, %select_n3A_886 : vector<16xf32>
      %gt3A_914 = arith.cmpf ogt, %add3A_906, %select_n3A_881 : vector<16xf32>
      %select_n3A_915 = arith.select %gt3A_914, %add3A_906, %select_n3A_881 : vector<16xi1>, vector<16xf32>
      %select_n3A_916 = arith.select %gt3A_913, %select_n3A_886, %select_n3A_915 : vector<16xi1>, vector<16xf32>
      %jit3A_917 = arith.constant 25 : i32
      %broadcast_in_dim3A_918 = vector.broadcast %jit3A_917 : i32 to vector<16xi32>
      %select_n3A_919 = arith.select %gt3A_914, %broadcast_in_dim3A_918, %select_n3A_885 : vector<16xi1>, vector<16xi32>
      %select_n3A_920 = arith.select %gt3A_913, %select_n3A_889, %select_n3A_919 : vector<16xi1>, vector<16xi32>
      %select_n3A_921 = arith.select %gt3A_913, %add3A_906, %select_n3A_886 : vector<16xi1>, vector<16xf32>
      %jit3A_922 = arith.constant 25 : i32
      %broadcast_in_dim3A_923 = vector.broadcast %jit3A_922 : i32 to vector<16xi32>
      %select_n3A_924 = arith.select %gt3A_913, %broadcast_in_dim3A_923, %select_n3A_889 : vector<16xi1>, vector<16xi32>
      %get3A_925 = arith.constant 26 : i32
      %get3A_926 = arith.index_cast %get3A_925 : i32 to index
      %get3A_927 = arith.index_cast %mul3A_12 : i32 to index
      %get3A_928 = tpu.vector_load %arg8[%get3A_926, %get3A_927] {strides = array<i32>} : memref<64x256xf32, #tpu.memory_space<vmem>>, vector<1x16xf32>,
      %get3A_929 = vector.shape_cast %get3A_928 : vector<1x16xf32> to vector<16xf32>
      %get3A_930 = arith.constant 26 : i32
      %get3A_931 = arith.index_cast %get3A_930 : i32 to index
      %get3A_932 = arith.index_cast %mul3A_12 : i32 to index
      %get3A_933 = tpu.vector_load %arg10[%get3A_931, %get3A_932] {strides = array<i32>} : memref<64x256xf32, #tpu.memory_space<vmem>>, vector<1x16xf32>,
      %get3A_934 = vector.shape_cast %get3A_933 : vector<1x16xf32> to vector<16xf32>
      %get3A_935 = arith.constant 26 : i32
      %get3A_936 = arith.index_cast %get3A_935 : i32 to index
      %get3A_937 = arith.index_cast %mul3A_12 : i32 to index
      %get3A_938 = tpu.vector_load %arg9[%get3A_936, %get3A_937] {strides = array<i32>} : memref<64x256xf32, #tpu.memory_space<vmem>>, vector<1x16xf32>,
      %get3A_939 = vector.shape_cast %get3A_938 : vector<1x16xf32> to vector<16xf32>
      %mul3A_940 = arith.mulf %get3A_934, %get3A_939 : vector<16xf32>
      %add3A_941 = arith.addf %get3A_929, %mul3A_940 : vector<16xf32>
      %swap3A_942 = arith.constant 26 : i32
      %swap3A_943 = arith.index_cast %swap3A_942 : i32 to index
      %swap3A_944 = arith.index_cast %mul3A_12 : i32 to index
      %swap3A_945 = tpu.vector_load %arg12[%swap3A_943, %swap3A_944] {strides = array<i32>} : memref<64x256xf32, #tpu.memory_space<vmem>>, vector<1x16xf32>,
      %swap3A_946 = vector.shape_cast %swap3A_945 : vector<1x16xf32> to vector<16xf32>
      %swap3A_947 = vector.shape_cast %add3A_941 : vector<16xf32> to vector<1x16xf32>
      tpu.vector_store %arg12[%swap3A_943, %swap3A_944], %swap3A_947 {strides = array<i32>} : memref<64x256xf32, #tpu.memory_space<vmem>>, vector<1x16xf32>,
      %gt3A_948 = arith.cmpf ogt, %add3A_941, %select_n3A_921 : vector<16xf32>
      %gt3A_949 = arith.cmpf ogt, %add3A_941, %select_n3A_916 : vector<16xf32>
      %select_n3A_950 = arith.select %gt3A_949, %add3A_941, %select_n3A_916 : vector<16xi1>, vector<16xf32>
      %select_n3A_951 = arith.select %gt3A_948, %select_n3A_921, %select_n3A_950 : vector<16xi1>, vector<16xf32>
      %jit3A_952 = arith.constant 26 : i32
      %broadcast_in_dim3A_953 = vector.broadcast %jit3A_952 : i32 to vector<16xi32>
      %select_n3A_954 = arith.select %gt3A_949, %broadcast_in_dim3A_953, %select_n3A_920 : vector<16xi1>, vector<16xi32>
      %select_n3A_955 = arith.select %gt3A_948, %select_n3A_924, %select_n3A_954 : vector<16xi1>, vector<16xi32>
      %select_n3A_956 = arith.select %gt3A_948, %add3A_941, %select_n3A_921 : vector<16xi1>, vector<16xf32>
      %jit3A_957 = arith.constant 26 : i32
      %broadcast_in_dim3A_958 = vector.broadcast %jit3A_957 : i32 to vector<16xi32>
      %select_n3A_959 = arith.select %gt3A_948, %broadcast_in_dim3A_958, %select_n3A_924 : vector<16xi1>, vector<16xi32>
      %get3A_960 = arith.constant 27 : i32
      %get3A_961 = arith.index_cast %get3A_960 : i32 to index
      %get3A_962 = arith.index_cast %mul3A_12 : i32 to index
      %get3A_963 = tpu.vector_load %arg8[%get3A_961, %get3A_962] {strides = array<i32>} : memref<64x256xf32, #tpu.memory_space<vmem>>, vector<1x16xf32>,
      %get3A_964 = vector.shape_cast %get3A_963 : vector<1x16xf32> to vector<16xf32>
      %get3A_965 = arith.constant 27 : i32
      %get3A_966 = arith.index_cast %get3A_965 : i32 to index
      %get3A_967 = arith.index_cast %mul3A_12 : i32 to index
      %get3A_968 = tpu.vector_load %arg10[%get3A_966, %get3A_967] {strides = array<i32>} : memref<64x256xf32, #tpu.memory_space<vmem>>, vector<1x16xf32>,
      %get3A_969 = vector.shape_cast %get3A_968 : vector<1x16xf32> to vector<16xf32>
      %get3A_970 = arith.constant 27 : i32
      %get3A_971 = arith.index_cast %get3A_970 : i32 to index
      %get3A_972 = arith.index_cast %mul3A_12 : i32 to index
      %get3A_973 = tpu.vector_load %arg9[%get3A_971, %get3A_972] {strides = array<i32>} : memref<64x256xf32, #tpu.memory_space<vmem>>, vector<1x16xf32>,
      %get3A_974 = vector.shape_cast %get3A_973 : vector<1x16xf32> to vector<16xf32>
      %mul3A_975 = arith.mulf %get3A_969, %get3A_974 : vector<16xf32>
      %add3A_976 = arith.addf %get3A_964, %mul3A_975 : vector<16xf32>
      %swap3A_977 = arith.constant 27 : i32
      %swap3A_978 = arith.index_cast %swap3A_977 : i32 to index
      %swap3A_979 = arith.index_cast %mul3A_12 : i32 to index
      %swap3A_980 = tpu.vector_load %arg12[%swap3A_978, %swap3A_979] {strides = array<i32>} : memref<64x256xf32, #tpu.memory_space<vmem>>, vector<1x16xf32>,
      %swap3A_981 = vector.shape_cast %swap3A_980 : vector<1x16xf32> to vector<16xf32>
      %swap3A_982 = vector.shape_cast %add3A_976 : vector<16xf32> to vector<1x16xf32>
      tpu.vector_store %arg12[%swap3A_978, %swap3A_979], %swap3A_982 {strides = array<i32>} : memref<64x256xf32, #tpu.memory_space<vmem>>, vector<1x16xf32>,
      %gt3A_983 = arith.cmpf ogt, %add3A_976, %select_n3A_956 : vector<16xf32>
      %gt3A_984 = arith.cmpf ogt, %add3A_976, %select_n3A_951 : vector<16xf32>
      %select_n3A_985 = arith.select %gt3A_984, %add3A_976, %select_n3A_951 : vector<16xi1>, vector<16xf32>
      %select_n3A_986 = arith.select %gt3A_983, %select_n3A_956, %select_n3A_985 : vector<16xi1>, vector<16xf32>
      %jit3A_987 = arith.constant 27 : i32
      %broadcast_in_dim3A_988 = vector.broadcast %jit3A_987 : i32 to vector<16xi32>
      %select_n3A_989 = arith.select %gt3A_984, %broadcast_in_dim3A_988, %select_n3A_955 : vector<16xi1>, vector<16xi32>
      %select_n3A_990 = arith.select %gt3A_983, %select_n3A_959, %select_n3A_989 : vector<16xi1>, vector<16xi32>
      %select_n3A_991 = arith.select %gt3A_983, %add3A_976, %select_n3A_956 : vector<16xi1>, vector<16xf32>
      %jit3A_992 = arith.constant 27 : i32
      %broadcast_in_dim3A_993 = vector.broadcast %jit3A_992 : i32 to vector<16xi32>
      %select_n3A_994 = arith.select %gt3A_983, %broadcast_in_dim3A_993, %select_n3A_959 : vector<16xi1>, vector<16xi32>
      %get3A_995 = arith.constant 28 : i32
      %get3A_996 = arith.index_cast %get3A_995 : i32 to index
      %get3A_997 = arith.index_cast %mul3A_12 : i32 to index
      %get3A_998 = tpu.vector_load %arg8[%get3A_996, %get3A_997] {strides = array<i32>} : memref<64x256xf32, #tpu.memory_space<vmem>>, vector<1x16xf32>,
      %get3A_999 = vector.shape_cast %get3A_998 : vector<1x16xf32> to vector<16xf32>
      %get3A_1000 = arith.constant 28 : i32
      %get3A_1001 = arith.index_cast %get3A_1000 : i32 to index
      %get3A_1002 = arith.index_cast %mul3A_12 : i32 to index
      %get3A_1003 = tpu.vector_load %arg10[%get3A_1001, %get3A_1002] {strides = array<i32>} : memref<64x256xf32, #tpu.memory_space<vmem>>, vector<1x16xf32>,
      %get3A_1004 = vector.shape_cast %get3A_1003 : vector<1x16xf32> to vector<16xf32>
      %get3A_1005 = arith.constant 28 : i32
      %get3A_1006 = arith.index_cast %get3A_1005 : i32 to index
      %get3A_1007 = arith.index_cast %mul3A_12 : i32 to index
      %get3A_1008 = tpu.vector_load %arg9[%get3A_1006, %get3A_1007] {strides = array<i32>} : memref<64x256xf32, #tpu.memory_space<vmem>>, vector<1x16xf32>,
      %get3A_1009 = vector.shape_cast %get3A_1008 : vector<1x16xf32> to vector<16xf32>
      %mul3A_1010 = arith.mulf %get3A_1004, %get3A_1009 : vector<16xf32>
      %add3A_1011 = arith.addf %get3A_999, %mul3A_1010 : vector<16xf32>
      %swap3A_1012 = arith.constant 28 : i32
      %swap3A_1013 = arith.index_cast %swap3A_1012 : i32 to index
      %swap3A_1014 = arith.index_cast %mul3A_12 : i32 to index
      %swap3A_1015 = tpu.vector_load %arg12[%swap3A_1013, %swap3A_1014] {strides = array<i32>} : memref<64x256xf32, #tpu.memory_space<vmem>>, vector<1x16xf32>,
      %swap3A_1016 = vector.shape_cast %swap3A_1015 : vector<1x16xf32> to vector<16xf32>
      %swap3A_1017 = vector.shape_cast %add3A_1011 : vector<16xf32> to vector<1x16xf32>
      tpu.vector_store %arg12[%swap3A_1013, %swap3A_1014], %swap3A_1017 {strides = array<i32>} : memref<64x256xf32, #tpu.memory_space<vmem>>, vector<1x16xf32>,
      %gt3A_1018 = arith.cmpf ogt, %add3A_1011, %select_n3A_991 : vector<16xf32>
      %gt3A_1019 = arith.cmpf ogt, %add3A_1011, %select_n3A_986 : vector<16xf32>
      %select_n3A_1020 = arith.select %gt3A_1019, %add3A_1011, %select_n3A_986 : vector<16xi1>, vector<16xf32>
      %select_n3A_1021 = arith.select %gt3A_1018, %select_n3A_991, %select_n3A_1020 : vector<16xi1>, vector<16xf32>
      %jit3A_1022 = arith.constant 28 : i32
      %broadcast_in_dim3A_1023 = vector.broadcast %jit3A_1022 : i32 to vector<16xi32>
      %select_n3A_1024 = arith.select %gt3A_1019, %broadcast_in_dim3A_1023, %select_n3A_990 : vector<16xi1>, vector<16xi32>
      %select_n3A_1025 = arith.select %gt3A_1018, %select_n3A_994, %select_n3A_1024 : vector<16xi1>, vector<16xi32>
      %select_n3A_1026 = arith.select %gt3A_1018, %add3A_1011, %select_n3A_991 : vector<16xi1>, vector<16xf32>
      %jit3A_1027 = arith.constant 28 : i32
      %broadcast_in_dim3A_1028 = vector.broadcast %jit3A_1027 : i32 to vector<16xi32>
      %select_n3A_1029 = arith.select %gt3A_1018, %broadcast_in_dim3A_1028, %select_n3A_994 : vector<16xi1>, vector<16xi32>
      %get3A_1030 = arith.constant 29 : i32
      %get3A_1031 = arith.index_cast %get3A_1030 : i32 to index
      %get3A_1032 = arith.index_cast %mul3A_12 : i32 to index
      %get3A_1033 = tpu.vector_load %arg8[%get3A_1031, %get3A_1032] {strides = array<i32>} : memref<64x256xf32, #tpu.memory_space<vmem>>, vector<1x16xf32>,
      %get3A_1034 = vector.shape_cast %get3A_1033 : vector<1x16xf32> to vector<16xf32>
      %get3A_1035 = arith.constant 29 : i32
      %get3A_1036 = arith.index_cast %get3A_1035 : i32 to index
      %get3A_1037 = arith.index_cast %mul3A_12 : i32 to index
      %get3A_1038 = tpu.vector_load %arg10[%get3A_1036, %get3A_1037] {strides = array<i32>} : memref<64x256xf32, #tpu.memory_space<vmem>>, vector<1x16xf32>,
      %get3A_1039 = vector.shape_cast %get3A_1038 : vector<1x16xf32> to vector<16xf32>
      %get3A_1040 = arith.constant 29 : i32
      %get3A_1041 = arith.index_cast %get3A_1040 : i32 to index
      %get3A_1042 = arith.index_cast %mul3A_12 : i32 to index
      %get3A_1043 = tpu.vector_load %arg9[%get3A_1041, %get3A_1042] {strides = array<i32>} : memref<64x256xf32, #tpu.memory_space<vmem>>, vector<1x16xf32>,
      %get3A_1044 = vector.shape_cast %get3A_1043 : vector<1x16xf32> to vector<16xf32>
      %mul3A_1045 = arith.mulf %get3A_1039, %get3A_1044 : vector<16xf32>
      %add3A_1046 = arith.addf %get3A_1034, %mul3A_1045 : vector<16xf32>
      %swap3A_1047 = arith.constant 29 : i32
      %swap3A_1048 = arith.index_cast %swap3A_1047 : i32 to index
      %swap3A_1049 = arith.index_cast %mul3A_12 : i32 to index
      %swap3A_1050 = tpu.vector_load %arg12[%swap3A_1048, %swap3A_1049] {strides = array<i32>} : memref<64x256xf32, #tpu.memory_space<vmem>>, vector<1x16xf32>,
      %swap3A_1051 = vector.shape_cast %swap3A_1050 : vector<1x16xf32> to vector<16xf32>
      %swap3A_1052 = vector.shape_cast %add3A_1046 : vector<16xf32> to vector<1x16xf32>
      tpu.vector_store %arg12[%swap3A_1048, %swap3A_1049], %swap3A_1052 {strides = array<i32>} : memref<64x256xf32, #tpu.memory_space<vmem>>, vector<1x16xf32>,
      %gt3A_1053 = arith.cmpf ogt, %add3A_1046, %select_n3A_1026 : vector<16xf32>
      %gt3A_1054 = arith.cmpf ogt, %add3A_1046, %select_n3A_1021 : vector<16xf32>
      %select_n3A_1055 = arith.select %gt3A_1054, %add3A_1046, %select_n3A_1021 : vector<16xi1>, vector<16xf32>
      %select_n3A_1056 = arith.select %gt3A_1053, %select_n3A_1026, %select_n3A_1055 : vector<16xi1>, vector<16xf32>
      %jit3A_1057 = arith.constant 29 : i32
      %broadcast_in_dim3A_1058 = vector.broadcast %jit3A_1057 : i32 to vector<16xi32>
      %select_n3A_1059 = arith.select %gt3A_1054, %broadcast_in_dim3A_1058, %select_n3A_1025 : vector<16xi1>, vector<16xi32>
      %select_n3A_1060 = arith.select %gt3A_1053, %select_n3A_1029, %select_n3A_1059 : vector<16xi1>, vector<16xi32>
      %select_n3A_1061 = arith.select %gt3A_1053, %add3A_1046, %select_n3A_1026 : vector<16xi1>, vector<16xf32>
      %jit3A_1062 = arith.constant 29 : i32
      %broadcast_in_dim3A_1063 = vector.broadcast %jit3A_1062 : i32 to vector<16xi32>
      %select_n3A_1064 = arith.select %gt3A_1053, %broadcast_in_dim3A_1063, %select_n3A_1029 : vector<16xi1>, vector<16xi32>
      %get3A_1065 = arith.constant 30 : i32
      %get3A_1066 = arith.index_cast %get3A_1065 : i32 to index
      %get3A_1067 = arith.index_cast %mul3A_12 : i32 to index
      %get3A_1068 = tpu.vector_load %arg8[%get3A_1066, %get3A_1067] {strides = array<i32>} : memref<64x256xf32, #tpu.memory_space<vmem>>, vector<1x16xf32>,
      %get3A_1069 = vector.shape_cast %get3A_1068 : vector<1x16xf32> to vector<16xf32>
      %get3A_1070 = arith.constant 30 : i32
      %get3A_1071 = arith.index_cast %get3A_1070 : i32 to index
      %get3A_1072 = arith.index_cast %mul3A_12 : i32 to index
      %get3A_1073 = tpu.vector_load %arg10[%get3A_1071, %get3A_1072] {strides = array<i32>} : memref<64x256xf32, #tpu.memory_space<vmem>>, vector<1x16xf32>,
      %get3A_1074 = vector.shape_cast %get3A_1073 : vector<1x16xf32> to vector<16xf32>
      %get3A_1075 = arith.constant 30 : i32
      %get3A_1076 = arith.index_cast %get3A_1075 : i32 to index
      %get3A_1077 = arith.index_cast %mul3A_12 : i32 to index
      %get3A_1078 = tpu.vector_load %arg9[%get3A_1076, %get3A_1077] {strides = array<i32>} : memref<64x256xf32, #tpu.memory_space<vmem>>, vector<1x16xf32>,
      %get3A_1079 = vector.shape_cast %get3A_1078 : vector<1x16xf32> to vector<16xf32>
      %mul3A_1080 = arith.mulf %get3A_1074, %get3A_1079 : vector<16xf32>
      %add3A_1081 = arith.addf %get3A_1069, %mul3A_1080 : vector<16xf32>
      %swap3A_1082 = arith.constant 30 : i32
      %swap3A_1083 = arith.index_cast %swap3A_1082 : i32 to index
      %swap3A_1084 = arith.index_cast %mul3A_12 : i32 to index
      %swap3A_1085 = tpu.vector_load %arg12[%swap3A_1083, %swap3A_1084] {strides = array<i32>} : memref<64x256xf32, #tpu.memory_space<vmem>>, vector<1x16xf32>,
      %swap3A_1086 = vector.shape_cast %swap3A_1085 : vector<1x16xf32> to vector<16xf32>
      %swap3A_1087 = vector.shape_cast %add3A_1081 : vector<16xf32> to vector<1x16xf32>
      tpu.vector_store %arg12[%swap3A_1083, %swap3A_1084], %swap3A_1087 {strides = array<i32>} : memref<64x256xf32, #tpu.memory_space<vmem>>, vector<1x16xf32>,
      %gt3A_1088 = arith.cmpf ogt, %add3A_1081, %select_n3A_1061 : vector<16xf32>
      %gt3A_1089 = arith.cmpf ogt, %add3A_1081, %select_n3A_1056 : vector<16xf32>
      %select_n3A_1090 = arith.select %gt3A_1089, %add3A_1081, %select_n3A_1056 : vector<16xi1>, vector<16xf32>
      %select_n3A_1091 = arith.select %gt3A_1088, %select_n3A_1061, %select_n3A_1090 : vector<16xi1>, vector<16xf32>
      %jit3A_1092 = arith.constant 30 : i32
      %broadcast_in_dim3A_1093 = vector.broadcast %jit3A_1092 : i32 to vector<16xi32>
      %select_n3A_1094 = arith.select %gt3A_1089, %broadcast_in_dim3A_1093, %select_n3A_1060 : vector<16xi1>, vector<16xi32>
      %select_n3A_1095 = arith.select %gt3A_1088, %select_n3A_1064, %select_n3A_1094 : vector<16xi1>, vector<16xi32>
      %select_n3A_1096 = arith.select %gt3A_1088, %add3A_1081, %select_n3A_1061 : vector<16xi1>, vector<16xf32>
      %jit3A_1097 = arith.constant 30 : i32
      %broadcast_in_dim3A_1098 = vector.broadcast %jit3A_1097 : i32 to vector<16xi32>
      %select_n3A_1099 = arith.select %gt3A_1088, %broadcast_in_dim3A_1098, %select_n3A_1064 : vector<16xi1>, vector<16xi32>
      %get3A_1100 = arith.constant 31 : i32
      %get3A_1101 = arith.index_cast %get3A_1100 : i32 to index
      %get3A_1102 = arith.index_cast %mul3A_12 : i32 to index
      %get3A_1103 = tpu.vector_load %arg8[%get3A_1101, %get3A_1102] {strides = array<i32>} : memref<64x256xf32, #tpu.memory_space<vmem>>, vector<1x16xf32>,
      %get3A_1104 = vector.shape_cast %get3A_1103 : vector<1x16xf32> to vector<16xf32>
      %get3A_1105 = arith.constant 31 : i32
      %get3A_1106 = arith.index_cast %get3A_1105 : i32 to index
      %get3A_1107 = arith.index_cast %mul3A_12 : i32 to index
      %get3A_1108 = tpu.vector_load %arg10[%get3A_1106, %get3A_1107] {strides = array<i32>} : memref<64x256xf32, #tpu.memory_space<vmem>>, vector<1x16xf32>,
      %get3A_1109 = vector.shape_cast %get3A_1108 : vector<1x16xf32> to vector<16xf32>
      %get3A_1110 = arith.constant 31 : i32
      %get3A_1111 = arith.index_cast %get3A_1110 : i32 to index
      %get3A_1112 = arith.index_cast %mul3A_12 : i32 to index
      %get3A_1113 = tpu.vector_load %arg9[%get3A_1111, %get3A_1112] {strides = array<i32>} : memref<64x256xf32, #tpu.memory_space<vmem>>, vector<1x16xf32>,
      %get3A_1114 = vector.shape_cast %get3A_1113 : vector<1x16xf32> to vector<16xf32>
      %mul3A_1115 = arith.mulf %get3A_1109, %get3A_1114 : vector<16xf32>
      %add3A_1116 = arith.addf %get3A_1104, %mul3A_1115 : vector<16xf32>
      %swap3A_1117 = arith.constant 31 : i32
      %swap3A_1118 = arith.index_cast %swap3A_1117 : i32 to index
      %swap3A_1119 = arith.index_cast %mul3A_12 : i32 to index
      %swap3A_1120 = tpu.vector_load %arg12[%swap3A_1118, %swap3A_1119] {strides = array<i32>} : memref<64x256xf32, #tpu.memory_space<vmem>>, vector<1x16xf32>,
      %swap3A_1121 = vector.shape_cast %swap3A_1120 : vector<1x16xf32> to vector<16xf32>
      %swap3A_1122 = vector.shape_cast %add3A_1116 : vector<16xf32> to vector<1x16xf32>
      tpu.vector_store %arg12[%swap3A_1118, %swap3A_1119], %swap3A_1122 {strides = array<i32>} : memref<64x256xf32, #tpu.memory_space<vmem>>, vector<1x16xf32>,
      %gt3A_1123 = arith.cmpf ogt, %add3A_1116, %select_n3A_1096 : vector<16xf32>
      %gt3A_1124 = arith.cmpf ogt, %add3A_1116, %select_n3A_1091 : vector<16xf32>
      %select_n3A_1125 = arith.select %gt3A_1124, %add3A_1116, %select_n3A_1091 : vector<16xi1>, vector<16xf32>
      %select_n3A_1126 = arith.select %gt3A_1123, %select_n3A_1096, %select_n3A_1125 : vector<16xi1>, vector<16xf32>
      %jit3A_1127 = arith.constant 31 : i32
      %broadcast_in_dim3A_1128 = vector.broadcast %jit3A_1127 : i32 to vector<16xi32>
      %select_n3A_1129 = arith.select %gt3A_1124, %broadcast_in_dim3A_1128, %select_n3A_1095 : vector<16xi1>, vector<16xi32>
      %select_n3A_1130 = arith.select %gt3A_1123, %select_n3A_1099, %select_n3A_1129 : vector<16xi1>, vector<16xi32>
      %select_n3A_1131 = arith.select %gt3A_1123, %add3A_1116, %select_n3A_1096 : vector<16xi1>, vector<16xf32>
      %jit3A_1132 = arith.constant 31 : i32
      %broadcast_in_dim3A_1133 = vector.broadcast %jit3A_1132 : i32 to vector<16xi32>
      %select_n3A_1134 = arith.select %gt3A_1123, %broadcast_in_dim3A_1133, %select_n3A_1099 : vector<16xi1>, vector<16xi32>
      %get3A_1135 = arith.constant 32 : i32
      %get3A_1136 = arith.index_cast %get3A_1135 : i32 to index
      %get3A_1137 = arith.index_cast %mul3A_12 : i32 to index
      %get3A_1138 = tpu.vector_load %arg8[%get3A_1136, %get3A_1137] {strides = array<i32>} : memref<64x256xf32, #tpu.memory_space<vmem>>, vector<1x16xf32>,
      %get3A_1139 = vector.shape_cast %get3A_1138 : vector<1x16xf32> to vector<16xf32>
      %get3A_1140 = arith.constant 32 : i32
      %get3A_1141 = arith.index_cast %get3A_1140 : i32 to index
      %get3A_1142 = arith.index_cast %mul3A_12 : i32 to index
      %get3A_1143 = tpu.vector_load %arg10[%get3A_1141, %get3A_1142] {strides = array<i32>} : memref<64x256xf32, #tpu.memory_space<vmem>>, vector<1x16xf32>,
      %get3A_1144 = vector.shape_cast %get3A_1143 : vector<1x16xf32> to vector<16xf32>
      %get3A_1145 = arith.constant 32 : i32
      %get3A_1146 = arith.index_cast %get3A_1145 : i32 to index
      %get3A_1147 = arith.index_cast %mul3A_12 : i32 to index
      %get3A_1148 = tpu.vector_load %arg9[%get3A_1146, %get3A_1147] {strides = array<i32>} : memref<64x256xf32, #tpu.memory_space<vmem>>, vector<1x16xf32>,
      %get3A_1149 = vector.shape_cast %get3A_1148 : vector<1x16xf32> to vector<16xf32>
      %mul3A_1150 = arith.mulf %get3A_1144, %get3A_1149 : vector<16xf32>
      %add3A_1151 = arith.addf %get3A_1139, %mul3A_1150 : vector<16xf32>
      %swap3A_1152 = arith.constant 32 : i32
      %swap3A_1153 = arith.index_cast %swap3A_1152 : i32 to index
      %swap3A_1154 = arith.index_cast %mul3A_12 : i32 to index
      %swap3A_1155 = tpu.vector_load %arg12[%swap3A_1153, %swap3A_1154] {strides = array<i32>} : memref<64x256xf32, #tpu.memory_space<vmem>>, vector<1x16xf32>,
      %swap3A_1156 = vector.shape_cast %swap3A_1155 : vector<1x16xf32> to vector<16xf32>
      %swap3A_1157 = vector.shape_cast %add3A_1151 : vector<16xf32> to vector<1x16xf32>
      tpu.vector_store %arg12[%swap3A_1153, %swap3A_1154], %swap3A_1157 {strides = array<i32>} : memref<64x256xf32, #tpu.memory_space<vmem>>, vector<1x16xf32>,
      %gt3A_1158 = arith.cmpf ogt, %add3A_1151, %select_n3A_1131 : vector<16xf32>
      %gt3A_1159 = arith.cmpf ogt, %add3A_1151, %select_n3A_1126 : vector<16xf32>
      %select_n3A_1160 = arith.select %gt3A_1159, %add3A_1151, %select_n3A_1126 : vector<16xi1>, vector<16xf32>
      %select_n3A_1161 = arith.select %gt3A_1158, %select_n3A_1131, %select_n3A_1160 : vector<16xi1>, vector<16xf32>
      %jit3A_1162 = arith.constant 32 : i32
      %broadcast_in_dim3A_1163 = vector.broadcast %jit3A_1162 : i32 to vector<16xi32>
      %select_n3A_1164 = arith.select %gt3A_1159, %broadcast_in_dim3A_1163, %select_n3A_1130 : vector<16xi1>, vector<16xi32>
      %select_n3A_1165 = arith.select %gt3A_1158, %select_n3A_1134, %select_n3A_1164 : vector<16xi1>, vector<16xi32>
      %select_n3A_1166 = arith.select %gt3A_1158, %add3A_1151, %select_n3A_1131 : vector<16xi1>, vector<16xf32>
      %jit3A_1167 = arith.constant 32 : i32
      %broadcast_in_dim3A_1168 = vector.broadcast %jit3A_1167 : i32 to vector<16xi32>
      %select_n3A_1169 = arith.select %gt3A_1158, %broadcast_in_dim3A_1168, %select_n3A_1134 : vector<16xi1>, vector<16xi32>
      %get3A_1170 = arith.constant 33 : i32
      %get3A_1171 = arith.index_cast %get3A_1170 : i32 to index
      %get3A_1172 = arith.index_cast %mul3A_12 : i32 to index
      %get3A_1173 = tpu.vector_load %arg8[%get3A_1171, %get3A_1172] {strides = array<i32>} : memref<64x256xf32, #tpu.memory_space<vmem>>, vector<1x16xf32>,
      %get3A_1174 = vector.shape_cast %get3A_1173 : vector<1x16xf32> to vector<16xf32>
      %get3A_1175 = arith.constant 33 : i32
      %get3A_1176 = arith.index_cast %get3A_1175 : i32 to index
      %get3A_1177 = arith.index_cast %mul3A_12 : i32 to index
      %get3A_1178 = tpu.vector_load %arg10[%get3A_1176, %get3A_1177] {strides = array<i32>} : memref<64x256xf32, #tpu.memory_space<vmem>>, vector<1x16xf32>,
      %get3A_1179 = vector.shape_cast %get3A_1178 : vector<1x16xf32> to vector<16xf32>
      %get3A_1180 = arith.constant 33 : i32
      %get3A_1181 = arith.index_cast %get3A_1180 : i32 to index
      %get3A_1182 = arith.index_cast %mul3A_12 : i32 to index
      %get3A_1183 = tpu.vector_load %arg9[%get3A_1181, %get3A_1182] {strides = array<i32>} : memref<64x256xf32, #tpu.memory_space<vmem>>, vector<1x16xf32>,
      %get3A_1184 = vector.shape_cast %get3A_1183 : vector<1x16xf32> to vector<16xf32>
      %mul3A_1185 = arith.mulf %get3A_1179, %get3A_1184 : vector<16xf32>
      %add3A_1186 = arith.addf %get3A_1174, %mul3A_1185 : vector<16xf32>
      %swap3A_1187 = arith.constant 33 : i32
      %swap3A_1188 = arith.index_cast %swap3A_1187 : i32 to index
      %swap3A_1189 = arith.index_cast %mul3A_12 : i32 to index
      %swap3A_1190 = tpu.vector_load %arg12[%swap3A_1188, %swap3A_1189] {strides = array<i32>} : memref<64x256xf32, #tpu.memory_space<vmem>>, vector<1x16xf32>,
      %swap3A_1191 = vector.shape_cast %swap3A_1190 : vector<1x16xf32> to vector<16xf32>
      %swap3A_1192 = vector.shape_cast %add3A_1186 : vector<16xf32> to vector<1x16xf32>
      tpu.vector_store %arg12[%swap3A_1188, %swap3A_1189], %swap3A_1192 {strides = array<i32>} : memref<64x256xf32, #tpu.memory_space<vmem>>, vector<1x16xf32>,
      %gt3A_1193 = arith.cmpf ogt, %add3A_1186, %select_n3A_1166 : vector<16xf32>
      %gt3A_1194 = arith.cmpf ogt, %add3A_1186, %select_n3A_1161 : vector<16xf32>
      %select_n3A_1195 = arith.select %gt3A_1194, %add3A_1186, %select_n3A_1161 : vector<16xi1>, vector<16xf32>
      %select_n3A_1196 = arith.select %gt3A_1193, %select_n3A_1166, %select_n3A_1195 : vector<16xi1>, vector<16xf32>
      %jit3A_1197 = arith.constant 33 : i32
      %broadcast_in_dim3A_1198 = vector.broadcast %jit3A_1197 : i32 to vector<16xi32>
      %select_n3A_1199 = arith.select %gt3A_1194, %broadcast_in_dim3A_1198, %select_n3A_1165 : vector<16xi1>, vector<16xi32>
      %select_n3A_1200 = arith.select %gt3A_1193, %select_n3A_1169, %select_n3A_1199 : vector<16xi1>, vector<16xi32>
      %select_n3A_1201 = arith.select %gt3A_1193, %add3A_1186, %select_n3A_1166 : vector<16xi1>, vector<16xf32>
      %jit3A_1202 = arith.constant 33 : i32
      %broadcast_in_dim3A_1203 = vector.broadcast %jit3A_1202 : i32 to vector<16xi32>
      %select_n3A_1204 = arith.select %gt3A_1193, %broadcast_in_dim3A_1203, %select_n3A_1169 : vector<16xi1>, vector<16xi32>
      %get3A_1205 = arith.constant 34 : i32
      %get3A_1206 = arith.index_cast %get3A_1205 : i32 to index
      %get3A_1207 = arith.index_cast %mul3A_12 : i32 to index
      %get3A_1208 = tpu.vector_load %arg8[%get3A_1206, %get3A_1207] {strides = array<i32>} : memref<64x256xf32, #tpu.memory_space<vmem>>, vector<1x16xf32>,
      %get3A_1209 = vector.shape_cast %get3A_1208 : vector<1x16xf32> to vector<16xf32>
      %get3A_1210 = arith.constant 34 : i32
      %get3A_1211 = arith.index_cast %get3A_1210 : i32 to index
      %get3A_1212 = arith.index_cast %mul3A_12 : i32 to index
      %get3A_1213 = tpu.vector_load %arg10[%get3A_1211, %get3A_1212] {strides = array<i32>} : memref<64x256xf32, #tpu.memory_space<vmem>>, vector<1x16xf32>,
      %get3A_1214 = vector.shape_cast %get3A_1213 : vector<1x16xf32> to vector<16xf32>
      %get3A_1215 = arith.constant 34 : i32
      %get3A_1216 = arith.index_cast %get3A_1215 : i32 to index
      %get3A_1217 = arith.index_cast %mul3A_12 : i32 to index
      %get3A_1218 = tpu.vector_load %arg9[%get3A_1216, %get3A_1217] {strides = array<i32>} : memref<64x256xf32, #tpu.memory_space<vmem>>, vector<1x16xf32>,
      %get3A_1219 = vector.shape_cast %get3A_1218 : vector<1x16xf32> to vector<16xf32>
      %mul3A_1220 = arith.mulf %get3A_1214, %get3A_1219 : vector<16xf32>
      %add3A_1221 = arith.addf %get3A_1209, %mul3A_1220 : vector<16xf32>
      %swap3A_1222 = arith.constant 34 : i32
      %swap3A_1223 = arith.index_cast %swap3A_1222 : i32 to index
      %swap3A_1224 = arith.index_cast %mul3A_12 : i32 to index
      %swap3A_1225 = tpu.vector_load %arg12[%swap3A_1223, %swap3A_1224] {strides = array<i32>} : memref<64x256xf32, #tpu.memory_space<vmem>>, vector<1x16xf32>,
      %swap3A_1226 = vector.shape_cast %swap3A_1225 : vector<1x16xf32> to vector<16xf32>
      %swap3A_1227 = vector.shape_cast %add3A_1221 : vector<16xf32> to vector<1x16xf32>
      tpu.vector_store %arg12[%swap3A_1223, %swap3A_1224], %swap3A_1227 {strides = array<i32>} : memref<64x256xf32, #tpu.memory_space<vmem>>, vector<1x16xf32>,
      %gt3A_1228 = arith.cmpf ogt, %add3A_1221, %select_n3A_1201 : vector<16xf32>
      %gt3A_1229 = arith.cmpf ogt, %add3A_1221, %select_n3A_1196 : vector<16xf32>
      %select_n3A_1230 = arith.select %gt3A_1229, %add3A_1221, %select_n3A_1196 : vector<16xi1>, vector<16xf32>
      %select_n3A_1231 = arith.select %gt3A_1228, %select_n3A_1201, %select_n3A_1230 : vector<16xi1>, vector<16xf32>
      %jit3A_1232 = arith.constant 34 : i32
      %broadcast_in_dim3A_1233 = vector.broadcast %jit3A_1232 : i32 to vector<16xi32>
      %select_n3A_1234 = arith.select %gt3A_1229, %broadcast_in_dim3A_1233, %select_n3A_1200 : vector<16xi1>, vector<16xi32>
      %select_n3A_1235 = arith.select %gt3A_1228, %select_n3A_1204, %select_n3A_1234 : vector<16xi1>, vector<16xi32>
      %select_n3A_1236 = arith.select %gt3A_1228, %add3A_1221, %select_n3A_1201 : vector<16xi1>, vector<16xf32>
      %jit3A_1237 = arith.constant 34 : i32
      %broadcast_in_dim3A_1238 = vector.broadcast %jit3A_1237 : i32 to vector<16xi32>
      %select_n3A_1239 = arith.select %gt3A_1228, %broadcast_in_dim3A_1238, %select_n3A_1204 : vector<16xi1>, vector<16xi32>
      %get3A_1240 = arith.constant 35 : i32
      %get3A_1241 = arith.index_cast %get3A_1240 : i32 to index
      %get3A_1242 = arith.index_cast %mul3A_12 : i32 to index
      %get3A_1243 = tpu.vector_load %arg8[%get3A_1241, %get3A_1242] {strides = array<i32>} : memref<64x256xf32, #tpu.memory_space<vmem>>, vector<1x16xf32>,
      %get3A_1244 = vector.shape_cast %get3A_1243 : vector<1x16xf32> to vector<16xf32>
      %get3A_1245 = arith.constant 35 : i32
      %get3A_1246 = arith.index_cast %get3A_1245 : i32 to index
      %get3A_1247 = arith.index_cast %mul3A_12 : i32 to index
      %get3A_1248 = tpu.vector_load %arg10[%get3A_1246, %get3A_1247] {strides = array<i32>} : memref<64x256xf32, #tpu.memory_space<vmem>>, vector<1x16xf32>,
      %get3A_1249 = vector.shape_cast %get3A_1248 : vector<1x16xf32> to vector<16xf32>
      %get3A_1250 = arith.constant 35 : i32
      %get3A_1251 = arith.index_cast %get3A_1250 : i32 to index
      %get3A_1252 = arith.index_cast %mul3A_12 : i32 to index
      %get3A_1253 = tpu.vector_load %arg9[%get3A_1251, %get3A_1252] {strides = array<i32>} : memref<64x256xf32, #tpu.memory_space<vmem>>, vector<1x16xf32>,
      %get3A_1254 = vector.shape_cast %get3A_1253 : vector<1x16xf32> to vector<16xf32>
      %mul3A_1255 = arith.mulf %get3A_1249, %get3A_1254 : vector<16xf32>
      %add3A_1256 = arith.addf %get3A_1244, %mul3A_1255 : vector<16xf32>
      %swap3A_1257 = arith.constant 35 : i32
      %swap3A_1258 = arith.index_cast %swap3A_1257 : i32 to index
      %swap3A_1259 = arith.index_cast %mul3A_12 : i32 to index
      %swap3A_1260 = tpu.vector_load %arg12[%swap3A_1258, %swap3A_1259] {strides = array<i32>} : memref<64x256xf32, #tpu.memory_space<vmem>>, vector<1x16xf32>,
      %swap3A_1261 = vector.shape_cast %swap3A_1260 : vector<1x16xf32> to vector<16xf32>
      %swap3A_1262 = vector.shape_cast %add3A_1256 : vector<16xf32> to vector<1x16xf32>
      tpu.vector_store %arg12[%swap3A_1258, %swap3A_1259], %swap3A_1262 {strides = array<i32>} : memref<64x256xf32, #tpu.memory_space<vmem>>, vector<1x16xf32>,
      %gt3A_1263 = arith.cmpf ogt, %add3A_1256, %select_n3A_1236 : vector<16xf32>
      %gt3A_1264 = arith.cmpf ogt, %add3A_1256, %select_n3A_1231 : vector<16xf32>
      %select_n3A_1265 = arith.select %gt3A_1264, %add3A_1256, %select_n3A_1231 : vector<16xi1>, vector<16xf32>
      %select_n3A_1266 = arith.select %gt3A_1263, %select_n3A_1236, %select_n3A_1265 : vector<16xi1>, vector<16xf32>
      %jit3A_1267 = arith.constant 35 : i32
      %broadcast_in_dim3A_1268 = vector.broadcast %jit3A_1267 : i32 to vector<16xi32>
      %select_n3A_1269 = arith.select %gt3A_1264, %broadcast_in_dim3A_1268, %select_n3A_1235 : vector<16xi1>, vector<16xi32>
      %select_n3A_1270 = arith.select %gt3A_1263, %select_n3A_1239, %select_n3A_1269 : vector<16xi1>, vector<16xi32>
      %select_n3A_1271 = arith.select %gt3A_1263, %add3A_1256, %select_n3A_1236 : vector<16xi1>, vector<16xf32>
      %jit3A_1272 = arith.constant 35 : i32
      %broadcast_in_dim3A_1273 = vector.broadcast %jit3A_1272 : i32 to vector<16xi32>
      %select_n3A_1274 = arith.select %gt3A_1263, %broadcast_in_dim3A_1273, %select_n3A_1239 : vector<16xi1>, vector<16xi32>
      %get3A_1275 = arith.constant 36 : i32
      %get3A_1276 = arith.index_cast %get3A_1275 : i32 to index
      %get3A_1277 = arith.index_cast %mul3A_12 : i32 to index
      %get3A_1278 = tpu.vector_load %arg8[%get3A_1276, %get3A_1277] {strides = array<i32>} : memref<64x256xf32, #tpu.memory_space<vmem>>, vector<1x16xf32>,
      %get3A_1279 = vector.shape_cast %get3A_1278 : vector<1x16xf32> to vector<16xf32>
      %get3A_1280 = arith.constant 36 : i32
      %get3A_1281 = arith.index_cast %get3A_1280 : i32 to index
      %get3A_1282 = arith.index_cast %mul3A_12 : i32 to index
      %get3A_1283 = tpu.vector_load %arg10[%get3A_1281, %get3A_1282] {strides = array<i32>} : memref<64x256xf32, #tpu.memory_space<vmem>>, vector<1x16xf32>,
      %get3A_1284 = vector.shape_cast %get3A_1283 : vector<1x16xf32> to vector<16xf32>
      %get3A_1285 = arith.constant 36 : i32
      %get3A_1286 = arith.index_cast %get3A_1285 : i32 to index
      %get3A_1287 = arith.index_cast %mul3A_12 : i32 to index
      %get3A_1288 = tpu.vector_load %arg9[%get3A_1286, %get3A_1287] {strides = array<i32>} : memref<64x256xf32, #tpu.memory_space<vmem>>, vector<1x16xf32>,
      %get3A_1289 = vector.shape_cast %get3A_1288 : vector<1x16xf32> to vector<16xf32>
      %mul3A_1290 = arith.mulf %get3A_1284, %get3A_1289 : vector<16xf32>
      %add3A_1291 = arith.addf %get3A_1279, %mul3A_1290 : vector<16xf32>
      %swap3A_1292 = arith.constant 36 : i32
      %swap3A_1293 = arith.index_cast %swap3A_1292 : i32 to index
      %swap3A_1294 = arith.index_cast %mul3A_12 : i32 to index
      %swap3A_1295 = tpu.vector_load %arg12[%swap3A_1293, %swap3A_1294] {strides = array<i32>} : memref<64x256xf32, #tpu.memory_space<vmem>>, vector<1x16xf32>,
      %swap3A_1296 = vector.shape_cast %swap3A_1295 : vector<1x16xf32> to vector<16xf32>
      %swap3A_1297 = vector.shape_cast %add3A_1291 : vector<16xf32> to vector<1x16xf32>
      tpu.vector_store %arg12[%swap3A_1293, %swap3A_1294], %swap3A_1297 {strides = array<i32>} : memref<64x256xf32, #tpu.memory_space<vmem>>, vector<1x16xf32>,
      %gt3A_1298 = arith.cmpf ogt, %add3A_1291, %select_n3A_1271 : vector<16xf32>
      %gt3A_1299 = arith.cmpf ogt, %add3A_1291, %select_n3A_1266 : vector<16xf32>
      %select_n3A_1300 = arith.select %gt3A_1299, %add3A_1291, %select_n3A_1266 : vector<16xi1>, vector<16xf32>
      %select_n3A_1301 = arith.select %gt3A_1298, %select_n3A_1271, %select_n3A_1300 : vector<16xi1>, vector<16xf32>
      %jit3A_1302 = arith.constant 36 : i32
      %broadcast_in_dim3A_1303 = vector.broadcast %jit3A_1302 : i32 to vector<16xi32>
      %select_n3A_1304 = arith.select %gt3A_1299, %broadcast_in_dim3A_1303, %select_n3A_1270 : vector<16xi1>, vector<16xi32>
      %select_n3A_1305 = arith.select %gt3A_1298, %select_n3A_1274, %select_n3A_1304 : vector<16xi1>, vector<16xi32>
      %select_n3A_1306 = arith.select %gt3A_1298, %add3A_1291, %select_n3A_1271 : vector<16xi1>, vector<16xf32>
      %jit3A_1307 = arith.constant 36 : i32
      %broadcast_in_dim3A_1308 = vector.broadcast %jit3A_1307 : i32 to vector<16xi32>
      %select_n3A_1309 = arith.select %gt3A_1298, %broadcast_in_dim3A_1308, %select_n3A_1274 : vector<16xi1>, vector<16xi32>
      %get3A_1310 = arith.constant 37 : i32
      %get3A_1311 = arith.index_cast %get3A_1310 : i32 to index
      %get3A_1312 = arith.index_cast %mul3A_12 : i32 to index
      %get3A_1313 = tpu.vector_load %arg8[%get3A_1311, %get3A_1312] {strides = array<i32>} : memref<64x256xf32, #tpu.memory_space<vmem>>, vector<1x16xf32>,
      %get3A_1314 = vector.shape_cast %get3A_1313 : vector<1x16xf32> to vector<16xf32>
      %get3A_1315 = arith.constant 37 : i32
      %get3A_1316 = arith.index_cast %get3A_1315 : i32 to index
      %get3A_1317 = arith.index_cast %mul3A_12 : i32 to index
      %get3A_1318 = tpu.vector_load %arg10[%get3A_1316, %get3A_1317] {strides = array<i32>} : memref<64x256xf32, #tpu.memory_space<vmem>>, vector<1x16xf32>,
      %get3A_1319 = vector.shape_cast %get3A_1318 : vector<1x16xf32> to vector<16xf32>
      %get3A_1320 = arith.constant 37 : i32
      %get3A_1321 = arith.index_cast %get3A_1320 : i32 to index
      %get3A_1322 = arith.index_cast %mul3A_12 : i32 to index
      %get3A_1323 = tpu.vector_load %arg9[%get3A_1321, %get3A_1322] {strides = array<i32>} : memref<64x256xf32, #tpu.memory_space<vmem>>, vector<1x16xf32>,
      %get3A_1324 = vector.shape_cast %get3A_1323 : vector<1x16xf32> to vector<16xf32>
      %mul3A_1325 = arith.mulf %get3A_1319, %get3A_1324 : vector<16xf32>
      %add3A_1326 = arith.addf %get3A_1314, %mul3A_1325 : vector<16xf32>
      %swap3A_1327 = arith.constant 37 : i32
      %swap3A_1328 = arith.index_cast %swap3A_1327 : i32 to index
      %swap3A_1329 = arith.index_cast %mul3A_12 : i32 to index
      %swap3A_1330 = tpu.vector_load %arg12[%swap3A_1328, %swap3A_1329] {strides = array<i32>} : memref<64x256xf32, #tpu.memory_space<vmem>>, vector<1x16xf32>,
      %swap3A_1331 = vector.shape_cast %swap3A_1330 : vector<1x16xf32> to vector<16xf32>
      %swap3A_1332 = vector.shape_cast %add3A_1326 : vector<16xf32> to vector<1x16xf32>
      tpu.vector_store %arg12[%swap3A_1328, %swap3A_1329], %swap3A_1332 {strides = array<i32>} : memref<64x256xf32, #tpu.memory_space<vmem>>, vector<1x16xf32>,
      %gt3A_1333 = arith.cmpf ogt, %add3A_1326, %select_n3A_1306 : vector<16xf32>
      %gt3A_1334 = arith.cmpf ogt, %add3A_1326, %select_n3A_1301 : vector<16xf32>
      %select_n3A_1335 = arith.select %gt3A_1334, %add3A_1326, %select_n3A_1301 : vector<16xi1>, vector<16xf32>
      %select_n3A_1336 = arith.select %gt3A_1333, %select_n3A_1306, %select_n3A_1335 : vector<16xi1>, vector<16xf32>
      %jit3A_1337 = arith.constant 37 : i32
      %broadcast_in_dim3A_1338 = vector.broadcast %jit3A_1337 : i32 to vector<16xi32>
      %select_n3A_1339 = arith.select %gt3A_1334, %broadcast_in_dim3A_1338, %select_n3A_1305 : vector<16xi1>, vector<16xi32>
      %select_n3A_1340 = arith.select %gt3A_1333, %select_n3A_1309, %select_n3A_1339 : vector<16xi1>, vector<16xi32>
      %select_n3A_1341 = arith.select %gt3A_1333, %add3A_1326, %select_n3A_1306 : vector<16xi1>, vector<16xf32>
      %jit3A_1342 = arith.constant 37 : i32
      %broadcast_in_dim3A_1343 = vector.broadcast %jit3A_1342 : i32 to vector<16xi32>
      %select_n3A_1344 = arith.select %gt3A_1333, %broadcast_in_dim3A_1343, %select_n3A_1309 : vector<16xi1>, vector<16xi32>
      %get3A_1345 = arith.constant 38 : i32
      %get3A_1346 = arith.index_cast %get3A_1345 : i32 to index
      %get3A_1347 = arith.index_cast %mul3A_12 : i32 to index
      %get3A_1348 = tpu.vector_load %arg8[%get3A_1346, %get3A_1347] {strides = array<i32>} : memref<64x256xf32, #tpu.memory_space<vmem>>, vector<1x16xf32>,
      %get3A_1349 = vector.shape_cast %get3A_1348 : vector<1x16xf32> to vector<16xf32>
      %get3A_1350 = arith.constant 38 : i32
      %get3A_1351 = arith.index_cast %get3A_1350 : i32 to index
      %get3A_1352 = arith.index_cast %mul3A_12 : i32 to index
      %get3A_1353 = tpu.vector_load %arg10[%get3A_1351, %get3A_1352] {strides = array<i32>} : memref<64x256xf32, #tpu.memory_space<vmem>>, vector<1x16xf32>,
      %get3A_1354 = vector.shape_cast %get3A_1353 : vector<1x16xf32> to vector<16xf32>
      %get3A_1355 = arith.constant 38 : i32
      %get3A_1356 = arith.index_cast %get3A_1355 : i32 to index
      %get3A_1357 = arith.index_cast %mul3A_12 : i32 to index
      %get3A_1358 = tpu.vector_load %arg9[%get3A_1356, %get3A_1357] {strides = array<i32>} : memref<64x256xf32, #tpu.memory_space<vmem>>, vector<1x16xf32>,
      %get3A_1359 = vector.shape_cast %get3A_1358 : vector<1x16xf32> to vector<16xf32>
      %mul3A_1360 = arith.mulf %get3A_1354, %get3A_1359 : vector<16xf32>
      %add3A_1361 = arith.addf %get3A_1349, %mul3A_1360 : vector<16xf32>
      %swap3A_1362 = arith.constant 38 : i32
      %swap3A_1363 = arith.index_cast %swap3A_1362 : i32 to index
      %swap3A_1364 = arith.index_cast %mul3A_12 : i32 to index
      %swap3A_1365 = tpu.vector_load %arg12[%swap3A_1363, %swap3A_1364] {strides = array<i32>} : memref<64x256xf32, #tpu.memory_space<vmem>>, vector<1x16xf32>,
      %swap3A_1366 = vector.shape_cast %swap3A_1365 : vector<1x16xf32> to vector<16xf32>
      %swap3A_1367 = vector.shape_cast %add3A_1361 : vector<16xf32> to vector<1x16xf32>
      tpu.vector_store %arg12[%swap3A_1363, %swap3A_1364], %swap3A_1367 {strides = array<i32>} : memref<64x256xf32, #tpu.memory_space<vmem>>, vector<1x16xf32>,
      %gt3A_1368 = arith.cmpf ogt, %add3A_1361, %select_n3A_1341 : vector<16xf32>
      %gt3A_1369 = arith.cmpf ogt, %add3A_1361, %select_n3A_1336 : vector<16xf32>
      %select_n3A_1370 = arith.select %gt3A_1369, %add3A_1361, %select_n3A_1336 : vector<16xi1>, vector<16xf32>
      %select_n3A_1371 = arith.select %gt3A_1368, %select_n3A_1341, %select_n3A_1370 : vector<16xi1>, vector<16xf32>
      %jit3A_1372 = arith.constant 38 : i32
      %broadcast_in_dim3A_1373 = vector.broadcast %jit3A_1372 : i32 to vector<16xi32>
      %select_n3A_1374 = arith.select %gt3A_1369, %broadcast_in_dim3A_1373, %select_n3A_1340 : vector<16xi1>, vector<16xi32>
      %select_n3A_1375 = arith.select %gt3A_1368, %select_n3A_1344, %select_n3A_1374 : vector<16xi1>, vector<16xi32>
      %select_n3A_1376 = arith.select %gt3A_1368, %add3A_1361, %select_n3A_1341 : vector<16xi1>, vector<16xf32>
      %jit3A_1377 = arith.constant 38 : i32
      %broadcast_in_dim3A_1378 = vector.broadcast %jit3A_1377 : i32 to vector<16xi32>
      %select_n3A_1379 = arith.select %gt3A_1368, %broadcast_in_dim3A_1378, %select_n3A_1344 : vector<16xi1>, vector<16xi32>
      %get3A_1380 = arith.constant 39 : i32
      %get3A_1381 = arith.index_cast %get3A_1380 : i32 to index
      %get3A_1382 = arith.index_cast %mul3A_12 : i32 to index
      %get3A_1383 = tpu.vector_load %arg8[%get3A_1381, %get3A_1382] {strides = array<i32>} : memref<64x256xf32, #tpu.memory_space<vmem>>, vector<1x16xf32>,
      %get3A_1384 = vector.shape_cast %get3A_1383 : vector<1x16xf32> to vector<16xf32>
      %get3A_1385 = arith.constant 39 : i32
      %get3A_1386 = arith.index_cast %get3A_1385 : i32 to index
      %get3A_1387 = arith.index_cast %mul3A_12 : i32 to index
      %get3A_1388 = tpu.vector_load %arg10[%get3A_1386, %get3A_1387] {strides = array<i32>} : memref<64x256xf32, #tpu.memory_space<vmem>>, vector<1x16xf32>,
      %get3A_1389 = vector.shape_cast %get3A_1388 : vector<1x16xf32> to vector<16xf32>
      %get3A_1390 = arith.constant 39 : i32
      %get3A_1391 = arith.index_cast %get3A_1390 : i32 to index
      %get3A_1392 = arith.index_cast %mul3A_12 : i32 to index
      %get3A_1393 = tpu.vector_load %arg9[%get3A_1391, %get3A_1392] {strides = array<i32>} : memref<64x256xf32, #tpu.memory_space<vmem>>, vector<1x16xf32>,
      %get3A_1394 = vector.shape_cast %get3A_1393 : vector<1x16xf32> to vector<16xf32>
      %mul3A_1395 = arith.mulf %get3A_1389, %get3A_1394 : vector<16xf32>
      %add3A_1396 = arith.addf %get3A_1384, %mul3A_1395 : vector<16xf32>
      %swap3A_1397 = arith.constant 39 : i32
      %swap3A_1398 = arith.index_cast %swap3A_1397 : i32 to index
      %swap3A_1399 = arith.index_cast %mul3A_12 : i32 to index
      %swap3A_1400 = tpu.vector_load %arg12[%swap3A_1398, %swap3A_1399] {strides = array<i32>} : memref<64x256xf32, #tpu.memory_space<vmem>>, vector<1x16xf32>,
      %swap3A_1401 = vector.shape_cast %swap3A_1400 : vector<1x16xf32> to vector<16xf32>
      %swap3A_1402 = vector.shape_cast %add3A_1396 : vector<16xf32> to vector<1x16xf32>
      tpu.vector_store %arg12[%swap3A_1398, %swap3A_1399], %swap3A_1402 {strides = array<i32>} : memref<64x256xf32, #tpu.memory_space<vmem>>, vector<1x16xf32>,
      %gt3A_1403 = arith.cmpf ogt, %add3A_1396, %select_n3A_1376 : vector<16xf32>
      %gt3A_1404 = arith.cmpf ogt, %add3A_1396, %select_n3A_1371 : vector<16xf32>
      %select_n3A_1405 = arith.select %gt3A_1404, %add3A_1396, %select_n3A_1371 : vector<16xi1>, vector<16xf32>
      %select_n3A_1406 = arith.select %gt3A_1403, %select_n3A_1376, %select_n3A_1405 : vector<16xi1>, vector<16xf32>
      %jit3A_1407 = arith.constant 39 : i32
      %broadcast_in_dim3A_1408 = vector.broadcast %jit3A_1407 : i32 to vector<16xi32>
      %select_n3A_1409 = arith.select %gt3A_1404, %broadcast_in_dim3A_1408, %select_n3A_1375 : vector<16xi1>, vector<16xi32>
      %select_n3A_1410 = arith.select %gt3A_1403, %select_n3A_1379, %select_n3A_1409 : vector<16xi1>, vector<16xi32>
      %select_n3A_1411 = arith.select %gt3A_1403, %add3A_1396, %select_n3A_1376 : vector<16xi1>, vector<16xf32>
      %jit3A_1412 = arith.constant 39 : i32
      %broadcast_in_dim3A_1413 = vector.broadcast %jit3A_1412 : i32 to vector<16xi32>
      %select_n3A_1414 = arith.select %gt3A_1403, %broadcast_in_dim3A_1413, %select_n3A_1379 : vector<16xi1>, vector<16xi32>
      %get3A_1415 = arith.constant 40 : i32
      %get3A_1416 = arith.index_cast %get3A_1415 : i32 to index
      %get3A_1417 = arith.index_cast %mul3A_12 : i32 to index
      %get3A_1418 = tpu.vector_load %arg8[%get3A_1416, %get3A_1417] {strides = array<i32>} : memref<64x256xf32, #tpu.memory_space<vmem>>, vector<1x16xf32>,
      %get3A_1419 = vector.shape_cast %get3A_1418 : vector<1x16xf32> to vector<16xf32>
      %get3A_1420 = arith.constant 40 : i32
      %get3A_1421 = arith.index_cast %get3A_1420 : i32 to index
      %get3A_1422 = arith.index_cast %mul3A_12 : i32 to index
      %get3A_1423 = tpu.vector_load %arg10[%get3A_1421, %get3A_1422] {strides = array<i32>} : memref<64x256xf32, #tpu.memory_space<vmem>>, vector<1x16xf32>,
      %get3A_1424 = vector.shape_cast %get3A_1423 : vector<1x16xf32> to vector<16xf32>
      %get3A_1425 = arith.constant 40 : i32
      %get3A_1426 = arith.index_cast %get3A_1425 : i32 to index
      %get3A_1427 = arith.index_cast %mul3A_12 : i32 to index
      %get3A_1428 = tpu.vector_load %arg9[%get3A_1426, %get3A_1427] {strides = array<i32>} : memref<64x256xf32, #tpu.memory_space<vmem>>, vector<1x16xf32>,
      %get3A_1429 = vector.shape_cast %get3A_1428 : vector<1x16xf32> to vector<16xf32>
      %mul3A_1430 = arith.mulf %get3A_1424, %get3A_1429 : vector<16xf32>
      %add3A_1431 = arith.addf %get3A_1419, %mul3A_1430 : vector<16xf32>
      %swap3A_1432 = arith.constant 40 : i32
      %swap3A_1433 = arith.index_cast %swap3A_1432 : i32 to index
      %swap3A_1434 = arith.index_cast %mul3A_12 : i32 to index
      %swap3A_1435 = tpu.vector_load %arg12[%swap3A_1433, %swap3A_1434] {strides = array<i32>} : memref<64x256xf32, #tpu.memory_space<vmem>>, vector<1x16xf32>,
      %swap3A_1436 = vector.shape_cast %swap3A_1435 : vector<1x16xf32> to vector<16xf32>
      %swap3A_1437 = vector.shape_cast %add3A_1431 : vector<16xf32> to vector<1x16xf32>
      tpu.vector_store %arg12[%swap3A_1433, %swap3A_1434], %swap3A_1437 {strides = array<i32>} : memref<64x256xf32, #tpu.memory_space<vmem>>, vector<1x16xf32>,
      %gt3A_1438 = arith.cmpf ogt, %add3A_1431, %select_n3A_1411 : vector<16xf32>
      %gt3A_1439 = arith.cmpf ogt, %add3A_1431, %select_n3A_1406 : vector<16xf32>
      %select_n3A_1440 = arith.select %gt3A_1439, %add3A_1431, %select_n3A_1406 : vector<16xi1>, vector<16xf32>
      %select_n3A_1441 = arith.select %gt3A_1438, %select_n3A_1411, %select_n3A_1440 : vector<16xi1>, vector<16xf32>
      %jit3A_1442 = arith.constant 40 : i32
      %broadcast_in_dim3A_1443 = vector.broadcast %jit3A_1442 : i32 to vector<16xi32>
      %select_n3A_1444 = arith.select %gt3A_1439, %broadcast_in_dim3A_1443, %select_n3A_1410 : vector<16xi1>, vector<16xi32>
      %select_n3A_1445 = arith.select %gt3A_1438, %select_n3A_1414, %select_n3A_1444 : vector<16xi1>, vector<16xi32>
      %select_n3A_1446 = arith.select %gt3A_1438, %add3A_1431, %select_n3A_1411 : vector<16xi1>, vector<16xf32>
      %jit3A_1447 = arith.constant 40 : i32
      %broadcast_in_dim3A_1448 = vector.broadcast %jit3A_1447 : i32 to vector<16xi32>
      %select_n3A_1449 = arith.select %gt3A_1438, %broadcast_in_dim3A_1448, %select_n3A_1414 : vector<16xi1>, vector<16xi32>
      %get3A_1450 = arith.constant 41 : i32
      %get3A_1451 = arith.index_cast %get3A_1450 : i32 to index
      %get3A_1452 = arith.index_cast %mul3A_12 : i32 to index
      %get3A_1453 = tpu.vector_load %arg8[%get3A_1451, %get3A_1452] {strides = array<i32>} : memref<64x256xf32, #tpu.memory_space<vmem>>, vector<1x16xf32>,
      %get3A_1454 = vector.shape_cast %get3A_1453 : vector<1x16xf32> to vector<16xf32>
      %get3A_1455 = arith.constant 41 : i32
      %get3A_1456 = arith.index_cast %get3A_1455 : i32 to index
      %get3A_1457 = arith.index_cast %mul3A_12 : i32 to index
      %get3A_1458 = tpu.vector_load %arg10[%get3A_1456, %get3A_1457] {strides = array<i32>} : memref<64x256xf32, #tpu.memory_space<vmem>>, vector<1x16xf32>,
      %get3A_1459 = vector.shape_cast %get3A_1458 : vector<1x16xf32> to vector<16xf32>
      %get3A_1460 = arith.constant 41 : i32
      %get3A_1461 = arith.index_cast %get3A_1460 : i32 to index
      %get3A_1462 = arith.index_cast %mul3A_12 : i32 to index
      %get3A_1463 = tpu.vector_load %arg9[%get3A_1461, %get3A_1462] {strides = array<i32>} : memref<64x256xf32, #tpu.memory_space<vmem>>, vector<1x16xf32>,
      %get3A_1464 = vector.shape_cast %get3A_1463 : vector<1x16xf32> to vector<16xf32>
      %mul3A_1465 = arith.mulf %get3A_1459, %get3A_1464 : vector<16xf32>
      %add3A_1466 = arith.addf %get3A_1454, %mul3A_1465 : vector<16xf32>
      %swap3A_1467 = arith.constant 41 : i32
      %swap3A_1468 = arith.index_cast %swap3A_1467 : i32 to index
      %swap3A_1469 = arith.index_cast %mul3A_12 : i32 to index
      %swap3A_1470 = tpu.vector_load %arg12[%swap3A_1468, %swap3A_1469] {strides = array<i32>} : memref<64x256xf32, #tpu.memory_space<vmem>>, vector<1x16xf32>,
      %swap3A_1471 = vector.shape_cast %swap3A_1470 : vector<1x16xf32> to vector<16xf32>
      %swap3A_1472 = vector.shape_cast %add3A_1466 : vector<16xf32> to vector<1x16xf32>
      tpu.vector_store %arg12[%swap3A_1468, %swap3A_1469], %swap3A_1472 {strides = array<i32>} : memref<64x256xf32, #tpu.memory_space<vmem>>, vector<1x16xf32>,
      %gt3A_1473 = arith.cmpf ogt, %add3A_1466, %select_n3A_1446 : vector<16xf32>
      %gt3A_1474 = arith.cmpf ogt, %add3A_1466, %select_n3A_1441 : vector<16xf32>
      %select_n3A_1475 = arith.select %gt3A_1474, %add3A_1466, %select_n3A_1441 : vector<16xi1>, vector<16xf32>
      %select_n3A_1476 = arith.select %gt3A_1473, %select_n3A_1446, %select_n3A_1475 : vector<16xi1>, vector<16xf32>
      %jit3A_1477 = arith.constant 41 : i32
      %broadcast_in_dim3A_1478 = vector.broadcast %jit3A_1477 : i32 to vector<16xi32>
      %select_n3A_1479 = arith.select %gt3A_1474, %broadcast_in_dim3A_1478, %select_n3A_1445 : vector<16xi1>, vector<16xi32>
      %select_n3A_1480 = arith.select %gt3A_1473, %select_n3A_1449, %select_n3A_1479 : vector<16xi1>, vector<16xi32>
      %select_n3A_1481 = arith.select %gt3A_1473, %add3A_1466, %select_n3A_1446 : vector<16xi1>, vector<16xf32>
      %jit3A_1482 = arith.constant 41 : i32
      %broadcast_in_dim3A_1483 = vector.broadcast %jit3A_1482 : i32 to vector<16xi32>
      %select_n3A_1484 = arith.select %gt3A_1473, %broadcast_in_dim3A_1483, %select_n3A_1449 : vector<16xi1>, vector<16xi32>
      %get3A_1485 = arith.constant 42 : i32
      %get3A_1486 = arith.index_cast %get3A_1485 : i32 to index
      %get3A_1487 = arith.index_cast %mul3A_12 : i32 to index
      %get3A_1488 = tpu.vector_load %arg8[%get3A_1486, %get3A_1487] {strides = array<i32>} : memref<64x256xf32, #tpu.memory_space<vmem>>, vector<1x16xf32>,
      %get3A_1489 = vector.shape_cast %get3A_1488 : vector<1x16xf32> to vector<16xf32>
      %get3A_1490 = arith.constant 42 : i32
      %get3A_1491 = arith.index_cast %get3A_1490 : i32 to index
      %get3A_1492 = arith.index_cast %mul3A_12 : i32 to index
      %get3A_1493 = tpu.vector_load %arg10[%get3A_1491, %get3A_1492] {strides = array<i32>} : memref<64x256xf32, #tpu.memory_space<vmem>>, vector<1x16xf32>,
      %get3A_1494 = vector.shape_cast %get3A_1493 : vector<1x16xf32> to vector<16xf32>
      %get3A_1495 = arith.constant 42 : i32
      %get3A_1496 = arith.index_cast %get3A_1495 : i32 to index
      %get3A_1497 = arith.index_cast %mul3A_12 : i32 to index
      %get3A_1498 = tpu.vector_load %arg9[%get3A_1496, %get3A_1497] {strides = array<i32>} : memref<64x256xf32, #tpu.memory_space<vmem>>, vector<1x16xf32>,
      %get3A_1499 = vector.shape_cast %get3A_1498 : vector<1x16xf32> to vector<16xf32>
      %mul3A_1500 = arith.mulf %get3A_1494, %get3A_1499 : vector<16xf32>
      %add3A_1501 = arith.addf %get3A_1489, %mul3A_1500 : vector<16xf32>
      %swap3A_1502 = arith.constant 42 : i32
      %swap3A_1503 = arith.index_cast %swap3A_1502 : i32 to index
      %swap3A_1504 = arith.index_cast %mul3A_12 : i32 to index
      %swap3A_1505 = tpu.vector_load %arg12[%swap3A_1503, %swap3A_1504] {strides = array<i32>} : memref<64x256xf32, #tpu.memory_space<vmem>>, vector<1x16xf32>,
      %swap3A_1506 = vector.shape_cast %swap3A_1505 : vector<1x16xf32> to vector<16xf32>
      %swap3A_1507 = vector.shape_cast %add3A_1501 : vector<16xf32> to vector<1x16xf32>
      tpu.vector_store %arg12[%swap3A_1503, %swap3A_1504], %swap3A_1507 {strides = array<i32>} : memref<64x256xf32, #tpu.memory_space<vmem>>, vector<1x16xf32>,
      %gt3A_1508 = arith.cmpf ogt, %add3A_1501, %select_n3A_1481 : vector<16xf32>
      %gt3A_1509 = arith.cmpf ogt, %add3A_1501, %select_n3A_1476 : vector<16xf32>
      %select_n3A_1510 = arith.select %gt3A_1509, %add3A_1501, %select_n3A_1476 : vector<16xi1>, vector<16xf32>
      %select_n3A_1511 = arith.select %gt3A_1508, %select_n3A_1481, %select_n3A_1510 : vector<16xi1>, vector<16xf32>
      %jit3A_1512 = arith.constant 42 : i32
      %broadcast_in_dim3A_1513 = vector.broadcast %jit3A_1512 : i32 to vector<16xi32>
      %select_n3A_1514 = arith.select %gt3A_1509, %broadcast_in_dim3A_1513, %select_n3A_1480 : vector<16xi1>, vector<16xi32>
      %select_n3A_1515 = arith.select %gt3A_1508, %select_n3A_1484, %select_n3A_1514 : vector<16xi1>, vector<16xi32>
      %select_n3A_1516 = arith.select %gt3A_1508, %add3A_1501, %select_n3A_1481 : vector<16xi1>, vector<16xf32>
      %jit3A_1517 = arith.constant 42 : i32
      %broadcast_in_dim3A_1518 = vector.broadcast %jit3A_1517 : i32 to vector<16xi32>
      %select_n3A_1519 = arith.select %gt3A_1508, %broadcast_in_dim3A_1518, %select_n3A_1484 : vector<16xi1>, vector<16xi32>
      %get3A_1520 = arith.constant 43 : i32
      %get3A_1521 = arith.index_cast %get3A_1520 : i32 to index
      %get3A_1522 = arith.index_cast %mul3A_12 : i32 to index
      %get3A_1523 = tpu.vector_load %arg8[%get3A_1521, %get3A_1522] {strides = array<i32>} : memref<64x256xf32, #tpu.memory_space<vmem>>, vector<1x16xf32>,
      %get3A_1524 = vector.shape_cast %get3A_1523 : vector<1x16xf32> to vector<16xf32>
      %get3A_1525 = arith.constant 43 : i32
      %get3A_1526 = arith.index_cast %get3A_1525 : i32 to index
      %get3A_1527 = arith.index_cast %mul3A_12 : i32 to index
      %get3A_1528 = tpu.vector_load %arg10[%get3A_1526, %get3A_1527] {strides = array<i32>} : memref<64x256xf32, #tpu.memory_space<vmem>>, vector<1x16xf32>,
      %get3A_1529 = vector.shape_cast %get3A_1528 : vector<1x16xf32> to vector<16xf32>
      %get3A_1530 = arith.constant 43 : i32
      %get3A_1531 = arith.index_cast %get3A_1530 : i32 to index
      %get3A_1532 = arith.index_cast %mul3A_12 : i32 to index
      %get3A_1533 = tpu.vector_load %arg9[%get3A_1531, %get3A_1532] {strides = array<i32>} : memref<64x256xf32, #tpu.memory_space<vmem>>, vector<1x16xf32>,
      %get3A_1534 = vector.shape_cast %get3A_1533 : vector<1x16xf32> to vector<16xf32>
      %mul3A_1535 = arith.mulf %get3A_1529, %get3A_1534 : vector<16xf32>
      %add3A_1536 = arith.addf %get3A_1524, %mul3A_1535 : vector<16xf32>
      %swap3A_1537 = arith.constant 43 : i32
      %swap3A_1538 = arith.index_cast %swap3A_1537 : i32 to index
      %swap3A_1539 = arith.index_cast %mul3A_12 : i32 to index
      %swap3A_1540 = tpu.vector_load %arg12[%swap3A_1538, %swap3A_1539] {strides = array<i32>} : memref<64x256xf32, #tpu.memory_space<vmem>>, vector<1x16xf32>,
      %swap3A_1541 = vector.shape_cast %swap3A_1540 : vector<1x16xf32> to vector<16xf32>
      %swap3A_1542 = vector.shape_cast %add3A_1536 : vector<16xf32> to vector<1x16xf32>
      tpu.vector_store %arg12[%swap3A_1538, %swap3A_1539], %swap3A_1542 {strides = array<i32>} : memref<64x256xf32, #tpu.memory_space<vmem>>, vector<1x16xf32>,
      %gt3A_1543 = arith.cmpf ogt, %add3A_1536, %select_n3A_1516 : vector<16xf32>
      %gt3A_1544 = arith.cmpf ogt, %add3A_1536, %select_n3A_1511 : vector<16xf32>
      %select_n3A_1545 = arith.select %gt3A_1544, %add3A_1536, %select_n3A_1511 : vector<16xi1>, vector<16xf32>
      %select_n3A_1546 = arith.select %gt3A_1543, %select_n3A_1516, %select_n3A_1545 : vector<16xi1>, vector<16xf32>
      %jit3A_1547 = arith.constant 43 : i32
      %broadcast_in_dim3A_1548 = vector.broadcast %jit3A_1547 : i32 to vector<16xi32>
      %select_n3A_1549 = arith.select %gt3A_1544, %broadcast_in_dim3A_1548, %select_n3A_1515 : vector<16xi1>, vector<16xi32>
      %select_n3A_1550 = arith.select %gt3A_1543, %select_n3A_1519, %select_n3A_1549 : vector<16xi1>, vector<16xi32>
      %select_n3A_1551 = arith.select %gt3A_1543, %add3A_1536, %select_n3A_1516 : vector<16xi1>, vector<16xf32>
      %jit3A_1552 = arith.constant 43 : i32
      %broadcast_in_dim3A_1553 = vector.broadcast %jit3A_1552 : i32 to vector<16xi32>
      %select_n3A_1554 = arith.select %gt3A_1543, %broadcast_in_dim3A_1553, %select_n3A_1519 : vector<16xi1>, vector<16xi32>
      %get3A_1555 = arith.constant 44 : i32
      %get3A_1556 = arith.index_cast %get3A_1555 : i32 to index
      %get3A_1557 = arith.index_cast %mul3A_12 : i32 to index
      %get3A_1558 = tpu.vector_load %arg8[%get3A_1556, %get3A_1557] {strides = array<i32>} : memref<64x256xf32, #tpu.memory_space<vmem>>, vector<1x16xf32>,
      %get3A_1559 = vector.shape_cast %get3A_1558 : vector<1x16xf32> to vector<16xf32>
      %get3A_1560 = arith.constant 44 : i32
      %get3A_1561 = arith.index_cast %get3A_1560 : i32 to index
      %get3A_1562 = arith.index_cast %mul3A_12 : i32 to index
      %get3A_1563 = tpu.vector_load %arg10[%get3A_1561, %get3A_1562] {strides = array<i32>} : memref<64x256xf32, #tpu.memory_space<vmem>>, vector<1x16xf32>,
      %get3A_1564 = vector.shape_cast %get3A_1563 : vector<1x16xf32> to vector<16xf32>
      %get3A_1565 = arith.constant 44 : i32
      %get3A_1566 = arith.index_cast %get3A_1565 : i32 to index
      %get3A_1567 = arith.index_cast %mul3A_12 : i32 to index
      %get3A_1568 = tpu.vector_load %arg9[%get3A_1566, %get3A_1567] {strides = array<i32>} : memref<64x256xf32, #tpu.memory_space<vmem>>, vector<1x16xf32>,
      %get3A_1569 = vector.shape_cast %get3A_1568 : vector<1x16xf32> to vector<16xf32>
      %mul3A_1570 = arith.mulf %get3A_1564, %get3A_1569 : vector<16xf32>
      %add3A_1571 = arith.addf %get3A_1559, %mul3A_1570 : vector<16xf32>
      %swap3A_1572 = arith.constant 44 : i32
      %swap3A_1573 = arith.index_cast %swap3A_1572 : i32 to index
      %swap3A_1574 = arith.index_cast %mul3A_12 : i32 to index
      %swap3A_1575 = tpu.vector_load %arg12[%swap3A_1573, %swap3A_1574] {strides = array<i32>} : memref<64x256xf32, #tpu.memory_space<vmem>>, vector<1x16xf32>,
      %swap3A_1576 = vector.shape_cast %swap3A_1575 : vector<1x16xf32> to vector<16xf32>
      %swap3A_1577 = vector.shape_cast %add3A_1571 : vector<16xf32> to vector<1x16xf32>
      tpu.vector_store %arg12[%swap3A_1573, %swap3A_1574], %swap3A_1577 {strides = array<i32>} : memref<64x256xf32, #tpu.memory_space<vmem>>, vector<1x16xf32>,
      %gt3A_1578 = arith.cmpf ogt, %add3A_1571, %select_n3A_1551 : vector<16xf32>
      %gt3A_1579 = arith.cmpf ogt, %add3A_1571, %select_n3A_1546 : vector<16xf32>
      %select_n3A_1580 = arith.select %gt3A_1579, %add3A_1571, %select_n3A_1546 : vector<16xi1>, vector<16xf32>
      %select_n3A_1581 = arith.select %gt3A_1578, %select_n3A_1551, %select_n3A_1580 : vector<16xi1>, vector<16xf32>
      %jit3A_1582 = arith.constant 44 : i32
      %broadcast_in_dim3A_1583 = vector.broadcast %jit3A_1582 : i32 to vector<16xi32>
      %select_n3A_1584 = arith.select %gt3A_1579, %broadcast_in_dim3A_1583, %select_n3A_1550 : vector<16xi1>, vector<16xi32>
      %select_n3A_1585 = arith.select %gt3A_1578, %select_n3A_1554, %select_n3A_1584 : vector<16xi1>, vector<16xi32>
      %select_n3A_1586 = arith.select %gt3A_1578, %add3A_1571, %select_n3A_1551 : vector<16xi1>, vector<16xf32>
      %jit3A_1587 = arith.constant 44 : i32
      %broadcast_in_dim3A_1588 = vector.broadcast %jit3A_1587 : i32 to vector<16xi32>
      %select_n3A_1589 = arith.select %gt3A_1578, %broadcast_in_dim3A_1588, %select_n3A_1554 : vector<16xi1>, vector<16xi32>
      %get3A_1590 = arith.constant 45 : i32
      %get3A_1591 = arith.index_cast %get3A_1590 : i32 to index
      %get3A_1592 = arith.index_cast %mul3A_12 : i32 to index
      %get3A_1593 = tpu.vector_load %arg8[%get3A_1591, %get3A_1592] {strides = array<i32>} : memref<64x256xf32, #tpu.memory_space<vmem>>, vector<1x16xf32>,
      %get3A_1594 = vector.shape_cast %get3A_1593 : vector<1x16xf32> to vector<16xf32>
      %get3A_1595 = arith.constant 45 : i32
      %get3A_1596 = arith.index_cast %get3A_1595 : i32 to index
      %get3A_1597 = arith.index_cast %mul3A_12 : i32 to index
      %get3A_1598 = tpu.vector_load %arg10[%get3A_1596, %get3A_1597] {strides = array<i32>} : memref<64x256xf32, #tpu.memory_space<vmem>>, vector<1x16xf32>,
      %get3A_1599 = vector.shape_cast %get3A_1598 : vector<1x16xf32> to vector<16xf32>
      %get3A_1600 = arith.constant 45 : i32
      %get3A_1601 = arith.index_cast %get3A_1600 : i32 to index
      %get3A_1602 = arith.index_cast %mul3A_12 : i32 to index
      %get3A_1603 = tpu.vector_load %arg9[%get3A_1601, %get3A_1602] {strides = array<i32>} : memref<64x256xf32, #tpu.memory_space<vmem>>, vector<1x16xf32>,
      %get3A_1604 = vector.shape_cast %get3A_1603 : vector<1x16xf32> to vector<16xf32>
      %mul3A_1605 = arith.mulf %get3A_1599, %get3A_1604 : vector<16xf32>
      %add3A_1606 = arith.addf %get3A_1594, %mul3A_1605 : vector<16xf32>
      %swap3A_1607 = arith.constant 45 : i32
      %swap3A_1608 = arith.index_cast %swap3A_1607 : i32 to index
      %swap3A_1609 = arith.index_cast %mul3A_12 : i32 to index
      %swap3A_1610 = tpu.vector_load %arg12[%swap3A_1608, %swap3A_1609] {strides = array<i32>} : memref<64x256xf32, #tpu.memory_space<vmem>>, vector<1x16xf32>,
      %swap3A_1611 = vector.shape_cast %swap3A_1610 : vector<1x16xf32> to vector<16xf32>
      %swap3A_1612 = vector.shape_cast %add3A_1606 : vector<16xf32> to vector<1x16xf32>
      tpu.vector_store %arg12[%swap3A_1608, %swap3A_1609], %swap3A_1612 {strides = array<i32>} : memref<64x256xf32, #tpu.memory_space<vmem>>, vector<1x16xf32>,
      %gt3A_1613 = arith.cmpf ogt, %add3A_1606, %select_n3A_1586 : vector<16xf32>
      %gt3A_1614 = arith.cmpf ogt, %add3A_1606, %select_n3A_1581 : vector<16xf32>
      %select_n3A_1615 = arith.select %gt3A_1614, %add3A_1606, %select_n3A_1581 : vector<16xi1>, vector<16xf32>
      %select_n3A_1616 = arith.select %gt3A_1613, %select_n3A_1586, %select_n3A_1615 : vector<16xi1>, vector<16xf32>
      %jit3A_1617 = arith.constant 45 : i32
      %broadcast_in_dim3A_1618 = vector.broadcast %jit3A_1617 : i32 to vector<16xi32>
      %select_n3A_1619 = arith.select %gt3A_1614, %broadcast_in_dim3A_1618, %select_n3A_1585 : vector<16xi1>, vector<16xi32>
      %select_n3A_1620 = arith.select %gt3A_1613, %select_n3A_1589, %select_n3A_1619 : vector<16xi1>, vector<16xi32>
      %select_n3A_1621 = arith.select %gt3A_1613, %add3A_1606, %select_n3A_1586 : vector<16xi1>, vector<16xf32>
      %jit3A_1622 = arith.constant 45 : i32
      %broadcast_in_dim3A_1623 = vector.broadcast %jit3A_1622 : i32 to vector<16xi32>
      %select_n3A_1624 = arith.select %gt3A_1613, %broadcast_in_dim3A_1623, %select_n3A_1589 : vector<16xi1>, vector<16xi32>
      %get3A_1625 = arith.constant 46 : i32
      %get3A_1626 = arith.index_cast %get3A_1625 : i32 to index
      %get3A_1627 = arith.index_cast %mul3A_12 : i32 to index
      %get3A_1628 = tpu.vector_load %arg8[%get3A_1626, %get3A_1627] {strides = array<i32>} : memref<64x256xf32, #tpu.memory_space<vmem>>, vector<1x16xf32>,
      %get3A_1629 = vector.shape_cast %get3A_1628 : vector<1x16xf32> to vector<16xf32>
      %get3A_1630 = arith.constant 46 : i32
      %get3A_1631 = arith.index_cast %get3A_1630 : i32 to index
      %get3A_1632 = arith.index_cast %mul3A_12 : i32 to index
      %get3A_1633 = tpu.vector_load %arg10[%get3A_1631, %get3A_1632] {strides = array<i32>} : memref<64x256xf32, #tpu.memory_space<vmem>>, vector<1x16xf32>,
      %get3A_1634 = vector.shape_cast %get3A_1633 : vector<1x16xf32> to vector<16xf32>
      %get3A_1635 = arith.constant 46 : i32
      %get3A_1636 = arith.index_cast %get3A_1635 : i32 to index
      %get3A_1637 = arith.index_cast %mul3A_12 : i32 to index
      %get3A_1638 = tpu.vector_load %arg9[%get3A_1636, %get3A_1637] {strides = array<i32>} : memref<64x256xf32, #tpu.memory_space<vmem>>, vector<1x16xf32>,
      %get3A_1639 = vector.shape_cast %get3A_1638 : vector<1x16xf32> to vector<16xf32>
      %mul3A_1640 = arith.mulf %get3A_1634, %get3A_1639 : vector<16xf32>
      %add3A_1641 = arith.addf %get3A_1629, %mul3A_1640 : vector<16xf32>
      %swap3A_1642 = arith.constant 46 : i32
      %swap3A_1643 = arith.index_cast %swap3A_1642 : i32 to index
      %swap3A_1644 = arith.index_cast %mul3A_12 : i32 to index
      %swap3A_1645 = tpu.vector_load %arg12[%swap3A_1643, %swap3A_1644] {strides = array<i32>} : memref<64x256xf32, #tpu.memory_space<vmem>>, vector<1x16xf32>,
      %swap3A_1646 = vector.shape_cast %swap3A_1645 : vector<1x16xf32> to vector<16xf32>
      %swap3A_1647 = vector.shape_cast %add3A_1641 : vector<16xf32> to vector<1x16xf32>
      tpu.vector_store %arg12[%swap3A_1643, %swap3A_1644], %swap3A_1647 {strides = array<i32>} : memref<64x256xf32, #tpu.memory_space<vmem>>, vector<1x16xf32>,
      %gt3A_1648 = arith.cmpf ogt, %add3A_1641, %select_n3A_1621 : vector<16xf32>
      %gt3A_1649 = arith.cmpf ogt, %add3A_1641, %select_n3A_1616 : vector<16xf32>
      %select_n3A_1650 = arith.select %gt3A_1649, %add3A_1641, %select_n3A_1616 : vector<16xi1>, vector<16xf32>
      %select_n3A_1651 = arith.select %gt3A_1648, %select_n3A_1621, %select_n3A_1650 : vector<16xi1>, vector<16xf32>
      %jit3A_1652 = arith.constant 46 : i32
      %broadcast_in_dim3A_1653 = vector.broadcast %jit3A_1652 : i32 to vector<16xi32>
      %select_n3A_1654 = arith.select %gt3A_1649, %broadcast_in_dim3A_1653, %select_n3A_1620 : vector<16xi1>, vector<16xi32>
      %select_n3A_1655 = arith.select %gt3A_1648, %select_n3A_1624, %select_n3A_1654 : vector<16xi1>, vector<16xi32>
      %select_n3A_1656 = arith.select %gt3A_1648, %add3A_1641, %select_n3A_1621 : vector<16xi1>, vector<16xf32>
      %jit3A_1657 = arith.constant 46 : i32
      %broadcast_in_dim3A_1658 = vector.broadcast %jit3A_1657 : i32 to vector<16xi32>
      %select_n3A_1659 = arith.select %gt3A_1648, %broadcast_in_dim3A_1658, %select_n3A_1624 : vector<16xi1>, vector<16xi32>
      %get3A_1660 = arith.constant 47 : i32
      %get3A_1661 = arith.index_cast %get3A_1660 : i32 to index
      %get3A_1662 = arith.index_cast %mul3A_12 : i32 to index
      %get3A_1663 = tpu.vector_load %arg8[%get3A_1661, %get3A_1662] {strides = array<i32>} : memref<64x256xf32, #tpu.memory_space<vmem>>, vector<1x16xf32>,
      %get3A_1664 = vector.shape_cast %get3A_1663 : vector<1x16xf32> to vector<16xf32>
      %get3A_1665 = arith.constant 47 : i32
      %get3A_1666 = arith.index_cast %get3A_1665 : i32 to index
      %get3A_1667 = arith.index_cast %mul3A_12 : i32 to index
      %get3A_1668 = tpu.vector_load %arg10[%get3A_1666, %get3A_1667] {strides = array<i32>} : memref<64x256xf32, #tpu.memory_space<vmem>>, vector<1x16xf32>,
      %get3A_1669 = vector.shape_cast %get3A_1668 : vector<1x16xf32> to vector<16xf32>
      %get3A_1670 = arith.constant 47 : i32
      %get3A_1671 = arith.index_cast %get3A_1670 : i32 to index
      %get3A_1672 = arith.index_cast %mul3A_12 : i32 to index
      %get3A_1673 = tpu.vector_load %arg9[%get3A_1671, %get3A_1672] {strides = array<i32>} : memref<64x256xf32, #tpu.memory_space<vmem>>, vector<1x16xf32>,
      %get3A_1674 = vector.shape_cast %get3A_1673 : vector<1x16xf32> to vector<16xf32>
      %mul3A_1675 = arith.mulf %get3A_1669, %get3A_1674 : vector<16xf32>
      %add3A_1676 = arith.addf %get3A_1664, %mul3A_1675 : vector<16xf32>
      %swap3A_1677 = arith.constant 47 : i32
      %swap3A_1678 = arith.index_cast %swap3A_1677 : i32 to index
      %swap3A_1679 = arith.index_cast %mul3A_12 : i32 to index
      %swap3A_1680 = tpu.vector_load %arg12[%swap3A_1678, %swap3A_1679] {strides = array<i32>} : memref<64x256xf32, #tpu.memory_space<vmem>>, vector<1x16xf32>,
      %swap3A_1681 = vector.shape_cast %swap3A_1680 : vector<1x16xf32> to vector<16xf32>
      %swap3A_1682 = vector.shape_cast %add3A_1676 : vector<16xf32> to vector<1x16xf32>
      tpu.vector_store %arg12[%swap3A_1678, %swap3A_1679], %swap3A_1682 {strides = array<i32>} : memref<64x256xf32, #tpu.memory_space<vmem>>, vector<1x16xf32>,
      %gt3A_1683 = arith.cmpf ogt, %add3A_1676, %select_n3A_1656 : vector<16xf32>
      %gt3A_1684 = arith.cmpf ogt, %add3A_1676, %select_n3A_1651 : vector<16xf32>
      %select_n3A_1685 = arith.select %gt3A_1684, %add3A_1676, %select_n3A_1651 : vector<16xi1>, vector<16xf32>
      %select_n3A_1686 = arith.select %gt3A_1683, %select_n3A_1656, %select_n3A_1685 : vector<16xi1>, vector<16xf32>
      %jit3A_1687 = arith.constant 47 : i32
      %broadcast_in_dim3A_1688 = vector.broadcast %jit3A_1687 : i32 to vector<16xi32>
      %select_n3A_1689 = arith.select %gt3A_1684, %broadcast_in_dim3A_1688, %select_n3A_1655 : vector<16xi1>, vector<16xi32>
      %select_n3A_1690 = arith.select %gt3A_1683, %select_n3A_1659, %select_n3A_1689 : vector<16xi1>, vector<16xi32>
      %select_n3A_1691 = arith.select %gt3A_1683, %add3A_1676, %select_n3A_1656 : vector<16xi1>, vector<16xf32>
      %jit3A_1692 = arith.constant 47 : i32
      %broadcast_in_dim3A_1693 = vector.broadcast %jit3A_1692 : i32 to vector<16xi32>
      %select_n3A_1694 = arith.select %gt3A_1683, %broadcast_in_dim3A_1693, %select_n3A_1659 : vector<16xi1>, vector<16xi32>
      %get3A_1695 = arith.constant 48 : i32
      %get3A_1696 = arith.index_cast %get3A_1695 : i32 to index
      %get3A_1697 = arith.index_cast %mul3A_12 : i32 to index
      %get3A_1698 = tpu.vector_load %arg8[%get3A_1696, %get3A_1697] {strides = array<i32>} : memref<64x256xf32, #tpu.memory_space<vmem>>, vector<1x16xf32>,
      %get3A_1699 = vector.shape_cast %get3A_1698 : vector<1x16xf32> to vector<16xf32>
      %get3A_1700 = arith.constant 48 : i32
      %get3A_1701 = arith.index_cast %get3A_1700 : i32 to index
      %get3A_1702 = arith.index_cast %mul3A_12 : i32 to index
      %get3A_1703 = tpu.vector_load %arg10[%get3A_1701, %get3A_1702] {strides = array<i32>} : memref<64x256xf32, #tpu.memory_space<vmem>>, vector<1x16xf32>,
      %get3A_1704 = vector.shape_cast %get3A_1703 : vector<1x16xf32> to vector<16xf32>
      %get3A_1705 = arith.constant 48 : i32
      %get3A_1706 = arith.index_cast %get3A_1705 : i32 to index
      %get3A_1707 = arith.index_cast %mul3A_12 : i32 to index
      %get3A_1708 = tpu.vector_load %arg9[%get3A_1706, %get3A_1707] {strides = array<i32>} : memref<64x256xf32, #tpu.memory_space<vmem>>, vector<1x16xf32>,
      %get3A_1709 = vector.shape_cast %get3A_1708 : vector<1x16xf32> to vector<16xf32>
      %mul3A_1710 = arith.mulf %get3A_1704, %get3A_1709 : vector<16xf32>
      %add3A_1711 = arith.addf %get3A_1699, %mul3A_1710 : vector<16xf32>
      %swap3A_1712 = arith.constant 48 : i32
      %swap3A_1713 = arith.index_cast %swap3A_1712 : i32 to index
      %swap3A_1714 = arith.index_cast %mul3A_12 : i32 to index
      %swap3A_1715 = tpu.vector_load %arg12[%swap3A_1713, %swap3A_1714] {strides = array<i32>} : memref<64x256xf32, #tpu.memory_space<vmem>>, vector<1x16xf32>,
      %swap3A_1716 = vector.shape_cast %swap3A_1715 : vector<1x16xf32> to vector<16xf32>
      %swap3A_1717 = vector.shape_cast %add3A_1711 : vector<16xf32> to vector<1x16xf32>
      tpu.vector_store %arg12[%swap3A_1713, %swap3A_1714], %swap3A_1717 {strides = array<i32>} : memref<64x256xf32, #tpu.memory_space<vmem>>, vector<1x16xf32>,
      %gt3A_1718 = arith.cmpf ogt, %add3A_1711, %select_n3A_1691 : vector<16xf32>
      %gt3A_1719 = arith.cmpf ogt, %add3A_1711, %select_n3A_1686 : vector<16xf32>
      %select_n3A_1720 = arith.select %gt3A_1719, %add3A_1711, %select_n3A_1686 : vector<16xi1>, vector<16xf32>
      %select_n3A_1721 = arith.select %gt3A_1718, %select_n3A_1691, %select_n3A_1720 : vector<16xi1>, vector<16xf32>
      %jit3A_1722 = arith.constant 48 : i32
      %broadcast_in_dim3A_1723 = vector.broadcast %jit3A_1722 : i32 to vector<16xi32>
      %select_n3A_1724 = arith.select %gt3A_1719, %broadcast_in_dim3A_1723, %select_n3A_1690 : vector<16xi1>, vector<16xi32>
      %select_n3A_1725 = arith.select %gt3A_1718, %select_n3A_1694, %select_n3A_1724 : vector<16xi1>, vector<16xi32>
      %select_n3A_1726 = arith.select %gt3A_1718, %add3A_1711, %select_n3A_1691 : vector<16xi1>, vector<16xf32>
      %jit3A_1727 = arith.constant 48 : i32
      %broadcast_in_dim3A_1728 = vector.broadcast %jit3A_1727 : i32 to vector<16xi32>
      %select_n3A_1729 = arith.select %gt3A_1718, %broadcast_in_dim3A_1728, %select_n3A_1694 : vector<16xi1>, vector<16xi32>
      %get3A_1730 = arith.constant 49 : i32
      %get3A_1731 = arith.index_cast %get3A_1730 : i32 to index
      %get3A_1732 = arith.index_cast %mul3A_12 : i32 to index
      %get3A_1733 = tpu.vector_load %arg8[%get3A_1731, %get3A_1732] {strides = array<i32>} : memref<64x256xf32, #tpu.memory_space<vmem>>, vector<1x16xf32>,
      %get3A_1734 = vector.shape_cast %get3A_1733 : vector<1x16xf32> to vector<16xf32>
      %get3A_1735 = arith.constant 49 : i32
      %get3A_1736 = arith.index_cast %get3A_1735 : i32 to index
      %get3A_1737 = arith.index_cast %mul3A_12 : i32 to index
      %get3A_1738 = tpu.vector_load %arg10[%get3A_1736, %get3A_1737] {strides = array<i32>} : memref<64x256xf32, #tpu.memory_space<vmem>>, vector<1x16xf32>,
      %get3A_1739 = vector.shape_cast %get3A_1738 : vector<1x16xf32> to vector<16xf32>
      %get3A_1740 = arith.constant 49 : i32
      %get3A_1741 = arith.index_cast %get3A_1740 : i32 to index
      %get3A_1742 = arith.index_cast %mul3A_12 : i32 to index
      %get3A_1743 = tpu.vector_load %arg9[%get3A_1741, %get3A_1742] {strides = array<i32>} : memref<64x256xf32, #tpu.memory_space<vmem>>, vector<1x16xf32>,
      %get3A_1744 = vector.shape_cast %get3A_1743 : vector<1x16xf32> to vector<16xf32>
      %mul3A_1745 = arith.mulf %get3A_1739, %get3A_1744 : vector<16xf32>
      %add3A_1746 = arith.addf %get3A_1734, %mul3A_1745 : vector<16xf32>
      %swap3A_1747 = arith.constant 49 : i32
      %swap3A_1748 = arith.index_cast %swap3A_1747 : i32 to index
      %swap3A_1749 = arith.index_cast %mul3A_12 : i32 to index
      %swap3A_1750 = tpu.vector_load %arg12[%swap3A_1748, %swap3A_1749] {strides = array<i32>} : memref<64x256xf32, #tpu.memory_space<vmem>>, vector<1x16xf32>,
      %swap3A_1751 = vector.shape_cast %swap3A_1750 : vector<1x16xf32> to vector<16xf32>
      %swap3A_1752 = vector.shape_cast %add3A_1746 : vector<16xf32> to vector<1x16xf32>
      tpu.vector_store %arg12[%swap3A_1748, %swap3A_1749], %swap3A_1752 {strides = array<i32>} : memref<64x256xf32, #tpu.memory_space<vmem>>, vector<1x16xf32>,
      %gt3A_1753 = arith.cmpf ogt, %add3A_1746, %select_n3A_1726 : vector<16xf32>
      %gt3A_1754 = arith.cmpf ogt, %add3A_1746, %select_n3A_1721 : vector<16xf32>
      %select_n3A_1755 = arith.select %gt3A_1754, %add3A_1746, %select_n3A_1721 : vector<16xi1>, vector<16xf32>
      %select_n3A_1756 = arith.select %gt3A_1753, %select_n3A_1726, %select_n3A_1755 : vector<16xi1>, vector<16xf32>
      %jit3A_1757 = arith.constant 49 : i32
      %broadcast_in_dim3A_1758 = vector.broadcast %jit3A_1757 : i32 to vector<16xi32>
      %select_n3A_1759 = arith.select %gt3A_1754, %broadcast_in_dim3A_1758, %select_n3A_1725 : vector<16xi1>, vector<16xi32>
      %select_n3A_1760 = arith.select %gt3A_1753, %select_n3A_1729, %select_n3A_1759 : vector<16xi1>, vector<16xi32>
      %select_n3A_1761 = arith.select %gt3A_1753, %add3A_1746, %select_n3A_1726 : vector<16xi1>, vector<16xf32>
      %jit3A_1762 = arith.constant 49 : i32
      %broadcast_in_dim3A_1763 = vector.broadcast %jit3A_1762 : i32 to vector<16xi32>
      %select_n3A_1764 = arith.select %gt3A_1753, %broadcast_in_dim3A_1763, %select_n3A_1729 : vector<16xi1>, vector<16xi32>
      %get3A_1765 = arith.constant 50 : i32
      %get3A_1766 = arith.index_cast %get3A_1765 : i32 to index
      %get3A_1767 = arith.index_cast %mul3A_12 : i32 to index
      %get3A_1768 = tpu.vector_load %arg8[%get3A_1766, %get3A_1767] {strides = array<i32>} : memref<64x256xf32, #tpu.memory_space<vmem>>, vector<1x16xf32>,
      %get3A_1769 = vector.shape_cast %get3A_1768 : vector<1x16xf32> to vector<16xf32>
      %get3A_1770 = arith.constant 50 : i32
      %get3A_1771 = arith.index_cast %get3A_1770 : i32 to index
      %get3A_1772 = arith.index_cast %mul3A_12 : i32 to index
      %get3A_1773 = tpu.vector_load %arg10[%get3A_1771, %get3A_1772] {strides = array<i32>} : memref<64x256xf32, #tpu.memory_space<vmem>>, vector<1x16xf32>,
      %get3A_1774 = vector.shape_cast %get3A_1773 : vector<1x16xf32> to vector<16xf32>
      %get3A_1775 = arith.constant 50 : i32
      %get3A_1776 = arith.index_cast %get3A_1775 : i32 to index
      %get3A_1777 = arith.index_cast %mul3A_12 : i32 to index
      %get3A_1778 = tpu.vector_load %arg9[%get3A_1776, %get3A_1777] {strides = array<i32>} : memref<64x256xf32, #tpu.memory_space<vmem>>, vector<1x16xf32>,
      %get3A_1779 = vector.shape_cast %get3A_1778 : vector<1x16xf32> to vector<16xf32>
      %mul3A_1780 = arith.mulf %get3A_1774, %get3A_1779 : vector<16xf32>
      %add3A_1781 = arith.addf %get3A_1769, %mul3A_1780 : vector<16xf32>
      %swap3A_1782 = arith.constant 50 : i32
      %swap3A_1783 = arith.index_cast %swap3A_1782 : i32 to index
      %swap3A_1784 = arith.index_cast %mul3A_12 : i32 to index
      %swap3A_1785 = tpu.vector_load %arg12[%swap3A_1783, %swap3A_1784] {strides = array<i32>} : memref<64x256xf32, #tpu.memory_space<vmem>>, vector<1x16xf32>,
      %swap3A_1786 = vector.shape_cast %swap3A_1785 : vector<1x16xf32> to vector<16xf32>
      %swap3A_1787 = vector.shape_cast %add3A_1781 : vector<16xf32> to vector<1x16xf32>
      tpu.vector_store %arg12[%swap3A_1783, %swap3A_1784], %swap3A_1787 {strides = array<i32>} : memref<64x256xf32, #tpu.memory_space<vmem>>, vector<1x16xf32>,
      %gt3A_1788 = arith.cmpf ogt, %add3A_1781, %select_n3A_1761 : vector<16xf32>
      %gt3A_1789 = arith.cmpf ogt, %add3A_1781, %select_n3A_1756 : vector<16xf32>
      %select_n3A_1790 = arith.select %gt3A_1789, %add3A_1781, %select_n3A_1756 : vector<16xi1>, vector<16xf32>
      %select_n3A_1791 = arith.select %gt3A_1788, %select_n3A_1761, %select_n3A_1790 : vector<16xi1>, vector<16xf32>
      %jit3A_1792 = arith.constant 50 : i32
      %broadcast_in_dim3A_1793 = vector.broadcast %jit3A_1792 : i32 to vector<16xi32>
      %select_n3A_1794 = arith.select %gt3A_1789, %broadcast_in_dim3A_1793, %select_n3A_1760 : vector<16xi1>, vector<16xi32>
      %select_n3A_1795 = arith.select %gt3A_1788, %select_n3A_1764, %select_n3A_1794 : vector<16xi1>, vector<16xi32>
      %select_n3A_1796 = arith.select %gt3A_1788, %add3A_1781, %select_n3A_1761 : vector<16xi1>, vector<16xf32>
      %jit3A_1797 = arith.constant 50 : i32
      %broadcast_in_dim3A_1798 = vector.broadcast %jit3A_1797 : i32 to vector<16xi32>
      %select_n3A_1799 = arith.select %gt3A_1788, %broadcast_in_dim3A_1798, %select_n3A_1764 : vector<16xi1>, vector<16xi32>
      %get3A_1800 = arith.constant 51 : i32
      %get3A_1801 = arith.index_cast %get3A_1800 : i32 to index
      %get3A_1802 = arith.index_cast %mul3A_12 : i32 to index
      %get3A_1803 = tpu.vector_load %arg8[%get3A_1801, %get3A_1802] {strides = array<i32>} : memref<64x256xf32, #tpu.memory_space<vmem>>, vector<1x16xf32>,
      %get3A_1804 = vector.shape_cast %get3A_1803 : vector<1x16xf32> to vector<16xf32>
      %get3A_1805 = arith.constant 51 : i32
      %get3A_1806 = arith.index_cast %get3A_1805 : i32 to index
      %get3A_1807 = arith.index_cast %mul3A_12 : i32 to index
      %get3A_1808 = tpu.vector_load %arg10[%get3A_1806, %get3A_1807] {strides = array<i32>} : memref<64x256xf32, #tpu.memory_space<vmem>>, vector<1x16xf32>,
      %get3A_1809 = vector.shape_cast %get3A_1808 : vector<1x16xf32> to vector<16xf32>
      %get3A_1810 = arith.constant 51 : i32
      %get3A_1811 = arith.index_cast %get3A_1810 : i32 to index
      %get3A_1812 = arith.index_cast %mul3A_12 : i32 to index
      %get3A_1813 = tpu.vector_load %arg9[%get3A_1811, %get3A_1812] {strides = array<i32>} : memref<64x256xf32, #tpu.memory_space<vmem>>, vector<1x16xf32>,
      %get3A_1814 = vector.shape_cast %get3A_1813 : vector<1x16xf32> to vector<16xf32>
      %mul3A_1815 = arith.mulf %get3A_1809, %get3A_1814 : vector<16xf32>
      %add3A_1816 = arith.addf %get3A_1804, %mul3A_1815 : vector<16xf32>
      %swap3A_1817 = arith.constant 51 : i32
      %swap3A_1818 = arith.index_cast %swap3A_1817 : i32 to index
      %swap3A_1819 = arith.index_cast %mul3A_12 : i32 to index
      %swap3A_1820 = tpu.vector_load %arg12[%swap3A_1818, %swap3A_1819] {strides = array<i32>} : memref<64x256xf32, #tpu.memory_space<vmem>>, vector<1x16xf32>,
      %swap3A_1821 = vector.shape_cast %swap3A_1820 : vector<1x16xf32> to vector<16xf32>
      %swap3A_1822 = vector.shape_cast %add3A_1816 : vector<16xf32> to vector<1x16xf32>
      tpu.vector_store %arg12[%swap3A_1818, %swap3A_1819], %swap3A_1822 {strides = array<i32>} : memref<64x256xf32, #tpu.memory_space<vmem>>, vector<1x16xf32>,
      %gt3A_1823 = arith.cmpf ogt, %add3A_1816, %select_n3A_1796 : vector<16xf32>
      %gt3A_1824 = arith.cmpf ogt, %add3A_1816, %select_n3A_1791 : vector<16xf32>
      %select_n3A_1825 = arith.select %gt3A_1824, %add3A_1816, %select_n3A_1791 : vector<16xi1>, vector<16xf32>
      %select_n3A_1826 = arith.select %gt3A_1823, %select_n3A_1796, %select_n3A_1825 : vector<16xi1>, vector<16xf32>
      %jit3A_1827 = arith.constant 51 : i32
      %broadcast_in_dim3A_1828 = vector.broadcast %jit3A_1827 : i32 to vector<16xi32>
      %select_n3A_1829 = arith.select %gt3A_1824, %broadcast_in_dim3A_1828, %select_n3A_1795 : vector<16xi1>, vector<16xi32>
      %select_n3A_1830 = arith.select %gt3A_1823, %select_n3A_1799, %select_n3A_1829 : vector<16xi1>, vector<16xi32>
      %select_n3A_1831 = arith.select %gt3A_1823, %add3A_1816, %select_n3A_1796 : vector<16xi1>, vector<16xf32>
      %jit3A_1832 = arith.constant 51 : i32
      %broadcast_in_dim3A_1833 = vector.broadcast %jit3A_1832 : i32 to vector<16xi32>
      %select_n3A_1834 = arith.select %gt3A_1823, %broadcast_in_dim3A_1833, %select_n3A_1799 : vector<16xi1>, vector<16xi32>
      %get3A_1835 = arith.constant 52 : i32
      %get3A_1836 = arith.index_cast %get3A_1835 : i32 to index
      %get3A_1837 = arith.index_cast %mul3A_12 : i32 to index
      %get3A_1838 = tpu.vector_load %arg8[%get3A_1836, %get3A_1837] {strides = array<i32>} : memref<64x256xf32, #tpu.memory_space<vmem>>, vector<1x16xf32>,
      %get3A_1839 = vector.shape_cast %get3A_1838 : vector<1x16xf32> to vector<16xf32>
      %get3A_1840 = arith.constant 52 : i32
      %get3A_1841 = arith.index_cast %get3A_1840 : i32 to index
      %get3A_1842 = arith.index_cast %mul3A_12 : i32 to index
      %get3A_1843 = tpu.vector_load %arg10[%get3A_1841, %get3A_1842] {strides = array<i32>} : memref<64x256xf32, #tpu.memory_space<vmem>>, vector<1x16xf32>,
      %get3A_1844 = vector.shape_cast %get3A_1843 : vector<1x16xf32> to vector<16xf32>
      %get3A_1845 = arith.constant 52 : i32
      %get3A_1846 = arith.index_cast %get3A_1845 : i32 to index
      %get3A_1847 = arith.index_cast %mul3A_12 : i32 to index
      %get3A_1848 = tpu.vector_load %arg9[%get3A_1846, %get3A_1847] {strides = array<i32>} : memref<64x256xf32, #tpu.memory_space<vmem>>, vector<1x16xf32>,
      %get3A_1849 = vector.shape_cast %get3A_1848 : vector<1x16xf32> to vector<16xf32>
      %mul3A_1850 = arith.mulf %get3A_1844, %get3A_1849 : vector<16xf32>
      %add3A_1851 = arith.addf %get3A_1839, %mul3A_1850 : vector<16xf32>
      %swap3A_1852 = arith.constant 52 : i32
      %swap3A_1853 = arith.index_cast %swap3A_1852 : i32 to index
      %swap3A_1854 = arith.index_cast %mul3A_12 : i32 to index
      %swap3A_1855 = tpu.vector_load %arg12[%swap3A_1853, %swap3A_1854] {strides = array<i32>} : memref<64x256xf32, #tpu.memory_space<vmem>>, vector<1x16xf32>,
      %swap3A_1856 = vector.shape_cast %swap3A_1855 : vector<1x16xf32> to vector<16xf32>
      %swap3A_1857 = vector.shape_cast %add3A_1851 : vector<16xf32> to vector<1x16xf32>
      tpu.vector_store %arg12[%swap3A_1853, %swap3A_1854], %swap3A_1857 {strides = array<i32>} : memref<64x256xf32, #tpu.memory_space<vmem>>, vector<1x16xf32>,
      %gt3A_1858 = arith.cmpf ogt, %add3A_1851, %select_n3A_1831 : vector<16xf32>
      %gt3A_1859 = arith.cmpf ogt, %add3A_1851, %select_n3A_1826 : vector<16xf32>
      %select_n3A_1860 = arith.select %gt3A_1859, %add3A_1851, %select_n3A_1826 : vector<16xi1>, vector<16xf32>
      %select_n3A_1861 = arith.select %gt3A_1858, %select_n3A_1831, %select_n3A_1860 : vector<16xi1>, vector<16xf32>
      %jit3A_1862 = arith.constant 52 : i32
      %broadcast_in_dim3A_1863 = vector.broadcast %jit3A_1862 : i32 to vector<16xi32>
      %select_n3A_1864 = arith.select %gt3A_1859, %broadcast_in_dim3A_1863, %select_n3A_1830 : vector<16xi1>, vector<16xi32>
      %select_n3A_1865 = arith.select %gt3A_1858, %select_n3A_1834, %select_n3A_1864 : vector<16xi1>, vector<16xi32>
      %select_n3A_1866 = arith.select %gt3A_1858, %add3A_1851, %select_n3A_1831 : vector<16xi1>, vector<16xf32>
      %jit3A_1867 = arith.constant 52 : i32
      %broadcast_in_dim3A_1868 = vector.broadcast %jit3A_1867 : i32 to vector<16xi32>
      %select_n3A_1869 = arith.select %gt3A_1858, %broadcast_in_dim3A_1868, %select_n3A_1834 : vector<16xi1>, vector<16xi32>
      %get3A_1870 = arith.constant 53 : i32
      %get3A_1871 = arith.index_cast %get3A_1870 : i32 to index
      %get3A_1872 = arith.index_cast %mul3A_12 : i32 to index
      %get3A_1873 = tpu.vector_load %arg8[%get3A_1871, %get3A_1872] {strides = array<i32>} : memref<64x256xf32, #tpu.memory_space<vmem>>, vector<1x16xf32>,
      %get3A_1874 = vector.shape_cast %get3A_1873 : vector<1x16xf32> to vector<16xf32>
      %get3A_1875 = arith.constant 53 : i32
      %get3A_1876 = arith.index_cast %get3A_1875 : i32 to index
      %get3A_1877 = arith.index_cast %mul3A_12 : i32 to index
      %get3A_1878 = tpu.vector_load %arg10[%get3A_1876, %get3A_1877] {strides = array<i32>} : memref<64x256xf32, #tpu.memory_space<vmem>>, vector<1x16xf32>,
      %get3A_1879 = vector.shape_cast %get3A_1878 : vector<1x16xf32> to vector<16xf32>
      %get3A_1880 = arith.constant 53 : i32
      %get3A_1881 = arith.index_cast %get3A_1880 : i32 to index
      %get3A_1882 = arith.index_cast %mul3A_12 : i32 to index
      %get3A_1883 = tpu.vector_load %arg9[%get3A_1881, %get3A_1882] {strides = array<i32>} : memref<64x256xf32, #tpu.memory_space<vmem>>, vector<1x16xf32>,
      %get3A_1884 = vector.shape_cast %get3A_1883 : vector<1x16xf32> to vector<16xf32>
      %mul3A_1885 = arith.mulf %get3A_1879, %get3A_1884 : vector<16xf32>
      %add3A_1886 = arith.addf %get3A_1874, %mul3A_1885 : vector<16xf32>
      %swap3A_1887 = arith.constant 53 : i32
      %swap3A_1888 = arith.index_cast %swap3A_1887 : i32 to index
      %swap3A_1889 = arith.index_cast %mul3A_12 : i32 to index
      %swap3A_1890 = tpu.vector_load %arg12[%swap3A_1888, %swap3A_1889] {strides = array<i32>} : memref<64x256xf32, #tpu.memory_space<vmem>>, vector<1x16xf32>,
      %swap3A_1891 = vector.shape_cast %swap3A_1890 : vector<1x16xf32> to vector<16xf32>
      %swap3A_1892 = vector.shape_cast %add3A_1886 : vector<16xf32> to vector<1x16xf32>
      tpu.vector_store %arg12[%swap3A_1888, %swap3A_1889], %swap3A_1892 {strides = array<i32>} : memref<64x256xf32, #tpu.memory_space<vmem>>, vector<1x16xf32>,
      %gt3A_1893 = arith.cmpf ogt, %add3A_1886, %select_n3A_1866 : vector<16xf32>
      %gt3A_1894 = arith.cmpf ogt, %add3A_1886, %select_n3A_1861 : vector<16xf32>
      %select_n3A_1895 = arith.select %gt3A_1894, %add3A_1886, %select_n3A_1861 : vector<16xi1>, vector<16xf32>
      %select_n3A_1896 = arith.select %gt3A_1893, %select_n3A_1866, %select_n3A_1895 : vector<16xi1>, vector<16xf32>
      %jit3A_1897 = arith.constant 53 : i32
      %broadcast_in_dim3A_1898 = vector.broadcast %jit3A_1897 : i32 to vector<16xi32>
      %select_n3A_1899 = arith.select %gt3A_1894, %broadcast_in_dim3A_1898, %select_n3A_1865 : vector<16xi1>, vector<16xi32>
      %select_n3A_1900 = arith.select %gt3A_1893, %select_n3A_1869, %select_n3A_1899 : vector<16xi1>, vector<16xi32>
      %select_n3A_1901 = arith.select %gt3A_1893, %add3A_1886, %select_n3A_1866 : vector<16xi1>, vector<16xf32>
      %jit3A_1902 = arith.constant 53 : i32
      %broadcast_in_dim3A_1903 = vector.broadcast %jit3A_1902 : i32 to vector<16xi32>
      %select_n3A_1904 = arith.select %gt3A_1893, %broadcast_in_dim3A_1903, %select_n3A_1869 : vector<16xi1>, vector<16xi32>
      %get3A_1905 = arith.constant 54 : i32
      %get3A_1906 = arith.index_cast %get3A_1905 : i32 to index
      %get3A_1907 = arith.index_cast %mul3A_12 : i32 to index
      %get3A_1908 = tpu.vector_load %arg8[%get3A_1906, %get3A_1907] {strides = array<i32>} : memref<64x256xf32, #tpu.memory_space<vmem>>, vector<1x16xf32>,
      %get3A_1909 = vector.shape_cast %get3A_1908 : vector<1x16xf32> to vector<16xf32>
      %get3A_1910 = arith.constant 54 : i32
      %get3A_1911 = arith.index_cast %get3A_1910 : i32 to index
      %get3A_1912 = arith.index_cast %mul3A_12 : i32 to index
      %get3A_1913 = tpu.vector_load %arg10[%get3A_1911, %get3A_1912] {strides = array<i32>} : memref<64x256xf32, #tpu.memory_space<vmem>>, vector<1x16xf32>,
      %get3A_1914 = vector.shape_cast %get3A_1913 : vector<1x16xf32> to vector<16xf32>
      %get3A_1915 = arith.constant 54 : i32
      %get3A_1916 = arith.index_cast %get3A_1915 : i32 to index
      %get3A_1917 = arith.index_cast %mul3A_12 : i32 to index
      %get3A_1918 = tpu.vector_load %arg9[%get3A_1916, %get3A_1917] {strides = array<i32>} : memref<64x256xf32, #tpu.memory_space<vmem>>, vector<1x16xf32>,
      %get3A_1919 = vector.shape_cast %get3A_1918 : vector<1x16xf32> to vector<16xf32>
      %mul3A_1920 = arith.mulf %get3A_1914, %get3A_1919 : vector<16xf32>
      %add3A_1921 = arith.addf %get3A_1909, %mul3A_1920 : vector<16xf32>
      %swap3A_1922 = arith.constant 54 : i32
      %swap3A_1923 = arith.index_cast %swap3A_1922 : i32 to index
      %swap3A_1924 = arith.index_cast %mul3A_12 : i32 to index
      %swap3A_1925 = tpu.vector_load %arg12[%swap3A_1923, %swap3A_1924] {strides = array<i32>} : memref<64x256xf32, #tpu.memory_space<vmem>>, vector<1x16xf32>,
      %swap3A_1926 = vector.shape_cast %swap3A_1925 : vector<1x16xf32> to vector<16xf32>
      %swap3A_1927 = vector.shape_cast %add3A_1921 : vector<16xf32> to vector<1x16xf32>
      tpu.vector_store %arg12[%swap3A_1923, %swap3A_1924], %swap3A_1927 {strides = array<i32>} : memref<64x256xf32, #tpu.memory_space<vmem>>, vector<1x16xf32>,
      %gt3A_1928 = arith.cmpf ogt, %add3A_1921, %select_n3A_1901 : vector<16xf32>
      %gt3A_1929 = arith.cmpf ogt, %add3A_1921, %select_n3A_1896 : vector<16xf32>
      %select_n3A_1930 = arith.select %gt3A_1929, %add3A_1921, %select_n3A_1896 : vector<16xi1>, vector<16xf32>
      %select_n3A_1931 = arith.select %gt3A_1928, %select_n3A_1901, %select_n3A_1930 : vector<16xi1>, vector<16xf32>
      %jit3A_1932 = arith.constant 54 : i32
      %broadcast_in_dim3A_1933 = vector.broadcast %jit3A_1932 : i32 to vector<16xi32>
      %select_n3A_1934 = arith.select %gt3A_1929, %broadcast_in_dim3A_1933, %select_n3A_1900 : vector<16xi1>, vector<16xi32>
      %select_n3A_1935 = arith.select %gt3A_1928, %select_n3A_1904, %select_n3A_1934 : vector<16xi1>, vector<16xi32>
      %select_n3A_1936 = arith.select %gt3A_1928, %add3A_1921, %select_n3A_1901 : vector<16xi1>, vector<16xf32>
      %jit3A_1937 = arith.constant 54 : i32
      %broadcast_in_dim3A_1938 = vector.broadcast %jit3A_1937 : i32 to vector<16xi32>
      %select_n3A_1939 = arith.select %gt3A_1928, %broadcast_in_dim3A_1938, %select_n3A_1904 : vector<16xi1>, vector<16xi32>
      %get3A_1940 = arith.constant 55 : i32
      %get3A_1941 = arith.index_cast %get3A_1940 : i32 to index
      %get3A_1942 = arith.index_cast %mul3A_12 : i32 to index
      %get3A_1943 = tpu.vector_load %arg8[%get3A_1941, %get3A_1942] {strides = array<i32>} : memref<64x256xf32, #tpu.memory_space<vmem>>, vector<1x16xf32>,
      %get3A_1944 = vector.shape_cast %get3A_1943 : vector<1x16xf32> to vector<16xf32>
      %get3A_1945 = arith.constant 55 : i32
      %get3A_1946 = arith.index_cast %get3A_1945 : i32 to index
      %get3A_1947 = arith.index_cast %mul3A_12 : i32 to index
      %get3A_1948 = tpu.vector_load %arg10[%get3A_1946, %get3A_1947] {strides = array<i32>} : memref<64x256xf32, #tpu.memory_space<vmem>>, vector<1x16xf32>,
      %get3A_1949 = vector.shape_cast %get3A_1948 : vector<1x16xf32> to vector<16xf32>
      %get3A_1950 = arith.constant 55 : i32
      %get3A_1951 = arith.index_cast %get3A_1950 : i32 to index
      %get3A_1952 = arith.index_cast %mul3A_12 : i32 to index
      %get3A_1953 = tpu.vector_load %arg9[%get3A_1951, %get3A_1952] {strides = array<i32>} : memref<64x256xf32, #tpu.memory_space<vmem>>, vector<1x16xf32>,
      %get3A_1954 = vector.shape_cast %get3A_1953 : vector<1x16xf32> to vector<16xf32>
      %mul3A_1955 = arith.mulf %get3A_1949, %get3A_1954 : vector<16xf32>
      %add3A_1956 = arith.addf %get3A_1944, %mul3A_1955 : vector<16xf32>
      %swap3A_1957 = arith.constant 55 : i32
      %swap3A_1958 = arith.index_cast %swap3A_1957 : i32 to index
      %swap3A_1959 = arith.index_cast %mul3A_12 : i32 to index
      %swap3A_1960 = tpu.vector_load %arg12[%swap3A_1958, %swap3A_1959] {strides = array<i32>} : memref<64x256xf32, #tpu.memory_space<vmem>>, vector<1x16xf32>,
      %swap3A_1961 = vector.shape_cast %swap3A_1960 : vector<1x16xf32> to vector<16xf32>
      %swap3A_1962 = vector.shape_cast %add3A_1956 : vector<16xf32> to vector<1x16xf32>
      tpu.vector_store %arg12[%swap3A_1958, %swap3A_1959], %swap3A_1962 {strides = array<i32>} : memref<64x256xf32, #tpu.memory_space<vmem>>, vector<1x16xf32>,
      %gt3A_1963 = arith.cmpf ogt, %add3A_1956, %select_n3A_1936 : vector<16xf32>
      %gt3A_1964 = arith.cmpf ogt, %add3A_1956, %select_n3A_1931 : vector<16xf32>
      %select_n3A_1965 = arith.select %gt3A_1964, %add3A_1956, %select_n3A_1931 : vector<16xi1>, vector<16xf32>
      %select_n3A_1966 = arith.select %gt3A_1963, %select_n3A_1936, %select_n3A_1965 : vector<16xi1>, vector<16xf32>
      %jit3A_1967 = arith.constant 55 : i32
      %broadcast_in_dim3A_1968 = vector.broadcast %jit3A_1967 : i32 to vector<16xi32>
      %select_n3A_1969 = arith.select %gt3A_1964, %broadcast_in_dim3A_1968, %select_n3A_1935 : vector<16xi1>, vector<16xi32>
      %select_n3A_1970 = arith.select %gt3A_1963, %select_n3A_1939, %select_n3A_1969 : vector<16xi1>, vector<16xi32>
      %select_n3A_1971 = arith.select %gt3A_1963, %add3A_1956, %select_n3A_1936 : vector<16xi1>, vector<16xf32>
      %jit3A_1972 = arith.constant 55 : i32
      %broadcast_in_dim3A_1973 = vector.broadcast %jit3A_1972 : i32 to vector<16xi32>
      %select_n3A_1974 = arith.select %gt3A_1963, %broadcast_in_dim3A_1973, %select_n3A_1939 : vector<16xi1>, vector<16xi32>
      %get3A_1975 = arith.constant 56 : i32
      %get3A_1976 = arith.index_cast %get3A_1975 : i32 to index
      %get3A_1977 = arith.index_cast %mul3A_12 : i32 to index
      %get3A_1978 = tpu.vector_load %arg8[%get3A_1976, %get3A_1977] {strides = array<i32>} : memref<64x256xf32, #tpu.memory_space<vmem>>, vector<1x16xf32>,
      %get3A_1979 = vector.shape_cast %get3A_1978 : vector<1x16xf32> to vector<16xf32>
      %get3A_1980 = arith.constant 56 : i32
      %get3A_1981 = arith.index_cast %get3A_1980 : i32 to index
      %get3A_1982 = arith.index_cast %mul3A_12 : i32 to index
      %get3A_1983 = tpu.vector_load %arg10[%get3A_1981, %get3A_1982] {strides = array<i32>} : memref<64x256xf32, #tpu.memory_space<vmem>>, vector<1x16xf32>,
      %get3A_1984 = vector.shape_cast %get3A_1983 : vector<1x16xf32> to vector<16xf32>
      %get3A_1985 = arith.constant 56 : i32
      %get3A_1986 = arith.index_cast %get3A_1985 : i32 to index
      %get3A_1987 = arith.index_cast %mul3A_12 : i32 to index
      %get3A_1988 = tpu.vector_load %arg9[%get3A_1986, %get3A_1987] {strides = array<i32>} : memref<64x256xf32, #tpu.memory_space<vmem>>, vector<1x16xf32>,
      %get3A_1989 = vector.shape_cast %get3A_1988 : vector<1x16xf32> to vector<16xf32>
      %mul3A_1990 = arith.mulf %get3A_1984, %get3A_1989 : vector<16xf32>
      %add3A_1991 = arith.addf %get3A_1979, %mul3A_1990 : vector<16xf32>
      %swap3A_1992 = arith.constant 56 : i32
      %swap3A_1993 = arith.index_cast %swap3A_1992 : i32 to index
      %swap3A_1994 = arith.index_cast %mul3A_12 : i32 to index
      %swap3A_1995 = tpu.vector_load %arg12[%swap3A_1993, %swap3A_1994] {strides = array<i32>} : memref<64x256xf32, #tpu.memory_space<vmem>>, vector<1x16xf32>,
      %swap3A_1996 = vector.shape_cast %swap3A_1995 : vector<1x16xf32> to vector<16xf32>
      %swap3A_1997 = vector.shape_cast %add3A_1991 : vector<16xf32> to vector<1x16xf32>
      tpu.vector_store %arg12[%swap3A_1993, %swap3A_1994], %swap3A_1997 {strides = array<i32>} : memref<64x256xf32, #tpu.memory_space<vmem>>, vector<1x16xf32>,
      %gt3A_1998 = arith.cmpf ogt, %add3A_1991, %select_n3A_1971 : vector<16xf32>
      %gt3A_1999 = arith.cmpf ogt, %add3A_1991, %select_n3A_1966 : vector<16xf32>
      %select_n3A_2000 = arith.select %gt3A_1999, %add3A_1991, %select_n3A_1966 : vector<16xi1>, vector<16xf32>
      %select_n3A_2001 = arith.select %gt3A_1998, %select_n3A_1971, %select_n3A_2000 : vector<16xi1>, vector<16xf32>
      %jit3A_2002 = arith.constant 56 : i32
      %broadcast_in_dim3A_2003 = vector.broadcast %jit3A_2002 : i32 to vector<16xi32>
      %select_n3A_2004 = arith.select %gt3A_1999, %broadcast_in_dim3A_2003, %select_n3A_1970 : vector<16xi1>, vector<16xi32>
      %select_n3A_2005 = arith.select %gt3A_1998, %select_n3A_1974, %select_n3A_2004 : vector<16xi1>, vector<16xi32>
      %select_n3A_2006 = arith.select %gt3A_1998, %add3A_1991, %select_n3A_1971 : vector<16xi1>, vector<16xf32>
      %jit3A_2007 = arith.constant 56 : i32
      %broadcast_in_dim3A_2008 = vector.broadcast %jit3A_2007 : i32 to vector<16xi32>
      %select_n3A_2009 = arith.select %gt3A_1998, %broadcast_in_dim3A_2008, %select_n3A_1974 : vector<16xi1>, vector<16xi32>
      %get3A_2010 = arith.constant 57 : i32
      %get3A_2011 = arith.index_cast %get3A_2010 : i32 to index
      %get3A_2012 = arith.index_cast %mul3A_12 : i32 to index
      %get3A_2013 = tpu.vector_load %arg8[%get3A_2011, %get3A_2012] {strides = array<i32>} : memref<64x256xf32, #tpu.memory_space<vmem>>, vector<1x16xf32>,
      %get3A_2014 = vector.shape_cast %get3A_2013 : vector<1x16xf32> to vector<16xf32>
      %get3A_2015 = arith.constant 57 : i32
      %get3A_2016 = arith.index_cast %get3A_2015 : i32 to index
      %get3A_2017 = arith.index_cast %mul3A_12 : i32 to index
      %get3A_2018 = tpu.vector_load %arg10[%get3A_2016, %get3A_2017] {strides = array<i32>} : memref<64x256xf32, #tpu.memory_space<vmem>>, vector<1x16xf32>,
      %get3A_2019 = vector.shape_cast %get3A_2018 : vector<1x16xf32> to vector<16xf32>
      %get3A_2020 = arith.constant 57 : i32
      %get3A_2021 = arith.index_cast %get3A_2020 : i32 to index
      %get3A_2022 = arith.index_cast %mul3A_12 : i32 to index
      %get3A_2023 = tpu.vector_load %arg9[%get3A_2021, %get3A_2022] {strides = array<i32>} : memref<64x256xf32, #tpu.memory_space<vmem>>, vector<1x16xf32>,
      %get3A_2024 = vector.shape_cast %get3A_2023 : vector<1x16xf32> to vector<16xf32>
      %mul3A_2025 = arith.mulf %get3A_2019, %get3A_2024 : vector<16xf32>
      %add3A_2026 = arith.addf %get3A_2014, %mul3A_2025 : vector<16xf32>
      %swap3A_2027 = arith.constant 57 : i32
      %swap3A_2028 = arith.index_cast %swap3A_2027 : i32 to index
      %swap3A_2029 = arith.index_cast %mul3A_12 : i32 to index
      %swap3A_2030 = tpu.vector_load %arg12[%swap3A_2028, %swap3A_2029] {strides = array<i32>} : memref<64x256xf32, #tpu.memory_space<vmem>>, vector<1x16xf32>,
      %swap3A_2031 = vector.shape_cast %swap3A_2030 : vector<1x16xf32> to vector<16xf32>
      %swap3A_2032 = vector.shape_cast %add3A_2026 : vector<16xf32> to vector<1x16xf32>
      tpu.vector_store %arg12[%swap3A_2028, %swap3A_2029], %swap3A_2032 {strides = array<i32>} : memref<64x256xf32, #tpu.memory_space<vmem>>, vector<1x16xf32>,
      %gt3A_2033 = arith.cmpf ogt, %add3A_2026, %select_n3A_2006 : vector<16xf32>
      %gt3A_2034 = arith.cmpf ogt, %add3A_2026, %select_n3A_2001 : vector<16xf32>
      %select_n3A_2035 = arith.select %gt3A_2034, %add3A_2026, %select_n3A_2001 : vector<16xi1>, vector<16xf32>
      %select_n3A_2036 = arith.select %gt3A_2033, %select_n3A_2006, %select_n3A_2035 : vector<16xi1>, vector<16xf32>
      %jit3A_2037 = arith.constant 57 : i32
      %broadcast_in_dim3A_2038 = vector.broadcast %jit3A_2037 : i32 to vector<16xi32>
      %select_n3A_2039 = arith.select %gt3A_2034, %broadcast_in_dim3A_2038, %select_n3A_2005 : vector<16xi1>, vector<16xi32>
      %select_n3A_2040 = arith.select %gt3A_2033, %select_n3A_2009, %select_n3A_2039 : vector<16xi1>, vector<16xi32>
      %select_n3A_2041 = arith.select %gt3A_2033, %add3A_2026, %select_n3A_2006 : vector<16xi1>, vector<16xf32>
      %jit3A_2042 = arith.constant 57 : i32
      %broadcast_in_dim3A_2043 = vector.broadcast %jit3A_2042 : i32 to vector<16xi32>
      %select_n3A_2044 = arith.select %gt3A_2033, %broadcast_in_dim3A_2043, %select_n3A_2009 : vector<16xi1>, vector<16xi32>
      %get3A_2045 = arith.constant 58 : i32
      %get3A_2046 = arith.index_cast %get3A_2045 : i32 to index
      %get3A_2047 = arith.index_cast %mul3A_12 : i32 to index
      %get3A_2048 = tpu.vector_load %arg8[%get3A_2046, %get3A_2047] {strides = array<i32>} : memref<64x256xf32, #tpu.memory_space<vmem>>, vector<1x16xf32>,
      %get3A_2049 = vector.shape_cast %get3A_2048 : vector<1x16xf32> to vector<16xf32>
      %get3A_2050 = arith.constant 58 : i32
      %get3A_2051 = arith.index_cast %get3A_2050 : i32 to index
      %get3A_2052 = arith.index_cast %mul3A_12 : i32 to index
      %get3A_2053 = tpu.vector_load %arg10[%get3A_2051, %get3A_2052] {strides = array<i32>} : memref<64x256xf32, #tpu.memory_space<vmem>>, vector<1x16xf32>,
      %get3A_2054 = vector.shape_cast %get3A_2053 : vector<1x16xf32> to vector<16xf32>
      %get3A_2055 = arith.constant 58 : i32
      %get3A_2056 = arith.index_cast %get3A_2055 : i32 to index
      %get3A_2057 = arith.index_cast %mul3A_12 : i32 to index
      %get3A_2058 = tpu.vector_load %arg9[%get3A_2056, %get3A_2057] {strides = array<i32>} : memref<64x256xf32, #tpu.memory_space<vmem>>, vector<1x16xf32>,
      %get3A_2059 = vector.shape_cast %get3A_2058 : vector<1x16xf32> to vector<16xf32>
      %mul3A_2060 = arith.mulf %get3A_2054, %get3A_2059 : vector<16xf32>
      %add3A_2061 = arith.addf %get3A_2049, %mul3A_2060 : vector<16xf32>
      %swap3A_2062 = arith.constant 58 : i32
      %swap3A_2063 = arith.index_cast %swap3A_2062 : i32 to index
      %swap3A_2064 = arith.index_cast %mul3A_12 : i32 to index
      %swap3A_2065 = tpu.vector_load %arg12[%swap3A_2063, %swap3A_2064] {strides = array<i32>} : memref<64x256xf32, #tpu.memory_space<vmem>>, vector<1x16xf32>,
      %swap3A_2066 = vector.shape_cast %swap3A_2065 : vector<1x16xf32> to vector<16xf32>
      %swap3A_2067 = vector.shape_cast %add3A_2061 : vector<16xf32> to vector<1x16xf32>
      tpu.vector_store %arg12[%swap3A_2063, %swap3A_2064], %swap3A_2067 {strides = array<i32>} : memref<64x256xf32, #tpu.memory_space<vmem>>, vector<1x16xf32>,
      %gt3A_2068 = arith.cmpf ogt, %add3A_2061, %select_n3A_2041 : vector<16xf32>
      %gt3A_2069 = arith.cmpf ogt, %add3A_2061, %select_n3A_2036 : vector<16xf32>
      %select_n3A_2070 = arith.select %gt3A_2069, %add3A_2061, %select_n3A_2036 : vector<16xi1>, vector<16xf32>
      %select_n3A_2071 = arith.select %gt3A_2068, %select_n3A_2041, %select_n3A_2070 : vector<16xi1>, vector<16xf32>
      %jit3A_2072 = arith.constant 58 : i32
      %broadcast_in_dim3A_2073 = vector.broadcast %jit3A_2072 : i32 to vector<16xi32>
      %select_n3A_2074 = arith.select %gt3A_2069, %broadcast_in_dim3A_2073, %select_n3A_2040 : vector<16xi1>, vector<16xi32>
      %select_n3A_2075 = arith.select %gt3A_2068, %select_n3A_2044, %select_n3A_2074 : vector<16xi1>, vector<16xi32>
      %select_n3A_2076 = arith.select %gt3A_2068, %add3A_2061, %select_n3A_2041 : vector<16xi1>, vector<16xf32>
      %jit3A_2077 = arith.constant 58 : i32
      %broadcast_in_dim3A_2078 = vector.broadcast %jit3A_2077 : i32 to vector<16xi32>
      %select_n3A_2079 = arith.select %gt3A_2068, %broadcast_in_dim3A_2078, %select_n3A_2044 : vector<16xi1>, vector<16xi32>
      %get3A_2080 = arith.constant 59 : i32
      %get3A_2081 = arith.index_cast %get3A_2080 : i32 to index
      %get3A_2082 = arith.index_cast %mul3A_12 : i32 to index
      %get3A_2083 = tpu.vector_load %arg8[%get3A_2081, %get3A_2082] {strides = array<i32>} : memref<64x256xf32, #tpu.memory_space<vmem>>, vector<1x16xf32>,
      %get3A_2084 = vector.shape_cast %get3A_2083 : vector<1x16xf32> to vector<16xf32>
      %get3A_2085 = arith.constant 59 : i32
      %get3A_2086 = arith.index_cast %get3A_2085 : i32 to index
      %get3A_2087 = arith.index_cast %mul3A_12 : i32 to index
      %get3A_2088 = tpu.vector_load %arg10[%get3A_2086, %get3A_2087] {strides = array<i32>} : memref<64x256xf32, #tpu.memory_space<vmem>>, vector<1x16xf32>,
      %get3A_2089 = vector.shape_cast %get3A_2088 : vector<1x16xf32> to vector<16xf32>
      %get3A_2090 = arith.constant 59 : i32
      %get3A_2091 = arith.index_cast %get3A_2090 : i32 to index
      %get3A_2092 = arith.index_cast %mul3A_12 : i32 to index
      %get3A_2093 = tpu.vector_load %arg9[%get3A_2091, %get3A_2092] {strides = array<i32>} : memref<64x256xf32, #tpu.memory_space<vmem>>, vector<1x16xf32>,
      %get3A_2094 = vector.shape_cast %get3A_2093 : vector<1x16xf32> to vector<16xf32>
      %mul3A_2095 = arith.mulf %get3A_2089, %get3A_2094 : vector<16xf32>
      %add3A_2096 = arith.addf %get3A_2084, %mul3A_2095 : vector<16xf32>
      %swap3A_2097 = arith.constant 59 : i32
      %swap3A_2098 = arith.index_cast %swap3A_2097 : i32 to index
      %swap3A_2099 = arith.index_cast %mul3A_12 : i32 to index
      %swap3A_2100 = tpu.vector_load %arg12[%swap3A_2098, %swap3A_2099] {strides = array<i32>} : memref<64x256xf32, #tpu.memory_space<vmem>>, vector<1x16xf32>,
      %swap3A_2101 = vector.shape_cast %swap3A_2100 : vector<1x16xf32> to vector<16xf32>
      %swap3A_2102 = vector.shape_cast %add3A_2096 : vector<16xf32> to vector<1x16xf32>
      tpu.vector_store %arg12[%swap3A_2098, %swap3A_2099], %swap3A_2102 {strides = array<i32>} : memref<64x256xf32, #tpu.memory_space<vmem>>, vector<1x16xf32>,
      %gt3A_2103 = arith.cmpf ogt, %add3A_2096, %select_n3A_2076 : vector<16xf32>
      %gt3A_2104 = arith.cmpf ogt, %add3A_2096, %select_n3A_2071 : vector<16xf32>
      %select_n3A_2105 = arith.select %gt3A_2104, %add3A_2096, %select_n3A_2071 : vector<16xi1>, vector<16xf32>
      %select_n3A_2106 = arith.select %gt3A_2103, %select_n3A_2076, %select_n3A_2105 : vector<16xi1>, vector<16xf32>
      %jit3A_2107 = arith.constant 59 : i32
      %broadcast_in_dim3A_2108 = vector.broadcast %jit3A_2107 : i32 to vector<16xi32>
      %select_n3A_2109 = arith.select %gt3A_2104, %broadcast_in_dim3A_2108, %select_n3A_2075 : vector<16xi1>, vector<16xi32>
      %select_n3A_2110 = arith.select %gt3A_2103, %select_n3A_2079, %select_n3A_2109 : vector<16xi1>, vector<16xi32>
      %select_n3A_2111 = arith.select %gt3A_2103, %add3A_2096, %select_n3A_2076 : vector<16xi1>, vector<16xf32>
      %jit3A_2112 = arith.constant 59 : i32
      %broadcast_in_dim3A_2113 = vector.broadcast %jit3A_2112 : i32 to vector<16xi32>
      %select_n3A_2114 = arith.select %gt3A_2103, %broadcast_in_dim3A_2113, %select_n3A_2079 : vector<16xi1>, vector<16xi32>
      %get3A_2115 = arith.constant 60 : i32
      %get3A_2116 = arith.index_cast %get3A_2115 : i32 to index
      %get3A_2117 = arith.index_cast %mul3A_12 : i32 to index
      %get3A_2118 = tpu.vector_load %arg8[%get3A_2116, %get3A_2117] {strides = array<i32>} : memref<64x256xf32, #tpu.memory_space<vmem>>, vector<1x16xf32>,
      %get3A_2119 = vector.shape_cast %get3A_2118 : vector<1x16xf32> to vector<16xf32>
      %get3A_2120 = arith.constant 60 : i32
      %get3A_2121 = arith.index_cast %get3A_2120 : i32 to index
      %get3A_2122 = arith.index_cast %mul3A_12 : i32 to index
      %get3A_2123 = tpu.vector_load %arg10[%get3A_2121, %get3A_2122] {strides = array<i32>} : memref<64x256xf32, #tpu.memory_space<vmem>>, vector<1x16xf32>,
      %get3A_2124 = vector.shape_cast %get3A_2123 : vector<1x16xf32> to vector<16xf32>
      %get3A_2125 = arith.constant 60 : i32
      %get3A_2126 = arith.index_cast %get3A_2125 : i32 to index
      %get3A_2127 = arith.index_cast %mul3A_12 : i32 to index
      %get3A_2128 = tpu.vector_load %arg9[%get3A_2126, %get3A_2127] {strides = array<i32>} : memref<64x256xf32, #tpu.memory_space<vmem>>, vector<1x16xf32>,
      %get3A_2129 = vector.shape_cast %get3A_2128 : vector<1x16xf32> to vector<16xf32>
      %mul3A_2130 = arith.mulf %get3A_2124, %get3A_2129 : vector<16xf32>
      %add3A_2131 = arith.addf %get3A_2119, %mul3A_2130 : vector<16xf32>
      %swap3A_2132 = arith.constant 60 : i32
      %swap3A_2133 = arith.index_cast %swap3A_2132 : i32 to index
      %swap3A_2134 = arith.index_cast %mul3A_12 : i32 to index
      %swap3A_2135 = tpu.vector_load %arg12[%swap3A_2133, %swap3A_2134] {strides = array<i32>} : memref<64x256xf32, #tpu.memory_space<vmem>>, vector<1x16xf32>,
      %swap3A_2136 = vector.shape_cast %swap3A_2135 : vector<1x16xf32> to vector<16xf32>
      %swap3A_2137 = vector.shape_cast %add3A_2131 : vector<16xf32> to vector<1x16xf32>
      tpu.vector_store %arg12[%swap3A_2133, %swap3A_2134], %swap3A_2137 {strides = array<i32>} : memref<64x256xf32, #tpu.memory_space<vmem>>, vector<1x16xf32>,
      %gt3A_2138 = arith.cmpf ogt, %add3A_2131, %select_n3A_2111 : vector<16xf32>
      %gt3A_2139 = arith.cmpf ogt, %add3A_2131, %select_n3A_2106 : vector<16xf32>
      %select_n3A_2140 = arith.select %gt3A_2139, %add3A_2131, %select_n3A_2106 : vector<16xi1>, vector<16xf32>
      %select_n3A_2141 = arith.select %gt3A_2138, %select_n3A_2111, %select_n3A_2140 : vector<16xi1>, vector<16xf32>
      %jit3A_2142 = arith.constant 60 : i32
      %broadcast_in_dim3A_2143 = vector.broadcast %jit3A_2142 : i32 to vector<16xi32>
      %select_n3A_2144 = arith.select %gt3A_2139, %broadcast_in_dim3A_2143, %select_n3A_2110 : vector<16xi1>, vector<16xi32>
      %select_n3A_2145 = arith.select %gt3A_2138, %select_n3A_2114, %select_n3A_2144 : vector<16xi1>, vector<16xi32>
      %select_n3A_2146 = arith.select %gt3A_2138, %add3A_2131, %select_n3A_2111 : vector<16xi1>, vector<16xf32>
      %jit3A_2147 = arith.constant 60 : i32
      %broadcast_in_dim3A_2148 = vector.broadcast %jit3A_2147 : i32 to vector<16xi32>
      %select_n3A_2149 = arith.select %gt3A_2138, %broadcast_in_dim3A_2148, %select_n3A_2114 : vector<16xi1>, vector<16xi32>
      %get3A_2150 = arith.constant 61 : i32
      %get3A_2151 = arith.index_cast %get3A_2150 : i32 to index
      %get3A_2152 = arith.index_cast %mul3A_12 : i32 to index
      %get3A_2153 = tpu.vector_load %arg8[%get3A_2151, %get3A_2152] {strides = array<i32>} : memref<64x256xf32, #tpu.memory_space<vmem>>, vector<1x16xf32>,
      %get3A_2154 = vector.shape_cast %get3A_2153 : vector<1x16xf32> to vector<16xf32>
      %get3A_2155 = arith.constant 61 : i32
      %get3A_2156 = arith.index_cast %get3A_2155 : i32 to index
      %get3A_2157 = arith.index_cast %mul3A_12 : i32 to index
      %get3A_2158 = tpu.vector_load %arg10[%get3A_2156, %get3A_2157] {strides = array<i32>} : memref<64x256xf32, #tpu.memory_space<vmem>>, vector<1x16xf32>,
      %get3A_2159 = vector.shape_cast %get3A_2158 : vector<1x16xf32> to vector<16xf32>
      %get3A_2160 = arith.constant 61 : i32
      %get3A_2161 = arith.index_cast %get3A_2160 : i32 to index
      %get3A_2162 = arith.index_cast %mul3A_12 : i32 to index
      %get3A_2163 = tpu.vector_load %arg9[%get3A_2161, %get3A_2162] {strides = array<i32>} : memref<64x256xf32, #tpu.memory_space<vmem>>, vector<1x16xf32>,
      %get3A_2164 = vector.shape_cast %get3A_2163 : vector<1x16xf32> to vector<16xf32>
      %mul3A_2165 = arith.mulf %get3A_2159, %get3A_2164 : vector<16xf32>
      %add3A_2166 = arith.addf %get3A_2154, %mul3A_2165 : vector<16xf32>
      %swap3A_2167 = arith.constant 61 : i32
      %swap3A_2168 = arith.index_cast %swap3A_2167 : i32 to index
      %swap3A_2169 = arith.index_cast %mul3A_12 : i32 to index
      %swap3A_2170 = tpu.vector_load %arg12[%swap3A_2168, %swap3A_2169] {strides = array<i32>} : memref<64x256xf32, #tpu.memory_space<vmem>>, vector<1x16xf32>,
      %swap3A_2171 = vector.shape_cast %swap3A_2170 : vector<1x16xf32> to vector<16xf32>
      %swap3A_2172 = vector.shape_cast %add3A_2166 : vector<16xf32> to vector<1x16xf32>
      tpu.vector_store %arg12[%swap3A_2168, %swap3A_2169], %swap3A_2172 {strides = array<i32>} : memref<64x256xf32, #tpu.memory_space<vmem>>, vector<1x16xf32>,
      %gt3A_2173 = arith.cmpf ogt, %add3A_2166, %select_n3A_2146 : vector<16xf32>
      %gt3A_2174 = arith.cmpf ogt, %add3A_2166, %select_n3A_2141 : vector<16xf32>
      %select_n3A_2175 = arith.select %gt3A_2174, %add3A_2166, %select_n3A_2141 : vector<16xi1>, vector<16xf32>
      %select_n3A_2176 = arith.select %gt3A_2173, %select_n3A_2146, %select_n3A_2175 : vector<16xi1>, vector<16xf32>
      %jit3A_2177 = arith.constant 61 : i32
      %broadcast_in_dim3A_2178 = vector.broadcast %jit3A_2177 : i32 to vector<16xi32>
      %select_n3A_2179 = arith.select %gt3A_2174, %broadcast_in_dim3A_2178, %select_n3A_2145 : vector<16xi1>, vector<16xi32>
      %select_n3A_2180 = arith.select %gt3A_2173, %select_n3A_2149, %select_n3A_2179 : vector<16xi1>, vector<16xi32>
      %select_n3A_2181 = arith.select %gt3A_2173, %add3A_2166, %select_n3A_2146 : vector<16xi1>, vector<16xf32>
      %jit3A_2182 = arith.constant 61 : i32
      %broadcast_in_dim3A_2183 = vector.broadcast %jit3A_2182 : i32 to vector<16xi32>
      %select_n3A_2184 = arith.select %gt3A_2173, %broadcast_in_dim3A_2183, %select_n3A_2149 : vector<16xi1>, vector<16xi32>
      %get3A_2185 = arith.constant 62 : i32
      %get3A_2186 = arith.index_cast %get3A_2185 : i32 to index
      %get3A_2187 = arith.index_cast %mul3A_12 : i32 to index
      %get3A_2188 = tpu.vector_load %arg8[%get3A_2186, %get3A_2187] {strides = array<i32>} : memref<64x256xf32, #tpu.memory_space<vmem>>, vector<1x16xf32>,
      %get3A_2189 = vector.shape_cast %get3A_2188 : vector<1x16xf32> to vector<16xf32>
      %get3A_2190 = arith.constant 62 : i32
      %get3A_2191 = arith.index_cast %get3A_2190 : i32 to index
      %get3A_2192 = arith.index_cast %mul3A_12 : i32 to index
      %get3A_2193 = tpu.vector_load %arg10[%get3A_2191, %get3A_2192] {strides = array<i32>} : memref<64x256xf32, #tpu.memory_space<vmem>>, vector<1x16xf32>,
      %get3A_2194 = vector.shape_cast %get3A_2193 : vector<1x16xf32> to vector<16xf32>
      %get3A_2195 = arith.constant 62 : i32
      %get3A_2196 = arith.index_cast %get3A_2195 : i32 to index
      %get3A_2197 = arith.index_cast %mul3A_12 : i32 to index
      %get3A_2198 = tpu.vector_load %arg9[%get3A_2196, %get3A_2197] {strides = array<i32>} : memref<64x256xf32, #tpu.memory_space<vmem>>, vector<1x16xf32>,
      %get3A_2199 = vector.shape_cast %get3A_2198 : vector<1x16xf32> to vector<16xf32>
      %mul3A_2200 = arith.mulf %get3A_2194, %get3A_2199 : vector<16xf32>
      %add3A_2201 = arith.addf %get3A_2189, %mul3A_2200 : vector<16xf32>
      %swap3A_2202 = arith.constant 62 : i32
      %swap3A_2203 = arith.index_cast %swap3A_2202 : i32 to index
      %swap3A_2204 = arith.index_cast %mul3A_12 : i32 to index
      %swap3A_2205 = tpu.vector_load %arg12[%swap3A_2203, %swap3A_2204] {strides = array<i32>} : memref<64x256xf32, #tpu.memory_space<vmem>>, vector<1x16xf32>,
      %swap3A_2206 = vector.shape_cast %swap3A_2205 : vector<1x16xf32> to vector<16xf32>
      %swap3A_2207 = vector.shape_cast %add3A_2201 : vector<16xf32> to vector<1x16xf32>
      tpu.vector_store %arg12[%swap3A_2203, %swap3A_2204], %swap3A_2207 {strides = array<i32>} : memref<64x256xf32, #tpu.memory_space<vmem>>, vector<1x16xf32>,
      %gt3A_2208 = arith.cmpf ogt, %add3A_2201, %select_n3A_2181 : vector<16xf32>
      %gt3A_2209 = arith.cmpf ogt, %add3A_2201, %select_n3A_2176 : vector<16xf32>
      %select_n3A_2210 = arith.select %gt3A_2209, %add3A_2201, %select_n3A_2176 : vector<16xi1>, vector<16xf32>
      %select_n3A_2211 = arith.select %gt3A_2208, %select_n3A_2181, %select_n3A_2210 : vector<16xi1>, vector<16xf32>
      %jit3A_2212 = arith.constant 62 : i32
      %broadcast_in_dim3A_2213 = vector.broadcast %jit3A_2212 : i32 to vector<16xi32>
      %select_n3A_2214 = arith.select %gt3A_2209, %broadcast_in_dim3A_2213, %select_n3A_2180 : vector<16xi1>, vector<16xi32>
      %select_n3A_2215 = arith.select %gt3A_2208, %select_n3A_2184, %select_n3A_2214 : vector<16xi1>, vector<16xi32>
      %select_n3A_2216 = arith.select %gt3A_2208, %add3A_2201, %select_n3A_2181 : vector<16xi1>, vector<16xf32>
      %jit3A_2217 = arith.constant 62 : i32
      %broadcast_in_dim3A_2218 = vector.broadcast %jit3A_2217 : i32 to vector<16xi32>
      %select_n3A_2219 = arith.select %gt3A_2208, %broadcast_in_dim3A_2218, %select_n3A_2184 : vector<16xi1>, vector<16xi32>
      %get3A_2220 = arith.constant 63 : i32
      %get3A_2221 = arith.index_cast %get3A_2220 : i32 to index
      %get3A_2222 = arith.index_cast %mul3A_12 : i32 to index
      %get3A_2223 = tpu.vector_load %arg8[%get3A_2221, %get3A_2222] {strides = array<i32>} : memref<64x256xf32, #tpu.memory_space<vmem>>, vector<1x16xf32>,
      %get3A_2224 = vector.shape_cast %get3A_2223 : vector<1x16xf32> to vector<16xf32>
      %get3A_2225 = arith.constant 63 : i32
      %get3A_2226 = arith.index_cast %get3A_2225 : i32 to index
      %get3A_2227 = arith.index_cast %mul3A_12 : i32 to index
      %get3A_2228 = tpu.vector_load %arg10[%get3A_2226, %get3A_2227] {strides = array<i32>} : memref<64x256xf32, #tpu.memory_space<vmem>>, vector<1x16xf32>,
      %get3A_2229 = vector.shape_cast %get3A_2228 : vector<1x16xf32> to vector<16xf32>
      %get3A_2230 = arith.constant 63 : i32
      %get3A_2231 = arith.index_cast %get3A_2230 : i32 to index
      %get3A_2232 = arith.index_cast %mul3A_12 : i32 to index
      %get3A_2233 = tpu.vector_load %arg9[%get3A_2231, %get3A_2232] {strides = array<i32>} : memref<64x256xf32, #tpu.memory_space<vmem>>, vector<1x16xf32>,
      %get3A_2234 = vector.shape_cast %get3A_2233 : vector<1x16xf32> to vector<16xf32>
      %mul3A_2235 = arith.mulf %get3A_2229, %get3A_2234 : vector<16xf32>
      %add3A_2236 = arith.addf %get3A_2224, %mul3A_2235 : vector<16xf32>
      %swap3A_2237 = arith.constant 63 : i32
      %swap3A_2238 = arith.index_cast %swap3A_2237 : i32 to index
      %swap3A_2239 = arith.index_cast %mul3A_12 : i32 to index
      %swap3A_2240 = tpu.vector_load %arg12[%swap3A_2238, %swap3A_2239] {strides = array<i32>} : memref<64x256xf32, #tpu.memory_space<vmem>>, vector<1x16xf32>,
      %swap3A_2241 = vector.shape_cast %swap3A_2240 : vector<1x16xf32> to vector<16xf32>
      %swap3A_2242 = vector.shape_cast %add3A_2236 : vector<16xf32> to vector<1x16xf32>
      tpu.vector_store %arg12[%swap3A_2238, %swap3A_2239], %swap3A_2242 {strides = array<i32>} : memref<64x256xf32, #tpu.memory_space<vmem>>, vector<1x16xf32>,
      %gt3A_2243 = arith.cmpf ogt, %add3A_2236, %select_n3A_2216 : vector<16xf32>
      %gt3A_2244 = arith.cmpf ogt, %add3A_2236, %select_n3A_2211 : vector<16xf32>
      %select_n3A_2245 = arith.select %gt3A_2244, %add3A_2236, %select_n3A_2211 : vector<16xi1>, vector<16xf32>
      %select_n3A_2246 = arith.select %gt3A_2243, %select_n3A_2216, %select_n3A_2245 : vector<16xi1>, vector<16xf32>
      %jit3A_2247 = arith.constant 63 : i32
      %broadcast_in_dim3A_2248 = vector.broadcast %jit3A_2247 : i32 to vector<16xi32>
      %select_n3A_2249 = arith.select %gt3A_2244, %broadcast_in_dim3A_2248, %select_n3A_2215 : vector<16xi1>, vector<16xi32>
      %select_n3A_2250 = arith.select %gt3A_2243, %select_n3A_2219, %select_n3A_2249 : vector<16xi1>, vector<16xi32>
      %select_n3A_2251 = arith.select %gt3A_2243, %add3A_2236, %select_n3A_2216 : vector<16xi1>, vector<16xf32>
      %jit3A_2252 = arith.constant 63 : i32
      %broadcast_in_dim3A_2253 = vector.broadcast %jit3A_2252 : i32 to vector<16xi32>
      %select_n3A_2254 = arith.select %gt3A_2243, %broadcast_in_dim3A_2253, %select_n3A_2219 : vector<16xi1>, vector<16xi32>
      %sub3A = arith.subf %select_n3A_2246, %select_n3A_2251 : vector<16xf32>
      %exp3A = math.exp %sub3A : vector<16xf32>
      %add3A_2255 = arith.constant 1.000000e+00 : f32
      %add3A_2256 = vector.broadcast %add3A_2255 : f32 to vector<16xf32>
      %add3A_2257 = arith.addf %add3A_2256, %exp3A : vector<16xf32>
      %div3A = arith.constant 1.000000e+00 : f32
      %div3A_2258 = vector.broadcast %div3A : f32 to vector<16xf32>
      %div3A_2259 = arith.divf %div3A_2258, %add3A_2257 : vector<16xf32>
      %div3A_2260 = arith.divf %exp3A, %add3A_2257 : vector<16xf32>
      %broadcast_in_dim3A_2261 = arith.constant 0.000000e+00 : f32
      %broadcast_in_dim3A_2262 = vector.broadcast %broadcast_in_dim3A_2261 : f32 to vector<16xf32>
      %eq3A = arith.constant 0 : i32
      %eq3A_2263 = vector.broadcast %eq3A : i32 to vector<16xi32>
      %eq3A_2264 = arith.cmpi eq, %select_n3A_2254, %eq3A_2263 : vector<16xi32>
      %eq3A_2265 = arith.constant 0 : i32
      %eq3A_2266 = vector.broadcast %eq3A_2265 : i32 to vector<16xi32>
      %eq3A_2267 = arith.cmpi eq, %select_n3A_2250, %eq3A_2266 : vector<16xi32>
      %select_n3A_2268 = arith.select %eq3A_2267, %div3A_2260, %broadcast_in_dim3A_2262 : vector<16xi1>, vector<16xf32>
      %select_n3A_2269 = arith.select %eq3A_2264, %div3A_2259, %select_n3A_2268 : vector<16xi1>, vector<16xf32>
      %swap3A_2270 = arith.constant 0 : i32
      %swap3A_2271 = arith.index_cast %swap3A_2270 : i32 to index
      %swap3A_2272 = arith.index_cast %mul3A_12 : i32 to index
      %swap3A_2273 = tpu.vector_load %arg11[%swap3A_2271, %swap3A_2272] {strides = array<i32>} : memref<64x256xf32, #tpu.memory_space<vmem>>, vector<1x16xf32>,
      %swap3A_2274 = vector.shape_cast %swap3A_2273 : vector<1x16xf32> to vector<16xf32>
      %swap3A_2275 = vector.shape_cast %select_n3A_2269 : vector<16xf32> to vector<1x16xf32>
      tpu.vector_store %arg11[%swap3A_2271, %swap3A_2272], %swap3A_2275 {strides = array<i32>} : memref<64x256xf32, #tpu.memory_space<vmem>>, vector<1x16xf32>,
      %eq3A_2276 = arith.constant 1 : i32
      %eq3A_2277 = vector.broadcast %eq3A_2276 : i32 to vector<16xi32>
      %eq3A_2278 = arith.cmpi eq, %select_n3A_2254, %eq3A_2277 : vector<16xi32>
      %eq3A_2279 = arith.constant 1 : i32
      %eq3A_2280 = vector.broadcast %eq3A_2279 : i32 to vector<16xi32>
      %eq3A_2281 = arith.cmpi eq, %select_n3A_2250, %eq3A_2280 : vector<16xi32>
      %select_n3A_2282 = arith.select %eq3A_2281, %div3A_2260, %broadcast_in_dim3A_2262 : vector<16xi1>, vector<16xf32>
      %select_n3A_2283 = arith.select %eq3A_2278, %div3A_2259, %select_n3A_2282 : vector<16xi1>, vector<16xf32>
      %swap3A_2284 = arith.constant 1 : i32
      %swap3A_2285 = arith.index_cast %swap3A_2284 : i32 to index
      %swap3A_2286 = arith.index_cast %mul3A_12 : i32 to index
      %swap3A_2287 = tpu.vector_load %arg11[%swap3A_2285, %swap3A_2286] {strides = array<i32>} : memref<64x256xf32, #tpu.memory_space<vmem>>, vector<1x16xf32>,
      %swap3A_2288 = vector.shape_cast %swap3A_2287 : vector<1x16xf32> to vector<16xf32>
      %swap3A_2289 = vector.shape_cast %select_n3A_2283 : vector<16xf32> to vector<1x16xf32>
      tpu.vector_store %arg11[%swap3A_2285, %swap3A_2286], %swap3A_2289 {strides = array<i32>} : memref<64x256xf32, #tpu.memory_space<vmem>>, vector<1x16xf32>,
      %eq3A_2290 = arith.constant 2 : i32
      %eq3A_2291 = vector.broadcast %eq3A_2290 : i32 to vector<16xi32>
      %eq3A_2292 = arith.cmpi eq, %select_n3A_2254, %eq3A_2291 : vector<16xi32>
      %eq3A_2293 = arith.constant 2 : i32
      %eq3A_2294 = vector.broadcast %eq3A_2293 : i32 to vector<16xi32>
      %eq3A_2295 = arith.cmpi eq, %select_n3A_2250, %eq3A_2294 : vector<16xi32>
      %select_n3A_2296 = arith.select %eq3A_2295, %div3A_2260, %broadcast_in_dim3A_2262 : vector<16xi1>, vector<16xf32>
      %select_n3A_2297 = arith.select %eq3A_2292, %div3A_2259, %select_n3A_2296 : vector<16xi1>, vector<16xf32>
      %swap3A_2298 = arith.constant 2 : i32
      %swap3A_2299 = arith.index_cast %swap3A_2298 : i32 to index
      %swap3A_2300 = arith.index_cast %mul3A_12 : i32 to index
      %swap3A_2301 = tpu.vector_load %arg11[%swap3A_2299, %swap3A_2300] {strides = array<i32>} : memref<64x256xf32, #tpu.memory_space<vmem>>, vector<1x16xf32>,
      %swap3A_2302 = vector.shape_cast %swap3A_2301 : vector<1x16xf32> to vector<16xf32>
      %swap3A_2303 = vector.shape_cast %select_n3A_2297 : vector<16xf32> to vector<1x16xf32>
      tpu.vector_store %arg11[%swap3A_2299, %swap3A_2300], %swap3A_2303 {strides = array<i32>} : memref<64x256xf32, #tpu.memory_space<vmem>>, vector<1x16xf32>,
      %eq3A_2304 = arith.constant 3 : i32
      %eq3A_2305 = vector.broadcast %eq3A_2304 : i32 to vector<16xi32>
      %eq3A_2306 = arith.cmpi eq, %select_n3A_2254, %eq3A_2305 : vector<16xi32>
      %eq3A_2307 = arith.constant 3 : i32
      %eq3A_2308 = vector.broadcast %eq3A_2307 : i32 to vector<16xi32>
      %eq3A_2309 = arith.cmpi eq, %select_n3A_2250, %eq3A_2308 : vector<16xi32>
      %select_n3A_2310 = arith.select %eq3A_2309, %div3A_2260, %broadcast_in_dim3A_2262 : vector<16xi1>, vector<16xf32>
      %select_n3A_2311 = arith.select %eq3A_2306, %div3A_2259, %select_n3A_2310 : vector<16xi1>, vector<16xf32>
      %swap3A_2312 = arith.constant 3 : i32
      %swap3A_2313 = arith.index_cast %swap3A_2312 : i32 to index
      %swap3A_2314 = arith.index_cast %mul3A_12 : i32 to index
      %swap3A_2315 = tpu.vector_load %arg11[%swap3A_2313, %swap3A_2314] {strides = array<i32>} : memref<64x256xf32, #tpu.memory_space<vmem>>, vector<1x16xf32>,
      %swap3A_2316 = vector.shape_cast %swap3A_2315 : vector<1x16xf32> to vector<16xf32>
      %swap3A_2317 = vector.shape_cast %select_n3A_2311 : vector<16xf32> to vector<1x16xf32>
      tpu.vector_store %arg11[%swap3A_2313, %swap3A_2314], %swap3A_2317 {strides = array<i32>} : memref<64x256xf32, #tpu.memory_space<vmem>>, vector<1x16xf32>,
      %eq3A_2318 = arith.constant 4 : i32
      %eq3A_2319 = vector.broadcast %eq3A_2318 : i32 to vector<16xi32>
      %eq3A_2320 = arith.cmpi eq, %select_n3A_2254, %eq3A_2319 : vector<16xi32>
      %eq3A_2321 = arith.constant 4 : i32
      %eq3A_2322 = vector.broadcast %eq3A_2321 : i32 to vector<16xi32>
      %eq3A_2323 = arith.cmpi eq, %select_n3A_2250, %eq3A_2322 : vector<16xi32>
      %select_n3A_2324 = arith.select %eq3A_2323, %div3A_2260, %broadcast_in_dim3A_2262 : vector<16xi1>, vector<16xf32>
      %select_n3A_2325 = arith.select %eq3A_2320, %div3A_2259, %select_n3A_2324 : vector<16xi1>, vector<16xf32>
      %swap3A_2326 = arith.constant 4 : i32
      %swap3A_2327 = arith.index_cast %swap3A_2326 : i32 to index
      %swap3A_2328 = arith.index_cast %mul3A_12 : i32 to index
      %swap3A_2329 = tpu.vector_load %arg11[%swap3A_2327, %swap3A_2328] {strides = array<i32>} : memref<64x256xf32, #tpu.memory_space<vmem>>, vector<1x16xf32>,
      %swap3A_2330 = vector.shape_cast %swap3A_2329 : vector<1x16xf32> to vector<16xf32>
      %swap3A_2331 = vector.shape_cast %select_n3A_2325 : vector<16xf32> to vector<1x16xf32>
      tpu.vector_store %arg11[%swap3A_2327, %swap3A_2328], %swap3A_2331 {strides = array<i32>} : memref<64x256xf32, #tpu.memory_space<vmem>>, vector<1x16xf32>,
      %eq3A_2332 = arith.constant 5 : i32
      %eq3A_2333 = vector.broadcast %eq3A_2332 : i32 to vector<16xi32>
      %eq3A_2334 = arith.cmpi eq, %select_n3A_2254, %eq3A_2333 : vector<16xi32>
      %eq3A_2335 = arith.constant 5 : i32
      %eq3A_2336 = vector.broadcast %eq3A_2335 : i32 to vector<16xi32>
      %eq3A_2337 = arith.cmpi eq, %select_n3A_2250, %eq3A_2336 : vector<16xi32>
      %select_n3A_2338 = arith.select %eq3A_2337, %div3A_2260, %broadcast_in_dim3A_2262 : vector<16xi1>, vector<16xf32>
      %select_n3A_2339 = arith.select %eq3A_2334, %div3A_2259, %select_n3A_2338 : vector<16xi1>, vector<16xf32>
      %swap3A_2340 = arith.constant 5 : i32
      %swap3A_2341 = arith.index_cast %swap3A_2340 : i32 to index
      %swap3A_2342 = arith.index_cast %mul3A_12 : i32 to index
      %swap3A_2343 = tpu.vector_load %arg11[%swap3A_2341, %swap3A_2342] {strides = array<i32>} : memref<64x256xf32, #tpu.memory_space<vmem>>, vector<1x16xf32>,
      %swap3A_2344 = vector.shape_cast %swap3A_2343 : vector<1x16xf32> to vector<16xf32>
      %swap3A_2345 = vector.shape_cast %select_n3A_2339 : vector<16xf32> to vector<1x16xf32>
      tpu.vector_store %arg11[%swap3A_2341, %swap3A_2342], %swap3A_2345 {strides = array<i32>} : memref<64x256xf32, #tpu.memory_space<vmem>>, vector<1x16xf32>,
      %eq3A_2346 = arith.constant 6 : i32
      %eq3A_2347 = vector.broadcast %eq3A_2346 : i32 to vector<16xi32>
      %eq3A_2348 = arith.cmpi eq, %select_n3A_2254, %eq3A_2347 : vector<16xi32>
      %eq3A_2349 = arith.constant 6 : i32
      %eq3A_2350 = vector.broadcast %eq3A_2349 : i32 to vector<16xi32>
      %eq3A_2351 = arith.cmpi eq, %select_n3A_2250, %eq3A_2350 : vector<16xi32>
      %select_n3A_2352 = arith.select %eq3A_2351, %div3A_2260, %broadcast_in_dim3A_2262 : vector<16xi1>, vector<16xf32>
      %select_n3A_2353 = arith.select %eq3A_2348, %div3A_2259, %select_n3A_2352 : vector<16xi1>, vector<16xf32>
      %swap3A_2354 = arith.constant 6 : i32
      %swap3A_2355 = arith.index_cast %swap3A_2354 : i32 to index
      %swap3A_2356 = arith.index_cast %mul3A_12 : i32 to index
      %swap3A_2357 = tpu.vector_load %arg11[%swap3A_2355, %swap3A_2356] {strides = array<i32>} : memref<64x256xf32, #tpu.memory_space<vmem>>, vector<1x16xf32>,
      %swap3A_2358 = vector.shape_cast %swap3A_2357 : vector<1x16xf32> to vector<16xf32>
      %swap3A_2359 = vector.shape_cast %select_n3A_2353 : vector<16xf32> to vector<1x16xf32>
      tpu.vector_store %arg11[%swap3A_2355, %swap3A_2356], %swap3A_2359 {strides = array<i32>} : memref<64x256xf32, #tpu.memory_space<vmem>>, vector<1x16xf32>,
      %eq3A_2360 = arith.constant 7 : i32
      %eq3A_2361 = vector.broadcast %eq3A_2360 : i32 to vector<16xi32>
      %eq3A_2362 = arith.cmpi eq, %select_n3A_2254, %eq3A_2361 : vector<16xi32>
      %eq3A_2363 = arith.constant 7 : i32
      %eq3A_2364 = vector.broadcast %eq3A_2363 : i32 to vector<16xi32>
      %eq3A_2365 = arith.cmpi eq, %select_n3A_2250, %eq3A_2364 : vector<16xi32>
      %select_n3A_2366 = arith.select %eq3A_2365, %div3A_2260, %broadcast_in_dim3A_2262 : vector<16xi1>, vector<16xf32>
      %select_n3A_2367 = arith.select %eq3A_2362, %div3A_2259, %select_n3A_2366 : vector<16xi1>, vector<16xf32>
      %swap3A_2368 = arith.constant 7 : i32
      %swap3A_2369 = arith.index_cast %swap3A_2368 : i32 to index
      %swap3A_2370 = arith.index_cast %mul3A_12 : i32 to index
      %swap3A_2371 = tpu.vector_load %arg11[%swap3A_2369, %swap3A_2370] {strides = array<i32>} : memref<64x256xf32, #tpu.memory_space<vmem>>, vector<1x16xf32>,
      %swap3A_2372 = vector.shape_cast %swap3A_2371 : vector<1x16xf32> to vector<16xf32>
      %swap3A_2373 = vector.shape_cast %select_n3A_2367 : vector<16xf32> to vector<1x16xf32>
      tpu.vector_store %arg11[%swap3A_2369, %swap3A_2370], %swap3A_2373 {strides = array<i32>} : memref<64x256xf32, #tpu.memory_space<vmem>>, vector<1x16xf32>,
      %eq3A_2374 = arith.constant 8 : i32
      %eq3A_2375 = vector.broadcast %eq3A_2374 : i32 to vector<16xi32>
      %eq3A_2376 = arith.cmpi eq, %select_n3A_2254, %eq3A_2375 : vector<16xi32>
      %eq3A_2377 = arith.constant 8 : i32
      %eq3A_2378 = vector.broadcast %eq3A_2377 : i32 to vector<16xi32>
      %eq3A_2379 = arith.cmpi eq, %select_n3A_2250, %eq3A_2378 : vector<16xi32>
      %select_n3A_2380 = arith.select %eq3A_2379, %div3A_2260, %broadcast_in_dim3A_2262 : vector<16xi1>, vector<16xf32>
      %select_n3A_2381 = arith.select %eq3A_2376, %div3A_2259, %select_n3A_2380 : vector<16xi1>, vector<16xf32>
      %swap3A_2382 = arith.constant 8 : i32
      %swap3A_2383 = arith.index_cast %swap3A_2382 : i32 to index
      %swap3A_2384 = arith.index_cast %mul3A_12 : i32 to index
      %swap3A_2385 = tpu.vector_load %arg11[%swap3A_2383, %swap3A_2384] {strides = array<i32>} : memref<64x256xf32, #tpu.memory_space<vmem>>, vector<1x16xf32>,
      %swap3A_2386 = vector.shape_cast %swap3A_2385 : vector<1x16xf32> to vector<16xf32>
      %swap3A_2387 = vector.shape_cast %select_n3A_2381 : vector<16xf32> to vector<1x16xf32>
      tpu.vector_store %arg11[%swap3A_2383, %swap3A_2384], %swap3A_2387 {strides = array<i32>} : memref<64x256xf32, #tpu.memory_space<vmem>>, vector<1x16xf32>,
      %eq3A_2388 = arith.constant 9 : i32
      %eq3A_2389 = vector.broadcast %eq3A_2388 : i32 to vector<16xi32>
      %eq3A_2390 = arith.cmpi eq, %select_n3A_2254, %eq3A_2389 : vector<16xi32>
      %eq3A_2391 = arith.constant 9 : i32
      %eq3A_2392 = vector.broadcast %eq3A_2391 : i32 to vector<16xi32>
      %eq3A_2393 = arith.cmpi eq, %select_n3A_2250, %eq3A_2392 : vector<16xi32>
      %select_n3A_2394 = arith.select %eq3A_2393, %div3A_2260, %broadcast_in_dim3A_2262 : vector<16xi1>, vector<16xf32>
      %select_n3A_2395 = arith.select %eq3A_2390, %div3A_2259, %select_n3A_2394 : vector<16xi1>, vector<16xf32>
      %swap3A_2396 = arith.constant 9 : i32
      %swap3A_2397 = arith.index_cast %swap3A_2396 : i32 to index
      %swap3A_2398 = arith.index_cast %mul3A_12 : i32 to index
      %swap3A_2399 = tpu.vector_load %arg11[%swap3A_2397, %swap3A_2398] {strides = array<i32>} : memref<64x256xf32, #tpu.memory_space<vmem>>, vector<1x16xf32>,
      %swap3A_2400 = vector.shape_cast %swap3A_2399 : vector<1x16xf32> to vector<16xf32>
      %swap3A_2401 = vector.shape_cast %select_n3A_2395 : vector<16xf32> to vector<1x16xf32>
      tpu.vector_store %arg11[%swap3A_2397, %swap3A_2398], %swap3A_2401 {strides = array<i32>} : memref<64x256xf32, #tpu.memory_space<vmem>>, vector<1x16xf32>,
      %eq3A_2402 = arith.constant 10 : i32
      %eq3A_2403 = vector.broadcast %eq3A_2402 : i32 to vector<16xi32>
      %eq3A_2404 = arith.cmpi eq, %select_n3A_2254, %eq3A_2403 : vector<16xi32>
      %eq3A_2405 = arith.constant 10 : i32
      %eq3A_2406 = vector.broadcast %eq3A_2405 : i32 to vector<16xi32>
      %eq3A_2407 = arith.cmpi eq, %select_n3A_2250, %eq3A_2406 : vector<16xi32>
      %select_n3A_2408 = arith.select %eq3A_2407, %div3A_2260, %broadcast_in_dim3A_2262 : vector<16xi1>, vector<16xf32>
      %select_n3A_2409 = arith.select %eq3A_2404, %div3A_2259, %select_n3A_2408 : vector<16xi1>, vector<16xf32>
      %swap3A_2410 = arith.constant 10 : i32
      %swap3A_2411 = arith.index_cast %swap3A_2410 : i32 to index
      %swap3A_2412 = arith.index_cast %mul3A_12 : i32 to index
      %swap3A_2413 = tpu.vector_load %arg11[%swap3A_2411, %swap3A_2412] {strides = array<i32>} : memref<64x256xf32, #tpu.memory_space<vmem>>, vector<1x16xf32>,
      %swap3A_2414 = vector.shape_cast %swap3A_2413 : vector<1x16xf32> to vector<16xf32>
      %swap3A_2415 = vector.shape_cast %select_n3A_2409 : vector<16xf32> to vector<1x16xf32>
      tpu.vector_store %arg11[%swap3A_2411, %swap3A_2412], %swap3A_2415 {strides = array<i32>} : memref<64x256xf32, #tpu.memory_space<vmem>>, vector<1x16xf32>,
      %eq3A_2416 = arith.constant 11 : i32
      %eq3A_2417 = vector.broadcast %eq3A_2416 : i32 to vector<16xi32>
      %eq3A_2418 = arith.cmpi eq, %select_n3A_2254, %eq3A_2417 : vector<16xi32>
      %eq3A_2419 = arith.constant 11 : i32
      %eq3A_2420 = vector.broadcast %eq3A_2419 : i32 to vector<16xi32>
      %eq3A_2421 = arith.cmpi eq, %select_n3A_2250, %eq3A_2420 : vector<16xi32>
      %select_n3A_2422 = arith.select %eq3A_2421, %div3A_2260, %broadcast_in_dim3A_2262 : vector<16xi1>, vector<16xf32>
      %select_n3A_2423 = arith.select %eq3A_2418, %div3A_2259, %select_n3A_2422 : vector<16xi1>, vector<16xf32>
      %swap3A_2424 = arith.constant 11 : i32
      %swap3A_2425 = arith.index_cast %swap3A_2424 : i32 to index
      %swap3A_2426 = arith.index_cast %mul3A_12 : i32 to index
      %swap3A_2427 = tpu.vector_load %arg11[%swap3A_2425, %swap3A_2426] {strides = array<i32>} : memref<64x256xf32, #tpu.memory_space<vmem>>, vector<1x16xf32>,
      %swap3A_2428 = vector.shape_cast %swap3A_2427 : vector<1x16xf32> to vector<16xf32>
      %swap3A_2429 = vector.shape_cast %select_n3A_2423 : vector<16xf32> to vector<1x16xf32>
      tpu.vector_store %arg11[%swap3A_2425, %swap3A_2426], %swap3A_2429 {strides = array<i32>} : memref<64x256xf32, #tpu.memory_space<vmem>>, vector<1x16xf32>,
      %eq3A_2430 = arith.constant 12 : i32
      %eq3A_2431 = vector.broadcast %eq3A_2430 : i32 to vector<16xi32>
      %eq3A_2432 = arith.cmpi eq, %select_n3A_2254, %eq3A_2431 : vector<16xi32>
      %eq3A_2433 = arith.constant 12 : i32
      %eq3A_2434 = vector.broadcast %eq3A_2433 : i32 to vector<16xi32>
      %eq3A_2435 = arith.cmpi eq, %select_n3A_2250, %eq3A_2434 : vector<16xi32>
      %select_n3A_2436 = arith.select %eq3A_2435, %div3A_2260, %broadcast_in_dim3A_2262 : vector<16xi1>, vector<16xf32>
      %select_n3A_2437 = arith.select %eq3A_2432, %div3A_2259, %select_n3A_2436 : vector<16xi1>, vector<16xf32>
      %swap3A_2438 = arith.constant 12 : i32
      %swap3A_2439 = arith.index_cast %swap3A_2438 : i32 to index
      %swap3A_2440 = arith.index_cast %mul3A_12 : i32 to index
      %swap3A_2441 = tpu.vector_load %arg11[%swap3A_2439, %swap3A_2440] {strides = array<i32>} : memref<64x256xf32, #tpu.memory_space<vmem>>, vector<1x16xf32>,
      %swap3A_2442 = vector.shape_cast %swap3A_2441 : vector<1x16xf32> to vector<16xf32>
      %swap3A_2443 = vector.shape_cast %select_n3A_2437 : vector<16xf32> to vector<1x16xf32>
      tpu.vector_store %arg11[%swap3A_2439, %swap3A_2440], %swap3A_2443 {strides = array<i32>} : memref<64x256xf32, #tpu.memory_space<vmem>>, vector<1x16xf32>,
      %eq3A_2444 = arith.constant 13 : i32
      %eq3A_2445 = vector.broadcast %eq3A_2444 : i32 to vector<16xi32>
      %eq3A_2446 = arith.cmpi eq, %select_n3A_2254, %eq3A_2445 : vector<16xi32>
      %eq3A_2447 = arith.constant 13 : i32
      %eq3A_2448 = vector.broadcast %eq3A_2447 : i32 to vector<16xi32>
      %eq3A_2449 = arith.cmpi eq, %select_n3A_2250, %eq3A_2448 : vector<16xi32>
      %select_n3A_2450 = arith.select %eq3A_2449, %div3A_2260, %broadcast_in_dim3A_2262 : vector<16xi1>, vector<16xf32>
      %select_n3A_2451 = arith.select %eq3A_2446, %div3A_2259, %select_n3A_2450 : vector<16xi1>, vector<16xf32>
      %swap3A_2452 = arith.constant 13 : i32
      %swap3A_2453 = arith.index_cast %swap3A_2452 : i32 to index
      %swap3A_2454 = arith.index_cast %mul3A_12 : i32 to index
      %swap3A_2455 = tpu.vector_load %arg11[%swap3A_2453, %swap3A_2454] {strides = array<i32>} : memref<64x256xf32, #tpu.memory_space<vmem>>, vector<1x16xf32>,
      %swap3A_2456 = vector.shape_cast %swap3A_2455 : vector<1x16xf32> to vector<16xf32>
      %swap3A_2457 = vector.shape_cast %select_n3A_2451 : vector<16xf32> to vector<1x16xf32>
      tpu.vector_store %arg11[%swap3A_2453, %swap3A_2454], %swap3A_2457 {strides = array<i32>} : memref<64x256xf32, #tpu.memory_space<vmem>>, vector<1x16xf32>,
      %eq3A_2458 = arith.constant 14 : i32
      %eq3A_2459 = vector.broadcast %eq3A_2458 : i32 to vector<16xi32>
      %eq3A_2460 = arith.cmpi eq, %select_n3A_2254, %eq3A_2459 : vector<16xi32>
      %eq3A_2461 = arith.constant 14 : i32
      %eq3A_2462 = vector.broadcast %eq3A_2461 : i32 to vector<16xi32>
      %eq3A_2463 = arith.cmpi eq, %select_n3A_2250, %eq3A_2462 : vector<16xi32>
      %select_n3A_2464 = arith.select %eq3A_2463, %div3A_2260, %broadcast_in_dim3A_2262 : vector<16xi1>, vector<16xf32>
      %select_n3A_2465 = arith.select %eq3A_2460, %div3A_2259, %select_n3A_2464 : vector<16xi1>, vector<16xf32>
      %swap3A_2466 = arith.constant 14 : i32
      %swap3A_2467 = arith.index_cast %swap3A_2466 : i32 to index
      %swap3A_2468 = arith.index_cast %mul3A_12 : i32 to index
      %swap3A_2469 = tpu.vector_load %arg11[%swap3A_2467, %swap3A_2468] {strides = array<i32>} : memref<64x256xf32, #tpu.memory_space<vmem>>, vector<1x16xf32>,
      %swap3A_2470 = vector.shape_cast %swap3A_2469 : vector<1x16xf32> to vector<16xf32>
      %swap3A_2471 = vector.shape_cast %select_n3A_2465 : vector<16xf32> to vector<1x16xf32>
      tpu.vector_store %arg11[%swap3A_2467, %swap3A_2468], %swap3A_2471 {strides = array<i32>} : memref<64x256xf32, #tpu.memory_space<vmem>>, vector<1x16xf32>,
      %eq3A_2472 = arith.constant 15 : i32
      %eq3A_2473 = vector.broadcast %eq3A_2472 : i32 to vector<16xi32>
      %eq3A_2474 = arith.cmpi eq, %select_n3A_2254, %eq3A_2473 : vector<16xi32>
      %eq3A_2475 = arith.constant 15 : i32
      %eq3A_2476 = vector.broadcast %eq3A_2475 : i32 to vector<16xi32>
      %eq3A_2477 = arith.cmpi eq, %select_n3A_2250, %eq3A_2476 : vector<16xi32>
      %select_n3A_2478 = arith.select %eq3A_2477, %div3A_2260, %broadcast_in_dim3A_2262 : vector<16xi1>, vector<16xf32>
      %select_n3A_2479 = arith.select %eq3A_2474, %div3A_2259, %select_n3A_2478 : vector<16xi1>, vector<16xf32>
      %swap3A_2480 = arith.constant 15 : i32
      %swap3A_2481 = arith.index_cast %swap3A_2480 : i32 to index
      %swap3A_2482 = arith.index_cast %mul3A_12 : i32 to index
      %swap3A_2483 = tpu.vector_load %arg11[%swap3A_2481, %swap3A_2482] {strides = array<i32>} : memref<64x256xf32, #tpu.memory_space<vmem>>, vector<1x16xf32>,
      %swap3A_2484 = vector.shape_cast %swap3A_2483 : vector<1x16xf32> to vector<16xf32>
      %swap3A_2485 = vector.shape_cast %select_n3A_2479 : vector<16xf32> to vector<1x16xf32>
      tpu.vector_store %arg11[%swap3A_2481, %swap3A_2482], %swap3A_2485 {strides = array<i32>} : memref<64x256xf32, #tpu.memory_space<vmem>>, vector<1x16xf32>,
      %eq3A_2486 = arith.constant 16 : i32
      %eq3A_2487 = vector.broadcast %eq3A_2486 : i32 to vector<16xi32>
      %eq3A_2488 = arith.cmpi eq, %select_n3A_2254, %eq3A_2487 : vector<16xi32>
      %eq3A_2489 = arith.constant 16 : i32
      %eq3A_2490 = vector.broadcast %eq3A_2489 : i32 to vector<16xi32>
      %eq3A_2491 = arith.cmpi eq, %select_n3A_2250, %eq3A_2490 : vector<16xi32>
      %select_n3A_2492 = arith.select %eq3A_2491, %div3A_2260, %broadcast_in_dim3A_2262 : vector<16xi1>, vector<16xf32>
      %select_n3A_2493 = arith.select %eq3A_2488, %div3A_2259, %select_n3A_2492 : vector<16xi1>, vector<16xf32>
      %swap3A_2494 = arith.constant 16 : i32
      %swap3A_2495 = arith.index_cast %swap3A_2494 : i32 to index
      %swap3A_2496 = arith.index_cast %mul3A_12 : i32 to index
      %swap3A_2497 = tpu.vector_load %arg11[%swap3A_2495, %swap3A_2496] {strides = array<i32>} : memref<64x256xf32, #tpu.memory_space<vmem>>, vector<1x16xf32>,
      %swap3A_2498 = vector.shape_cast %swap3A_2497 : vector<1x16xf32> to vector<16xf32>
      %swap3A_2499 = vector.shape_cast %select_n3A_2493 : vector<16xf32> to vector<1x16xf32>
      tpu.vector_store %arg11[%swap3A_2495, %swap3A_2496], %swap3A_2499 {strides = array<i32>} : memref<64x256xf32, #tpu.memory_space<vmem>>, vector<1x16xf32>,
      %eq3A_2500 = arith.constant 17 : i32
      %eq3A_2501 = vector.broadcast %eq3A_2500 : i32 to vector<16xi32>
      %eq3A_2502 = arith.cmpi eq, %select_n3A_2254, %eq3A_2501 : vector<16xi32>
      %eq3A_2503 = arith.constant 17 : i32
      %eq3A_2504 = vector.broadcast %eq3A_2503 : i32 to vector<16xi32>
      %eq3A_2505 = arith.cmpi eq, %select_n3A_2250, %eq3A_2504 : vector<16xi32>
      %select_n3A_2506 = arith.select %eq3A_2505, %div3A_2260, %broadcast_in_dim3A_2262 : vector<16xi1>, vector<16xf32>
      %select_n3A_2507 = arith.select %eq3A_2502, %div3A_2259, %select_n3A_2506 : vector<16xi1>, vector<16xf32>
      %swap3A_2508 = arith.constant 17 : i32
      %swap3A_2509 = arith.index_cast %swap3A_2508 : i32 to index
      %swap3A_2510 = arith.index_cast %mul3A_12 : i32 to index
      %swap3A_2511 = tpu.vector_load %arg11[%swap3A_2509, %swap3A_2510] {strides = array<i32>} : memref<64x256xf32, #tpu.memory_space<vmem>>, vector<1x16xf32>,
      %swap3A_2512 = vector.shape_cast %swap3A_2511 : vector<1x16xf32> to vector<16xf32>
      %swap3A_2513 = vector.shape_cast %select_n3A_2507 : vector<16xf32> to vector<1x16xf32>
      tpu.vector_store %arg11[%swap3A_2509, %swap3A_2510], %swap3A_2513 {strides = array<i32>} : memref<64x256xf32, #tpu.memory_space<vmem>>, vector<1x16xf32>,
      %eq3A_2514 = arith.constant 18 : i32
      %eq3A_2515 = vector.broadcast %eq3A_2514 : i32 to vector<16xi32>
      %eq3A_2516 = arith.cmpi eq, %select_n3A_2254, %eq3A_2515 : vector<16xi32>
      %eq3A_2517 = arith.constant 18 : i32
      %eq3A_2518 = vector.broadcast %eq3A_2517 : i32 to vector<16xi32>
      %eq3A_2519 = arith.cmpi eq, %select_n3A_2250, %eq3A_2518 : vector<16xi32>
      %select_n3A_2520 = arith.select %eq3A_2519, %div3A_2260, %broadcast_in_dim3A_2262 : vector<16xi1>, vector<16xf32>
      %select_n3A_2521 = arith.select %eq3A_2516, %div3A_2259, %select_n3A_2520 : vector<16xi1>, vector<16xf32>
      %swap3A_2522 = arith.constant 18 : i32
      %swap3A_2523 = arith.index_cast %swap3A_2522 : i32 to index
      %swap3A_2524 = arith.index_cast %mul3A_12 : i32 to index
      %swap3A_2525 = tpu.vector_load %arg11[%swap3A_2523, %swap3A_2524] {strides = array<i32>} : memref<64x256xf32, #tpu.memory_space<vmem>>, vector<1x16xf32>,
      %swap3A_2526 = vector.shape_cast %swap3A_2525 : vector<1x16xf32> to vector<16xf32>
      %swap3A_2527 = vector.shape_cast %select_n3A_2521 : vector<16xf32> to vector<1x16xf32>
      tpu.vector_store %arg11[%swap3A_2523, %swap3A_2524], %swap3A_2527 {strides = array<i32>} : memref<64x256xf32, #tpu.memory_space<vmem>>, vector<1x16xf32>,
      %eq3A_2528 = arith.constant 19 : i32
      %eq3A_2529 = vector.broadcast %eq3A_2528 : i32 to vector<16xi32>
      %eq3A_2530 = arith.cmpi eq, %select_n3A_2254, %eq3A_2529 : vector<16xi32>
      %eq3A_2531 = arith.constant 19 : i32
      %eq3A_2532 = vector.broadcast %eq3A_2531 : i32 to vector<16xi32>
      %eq3A_2533 = arith.cmpi eq, %select_n3A_2250, %eq3A_2532 : vector<16xi32>
      %select_n3A_2534 = arith.select %eq3A_2533, %div3A_2260, %broadcast_in_dim3A_2262 : vector<16xi1>, vector<16xf32>
      %select_n3A_2535 = arith.select %eq3A_2530, %div3A_2259, %select_n3A_2534 : vector<16xi1>, vector<16xf32>
      %swap3A_2536 = arith.constant 19 : i32
      %swap3A_2537 = arith.index_cast %swap3A_2536 : i32 to index
      %swap3A_2538 = arith.index_cast %mul3A_12 : i32 to index
      %swap3A_2539 = tpu.vector_load %arg11[%swap3A_2537, %swap3A_2538] {strides = array<i32>} : memref<64x256xf32, #tpu.memory_space<vmem>>, vector<1x16xf32>,
      %swap3A_2540 = vector.shape_cast %swap3A_2539 : vector<1x16xf32> to vector<16xf32>
      %swap3A_2541 = vector.shape_cast %select_n3A_2535 : vector<16xf32> to vector<1x16xf32>
      tpu.vector_store %arg11[%swap3A_2537, %swap3A_2538], %swap3A_2541 {strides = array<i32>} : memref<64x256xf32, #tpu.memory_space<vmem>>, vector<1x16xf32>,
      %eq3A_2542 = arith.constant 20 : i32
      %eq3A_2543 = vector.broadcast %eq3A_2542 : i32 to vector<16xi32>
      %eq3A_2544 = arith.cmpi eq, %select_n3A_2254, %eq3A_2543 : vector<16xi32>
      %eq3A_2545 = arith.constant 20 : i32
      %eq3A_2546 = vector.broadcast %eq3A_2545 : i32 to vector<16xi32>
      %eq3A_2547 = arith.cmpi eq, %select_n3A_2250, %eq3A_2546 : vector<16xi32>
      %select_n3A_2548 = arith.select %eq3A_2547, %div3A_2260, %broadcast_in_dim3A_2262 : vector<16xi1>, vector<16xf32>
      %select_n3A_2549 = arith.select %eq3A_2544, %div3A_2259, %select_n3A_2548 : vector<16xi1>, vector<16xf32>
      %swap3A_2550 = arith.constant 20 : i32
      %swap3A_2551 = arith.index_cast %swap3A_2550 : i32 to index
      %swap3A_2552 = arith.index_cast %mul3A_12 : i32 to index
      %swap3A_2553 = tpu.vector_load %arg11[%swap3A_2551, %swap3A_2552] {strides = array<i32>} : memref<64x256xf32, #tpu.memory_space<vmem>>, vector<1x16xf32>,
      %swap3A_2554 = vector.shape_cast %swap3A_2553 : vector<1x16xf32> to vector<16xf32>
      %swap3A_2555 = vector.shape_cast %select_n3A_2549 : vector<16xf32> to vector<1x16xf32>
      tpu.vector_store %arg11[%swap3A_2551, %swap3A_2552], %swap3A_2555 {strides = array<i32>} : memref<64x256xf32, #tpu.memory_space<vmem>>, vector<1x16xf32>,
      %eq3A_2556 = arith.constant 21 : i32
      %eq3A_2557 = vector.broadcast %eq3A_2556 : i32 to vector<16xi32>
      %eq3A_2558 = arith.cmpi eq, %select_n3A_2254, %eq3A_2557 : vector<16xi32>
      %eq3A_2559 = arith.constant 21 : i32
      %eq3A_2560 = vector.broadcast %eq3A_2559 : i32 to vector<16xi32>
      %eq3A_2561 = arith.cmpi eq, %select_n3A_2250, %eq3A_2560 : vector<16xi32>
      %select_n3A_2562 = arith.select %eq3A_2561, %div3A_2260, %broadcast_in_dim3A_2262 : vector<16xi1>, vector<16xf32>
      %select_n3A_2563 = arith.select %eq3A_2558, %div3A_2259, %select_n3A_2562 : vector<16xi1>, vector<16xf32>
      %swap3A_2564 = arith.constant 21 : i32
      %swap3A_2565 = arith.index_cast %swap3A_2564 : i32 to index
      %swap3A_2566 = arith.index_cast %mul3A_12 : i32 to index
      %swap3A_2567 = tpu.vector_load %arg11[%swap3A_2565, %swap3A_2566] {strides = array<i32>} : memref<64x256xf32, #tpu.memory_space<vmem>>, vector<1x16xf32>,
      %swap3A_2568 = vector.shape_cast %swap3A_2567 : vector<1x16xf32> to vector<16xf32>
      %swap3A_2569 = vector.shape_cast %select_n3A_2563 : vector<16xf32> to vector<1x16xf32>
      tpu.vector_store %arg11[%swap3A_2565, %swap3A_2566], %swap3A_2569 {strides = array<i32>} : memref<64x256xf32, #tpu.memory_space<vmem>>, vector<1x16xf32>,
      %eq3A_2570 = arith.constant 22 : i32
      %eq3A_2571 = vector.broadcast %eq3A_2570 : i32 to vector<16xi32>
      %eq3A_2572 = arith.cmpi eq, %select_n3A_2254, %eq3A_2571 : vector<16xi32>
      %eq3A_2573 = arith.constant 22 : i32
      %eq3A_2574 = vector.broadcast %eq3A_2573 : i32 to vector<16xi32>
      %eq3A_2575 = arith.cmpi eq, %select_n3A_2250, %eq3A_2574 : vector<16xi32>
      %select_n3A_2576 = arith.select %eq3A_2575, %div3A_2260, %broadcast_in_dim3A_2262 : vector<16xi1>, vector<16xf32>
      %select_n3A_2577 = arith.select %eq3A_2572, %div3A_2259, %select_n3A_2576 : vector<16xi1>, vector<16xf32>
      %swap3A_2578 = arith.constant 22 : i32
      %swap3A_2579 = arith.index_cast %swap3A_2578 : i32 to index
      %swap3A_2580 = arith.index_cast %mul3A_12 : i32 to index
      %swap3A_2581 = tpu.vector_load %arg11[%swap3A_2579, %swap3A_2580] {strides = array<i32>} : memref<64x256xf32, #tpu.memory_space<vmem>>, vector<1x16xf32>,
      %swap3A_2582 = vector.shape_cast %swap3A_2581 : vector<1x16xf32> to vector<16xf32>
      %swap3A_2583 = vector.shape_cast %select_n3A_2577 : vector<16xf32> to vector<1x16xf32>
      tpu.vector_store %arg11[%swap3A_2579, %swap3A_2580], %swap3A_2583 {strides = array<i32>} : memref<64x256xf32, #tpu.memory_space<vmem>>, vector<1x16xf32>,
      %eq3A_2584 = arith.constant 23 : i32
      %eq3A_2585 = vector.broadcast %eq3A_2584 : i32 to vector<16xi32>
      %eq3A_2586 = arith.cmpi eq, %select_n3A_2254, %eq3A_2585 : vector<16xi32>
      %eq3A_2587 = arith.constant 23 : i32
      %eq3A_2588 = vector.broadcast %eq3A_2587 : i32 to vector<16xi32>
      %eq3A_2589 = arith.cmpi eq, %select_n3A_2250, %eq3A_2588 : vector<16xi32>
      %select_n3A_2590 = arith.select %eq3A_2589, %div3A_2260, %broadcast_in_dim3A_2262 : vector<16xi1>, vector<16xf32>
      %select_n3A_2591 = arith.select %eq3A_2586, %div3A_2259, %select_n3A_2590 : vector<16xi1>, vector<16xf32>
      %swap3A_2592 = arith.constant 23 : i32
      %swap3A_2593 = arith.index_cast %swap3A_2592 : i32 to index
      %swap3A_2594 = arith.index_cast %mul3A_12 : i32 to index
      %swap3A_2595 = tpu.vector_load %arg11[%swap3A_2593, %swap3A_2594] {strides = array<i32>} : memref<64x256xf32, #tpu.memory_space<vmem>>, vector<1x16xf32>,
      %swap3A_2596 = vector.shape_cast %swap3A_2595 : vector<1x16xf32> to vector<16xf32>
      %swap3A_2597 = vector.shape_cast %select_n3A_2591 : vector<16xf32> to vector<1x16xf32>
      tpu.vector_store %arg11[%swap3A_2593, %swap3A_2594], %swap3A_2597 {strides = array<i32>} : memref<64x256xf32, #tpu.memory_space<vmem>>, vector<1x16xf32>,
      %eq3A_2598 = arith.constant 24 : i32
      %eq3A_2599 = vector.broadcast %eq3A_2598 : i32 to vector<16xi32>
      %eq3A_2600 = arith.cmpi eq, %select_n3A_2254, %eq3A_2599 : vector<16xi32>
      %eq3A_2601 = arith.constant 24 : i32
      %eq3A_2602 = vector.broadcast %eq3A_2601 : i32 to vector<16xi32>
      %eq3A_2603 = arith.cmpi eq, %select_n3A_2250, %eq3A_2602 : vector<16xi32>
      %select_n3A_2604 = arith.select %eq3A_2603, %div3A_2260, %broadcast_in_dim3A_2262 : vector<16xi1>, vector<16xf32>
      %select_n3A_2605 = arith.select %eq3A_2600, %div3A_2259, %select_n3A_2604 : vector<16xi1>, vector<16xf32>
      %swap3A_2606 = arith.constant 24 : i32
      %swap3A_2607 = arith.index_cast %swap3A_2606 : i32 to index
      %swap3A_2608 = arith.index_cast %mul3A_12 : i32 to index
      %swap3A_2609 = tpu.vector_load %arg11[%swap3A_2607, %swap3A_2608] {strides = array<i32>} : memref<64x256xf32, #tpu.memory_space<vmem>>, vector<1x16xf32>,
      %swap3A_2610 = vector.shape_cast %swap3A_2609 : vector<1x16xf32> to vector<16xf32>
      %swap3A_2611 = vector.shape_cast %select_n3A_2605 : vector<16xf32> to vector<1x16xf32>
      tpu.vector_store %arg11[%swap3A_2607, %swap3A_2608], %swap3A_2611 {strides = array<i32>} : memref<64x256xf32, #tpu.memory_space<vmem>>, vector<1x16xf32>,
      %eq3A_2612 = arith.constant 25 : i32
      %eq3A_2613 = vector.broadcast %eq3A_2612 : i32 to vector<16xi32>
      %eq3A_2614 = arith.cmpi eq, %select_n3A_2254, %eq3A_2613 : vector<16xi32>
      %eq3A_2615 = arith.constant 25 : i32
      %eq3A_2616 = vector.broadcast %eq3A_2615 : i32 to vector<16xi32>
      %eq3A_2617 = arith.cmpi eq, %select_n3A_2250, %eq3A_2616 : vector<16xi32>
      %select_n3A_2618 = arith.select %eq3A_2617, %div3A_2260, %broadcast_in_dim3A_2262 : vector<16xi1>, vector<16xf32>
      %select_n3A_2619 = arith.select %eq3A_2614, %div3A_2259, %select_n3A_2618 : vector<16xi1>, vector<16xf32>
      %swap3A_2620 = arith.constant 25 : i32
      %swap3A_2621 = arith.index_cast %swap3A_2620 : i32 to index
      %swap3A_2622 = arith.index_cast %mul3A_12 : i32 to index
      %swap3A_2623 = tpu.vector_load %arg11[%swap3A_2621, %swap3A_2622] {strides = array<i32>} : memref<64x256xf32, #tpu.memory_space<vmem>>, vector<1x16xf32>,
      %swap3A_2624 = vector.shape_cast %swap3A_2623 : vector<1x16xf32> to vector<16xf32>
      %swap3A_2625 = vector.shape_cast %select_n3A_2619 : vector<16xf32> to vector<1x16xf32>
      tpu.vector_store %arg11[%swap3A_2621, %swap3A_2622], %swap3A_2625 {strides = array<i32>} : memref<64x256xf32, #tpu.memory_space<vmem>>, vector<1x16xf32>,
      %eq3A_2626 = arith.constant 26 : i32
      %eq3A_2627 = vector.broadcast %eq3A_2626 : i32 to vector<16xi32>
      %eq3A_2628 = arith.cmpi eq, %select_n3A_2254, %eq3A_2627 : vector<16xi32>
      %eq3A_2629 = arith.constant 26 : i32
      %eq3A_2630 = vector.broadcast %eq3A_2629 : i32 to vector<16xi32>
      %eq3A_2631 = arith.cmpi eq, %select_n3A_2250, %eq3A_2630 : vector<16xi32>
      %select_n3A_2632 = arith.select %eq3A_2631, %div3A_2260, %broadcast_in_dim3A_2262 : vector<16xi1>, vector<16xf32>
      %select_n3A_2633 = arith.select %eq3A_2628, %div3A_2259, %select_n3A_2632 : vector<16xi1>, vector<16xf32>
      %swap3A_2634 = arith.constant 26 : i32
      %swap3A_2635 = arith.index_cast %swap3A_2634 : i32 to index
      %swap3A_2636 = arith.index_cast %mul3A_12 : i32 to index
      %swap3A_2637 = tpu.vector_load %arg11[%swap3A_2635, %swap3A_2636] {strides = array<i32>} : memref<64x256xf32, #tpu.memory_space<vmem>>, vector<1x16xf32>,
      %swap3A_2638 = vector.shape_cast %swap3A_2637 : vector<1x16xf32> to vector<16xf32>
      %swap3A_2639 = vector.shape_cast %select_n3A_2633 : vector<16xf32> to vector<1x16xf32>
      tpu.vector_store %arg11[%swap3A_2635, %swap3A_2636], %swap3A_2639 {strides = array<i32>} : memref<64x256xf32, #tpu.memory_space<vmem>>, vector<1x16xf32>,
      %eq3A_2640 = arith.constant 27 : i32
      %eq3A_2641 = vector.broadcast %eq3A_2640 : i32 to vector<16xi32>
      %eq3A_2642 = arith.cmpi eq, %select_n3A_2254, %eq3A_2641 : vector<16xi32>
      %eq3A_2643 = arith.constant 27 : i32
      %eq3A_2644 = vector.broadcast %eq3A_2643 : i32 to vector<16xi32>
      %eq3A_2645 = arith.cmpi eq, %select_n3A_2250, %eq3A_2644 : vector<16xi32>
      %select_n3A_2646 = arith.select %eq3A_2645, %div3A_2260, %broadcast_in_dim3A_2262 : vector<16xi1>, vector<16xf32>
      %select_n3A_2647 = arith.select %eq3A_2642, %div3A_2259, %select_n3A_2646 : vector<16xi1>, vector<16xf32>
      %swap3A_2648 = arith.constant 27 : i32
      %swap3A_2649 = arith.index_cast %swap3A_2648 : i32 to index
      %swap3A_2650 = arith.index_cast %mul3A_12 : i32 to index
      %swap3A_2651 = tpu.vector_load %arg11[%swap3A_2649, %swap3A_2650] {strides = array<i32>} : memref<64x256xf32, #tpu.memory_space<vmem>>, vector<1x16xf32>,
      %swap3A_2652 = vector.shape_cast %swap3A_2651 : vector<1x16xf32> to vector<16xf32>
      %swap3A_2653 = vector.shape_cast %select_n3A_2647 : vector<16xf32> to vector<1x16xf32>
      tpu.vector_store %arg11[%swap3A_2649, %swap3A_2650], %swap3A_2653 {strides = array<i32>} : memref<64x256xf32, #tpu.memory_space<vmem>>, vector<1x16xf32>,
      %eq3A_2654 = arith.constant 28 : i32
      %eq3A_2655 = vector.broadcast %eq3A_2654 : i32 to vector<16xi32>
      %eq3A_2656 = arith.cmpi eq, %select_n3A_2254, %eq3A_2655 : vector<16xi32>
      %eq3A_2657 = arith.constant 28 : i32
      %eq3A_2658 = vector.broadcast %eq3A_2657 : i32 to vector<16xi32>
      %eq3A_2659 = arith.cmpi eq, %select_n3A_2250, %eq3A_2658 : vector<16xi32>
      %select_n3A_2660 = arith.select %eq3A_2659, %div3A_2260, %broadcast_in_dim3A_2262 : vector<16xi1>, vector<16xf32>
      %select_n3A_2661 = arith.select %eq3A_2656, %div3A_2259, %select_n3A_2660 : vector<16xi1>, vector<16xf32>
      %swap3A_2662 = arith.constant 28 : i32
      %swap3A_2663 = arith.index_cast %swap3A_2662 : i32 to index
      %swap3A_2664 = arith.index_cast %mul3A_12 : i32 to index
      %swap3A_2665 = tpu.vector_load %arg11[%swap3A_2663, %swap3A_2664] {strides = array<i32>} : memref<64x256xf32, #tpu.memory_space<vmem>>, vector<1x16xf32>,
      %swap3A_2666 = vector.shape_cast %swap3A_2665 : vector<1x16xf32> to vector<16xf32>
      %swap3A_2667 = vector.shape_cast %select_n3A_2661 : vector<16xf32> to vector<1x16xf32>
      tpu.vector_store %arg11[%swap3A_2663, %swap3A_2664], %swap3A_2667 {strides = array<i32>} : memref<64x256xf32, #tpu.memory_space<vmem>>, vector<1x16xf32>,
      %eq3A_2668 = arith.constant 29 : i32
      %eq3A_2669 = vector.broadcast %eq3A_2668 : i32 to vector<16xi32>
      %eq3A_2670 = arith.cmpi eq, %select_n3A_2254, %eq3A_2669 : vector<16xi32>
      %eq3A_2671 = arith.constant 29 : i32
      %eq3A_2672 = vector.broadcast %eq3A_2671 : i32 to vector<16xi32>
      %eq3A_2673 = arith.cmpi eq, %select_n3A_2250, %eq3A_2672 : vector<16xi32>
      %select_n3A_2674 = arith.select %eq3A_2673, %div3A_2260, %broadcast_in_dim3A_2262 : vector<16xi1>, vector<16xf32>
      %select_n3A_2675 = arith.select %eq3A_2670, %div3A_2259, %select_n3A_2674 : vector<16xi1>, vector<16xf32>
      %swap3A_2676 = arith.constant 29 : i32
      %swap3A_2677 = arith.index_cast %swap3A_2676 : i32 to index
      %swap3A_2678 = arith.index_cast %mul3A_12 : i32 to index
      %swap3A_2679 = tpu.vector_load %arg11[%swap3A_2677, %swap3A_2678] {strides = array<i32>} : memref<64x256xf32, #tpu.memory_space<vmem>>, vector<1x16xf32>,
      %swap3A_2680 = vector.shape_cast %swap3A_2679 : vector<1x16xf32> to vector<16xf32>
      %swap3A_2681 = vector.shape_cast %select_n3A_2675 : vector<16xf32> to vector<1x16xf32>
      tpu.vector_store %arg11[%swap3A_2677, %swap3A_2678], %swap3A_2681 {strides = array<i32>} : memref<64x256xf32, #tpu.memory_space<vmem>>, vector<1x16xf32>,
      %eq3A_2682 = arith.constant 30 : i32
      %eq3A_2683 = vector.broadcast %eq3A_2682 : i32 to vector<16xi32>
      %eq3A_2684 = arith.cmpi eq, %select_n3A_2254, %eq3A_2683 : vector<16xi32>
      %eq3A_2685 = arith.constant 30 : i32
      %eq3A_2686 = vector.broadcast %eq3A_2685 : i32 to vector<16xi32>
      %eq3A_2687 = arith.cmpi eq, %select_n3A_2250, %eq3A_2686 : vector<16xi32>
      %select_n3A_2688 = arith.select %eq3A_2687, %div3A_2260, %broadcast_in_dim3A_2262 : vector<16xi1>, vector<16xf32>
      %select_n3A_2689 = arith.select %eq3A_2684, %div3A_2259, %select_n3A_2688 : vector<16xi1>, vector<16xf32>
      %swap3A_2690 = arith.constant 30 : i32
      %swap3A_2691 = arith.index_cast %swap3A_2690 : i32 to index
      %swap3A_2692 = arith.index_cast %mul3A_12 : i32 to index
      %swap3A_2693 = tpu.vector_load %arg11[%swap3A_2691, %swap3A_2692] {strides = array<i32>} : memref<64x256xf32, #tpu.memory_space<vmem>>, vector<1x16xf32>,
      %swap3A_2694 = vector.shape_cast %swap3A_2693 : vector<1x16xf32> to vector<16xf32>
      %swap3A_2695 = vector.shape_cast %select_n3A_2689 : vector<16xf32> to vector<1x16xf32>
      tpu.vector_store %arg11[%swap3A_2691, %swap3A_2692], %swap3A_2695 {strides = array<i32>} : memref<64x256xf32, #tpu.memory_space<vmem>>, vector<1x16xf32>,
      %eq3A_2696 = arith.constant 31 : i32
      %eq3A_2697 = vector.broadcast %eq3A_2696 : i32 to vector<16xi32>
      %eq3A_2698 = arith.cmpi eq, %select_n3A_2254, %eq3A_2697 : vector<16xi32>
      %eq3A_2699 = arith.constant 31 : i32
      %eq3A_2700 = vector.broadcast %eq3A_2699 : i32 to vector<16xi32>
      %eq3A_2701 = arith.cmpi eq, %select_n3A_2250, %eq3A_2700 : vector<16xi32>
      %select_n3A_2702 = arith.select %eq3A_2701, %div3A_2260, %broadcast_in_dim3A_2262 : vector<16xi1>, vector<16xf32>
      %select_n3A_2703 = arith.select %eq3A_2698, %div3A_2259, %select_n3A_2702 : vector<16xi1>, vector<16xf32>
      %swap3A_2704 = arith.constant 31 : i32
      %swap3A_2705 = arith.index_cast %swap3A_2704 : i32 to index
      %swap3A_2706 = arith.index_cast %mul3A_12 : i32 to index
      %swap3A_2707 = tpu.vector_load %arg11[%swap3A_2705, %swap3A_2706] {strides = array<i32>} : memref<64x256xf32, #tpu.memory_space<vmem>>, vector<1x16xf32>,
      %swap3A_2708 = vector.shape_cast %swap3A_2707 : vector<1x16xf32> to vector<16xf32>
      %swap3A_2709 = vector.shape_cast %select_n3A_2703 : vector<16xf32> to vector<1x16xf32>
      tpu.vector_store %arg11[%swap3A_2705, %swap3A_2706], %swap3A_2709 {strides = array<i32>} : memref<64x256xf32, #tpu.memory_space<vmem>>, vector<1x16xf32>,
      %eq3A_2710 = arith.constant 32 : i32
      %eq3A_2711 = vector.broadcast %eq3A_2710 : i32 to vector<16xi32>
      %eq3A_2712 = arith.cmpi eq, %select_n3A_2254, %eq3A_2711 : vector<16xi32>
      %eq3A_2713 = arith.constant 32 : i32
      %eq3A_2714 = vector.broadcast %eq3A_2713 : i32 to vector<16xi32>
      %eq3A_2715 = arith.cmpi eq, %select_n3A_2250, %eq3A_2714 : vector<16xi32>
      %select_n3A_2716 = arith.select %eq3A_2715, %div3A_2260, %broadcast_in_dim3A_2262 : vector<16xi1>, vector<16xf32>
      %select_n3A_2717 = arith.select %eq3A_2712, %div3A_2259, %select_n3A_2716 : vector<16xi1>, vector<16xf32>
      %swap3A_2718 = arith.constant 32 : i32
      %swap3A_2719 = arith.index_cast %swap3A_2718 : i32 to index
      %swap3A_2720 = arith.index_cast %mul3A_12 : i32 to index
      %swap3A_2721 = tpu.vector_load %arg11[%swap3A_2719, %swap3A_2720] {strides = array<i32>} : memref<64x256xf32, #tpu.memory_space<vmem>>, vector<1x16xf32>,
      %swap3A_2722 = vector.shape_cast %swap3A_2721 : vector<1x16xf32> to vector<16xf32>
      %swap3A_2723 = vector.shape_cast %select_n3A_2717 : vector<16xf32> to vector<1x16xf32>
      tpu.vector_store %arg11[%swap3A_2719, %swap3A_2720], %swap3A_2723 {strides = array<i32>} : memref<64x256xf32, #tpu.memory_space<vmem>>, vector<1x16xf32>,
      %eq3A_2724 = arith.constant 33 : i32
      %eq3A_2725 = vector.broadcast %eq3A_2724 : i32 to vector<16xi32>
      %eq3A_2726 = arith.cmpi eq, %select_n3A_2254, %eq3A_2725 : vector<16xi32>
      %eq3A_2727 = arith.constant 33 : i32
      %eq3A_2728 = vector.broadcast %eq3A_2727 : i32 to vector<16xi32>
      %eq3A_2729 = arith.cmpi eq, %select_n3A_2250, %eq3A_2728 : vector<16xi32>
      %select_n3A_2730 = arith.select %eq3A_2729, %div3A_2260, %broadcast_in_dim3A_2262 : vector<16xi1>, vector<16xf32>
      %select_n3A_2731 = arith.select %eq3A_2726, %div3A_2259, %select_n3A_2730 : vector<16xi1>, vector<16xf32>
      %swap3A_2732 = arith.constant 33 : i32
      %swap3A_2733 = arith.index_cast %swap3A_2732 : i32 to index
      %swap3A_2734 = arith.index_cast %mul3A_12 : i32 to index
      %swap3A_2735 = tpu.vector_load %arg11[%swap3A_2733, %swap3A_2734] {strides = array<i32>} : memref<64x256xf32, #tpu.memory_space<vmem>>, vector<1x16xf32>,
      %swap3A_2736 = vector.shape_cast %swap3A_2735 : vector<1x16xf32> to vector<16xf32>
      %swap3A_2737 = vector.shape_cast %select_n3A_2731 : vector<16xf32> to vector<1x16xf32>
      tpu.vector_store %arg11[%swap3A_2733, %swap3A_2734], %swap3A_2737 {strides = array<i32>} : memref<64x256xf32, #tpu.memory_space<vmem>>, vector<1x16xf32>,
      %eq3A_2738 = arith.constant 34 : i32
      %eq3A_2739 = vector.broadcast %eq3A_2738 : i32 to vector<16xi32>
      %eq3A_2740 = arith.cmpi eq, %select_n3A_2254, %eq3A_2739 : vector<16xi32>
      %eq3A_2741 = arith.constant 34 : i32
      %eq3A_2742 = vector.broadcast %eq3A_2741 : i32 to vector<16xi32>
      %eq3A_2743 = arith.cmpi eq, %select_n3A_2250, %eq3A_2742 : vector<16xi32>
      %select_n3A_2744 = arith.select %eq3A_2743, %div3A_2260, %broadcast_in_dim3A_2262 : vector<16xi1>, vector<16xf32>
      %select_n3A_2745 = arith.select %eq3A_2740, %div3A_2259, %select_n3A_2744 : vector<16xi1>, vector<16xf32>
      %swap3A_2746 = arith.constant 34 : i32
      %swap3A_2747 = arith.index_cast %swap3A_2746 : i32 to index
      %swap3A_2748 = arith.index_cast %mul3A_12 : i32 to index
      %swap3A_2749 = tpu.vector_load %arg11[%swap3A_2747, %swap3A_2748] {strides = array<i32>} : memref<64x256xf32, #tpu.memory_space<vmem>>, vector<1x16xf32>,
      %swap3A_2750 = vector.shape_cast %swap3A_2749 : vector<1x16xf32> to vector<16xf32>
      %swap3A_2751 = vector.shape_cast %select_n3A_2745 : vector<16xf32> to vector<1x16xf32>
      tpu.vector_store %arg11[%swap3A_2747, %swap3A_2748], %swap3A_2751 {strides = array<i32>} : memref<64x256xf32, #tpu.memory_space<vmem>>, vector<1x16xf32>,
      %eq3A_2752 = arith.constant 35 : i32
      %eq3A_2753 = vector.broadcast %eq3A_2752 : i32 to vector<16xi32>
      %eq3A_2754 = arith.cmpi eq, %select_n3A_2254, %eq3A_2753 : vector<16xi32>
      %eq3A_2755 = arith.constant 35 : i32
      %eq3A_2756 = vector.broadcast %eq3A_2755 : i32 to vector<16xi32>
      %eq3A_2757 = arith.cmpi eq, %select_n3A_2250, %eq3A_2756 : vector<16xi32>
      %select_n3A_2758 = arith.select %eq3A_2757, %div3A_2260, %broadcast_in_dim3A_2262 : vector<16xi1>, vector<16xf32>
      %select_n3A_2759 = arith.select %eq3A_2754, %div3A_2259, %select_n3A_2758 : vector<16xi1>, vector<16xf32>
      %swap3A_2760 = arith.constant 35 : i32
      %swap3A_2761 = arith.index_cast %swap3A_2760 : i32 to index
      %swap3A_2762 = arith.index_cast %mul3A_12 : i32 to index
      %swap3A_2763 = tpu.vector_load %arg11[%swap3A_2761, %swap3A_2762] {strides = array<i32>} : memref<64x256xf32, #tpu.memory_space<vmem>>, vector<1x16xf32>,
      %swap3A_2764 = vector.shape_cast %swap3A_2763 : vector<1x16xf32> to vector<16xf32>
      %swap3A_2765 = vector.shape_cast %select_n3A_2759 : vector<16xf32> to vector<1x16xf32>
      tpu.vector_store %arg11[%swap3A_2761, %swap3A_2762], %swap3A_2765 {strides = array<i32>} : memref<64x256xf32, #tpu.memory_space<vmem>>, vector<1x16xf32>,
      %eq3A_2766 = arith.constant 36 : i32
      %eq3A_2767 = vector.broadcast %eq3A_2766 : i32 to vector<16xi32>
      %eq3A_2768 = arith.cmpi eq, %select_n3A_2254, %eq3A_2767 : vector<16xi32>
      %eq3A_2769 = arith.constant 36 : i32
      %eq3A_2770 = vector.broadcast %eq3A_2769 : i32 to vector<16xi32>
      %eq3A_2771 = arith.cmpi eq, %select_n3A_2250, %eq3A_2770 : vector<16xi32>
      %select_n3A_2772 = arith.select %eq3A_2771, %div3A_2260, %broadcast_in_dim3A_2262 : vector<16xi1>, vector<16xf32>
      %select_n3A_2773 = arith.select %eq3A_2768, %div3A_2259, %select_n3A_2772 : vector<16xi1>, vector<16xf32>
      %swap3A_2774 = arith.constant 36 : i32
      %swap3A_2775 = arith.index_cast %swap3A_2774 : i32 to index
      %swap3A_2776 = arith.index_cast %mul3A_12 : i32 to index
      %swap3A_2777 = tpu.vector_load %arg11[%swap3A_2775, %swap3A_2776] {strides = array<i32>} : memref<64x256xf32, #tpu.memory_space<vmem>>, vector<1x16xf32>,
      %swap3A_2778 = vector.shape_cast %swap3A_2777 : vector<1x16xf32> to vector<16xf32>
      %swap3A_2779 = vector.shape_cast %select_n3A_2773 : vector<16xf32> to vector<1x16xf32>
      tpu.vector_store %arg11[%swap3A_2775, %swap3A_2776], %swap3A_2779 {strides = array<i32>} : memref<64x256xf32, #tpu.memory_space<vmem>>, vector<1x16xf32>,
      %eq3A_2780 = arith.constant 37 : i32
      %eq3A_2781 = vector.broadcast %eq3A_2780 : i32 to vector<16xi32>
      %eq3A_2782 = arith.cmpi eq, %select_n3A_2254, %eq3A_2781 : vector<16xi32>
      %eq3A_2783 = arith.constant 37 : i32
      %eq3A_2784 = vector.broadcast %eq3A_2783 : i32 to vector<16xi32>
      %eq3A_2785 = arith.cmpi eq, %select_n3A_2250, %eq3A_2784 : vector<16xi32>
      %select_n3A_2786 = arith.select %eq3A_2785, %div3A_2260, %broadcast_in_dim3A_2262 : vector<16xi1>, vector<16xf32>
      %select_n3A_2787 = arith.select %eq3A_2782, %div3A_2259, %select_n3A_2786 : vector<16xi1>, vector<16xf32>
      %swap3A_2788 = arith.constant 37 : i32
      %swap3A_2789 = arith.index_cast %swap3A_2788 : i32 to index
      %swap3A_2790 = arith.index_cast %mul3A_12 : i32 to index
      %swap3A_2791 = tpu.vector_load %arg11[%swap3A_2789, %swap3A_2790] {strides = array<i32>} : memref<64x256xf32, #tpu.memory_space<vmem>>, vector<1x16xf32>,
      %swap3A_2792 = vector.shape_cast %swap3A_2791 : vector<1x16xf32> to vector<16xf32>
      %swap3A_2793 = vector.shape_cast %select_n3A_2787 : vector<16xf32> to vector<1x16xf32>
      tpu.vector_store %arg11[%swap3A_2789, %swap3A_2790], %swap3A_2793 {strides = array<i32>} : memref<64x256xf32, #tpu.memory_space<vmem>>, vector<1x16xf32>,
      %eq3A_2794 = arith.constant 38 : i32
      %eq3A_2795 = vector.broadcast %eq3A_2794 : i32 to vector<16xi32>
      %eq3A_2796 = arith.cmpi eq, %select_n3A_2254, %eq3A_2795 : vector<16xi32>
      %eq3A_2797 = arith.constant 38 : i32
      %eq3A_2798 = vector.broadcast %eq3A_2797 : i32 to vector<16xi32>
      %eq3A_2799 = arith.cmpi eq, %select_n3A_2250, %eq3A_2798 : vector<16xi32>
      %select_n3A_2800 = arith.select %eq3A_2799, %div3A_2260, %broadcast_in_dim3A_2262 : vector<16xi1>, vector<16xf32>
      %select_n3A_2801 = arith.select %eq3A_2796, %div3A_2259, %select_n3A_2800 : vector<16xi1>, vector<16xf32>
      %swap3A_2802 = arith.constant 38 : i32
      %swap3A_2803 = arith.index_cast %swap3A_2802 : i32 to index
      %swap3A_2804 = arith.index_cast %mul3A_12 : i32 to index
      %swap3A_2805 = tpu.vector_load %arg11[%swap3A_2803, %swap3A_2804] {strides = array<i32>} : memref<64x256xf32, #tpu.memory_space<vmem>>, vector<1x16xf32>,
      %swap3A_2806 = vector.shape_cast %swap3A_2805 : vector<1x16xf32> to vector<16xf32>
      %swap3A_2807 = vector.shape_cast %select_n3A_2801 : vector<16xf32> to vector<1x16xf32>
      tpu.vector_store %arg11[%swap3A_2803, %swap3A_2804], %swap3A_2807 {strides = array<i32>} : memref<64x256xf32, #tpu.memory_space<vmem>>, vector<1x16xf32>,
      %eq3A_2808 = arith.constant 39 : i32
      %eq3A_2809 = vector.broadcast %eq3A_2808 : i32 to vector<16xi32>
      %eq3A_2810 = arith.cmpi eq, %select_n3A_2254, %eq3A_2809 : vector<16xi32>
      %eq3A_2811 = arith.constant 39 : i32
      %eq3A_2812 = vector.broadcast %eq3A_2811 : i32 to vector<16xi32>
      %eq3A_2813 = arith.cmpi eq, %select_n3A_2250, %eq3A_2812 : vector<16xi32>
      %select_n3A_2814 = arith.select %eq3A_2813, %div3A_2260, %broadcast_in_dim3A_2262 : vector<16xi1>, vector<16xf32>
      %select_n3A_2815 = arith.select %eq3A_2810, %div3A_2259, %select_n3A_2814 : vector<16xi1>, vector<16xf32>
      %swap3A_2816 = arith.constant 39 : i32
      %swap3A_2817 = arith.index_cast %swap3A_2816 : i32 to index
      %swap3A_2818 = arith.index_cast %mul3A_12 : i32 to index
      %swap3A_2819 = tpu.vector_load %arg11[%swap3A_2817, %swap3A_2818] {strides = array<i32>} : memref<64x256xf32, #tpu.memory_space<vmem>>, vector<1x16xf32>,
      %swap3A_2820 = vector.shape_cast %swap3A_2819 : vector<1x16xf32> to vector<16xf32>
      %swap3A_2821 = vector.shape_cast %select_n3A_2815 : vector<16xf32> to vector<1x16xf32>
      tpu.vector_store %arg11[%swap3A_2817, %swap3A_2818], %swap3A_2821 {strides = array<i32>} : memref<64x256xf32, #tpu.memory_space<vmem>>, vector<1x16xf32>,
      %eq3A_2822 = arith.constant 40 : i32
      %eq3A_2823 = vector.broadcast %eq3A_2822 : i32 to vector<16xi32>
      %eq3A_2824 = arith.cmpi eq, %select_n3A_2254, %eq3A_2823 : vector<16xi32>
      %eq3A_2825 = arith.constant 40 : i32
      %eq3A_2826 = vector.broadcast %eq3A_2825 : i32 to vector<16xi32>
      %eq3A_2827 = arith.cmpi eq, %select_n3A_2250, %eq3A_2826 : vector<16xi32>
      %select_n3A_2828 = arith.select %eq3A_2827, %div3A_2260, %broadcast_in_dim3A_2262 : vector<16xi1>, vector<16xf32>
      %select_n3A_2829 = arith.select %eq3A_2824, %div3A_2259, %select_n3A_2828 : vector<16xi1>, vector<16xf32>
      %swap3A_2830 = arith.constant 40 : i32
      %swap3A_2831 = arith.index_cast %swap3A_2830 : i32 to index
      %swap3A_2832 = arith.index_cast %mul3A_12 : i32 to index
      %swap3A_2833 = tpu.vector_load %arg11[%swap3A_2831, %swap3A_2832] {strides = array<i32>} : memref<64x256xf32, #tpu.memory_space<vmem>>, vector<1x16xf32>,
      %swap3A_2834 = vector.shape_cast %swap3A_2833 : vector<1x16xf32> to vector<16xf32>
      %swap3A_2835 = vector.shape_cast %select_n3A_2829 : vector<16xf32> to vector<1x16xf32>
      tpu.vector_store %arg11[%swap3A_2831, %swap3A_2832], %swap3A_2835 {strides = array<i32>} : memref<64x256xf32, #tpu.memory_space<vmem>>, vector<1x16xf32>,
      %eq3A_2836 = arith.constant 41 : i32
      %eq3A_2837 = vector.broadcast %eq3A_2836 : i32 to vector<16xi32>
      %eq3A_2838 = arith.cmpi eq, %select_n3A_2254, %eq3A_2837 : vector<16xi32>
      %eq3A_2839 = arith.constant 41 : i32
      %eq3A_2840 = vector.broadcast %eq3A_2839 : i32 to vector<16xi32>
      %eq3A_2841 = arith.cmpi eq, %select_n3A_2250, %eq3A_2840 : vector<16xi32>
      %select_n3A_2842 = arith.select %eq3A_2841, %div3A_2260, %broadcast_in_dim3A_2262 : vector<16xi1>, vector<16xf32>
      %select_n3A_2843 = arith.select %eq3A_2838, %div3A_2259, %select_n3A_2842 : vector<16xi1>, vector<16xf32>
      %swap3A_2844 = arith.constant 41 : i32
      %swap3A_2845 = arith.index_cast %swap3A_2844 : i32 to index
      %swap3A_2846 = arith.index_cast %mul3A_12 : i32 to index
      %swap3A_2847 = tpu.vector_load %arg11[%swap3A_2845, %swap3A_2846] {strides = array<i32>} : memref<64x256xf32, #tpu.memory_space<vmem>>, vector<1x16xf32>,
      %swap3A_2848 = vector.shape_cast %swap3A_2847 : vector<1x16xf32> to vector<16xf32>
      %swap3A_2849 = vector.shape_cast %select_n3A_2843 : vector<16xf32> to vector<1x16xf32>
      tpu.vector_store %arg11[%swap3A_2845, %swap3A_2846], %swap3A_2849 {strides = array<i32>} : memref<64x256xf32, #tpu.memory_space<vmem>>, vector<1x16xf32>,
      %eq3A_2850 = arith.constant 42 : i32
      %eq3A_2851 = vector.broadcast %eq3A_2850 : i32 to vector<16xi32>
      %eq3A_2852 = arith.cmpi eq, %select_n3A_2254, %eq3A_2851 : vector<16xi32>
      %eq3A_2853 = arith.constant 42 : i32
      %eq3A_2854 = vector.broadcast %eq3A_2853 : i32 to vector<16xi32>
      %eq3A_2855 = arith.cmpi eq, %select_n3A_2250, %eq3A_2854 : vector<16xi32>
      %select_n3A_2856 = arith.select %eq3A_2855, %div3A_2260, %broadcast_in_dim3A_2262 : vector<16xi1>, vector<16xf32>
      %select_n3A_2857 = arith.select %eq3A_2852, %div3A_2259, %select_n3A_2856 : vector<16xi1>, vector<16xf32>
      %swap3A_2858 = arith.constant 42 : i32
      %swap3A_2859 = arith.index_cast %swap3A_2858 : i32 to index
      %swap3A_2860 = arith.index_cast %mul3A_12 : i32 to index
      %swap3A_2861 = tpu.vector_load %arg11[%swap3A_2859, %swap3A_2860] {strides = array<i32>} : memref<64x256xf32, #tpu.memory_space<vmem>>, vector<1x16xf32>,
      %swap3A_2862 = vector.shape_cast %swap3A_2861 : vector<1x16xf32> to vector<16xf32>
      %swap3A_2863 = vector.shape_cast %select_n3A_2857 : vector<16xf32> to vector<1x16xf32>
      tpu.vector_store %arg11[%swap3A_2859, %swap3A_2860], %swap3A_2863 {strides = array<i32>} : memref<64x256xf32, #tpu.memory_space<vmem>>, vector<1x16xf32>,
      %eq3A_2864 = arith.constant 43 : i32
      %eq3A_2865 = vector.broadcast %eq3A_2864 : i32 to vector<16xi32>
      %eq3A_2866 = arith.cmpi eq, %select_n3A_2254, %eq3A_2865 : vector<16xi32>
      %eq3A_2867 = arith.constant 43 : i32
      %eq3A_2868 = vector.broadcast %eq3A_2867 : i32 to vector<16xi32>
      %eq3A_2869 = arith.cmpi eq, %select_n3A_2250, %eq3A_2868 : vector<16xi32>
      %select_n3A_2870 = arith.select %eq3A_2869, %div3A_2260, %broadcast_in_dim3A_2262 : vector<16xi1>, vector<16xf32>
      %select_n3A_2871 = arith.select %eq3A_2866, %div3A_2259, %select_n3A_2870 : vector<16xi1>, vector<16xf32>
      %swap3A_2872 = arith.constant 43 : i32
      %swap3A_2873 = arith.index_cast %swap3A_2872 : i32 to index
      %swap3A_2874 = arith.index_cast %mul3A_12 : i32 to index
      %swap3A_2875 = tpu.vector_load %arg11[%swap3A_2873, %swap3A_2874] {strides = array<i32>} : memref<64x256xf32, #tpu.memory_space<vmem>>, vector<1x16xf32>,
      %swap3A_2876 = vector.shape_cast %swap3A_2875 : vector<1x16xf32> to vector<16xf32>
      %swap3A_2877 = vector.shape_cast %select_n3A_2871 : vector<16xf32> to vector<1x16xf32>
      tpu.vector_store %arg11[%swap3A_2873, %swap3A_2874], %swap3A_2877 {strides = array<i32>} : memref<64x256xf32, #tpu.memory_space<vmem>>, vector<1x16xf32>,
      %eq3A_2878 = arith.constant 44 : i32
      %eq3A_2879 = vector.broadcast %eq3A_2878 : i32 to vector<16xi32>
      %eq3A_2880 = arith.cmpi eq, %select_n3A_2254, %eq3A_2879 : vector<16xi32>
      %eq3A_2881 = arith.constant 44 : i32
      %eq3A_2882 = vector.broadcast %eq3A_2881 : i32 to vector<16xi32>
      %eq3A_2883 = arith.cmpi eq, %select_n3A_2250, %eq3A_2882 : vector<16xi32>
      %select_n3A_2884 = arith.select %eq3A_2883, %div3A_2260, %broadcast_in_dim3A_2262 : vector<16xi1>, vector<16xf32>
      %select_n3A_2885 = arith.select %eq3A_2880, %div3A_2259, %select_n3A_2884 : vector<16xi1>, vector<16xf32>
      %swap3A_2886 = arith.constant 44 : i32
      %swap3A_2887 = arith.index_cast %swap3A_2886 : i32 to index
      %swap3A_2888 = arith.index_cast %mul3A_12 : i32 to index
      %swap3A_2889 = tpu.vector_load %arg11[%swap3A_2887, %swap3A_2888] {strides = array<i32>} : memref<64x256xf32, #tpu.memory_space<vmem>>, vector<1x16xf32>,
      %swap3A_2890 = vector.shape_cast %swap3A_2889 : vector<1x16xf32> to vector<16xf32>
      %swap3A_2891 = vector.shape_cast %select_n3A_2885 : vector<16xf32> to vector<1x16xf32>
      tpu.vector_store %arg11[%swap3A_2887, %swap3A_2888], %swap3A_2891 {strides = array<i32>} : memref<64x256xf32, #tpu.memory_space<vmem>>, vector<1x16xf32>,
      %eq3A_2892 = arith.constant 45 : i32
      %eq3A_2893 = vector.broadcast %eq3A_2892 : i32 to vector<16xi32>
      %eq3A_2894 = arith.cmpi eq, %select_n3A_2254, %eq3A_2893 : vector<16xi32>
      %eq3A_2895 = arith.constant 45 : i32
      %eq3A_2896 = vector.broadcast %eq3A_2895 : i32 to vector<16xi32>
      %eq3A_2897 = arith.cmpi eq, %select_n3A_2250, %eq3A_2896 : vector<16xi32>
      %select_n3A_2898 = arith.select %eq3A_2897, %div3A_2260, %broadcast_in_dim3A_2262 : vector<16xi1>, vector<16xf32>
      %select_n3A_2899 = arith.select %eq3A_2894, %div3A_2259, %select_n3A_2898 : vector<16xi1>, vector<16xf32>
      %swap3A_2900 = arith.constant 45 : i32
      %swap3A_2901 = arith.index_cast %swap3A_2900 : i32 to index
      %swap3A_2902 = arith.index_cast %mul3A_12 : i32 to index
      %swap3A_2903 = tpu.vector_load %arg11[%swap3A_2901, %swap3A_2902] {strides = array<i32>} : memref<64x256xf32, #tpu.memory_space<vmem>>, vector<1x16xf32>,
      %swap3A_2904 = vector.shape_cast %swap3A_2903 : vector<1x16xf32> to vector<16xf32>
      %swap3A_2905 = vector.shape_cast %select_n3A_2899 : vector<16xf32> to vector<1x16xf32>
      tpu.vector_store %arg11[%swap3A_2901, %swap3A_2902], %swap3A_2905 {strides = array<i32>} : memref<64x256xf32, #tpu.memory_space<vmem>>, vector<1x16xf32>,
      %eq3A_2906 = arith.constant 46 : i32
      %eq3A_2907 = vector.broadcast %eq3A_2906 : i32 to vector<16xi32>
      %eq3A_2908 = arith.cmpi eq, %select_n3A_2254, %eq3A_2907 : vector<16xi32>
      %eq3A_2909 = arith.constant 46 : i32
      %eq3A_2910 = vector.broadcast %eq3A_2909 : i32 to vector<16xi32>
      %eq3A_2911 = arith.cmpi eq, %select_n3A_2250, %eq3A_2910 : vector<16xi32>
      %select_n3A_2912 = arith.select %eq3A_2911, %div3A_2260, %broadcast_in_dim3A_2262 : vector<16xi1>, vector<16xf32>
      %select_n3A_2913 = arith.select %eq3A_2908, %div3A_2259, %select_n3A_2912 : vector<16xi1>, vector<16xf32>
      %swap3A_2914 = arith.constant 46 : i32
      %swap3A_2915 = arith.index_cast %swap3A_2914 : i32 to index
      %swap3A_2916 = arith.index_cast %mul3A_12 : i32 to index
      %swap3A_2917 = tpu.vector_load %arg11[%swap3A_2915, %swap3A_2916] {strides = array<i32>} : memref<64x256xf32, #tpu.memory_space<vmem>>, vector<1x16xf32>,
      %swap3A_2918 = vector.shape_cast %swap3A_2917 : vector<1x16xf32> to vector<16xf32>
      %swap3A_2919 = vector.shape_cast %select_n3A_2913 : vector<16xf32> to vector<1x16xf32>
      tpu.vector_store %arg11[%swap3A_2915, %swap3A_2916], %swap3A_2919 {strides = array<i32>} : memref<64x256xf32, #tpu.memory_space<vmem>>, vector<1x16xf32>,
      %eq3A_2920 = arith.constant 47 : i32
      %eq3A_2921 = vector.broadcast %eq3A_2920 : i32 to vector<16xi32>
      %eq3A_2922 = arith.cmpi eq, %select_n3A_2254, %eq3A_2921 : vector<16xi32>
      %eq3A_2923 = arith.constant 47 : i32
      %eq3A_2924 = vector.broadcast %eq3A_2923 : i32 to vector<16xi32>
      %eq3A_2925 = arith.cmpi eq, %select_n3A_2250, %eq3A_2924 : vector<16xi32>
      %select_n3A_2926 = arith.select %eq3A_2925, %div3A_2260, %broadcast_in_dim3A_2262 : vector<16xi1>, vector<16xf32>
      %select_n3A_2927 = arith.select %eq3A_2922, %div3A_2259, %select_n3A_2926 : vector<16xi1>, vector<16xf32>
      %swap3A_2928 = arith.constant 47 : i32
      %swap3A_2929 = arith.index_cast %swap3A_2928 : i32 to index
      %swap3A_2930 = arith.index_cast %mul3A_12 : i32 to index
      %swap3A_2931 = tpu.vector_load %arg11[%swap3A_2929, %swap3A_2930] {strides = array<i32>} : memref<64x256xf32, #tpu.memory_space<vmem>>, vector<1x16xf32>,
      %swap3A_2932 = vector.shape_cast %swap3A_2931 : vector<1x16xf32> to vector<16xf32>
      %swap3A_2933 = vector.shape_cast %select_n3A_2927 : vector<16xf32> to vector<1x16xf32>
      tpu.vector_store %arg11[%swap3A_2929, %swap3A_2930], %swap3A_2933 {strides = array<i32>} : memref<64x256xf32, #tpu.memory_space<vmem>>, vector<1x16xf32>,
      %eq3A_2934 = arith.constant 48 : i32
      %eq3A_2935 = vector.broadcast %eq3A_2934 : i32 to vector<16xi32>
      %eq3A_2936 = arith.cmpi eq, %select_n3A_2254, %eq3A_2935 : vector<16xi32>
      %eq3A_2937 = arith.constant 48 : i32
      %eq3A_2938 = vector.broadcast %eq3A_2937 : i32 to vector<16xi32>
      %eq3A_2939 = arith.cmpi eq, %select_n3A_2250, %eq3A_2938 : vector<16xi32>
      %select_n3A_2940 = arith.select %eq3A_2939, %div3A_2260, %broadcast_in_dim3A_2262 : vector<16xi1>, vector<16xf32>
      %select_n3A_2941 = arith.select %eq3A_2936, %div3A_2259, %select_n3A_2940 : vector<16xi1>, vector<16xf32>
      %swap3A_2942 = arith.constant 48 : i32
      %swap3A_2943 = arith.index_cast %swap3A_2942 : i32 to index
      %swap3A_2944 = arith.index_cast %mul3A_12 : i32 to index
      %swap3A_2945 = tpu.vector_load %arg11[%swap3A_2943, %swap3A_2944] {strides = array<i32>} : memref<64x256xf32, #tpu.memory_space<vmem>>, vector<1x16xf32>,
      %swap3A_2946 = vector.shape_cast %swap3A_2945 : vector<1x16xf32> to vector<16xf32>
      %swap3A_2947 = vector.shape_cast %select_n3A_2941 : vector<16xf32> to vector<1x16xf32>
      tpu.vector_store %arg11[%swap3A_2943, %swap3A_2944], %swap3A_2947 {strides = array<i32>} : memref<64x256xf32, #tpu.memory_space<vmem>>, vector<1x16xf32>,
      %eq3A_2948 = arith.constant 49 : i32
      %eq3A_2949 = vector.broadcast %eq3A_2948 : i32 to vector<16xi32>
      %eq3A_2950 = arith.cmpi eq, %select_n3A_2254, %eq3A_2949 : vector<16xi32>
      %eq3A_2951 = arith.constant 49 : i32
      %eq3A_2952 = vector.broadcast %eq3A_2951 : i32 to vector<16xi32>
      %eq3A_2953 = arith.cmpi eq, %select_n3A_2250, %eq3A_2952 : vector<16xi32>
      %select_n3A_2954 = arith.select %eq3A_2953, %div3A_2260, %broadcast_in_dim3A_2262 : vector<16xi1>, vector<16xf32>
      %select_n3A_2955 = arith.select %eq3A_2950, %div3A_2259, %select_n3A_2954 : vector<16xi1>, vector<16xf32>
      %swap3A_2956 = arith.constant 49 : i32
      %swap3A_2957 = arith.index_cast %swap3A_2956 : i32 to index
      %swap3A_2958 = arith.index_cast %mul3A_12 : i32 to index
      %swap3A_2959 = tpu.vector_load %arg11[%swap3A_2957, %swap3A_2958] {strides = array<i32>} : memref<64x256xf32, #tpu.memory_space<vmem>>, vector<1x16xf32>,
      %swap3A_2960 = vector.shape_cast %swap3A_2959 : vector<1x16xf32> to vector<16xf32>
      %swap3A_2961 = vector.shape_cast %select_n3A_2955 : vector<16xf32> to vector<1x16xf32>
      tpu.vector_store %arg11[%swap3A_2957, %swap3A_2958], %swap3A_2961 {strides = array<i32>} : memref<64x256xf32, #tpu.memory_space<vmem>>, vector<1x16xf32>,
      %eq3A_2962 = arith.constant 50 : i32
      %eq3A_2963 = vector.broadcast %eq3A_2962 : i32 to vector<16xi32>
      %eq3A_2964 = arith.cmpi eq, %select_n3A_2254, %eq3A_2963 : vector<16xi32>
      %eq3A_2965 = arith.constant 50 : i32
      %eq3A_2966 = vector.broadcast %eq3A_2965 : i32 to vector<16xi32>
      %eq3A_2967 = arith.cmpi eq, %select_n3A_2250, %eq3A_2966 : vector<16xi32>
      %select_n3A_2968 = arith.select %eq3A_2967, %div3A_2260, %broadcast_in_dim3A_2262 : vector<16xi1>, vector<16xf32>
      %select_n3A_2969 = arith.select %eq3A_2964, %div3A_2259, %select_n3A_2968 : vector<16xi1>, vector<16xf32>
      %swap3A_2970 = arith.constant 50 : i32
      %swap3A_2971 = arith.index_cast %swap3A_2970 : i32 to index
      %swap3A_2972 = arith.index_cast %mul3A_12 : i32 to index
      %swap3A_2973 = tpu.vector_load %arg11[%swap3A_2971, %swap3A_2972] {strides = array<i32>} : memref<64x256xf32, #tpu.memory_space<vmem>>, vector<1x16xf32>,
      %swap3A_2974 = vector.shape_cast %swap3A_2973 : vector<1x16xf32> to vector<16xf32>
      %swap3A_2975 = vector.shape_cast %select_n3A_2969 : vector<16xf32> to vector<1x16xf32>
      tpu.vector_store %arg11[%swap3A_2971, %swap3A_2972], %swap3A_2975 {strides = array<i32>} : memref<64x256xf32, #tpu.memory_space<vmem>>, vector<1x16xf32>,
      %eq3A_2976 = arith.constant 51 : i32
      %eq3A_2977 = vector.broadcast %eq3A_2976 : i32 to vector<16xi32>
      %eq3A_2978 = arith.cmpi eq, %select_n3A_2254, %eq3A_2977 : vector<16xi32>
      %eq3A_2979 = arith.constant 51 : i32
      %eq3A_2980 = vector.broadcast %eq3A_2979 : i32 to vector<16xi32>
      %eq3A_2981 = arith.cmpi eq, %select_n3A_2250, %eq3A_2980 : vector<16xi32>
      %select_n3A_2982 = arith.select %eq3A_2981, %div3A_2260, %broadcast_in_dim3A_2262 : vector<16xi1>, vector<16xf32>
      %select_n3A_2983 = arith.select %eq3A_2978, %div3A_2259, %select_n3A_2982 : vector<16xi1>, vector<16xf32>
      %swap3A_2984 = arith.constant 51 : i32
      %swap3A_2985 = arith.index_cast %swap3A_2984 : i32 to index
      %swap3A_2986 = arith.index_cast %mul3A_12 : i32 to index
      %swap3A_2987 = tpu.vector_load %arg11[%swap3A_2985, %swap3A_2986] {strides = array<i32>} : memref<64x256xf32, #tpu.memory_space<vmem>>, vector<1x16xf32>,
      %swap3A_2988 = vector.shape_cast %swap3A_2987 : vector<1x16xf32> to vector<16xf32>
      %swap3A_2989 = vector.shape_cast %select_n3A_2983 : vector<16xf32> to vector<1x16xf32>
      tpu.vector_store %arg11[%swap3A_2985, %swap3A_2986], %swap3A_2989 {strides = array<i32>} : memref<64x256xf32, #tpu.memory_space<vmem>>, vector<1x16xf32>,
      %eq3A_2990 = arith.constant 52 : i32
      %eq3A_2991 = vector.broadcast %eq3A_2990 : i32 to vector<16xi32>
      %eq3A_2992 = arith.cmpi eq, %select_n3A_2254, %eq3A_2991 : vector<16xi32>
      %eq3A_2993 = arith.constant 52 : i32
      %eq3A_2994 = vector.broadcast %eq3A_2993 : i32 to vector<16xi32>
      %eq3A_2995 = arith.cmpi eq, %select_n3A_2250, %eq3A_2994 : vector<16xi32>
      %select_n3A_2996 = arith.select %eq3A_2995, %div3A_2260, %broadcast_in_dim3A_2262 : vector<16xi1>, vector<16xf32>
      %select_n3A_2997 = arith.select %eq3A_2992, %div3A_2259, %select_n3A_2996 : vector<16xi1>, vector<16xf32>
      %swap3A_2998 = arith.constant 52 : i32
      %swap3A_2999 = arith.index_cast %swap3A_2998 : i32 to index
      %swap3A_3000 = arith.index_cast %mul3A_12 : i32 to index
      %swap3A_3001 = tpu.vector_load %arg11[%swap3A_2999, %swap3A_3000] {strides = array<i32>} : memref<64x256xf32, #tpu.memory_space<vmem>>, vector<1x16xf32>,
      %swap3A_3002 = vector.shape_cast %swap3A_3001 : vector<1x16xf32> to vector<16xf32>
      %swap3A_3003 = vector.shape_cast %select_n3A_2997 : vector<16xf32> to vector<1x16xf32>
      tpu.vector_store %arg11[%swap3A_2999, %swap3A_3000], %swap3A_3003 {strides = array<i32>} : memref<64x256xf32, #tpu.memory_space<vmem>>, vector<1x16xf32>,
      %eq3A_3004 = arith.constant 53 : i32
      %eq3A_3005 = vector.broadcast %eq3A_3004 : i32 to vector<16xi32>
      %eq3A_3006 = arith.cmpi eq, %select_n3A_2254, %eq3A_3005 : vector<16xi32>
      %eq3A_3007 = arith.constant 53 : i32
      %eq3A_3008 = vector.broadcast %eq3A_3007 : i32 to vector<16xi32>
      %eq3A_3009 = arith.cmpi eq, %select_n3A_2250, %eq3A_3008 : vector<16xi32>
      %select_n3A_3010 = arith.select %eq3A_3009, %div3A_2260, %broadcast_in_dim3A_2262 : vector<16xi1>, vector<16xf32>
      %select_n3A_3011 = arith.select %eq3A_3006, %div3A_2259, %select_n3A_3010 : vector<16xi1>, vector<16xf32>
      %swap3A_3012 = arith.constant 53 : i32
      %swap3A_3013 = arith.index_cast %swap3A_3012 : i32 to index
      %swap3A_3014 = arith.index_cast %mul3A_12 : i32 to index
      %swap3A_3015 = tpu.vector_load %arg11[%swap3A_3013, %swap3A_3014] {strides = array<i32>} : memref<64x256xf32, #tpu.memory_space<vmem>>, vector<1x16xf32>,
      %swap3A_3016 = vector.shape_cast %swap3A_3015 : vector<1x16xf32> to vector<16xf32>
      %swap3A_3017 = vector.shape_cast %select_n3A_3011 : vector<16xf32> to vector<1x16xf32>
      tpu.vector_store %arg11[%swap3A_3013, %swap3A_3014], %swap3A_3017 {strides = array<i32>} : memref<64x256xf32, #tpu.memory_space<vmem>>, vector<1x16xf32>,
      %eq3A_3018 = arith.constant 54 : i32
      %eq3A_3019 = vector.broadcast %eq3A_3018 : i32 to vector<16xi32>
      %eq3A_3020 = arith.cmpi eq, %select_n3A_2254, %eq3A_3019 : vector<16xi32>
      %eq3A_3021 = arith.constant 54 : i32
      %eq3A_3022 = vector.broadcast %eq3A_3021 : i32 to vector<16xi32>
      %eq3A_3023 = arith.cmpi eq, %select_n3A_2250, %eq3A_3022 : vector<16xi32>
      %select_n3A_3024 = arith.select %eq3A_3023, %div3A_2260, %broadcast_in_dim3A_2262 : vector<16xi1>, vector<16xf32>
      %select_n3A_3025 = arith.select %eq3A_3020, %div3A_2259, %select_n3A_3024 : vector<16xi1>, vector<16xf32>
      %swap3A_3026 = arith.constant 54 : i32
      %swap3A_3027 = arith.index_cast %swap3A_3026 : i32 to index
      %swap3A_3028 = arith.index_cast %mul3A_12 : i32 to index
      %swap3A_3029 = tpu.vector_load %arg11[%swap3A_3027, %swap3A_3028] {strides = array<i32>} : memref<64x256xf32, #tpu.memory_space<vmem>>, vector<1x16xf32>,
      %swap3A_3030 = vector.shape_cast %swap3A_3029 : vector<1x16xf32> to vector<16xf32>
      %swap3A_3031 = vector.shape_cast %select_n3A_3025 : vector<16xf32> to vector<1x16xf32>
      tpu.vector_store %arg11[%swap3A_3027, %swap3A_3028], %swap3A_3031 {strides = array<i32>} : memref<64x256xf32, #tpu.memory_space<vmem>>, vector<1x16xf32>,
      %eq3A_3032 = arith.constant 55 : i32
      %eq3A_3033 = vector.broadcast %eq3A_3032 : i32 to vector<16xi32>
      %eq3A_3034 = arith.cmpi eq, %select_n3A_2254, %eq3A_3033 : vector<16xi32>
      %eq3A_3035 = arith.constant 55 : i32
      %eq3A_3036 = vector.broadcast %eq3A_3035 : i32 to vector<16xi32>
      %eq3A_3037 = arith.cmpi eq, %select_n3A_2250, %eq3A_3036 : vector<16xi32>
      %select_n3A_3038 = arith.select %eq3A_3037, %div3A_2260, %broadcast_in_dim3A_2262 : vector<16xi1>, vector<16xf32>
      %select_n3A_3039 = arith.select %eq3A_3034, %div3A_2259, %select_n3A_3038 : vector<16xi1>, vector<16xf32>
      %swap3A_3040 = arith.constant 55 : i32
      %swap3A_3041 = arith.index_cast %swap3A_3040 : i32 to index
      %swap3A_3042 = arith.index_cast %mul3A_12 : i32 to index
      %swap3A_3043 = tpu.vector_load %arg11[%swap3A_3041, %swap3A_3042] {strides = array<i32>} : memref<64x256xf32, #tpu.memory_space<vmem>>, vector<1x16xf32>,
      %swap3A_3044 = vector.shape_cast %swap3A_3043 : vector<1x16xf32> to vector<16xf32>
      %swap3A_3045 = vector.shape_cast %select_n3A_3039 : vector<16xf32> to vector<1x16xf32>
      tpu.vector_store %arg11[%swap3A_3041, %swap3A_3042], %swap3A_3045 {strides = array<i32>} : memref<64x256xf32, #tpu.memory_space<vmem>>, vector<1x16xf32>,
      %eq3A_3046 = arith.constant 56 : i32
      %eq3A_3047 = vector.broadcast %eq3A_3046 : i32 to vector<16xi32>
      %eq3A_3048 = arith.cmpi eq, %select_n3A_2254, %eq3A_3047 : vector<16xi32>
      %eq3A_3049 = arith.constant 56 : i32
      %eq3A_3050 = vector.broadcast %eq3A_3049 : i32 to vector<16xi32>
      %eq3A_3051 = arith.cmpi eq, %select_n3A_2250, %eq3A_3050 : vector<16xi32>
      %select_n3A_3052 = arith.select %eq3A_3051, %div3A_2260, %broadcast_in_dim3A_2262 : vector<16xi1>, vector<16xf32>
      %select_n3A_3053 = arith.select %eq3A_3048, %div3A_2259, %select_n3A_3052 : vector<16xi1>, vector<16xf32>
      %swap3A_3054 = arith.constant 56 : i32
      %swap3A_3055 = arith.index_cast %swap3A_3054 : i32 to index
      %swap3A_3056 = arith.index_cast %mul3A_12 : i32 to index
      %swap3A_3057 = tpu.vector_load %arg11[%swap3A_3055, %swap3A_3056] {strides = array<i32>} : memref<64x256xf32, #tpu.memory_space<vmem>>, vector<1x16xf32>,
      %swap3A_3058 = vector.shape_cast %swap3A_3057 : vector<1x16xf32> to vector<16xf32>
      %swap3A_3059 = vector.shape_cast %select_n3A_3053 : vector<16xf32> to vector<1x16xf32>
      tpu.vector_store %arg11[%swap3A_3055, %swap3A_3056], %swap3A_3059 {strides = array<i32>} : memref<64x256xf32, #tpu.memory_space<vmem>>, vector<1x16xf32>,
      %eq3A_3060 = arith.constant 57 : i32
      %eq3A_3061 = vector.broadcast %eq3A_3060 : i32 to vector<16xi32>
      %eq3A_3062 = arith.cmpi eq, %select_n3A_2254, %eq3A_3061 : vector<16xi32>
      %eq3A_3063 = arith.constant 57 : i32
      %eq3A_3064 = vector.broadcast %eq3A_3063 : i32 to vector<16xi32>
      %eq3A_3065 = arith.cmpi eq, %select_n3A_2250, %eq3A_3064 : vector<16xi32>
      %select_n3A_3066 = arith.select %eq3A_3065, %div3A_2260, %broadcast_in_dim3A_2262 : vector<16xi1>, vector<16xf32>
      %select_n3A_3067 = arith.select %eq3A_3062, %div3A_2259, %select_n3A_3066 : vector<16xi1>, vector<16xf32>
      %swap3A_3068 = arith.constant 57 : i32
      %swap3A_3069 = arith.index_cast %swap3A_3068 : i32 to index
      %swap3A_3070 = arith.index_cast %mul3A_12 : i32 to index
      %swap3A_3071 = tpu.vector_load %arg11[%swap3A_3069, %swap3A_3070] {strides = array<i32>} : memref<64x256xf32, #tpu.memory_space<vmem>>, vector<1x16xf32>,
      %swap3A_3072 = vector.shape_cast %swap3A_3071 : vector<1x16xf32> to vector<16xf32>
      %swap3A_3073 = vector.shape_cast %select_n3A_3067 : vector<16xf32> to vector<1x16xf32>
      tpu.vector_store %arg11[%swap3A_3069, %swap3A_3070], %swap3A_3073 {strides = array<i32>} : memref<64x256xf32, #tpu.memory_space<vmem>>, vector<1x16xf32>,
      %eq3A_3074 = arith.constant 58 : i32
      %eq3A_3075 = vector.broadcast %eq3A_3074 : i32 to vector<16xi32>
      %eq3A_3076 = arith.cmpi eq, %select_n3A_2254, %eq3A_3075 : vector<16xi32>
      %eq3A_3077 = arith.constant 58 : i32
      %eq3A_3078 = vector.broadcast %eq3A_3077 : i32 to vector<16xi32>
      %eq3A_3079 = arith.cmpi eq, %select_n3A_2250, %eq3A_3078 : vector<16xi32>
      %select_n3A_3080 = arith.select %eq3A_3079, %div3A_2260, %broadcast_in_dim3A_2262 : vector<16xi1>, vector<16xf32>
      %select_n3A_3081 = arith.select %eq3A_3076, %div3A_2259, %select_n3A_3080 : vector<16xi1>, vector<16xf32>
      %swap3A_3082 = arith.constant 58 : i32
      %swap3A_3083 = arith.index_cast %swap3A_3082 : i32 to index
      %swap3A_3084 = arith.index_cast %mul3A_12 : i32 to index
      %swap3A_3085 = tpu.vector_load %arg11[%swap3A_3083, %swap3A_3084] {strides = array<i32>} : memref<64x256xf32, #tpu.memory_space<vmem>>, vector<1x16xf32>,
      %swap3A_3086 = vector.shape_cast %swap3A_3085 : vector<1x16xf32> to vector<16xf32>
      %swap3A_3087 = vector.shape_cast %select_n3A_3081 : vector<16xf32> to vector<1x16xf32>
      tpu.vector_store %arg11[%swap3A_3083, %swap3A_3084], %swap3A_3087 {strides = array<i32>} : memref<64x256xf32, #tpu.memory_space<vmem>>, vector<1x16xf32>,
      %eq3A_3088 = arith.constant 59 : i32
      %eq3A_3089 = vector.broadcast %eq3A_3088 : i32 to vector<16xi32>
      %eq3A_3090 = arith.cmpi eq, %select_n3A_2254, %eq3A_3089 : vector<16xi32>
      %eq3A_3091 = arith.constant 59 : i32
      %eq3A_3092 = vector.broadcast %eq3A_3091 : i32 to vector<16xi32>
      %eq3A_3093 = arith.cmpi eq, %select_n3A_2250, %eq3A_3092 : vector<16xi32>
      %select_n3A_3094 = arith.select %eq3A_3093, %div3A_2260, %broadcast_in_dim3A_2262 : vector<16xi1>, vector<16xf32>
      %select_n3A_3095 = arith.select %eq3A_3090, %div3A_2259, %select_n3A_3094 : vector<16xi1>, vector<16xf32>
      %swap3A_3096 = arith.constant 59 : i32
      %swap3A_3097 = arith.index_cast %swap3A_3096 : i32 to index
      %swap3A_3098 = arith.index_cast %mul3A_12 : i32 to index
      %swap3A_3099 = tpu.vector_load %arg11[%swap3A_3097, %swap3A_3098] {strides = array<i32>} : memref<64x256xf32, #tpu.memory_space<vmem>>, vector<1x16xf32>,
      %swap3A_3100 = vector.shape_cast %swap3A_3099 : vector<1x16xf32> to vector<16xf32>
      %swap3A_3101 = vector.shape_cast %select_n3A_3095 : vector<16xf32> to vector<1x16xf32>
      tpu.vector_store %arg11[%swap3A_3097, %swap3A_3098], %swap3A_3101 {strides = array<i32>} : memref<64x256xf32, #tpu.memory_space<vmem>>, vector<1x16xf32>,
      %eq3A_3102 = arith.constant 60 : i32
      %eq3A_3103 = vector.broadcast %eq3A_3102 : i32 to vector<16xi32>
      %eq3A_3104 = arith.cmpi eq, %select_n3A_2254, %eq3A_3103 : vector<16xi32>
      %eq3A_3105 = arith.constant 60 : i32
      %eq3A_3106 = vector.broadcast %eq3A_3105 : i32 to vector<16xi32>
      %eq3A_3107 = arith.cmpi eq, %select_n3A_2250, %eq3A_3106 : vector<16xi32>
      %select_n3A_3108 = arith.select %eq3A_3107, %div3A_2260, %broadcast_in_dim3A_2262 : vector<16xi1>, vector<16xf32>
      %select_n3A_3109 = arith.select %eq3A_3104, %div3A_2259, %select_n3A_3108 : vector<16xi1>, vector<16xf32>
      %swap3A_3110 = arith.constant 60 : i32
      %swap3A_3111 = arith.index_cast %swap3A_3110 : i32 to index
      %swap3A_3112 = arith.index_cast %mul3A_12 : i32 to index
      %swap3A_3113 = tpu.vector_load %arg11[%swap3A_3111, %swap3A_3112] {strides = array<i32>} : memref<64x256xf32, #tpu.memory_space<vmem>>, vector<1x16xf32>,
      %swap3A_3114 = vector.shape_cast %swap3A_3113 : vector<1x16xf32> to vector<16xf32>
      %swap3A_3115 = vector.shape_cast %select_n3A_3109 : vector<16xf32> to vector<1x16xf32>
      tpu.vector_store %arg11[%swap3A_3111, %swap3A_3112], %swap3A_3115 {strides = array<i32>} : memref<64x256xf32, #tpu.memory_space<vmem>>, vector<1x16xf32>,
      %eq3A_3116 = arith.constant 61 : i32
      %eq3A_3117 = vector.broadcast %eq3A_3116 : i32 to vector<16xi32>
      %eq3A_3118 = arith.cmpi eq, %select_n3A_2254, %eq3A_3117 : vector<16xi32>
      %eq3A_3119 = arith.constant 61 : i32
      %eq3A_3120 = vector.broadcast %eq3A_3119 : i32 to vector<16xi32>
      %eq3A_3121 = arith.cmpi eq, %select_n3A_2250, %eq3A_3120 : vector<16xi32>
      %select_n3A_3122 = arith.select %eq3A_3121, %div3A_2260, %broadcast_in_dim3A_2262 : vector<16xi1>, vector<16xf32>
      %select_n3A_3123 = arith.select %eq3A_3118, %div3A_2259, %select_n3A_3122 : vector<16xi1>, vector<16xf32>
      %swap3A_3124 = arith.constant 61 : i32
      %swap3A_3125 = arith.index_cast %swap3A_3124 : i32 to index
      %swap3A_3126 = arith.index_cast %mul3A_12 : i32 to index
      %swap3A_3127 = tpu.vector_load %arg11[%swap3A_3125, %swap3A_3126] {strides = array<i32>} : memref<64x256xf32, #tpu.memory_space<vmem>>, vector<1x16xf32>,
      %swap3A_3128 = vector.shape_cast %swap3A_3127 : vector<1x16xf32> to vector<16xf32>
      %swap3A_3129 = vector.shape_cast %select_n3A_3123 : vector<16xf32> to vector<1x16xf32>
      tpu.vector_store %arg11[%swap3A_3125, %swap3A_3126], %swap3A_3129 {strides = array<i32>} : memref<64x256xf32, #tpu.memory_space<vmem>>, vector<1x16xf32>,
      %eq3A_3130 = arith.constant 62 : i32
      %eq3A_3131 = vector.broadcast %eq3A_3130 : i32 to vector<16xi32>
      %eq3A_3132 = arith.cmpi eq, %select_n3A_2254, %eq3A_3131 : vector<16xi32>
      %eq3A_3133 = arith.constant 62 : i32
      %eq3A_3134 = vector.broadcast %eq3A_3133 : i32 to vector<16xi32>
      %eq3A_3135 = arith.cmpi eq, %select_n3A_2250, %eq3A_3134 : vector<16xi32>
      %select_n3A_3136 = arith.select %eq3A_3135, %div3A_2260, %broadcast_in_dim3A_2262 : vector<16xi1>, vector<16xf32>
      %select_n3A_3137 = arith.select %eq3A_3132, %div3A_2259, %select_n3A_3136 : vector<16xi1>, vector<16xf32>
      %swap3A_3138 = arith.constant 62 : i32
      %swap3A_3139 = arith.index_cast %swap3A_3138 : i32 to index
      %swap3A_3140 = arith.index_cast %mul3A_12 : i32 to index
      %swap3A_3141 = tpu.vector_load %arg11[%swap3A_3139, %swap3A_3140] {strides = array<i32>} : memref<64x256xf32, #tpu.memory_space<vmem>>, vector<1x16xf32>,
      %swap3A_3142 = vector.shape_cast %swap3A_3141 : vector<1x16xf32> to vector<16xf32>
      %swap3A_3143 = vector.shape_cast %select_n3A_3137 : vector<16xf32> to vector<1x16xf32>
      tpu.vector_store %arg11[%swap3A_3139, %swap3A_3140], %swap3A_3143 {strides = array<i32>} : memref<64x256xf32, #tpu.memory_space<vmem>>, vector<1x16xf32>,
      %eq3A_3144 = arith.constant 63 : i32
      %eq3A_3145 = vector.broadcast %eq3A_3144 : i32 to vector<16xi32>
      %eq3A_3146 = arith.cmpi eq, %select_n3A_2254, %eq3A_3145 : vector<16xi32>
      %eq3A_3147 = arith.constant 63 : i32
      %eq3A_3148 = vector.broadcast %eq3A_3147 : i32 to vector<16xi32>
      %eq3A_3149 = arith.cmpi eq, %select_n3A_2250, %eq3A_3148 : vector<16xi32>
      %select_n3A_3150 = arith.select %eq3A_3149, %div3A_2260, %broadcast_in_dim3A_2262 : vector<16xi1>, vector<16xf32>
      %select_n3A_3151 = arith.select %eq3A_3146, %div3A_2259, %select_n3A_3150 : vector<16xi1>, vector<16xf32>
      %swap3A_3152 = arith.constant 63 : i32
      %swap3A_3153 = arith.index_cast %swap3A_3152 : i32 to index
      %swap3A_3154 = arith.index_cast %mul3A_12 : i32 to index
      %swap3A_3155 = tpu.vector_load %arg11[%swap3A_3153, %swap3A_3154] {strides = array<i32>} : memref<64x256xf32, #tpu.memory_space<vmem>>, vector<1x16xf32>,
      %swap3A_3156 = vector.shape_cast %swap3A_3155 : vector<1x16xf32> to vector<16xf32>
      %swap3A_3157 = vector.shape_cast %select_n3A_3151 : vector<16xf32> to vector<1x16xf32>
      tpu.vector_store %arg11[%swap3A_3153, %swap3A_3154], %swap3A_3157 {strides = array<i32>} : memref<64x256xf32, #tpu.memory_space<vmem>>, vector<1x16xf32>,
      %swap3A_3158 = arith.constant 0 : i32
      %swap3A_3159 = arith.index_cast %swap3A_3158 : i32 to index
      %swap3A_3160 = arith.index_cast %mul3A_12 : i32 to index
      %swap3A_3161 = tpu.vector_load %arg13[%swap3A_3159, %swap3A_3160] {strides = array<i32>} : memref<2x256xi32, #tpu.memory_space<vmem>>, vector<1x16xi32>,
      %swap3A_3162 = vector.shape_cast %swap3A_3161 : vector<1x16xi32> to vector<16xi32>
      %swap3A_3163 = vector.shape_cast %select_n3A_2254 : vector<16xi32> to vector<1x16xi32>
      tpu.vector_store %arg13[%swap3A_3159, %swap3A_3160], %swap3A_3163 {strides = array<i32>} : memref<2x256xi32, #tpu.memory_space<vmem>>, vector<1x16xi32>,
      %swap3A_3164 = arith.constant 1 : i32
      %swap3A_3165 = arith.index_cast %swap3A_3164 : i32 to index
      %swap3A_3166 = arith.index_cast %mul3A_12 : i32 to index
      %swap3A_3167 = tpu.vector_load %arg13[%swap3A_3165, %swap3A_3166] {strides = array<i32>} : memref<2x256xi32, #tpu.memory_space<vmem>>, vector<1x16xi32>,
      %swap3A_3168 = vector.shape_cast %swap3A_3167 : vector<1x16xi32> to vector<16xi32>
      %swap3A_3169 = vector.shape_cast %select_n3A_2250 : vector<16xi32> to vector<1x16xi32>
      tpu.vector_store %arg13[%swap3A_3165, %swap3A_3166], %swap3A_3169 {strides = array<i32>} : memref<2x256xi32, #tpu.memory_space<vmem>>, vector<1x16xi32>,
      %scan3A_3170 = arith.constant 0 : i32
      scf.yield %scan3A_3170 : i32
    }
    %scan3A_8 = arith.constant 16 : i32
    "tpu.region"() ({
      %run_scoped3A = tpu.sem_alloc : memref<!tpu.dma_semaphore, #tpu.memory_space<semaphore_mem>>
      %dma_start3A = arith.constant 0 : i32
      %dma_start3A_9 = tpu.memref_slice %arg5[%dma_start3A, %mul3A_2] : memref<64x8192xf32, #tpu.memory_space<hbm>> -> memref<64x256xf32, #tpu.memory_space<hbm>>
      %dma_start3A_10 = arith.constant 0 : i32
      %dma_start3A_11 = tpu.memref_slice %arg5[%dma_start3A_10, %mul3A_2] : memref<64x8192xf32, #tpu.memory_space<hbm>> -> memref<64x256xf32, #tpu.memory_space<hbm>>
      tpu.enqueue_dma source(%arg11 : memref<64x256xf32, #tpu.memory_space<vmem>>) target(%dma_start3A_11 : memref<64x256xf32, #tpu.memory_space<hbm>>) target_semaphore(%run_scoped3A : memref<!tpu.dma_semaphore, #tpu.memory_space<semaphore_mem>>)
      %dma_wait3A = arith.constant 0 : i32
      %dma_wait3A_12 = tpu.memref_slice %arg5[%dma_wait3A, %mul3A_2] : memref<64x8192xf32, #tpu.memory_space<hbm>> -> memref<64x256xf32, #tpu.memory_space<hbm>>
      %dma_wait3A_13 = arith.constant 0 : i32
      %dma_wait3A_14 = tpu.memref_slice %arg5[%dma_wait3A_13, %mul3A_2] : memref<64x8192xf32, #tpu.memory_space<hbm>> -> memref<64x256xf32, #tpu.memory_space<hbm>>
      tpu.wait_dma2 semaphore(%run_scoped3A : memref<!tpu.dma_semaphore, #tpu.memory_space<semaphore_mem>>) src(%arg11 : memref<64x256xf32, #tpu.memory_space<vmem>>) dst(%dma_wait3A_14 : memref<64x256xf32, #tpu.memory_space<hbm>>)
      tpu.yield
    }) : () -> ()
    "tpu.region"() ({
      %run_scoped3A = tpu.sem_alloc : memref<!tpu.dma_semaphore, #tpu.memory_space<semaphore_mem>>
      %dma_start3A = arith.constant 0 : i32
      %dma_start3A_9 = tpu.memref_slice %arg6[%dma_start3A, %mul3A_2] : memref<64x8192xf32, #tpu.memory_space<hbm>> -> memref<64x256xf32, #tpu.memory_space<hbm>>
      %dma_start3A_10 = arith.constant 0 : i32
      %dma_start3A_11 = tpu.memref_slice %arg6[%dma_start3A_10, %mul3A_2] : memref<64x8192xf32, #tpu.memory_space<hbm>> -> memref<64x256xf32, #tpu.memory_space<hbm>>
      tpu.enqueue_dma source(%arg12 : memref<64x256xf32, #tpu.memory_space<vmem>>) target(%dma_start3A_11 : memref<64x256xf32, #tpu.memory_space<hbm>>) target_semaphore(%run_scoped3A : memref<!tpu.dma_semaphore, #tpu.memory_space<semaphore_mem>>)
      %dma_wait3A = arith.constant 0 : i32
      %dma_wait3A_12 = tpu.memref_slice %arg6[%dma_wait3A, %mul3A_2] : memref<64x8192xf32, #tpu.memory_space<hbm>> -> memref<64x256xf32, #tpu.memory_space<hbm>>
      %dma_wait3A_13 = arith.constant 0 : i32
      %dma_wait3A_14 = tpu.memref_slice %arg6[%dma_wait3A_13, %mul3A_2] : memref<64x8192xf32, #tpu.memory_space<hbm>> -> memref<64x256xf32, #tpu.memory_space<hbm>>
      tpu.wait_dma2 semaphore(%run_scoped3A : memref<!tpu.dma_semaphore, #tpu.memory_space<semaphore_mem>>) src(%arg12 : memref<64x256xf32, #tpu.memory_space<vmem>>) dst(%dma_wait3A_14 : memref<64x256xf32, #tpu.memory_space<hbm>>)
      tpu.yield
    }) : () -> ()
    "tpu.region"() ({
      %run_scoped3A = tpu.sem_alloc : memref<!tpu.dma_semaphore, #tpu.memory_space<semaphore_mem>>
      %dma_start3A = arith.constant 0 : i32
      %dma_start3A_9 = tpu.memref_slice %arg7[%dma_start3A, %mul3A_2] : memref<2x8192xi32, #tpu.memory_space<hbm>> -> memref<2x256xi32, #tpu.memory_space<hbm>>
      %dma_start3A_10 = arith.constant 0 : i32
      %dma_start3A_11 = tpu.memref_slice %arg7[%dma_start3A_10, %mul3A_2] : memref<2x8192xi32, #tpu.memory_space<hbm>> -> memref<2x256xi32, #tpu.memory_space<hbm>>
      tpu.enqueue_dma source(%arg13 : memref<2x256xi32, #tpu.memory_space<vmem>>) target(%dma_start3A_11 : memref<2x256xi32, #tpu.memory_space<hbm>>) target_semaphore(%run_scoped3A : memref<!tpu.dma_semaphore, #tpu.memory_space<semaphore_mem>>)
      %dma_wait3A = arith.constant 0 : i32
      %dma_wait3A_12 = tpu.memref_slice %arg7[%dma_wait3A, %mul3A_2] : memref<2x8192xi32, #tpu.memory_space<hbm>> -> memref<2x256xi32, #tpu.memory_space<hbm>>
      %dma_wait3A_13 = arith.constant 0 : i32
      %dma_wait3A_14 = tpu.memref_slice %arg7[%dma_wait3A_13, %mul3A_2] : memref<2x8192xi32, #tpu.memory_space<hbm>> -> memref<2x256xi32, #tpu.memory_space<hbm>>
      tpu.wait_dma2 semaphore(%run_scoped3A : memref<!tpu.dma_semaphore, #tpu.memory_space<semaphore_mem>>) src(%arg13 : memref<2x256xi32, #tpu.memory_space<vmem>>) dst(%dma_wait3A_14 : memref<2x256xi32, #tpu.memory_space<hbm>>)
      tpu.yield
    }) : () -> ()
    return
  }
}

module attributes {stable_mosaic.version = 14 : i64} {
  func.func @_mm_softplus_block(%arg0: i32, %arg1: memref<1024x2048xf32, #tpu.memory_space<vmem>>, %arg2: memref<2048x128xf32, #tpu.memory_space<vmem>>, %arg3: memref<1x128xf32, #tpu.memory_space<vmem>>, %arg4: memref<64x1024xf32, #tpu.memory_space<vmem>>, %arg5: memref<64x1024xf32, #tpu.memory_space<vmem>>) attributes {dimension_semantics = [#tpu.dimension_semantics<arbitrary>], iteration_bounds = array<i64: 8>, scalar_prefetch = 0 : i64, scratch_operands = 0 : i64, tpu.core_type = #tpu.core_type<tc>, window_params = [{transform_indices = @transform_0, window_bounds = array<i64: 1024, 2048>}, {pipeline_mode = #tpu.pipeline_mode<synchronous>, transform_indices = @transform_1, window_bounds = array<i64: 2048, 128>}, {pipeline_mode = #tpu.pipeline_mode<synchronous>, transform_indices = @transform_2, window_bounds = array<i64: 1, 128>}, {transform_indices = @transform_3, window_bounds = array<i64: 64, 1024>}, {transform_indices = @transform_4, window_bounds = array<i64: 64, 1024>}]} {
    %get3A = arith.constant 0 : index
    %get3A_0 = arith.constant 0 : index
    %get3A_1 = vector.load %arg1[%get3A, %get3A_0] : memref<1024x2048xf32, #tpu.memory_space<vmem>>, vector<1024x2048xf32>
    %get3A_2 = arith.constant 0 : index
    %get3A_3 = arith.constant 0 : index
    %get3A_4 = vector.load %arg2[%get3A_2, %get3A_3] : memref<2048x128xf32, #tpu.memory_space<vmem>>, vector<2048x128xf32>
    %convert_element_type3A = arith.truncf %get3A_1 : vector<1024x2048xf32> to vector<1024x2048xbf16>
    %convert_element_type3A_5 = arith.truncf %get3A_4 : vector<2048x128xf32> to vector<2048x128xbf16>
    %dot_general3A = arith.constant dense<0.000000e+00> : vector<1024x128xf32>
    %dot_general3A_6 = tpu.matmul %convert_element_type3A, %convert_element_type3A_5, %dot_general3A {dimension_numbers = #tpu.dot_dimension_numbers<[1], [0], [0], [1], [0, 0, 1, 1], [], []>, transpose_lhs_hint = false} : vector<1024x2048xbf16>, vector<2048x128xbf16>, vector<1024x128xf32> -> vector<1024x128xf32>
    %get3A_7 = arith.constant 0 : index
    %get3A_8 = arith.constant 0 : index
    %get3A_9 = vector.load %arg3[%get3A_7, %get3A_8] : memref<1x128xf32, #tpu.memory_space<vmem>>, vector<1x128xf32>
    %add3A = vector.broadcast %get3A_9 : vector<1x128xf32> to vector<1024x128xf32>
    %add3A_10 = arith.addf %dot_general3A_6, %add3A : vector<1024x128xf32>
    %slice3A = vector.extract_strided_slice %add3A_10 {offsets = [0, 0], sizes = [1024, 64], strides = [1, 1]} : vector<1024x128xf32> to vector<1024x64xf32>
    %slice3A_11 = vector.extract_strided_slice %add3A_10 {offsets = [0, 64], sizes = [1024, 64], strides = [1, 1]} : vector<1024x128xf32> to vector<1024x64xf32>
    %max3A = arith.constant 0.000000e+00 : f32
    %max3A_12 = vector.broadcast %max3A : f32 to vector<1024x64xf32>
    %max3A_13 = arith.maximumf %slice3A_11, %max3A_12 : vector<1024x64xf32>
    %abs3A = math.absf %slice3A_11 : vector<1024x64xf32>
    %neg3A = arith.constant 0.000000e+00 : f32
    %neg3A_14 = vector.broadcast %neg3A : f32 to vector<1024x64xf32>
    %neg3A_15 = arith.subf %neg3A_14, %abs3A : vector<1024x64xf32>
    %exp3A = math.exp %neg3A_15 : vector<1024x64xf32>
    %log1p3A = math.log1p %exp3A : vector<1024x64xf32>
    %add3A_16 = arith.addf %max3A_13, %log1p3A : vector<1024x64xf32>
    %transpose3A = tpu.transpose %slice3A, [1, 0] : vector<1024x64xf32> -> vector<64x1024xf32>
    %swap3A = arith.constant 0 : index
    %swap3A_17 = arith.constant 0 : index
    %swap3A_18 = vector.load %arg4[%swap3A, %swap3A_17] : memref<64x1024xf32, #tpu.memory_space<vmem>>, vector<64x1024xf32>
    tpu.vector_store %arg4[%swap3A, %swap3A_17], %transpose3A {strides = array<i32>} : memref<64x1024xf32, #tpu.memory_space<vmem>>, vector<64x1024xf32>,
    %transpose3A_19 = tpu.transpose %add3A_16, [1, 0] : vector<1024x64xf32> -> vector<64x1024xf32>
    %swap3A_20 = arith.constant 0 : index
    %swap3A_21 = arith.constant 0 : index
    %swap3A_22 = vector.load %arg5[%swap3A_20, %swap3A_21] : memref<64x1024xf32, #tpu.memory_space<vmem>>, vector<64x1024xf32>
    tpu.vector_store %arg5[%swap3A_20, %swap3A_21], %transpose3A_19 {strides = array<i32>} : memref<64x1024xf32, #tpu.memory_space<vmem>>, vector<64x1024xf32>,
    return
  }
  func.func @transform_0(%arg0: i32) -> (i32, i32) {
    %c0_i32 = arith.constant 0 : i32
    %c0_i32_0 = arith.constant 0 : i32
    return %arg0, %c0_i32 : i32, i32
  }
  func.func @transform_1(%arg0: i32) -> (i32, i32) {
    %c0_i32 = arith.constant 0 : i32
    %c0_i32_0 = arith.constant 0 : i32
    %c0_i32_1 = arith.constant 0 : i32
    return %c0_i32, %c0_i32_0 : i32, i32
  }
  func.func @transform_2(%arg0: i32) -> (i32, i32) {
    %c0_i32 = arith.constant 0 : i32
    %c0_i32_0 = arith.constant 0 : i32
    %c0_i32_1 = arith.constant 0 : i32
    return %c0_i32, %c0_i32_0 : i32, i32
  }
  func.func @transform_3(%arg0: i32) -> (i32, i32) {
    %c0_i32 = arith.constant 0 : i32
    %c0_i32_0 = arith.constant 0 : i32
    return %c0_i32, %arg0 : i32, i32
  }
  func.func @transform_4(%arg0: i32) -> (i32, i32) {
    %c0_i32 = arith.constant 0 : i32
    %c0_i32_0 = arith.constant 0 : i32
    return %c0_i32, %arg0 : i32, i32
  }
}

</mosaic_0001>

<sc_bundles>
// kernel: kernel.4.cloned.1.call-start
scs
__scs_entry_jumppad:
0x0: {  	(pc) =	sbr.rel $0x88, $3  }
0x1: {  	(tag) =	ssettag $0x0;
	lr =	simm.s32 $0x1  }
0x2: {  	[smem:$0x3F9C] =	sst lr;
	_ =	strace $0xD0000000  }
0x3: {  	_ = 	snop  }
0x4: {  	_ = 	snop  }
0x5: {  	_ = 	snop  }
0x6: {  	_ = 	snop  }
0x7: {  	_ = 	snop  }
__scs_overlays_trampoline_lowered:
0x8: {  	[smem:$0x3FAB] =	sst s0  }
0x9: {  	[smem:$0x3FAC] =	sst s1  }
0xa: {  	[smem:$0x3FAD] =	sst s2  }
0xb: {  	[smem:$0x3FAE] =	sst s3  }
0xc: {  	[smem:$0x3FAF] =	sst s4  }
0xd: {  	[smem:$0x3FB0] =	sst s5  }
0xe: {  	[smem:$0x3FB1] =	sst s6  }
0xf: {  	[smem:$0x3FB2] =	sst s7  }
0x10: {  	[smem:$0x3FB3] =	sst s8  }
0x11: {  	[smem:$0x3FB4] =	sst s9;
	s0 =	simm.s32 @!p0 $0x0  }
0x12: {  	s1 =	sld [smem:$0x3F9A];
	s0 =	simm.s32 @p0 $0x1  }
0x13: {  	[smem:$0x3FB5] =	sst s0;
	s0 =	simm.s32 @!p1 $0x0  }
0x14: {  	s2 =	sld [smem:$0x3F99];
	s0 =	simm.s32 @p1 $0x1  }
0x15: {  	[smem:$0x3FB6] =	sst s0;
	s0 =	simm.s32 @!p2 $0x0  }
0x16: {  	s3 =	sld [smem:$0x3FDB];
	s0 =	simm.s32 @p2 $0x1  }
0x17: {  	s4 =	simm.s32 $0x1BF5;
	[smem:$0x3FB8] =	sst s0  }
0x18: {  	s0 =	sld [smem:$0x3F9B];
	_ =	swait.ge [sflag:s4], $0x0  }
0x19: {  	s7 =	sld [smem:$0x3F9C]  }
0x1a: {  	s8 =	sadd.s32 $0xFFFFE003, lr  }
0x1b: {  	s9 =	sadd.s32 $0xFFFFFEF7, lr;
	s5 =	simm.s32 $0xFFFFFFFF;
	p2 =	slt.u32 s8, $0xFFFFF086  }
0x1c: {  	p1 =	slt.u32 s9, $0xF7A;
	s5 =	simm.s32 @!p2 $0x0  }
0x1d: {  	s5 =	simm.s32 @p1 $0x1;
	p0 =	seq.s32 s7, s2  }
0x1e: {  	s7 =	smul.u32 @!p0 $0xF7A, s2;
	p2 =	seq.s32 @!p0 s5, $0x0  }
0x1f: {  	s9 =	smul.u32 $0xF7A, s1;
	s8 =	simm.s32 @!p0 $0x1BF5;
	p2 =	por !p2, p0  }
0x20: {  	[sflag:s8] =	ssyncset.s32 @!p0 $0xFFFFF086;
	s6 =	sadd.s32 @!p0 s3, s7;
	s7 =	simm.s32 @!p0 $0x108  }
0x21: {  	s3 =	sadd.s32 s3, s9;
	s6 =	sadd.s32 @!p0 $0x88, s6;
	s7 =	simm.s32 @p2 $0x1082  }
0x22: {  	[simem:s7], [sflag:s8] =	dma.local @!p0 [hbm:s6], $0xF7A  }
0x23: {  	s9 =	sor.u32 $0xD0000000, s2;
	s6 =	simm.s32 $0x108;
	_ =	swait.ge @!p0 [sflag:s8], $0x0  }
0x24: {  	s3 =	sadd.s32 $0x88, s3;
	s6 =	simm.s32 @!p1 $0x1082;
	[sflag:s4] =	ssyncset.s32 $0xFFFFF086  }
0x25: {  	[simem:s6], [sflag:s4] =	dma.local [hbm:s3], $0xF7A  }
0x26: {  	[smem:$0x3F9C] =	sst s1;
	(tag) =	ssettag s2;
	_ =	strace s9  }
0x27: {  	s1 =	sld [smem:$0x3FAC]  }
0x28: {  	s2 =	sld [smem:$0x3FAD]  }
0x29: {  	s4 =	sld [smem:$0x3FAF]  }
0x2a: {  	p0 =	seq.s32 s5, $0x0;
	s5 =	sld [smem:$0x3FB0]  }
0x2b: {  	s6 =	sld [smem:$0x3FB1]  }
0x2c: {  	s7 =	sld [smem:$0x3FB2]  }
0x2d: {  	s3 =	simm.s32 $0x108;
	s8 =	sld [smem:$0x3FB3]  }
0x2e: {  	s3 =	simm.s32 @!p0 $0x1082;
	s9 =	sld [smem:$0x3FB4]  }
0x2f: {  	lr =	sadd.s32 s0, s3;
	s0 =	sld [smem:$0x3FAB]  }
0x30: {  	s3 =	sld [smem:$0x3FAE]  }
0x31: {  	[smem:$0x3FB7] =	sst s10  }
0x32: {  	s10 =	sld [smem:$0x3FB5];
	_ =	sdelay $0x3  }
0x33: {  	p0 =	seq.s32 s10, $0x1;
	s10 =	sld [smem:$0x3FB7];
	_ =	sdelay $0x3  }
0x34: {  	[smem:$0x3FB7] =	sst s10  }
0x35: {  	s10 =	sld [smem:$0x3FB6];
	_ =	sdelay $0x3  }
0x36: {  	p1 =	seq.s32 s10, $0x1;
	s10 =	sld [smem:$0x3FB7];
	_ =	sdelay $0x3  }
0x37: {  	[smem:$0x3FB7] =	sst s10  }
0x38: {  	s10 =	sld [smem:$0x3FB8]  }
0x39: {  	_ = 	snop;
	(pc) =	sbr.ind lr, $3  }
0x3a: {  	_ = 	snop  }
0x3b: {  	_ = 	snop  }
0x3c: {  	p2 =	seq.s32 s10, $0x1;
	s10 =	sld [smem:$0x3FB7]  }
0x3d: {  	_ =	shalt  }
0x3e: {  	_ =	shalt  }
0x3f: {  	_ =	shalt  }
0x40: {  	_ =	shalt  }
0x41: {  	_ =	shalt  }
0x42: {  	_ =	shalt  }
0x43: {  	_ =	shalt  }
0x44: {  	_ =	shalt  }
0x45: {  	_ =	shalt  }
0x46: {  	_ =	shalt  }
0x47: {  	_ =	shalt  }
0x48: {  	_ =	shalt  }
0x49: {  	_ =	shalt  }
0x4a: {  	_ =	shalt  }
0x4b: {  	_ =	shalt  }
0x4c: {  	_ =	shalt  }
0x4d: {  	_ =	shalt  }
0x4e: {  	_ =	shalt  }
0x4f: {  	_ =	shalt  }
0x50: {  	_ =	shalt  }
0x51: {  	_ =	shalt  }
0x52: {  	_ =	shalt  }
0x53: {  	_ =	shalt  }
0x54: {  	_ =	shalt  }
0x55: {  	_ =	shalt  }
0x56: {  	_ =	shalt  }
0x57: {  	_ =	shalt  }
0x58: {  	_ =	shalt  }
0x59: {  	_ =	shalt  }
0x5a: {  	_ =	shalt  }
0x5b: {  	_ =	shalt  }
0x5c: {  	_ =	shalt  }
0x5d: {  	_ =	shalt  }
0x5e: {  	_ =	shalt  }
0x5f: {  	_ =	shalt  }
0x60: {  	_ =	shalt  }
0x61: {  	_ =	shalt  }
0x62: {  	_ =	shalt  }
0x63: {  	_ =	shalt  }
0x64: {  	_ =	shalt  }
0x65: {  	_ =	shalt  }
0x66: {  	_ =	shalt  }
0x67: {  	_ =	shalt  }
0x68: {  	_ =	shalt  }
0x69: {  	_ =	shalt  }
0x6a: {  	_ =	shalt  }
0x6b: {  	_ =	shalt  }
0x6c: {  	_ =	shalt  }
0x6d: {  	_ =	shalt  }
0x6e: {  	_ =	shalt  }
0x6f: {  	_ =	shalt  }
0x70: {  	_ =	shalt  }
0x71: {  	_ =	shalt  }
0x72: {  	_ =	shalt  }
0x73: {  	_ =	shalt  }
0x74: {  	_ =	shalt  }
0x75: {  	_ =	shalt  }
0x76: {  	_ =	shalt  }
0x77: {  	_ =	shalt  }
0x78: {  	_ =	shalt  }
0x79: {  	_ =	shalt  }
0x7a: {  	_ =	shalt  }
0x7b: {  	_ =	shalt  }
0x7c: {  	_ =	shalt  }
0x7d: {  	_ =	shalt  }
0x7e: {  	_ =	shalt  }
0x7f: {  	_ =	shalt  }
0x80: {  	_ =	shalt  }
0x81: {  	_ =	shalt  }
0x82: {  	_ =	shalt  }
0x83: {  	_ =	shalt  }
0x84: {  	_ =	shalt  }
0x85: {  	_ =	shalt  }
0x86: {  	_ =	shalt  }
0x87: {  	_ =	shalt  }
.Lfunc_end0:
.L_simem_size_0:
called_computation_lowered:
.L_overlay_start_0:
0x88: {  	s2 =	sld [smem:$0x3FD9]  }
0x89: {  	s3 =	sld [smem:$0x3FFE];
	_ =	sdelay $0x1  }
0x8a: {  	s1 =	srdreg.scid  }
0x8b: {  	s0 =	sand.u32 $0x1, s1  }
0x8c: {  	s14 =	sshll.u32 s0, $0xA;
	s2 =	sadd.s32 s3, s2  }
0x8d: {  	s2 =	sadd.s32 s2, s14  }
0x8e: {  	[smem:$0x3FC3] =	sst s2  }
0x8f: {  	_ = 	snop  }
0x90: {  	s2 =	sld [smem:$0x3FD0];
	_ =	sdelay $0x2  }
0x91: {  	s15 =	simm.s32 $0xA;
	s4 =	simm.s32 $0x10  }
0x92: {  	[smem:s4], [sflag:s15] =	dma.local [hbm:s2], $0x1  }
0x93: {  	_ =	swait.eq [sflag:s15], $0x1  }
0x94: {  	s16 =	sld [smem:$0x10]  }
0x95: {  	s17 =	sld [smem:$0x11]  }
0x96: {  	s5 =	sld [smem:$0x12];
	[sflag:s15] =	ssyncset.done $0x0  }
0x97: {  	s6 =	sld [smem:$0x13];
	[sflag:s15] =	ssyncadd.s32 $0xFFFFFFFF  }
0x98: {  	s18 =	sld [smem:$0x14];
	(tm) =	ssettm $0x1  }
0x99: {  	s7 =	sld [smem:$0x3FFB];
	_ =	sdelay $0x3  }
0x9a: {  	_ =	strace s7  }
0x9b: {  	s7 =	sld [smem:$0x3FFC];
	_ =	sdelay $0x3  }
0x9c: {  	_ =	strace s7  }
0x9d: {  	s7 =	sld [smem:$0x3FFD];
	_ =	sdelay $0x3  }
0x9e: {  	_ =	strace s7  }
0x9f: {  	_ =	strace $0x8FFFFFFF  }
0xa0: {  	s19 =	sld [smem:$0x3FDB];
	_ =	sdelay $0x1  }
0xa1: {  	s8 =	simm.s32 $_scs_section_size  }
0xa2: {  	s9 =	simm.s32 $_size__tile_overlayer_lowered;
	s10 =	simm.s32 $_tile_overlayer_lowered  }
0xa3: {  	s22 =	simm.s32 $0x1BFF;
	s21 =	sshll.u32 s10, $0x1;
	s7 =	sadd.s32 s8, s19  }
0xa4: {  	s11 =	simm.s32 $0x0;
	s20 =	sshll.u32 s9, $0x1;
	s9 =	sadd.s32 s21, s7  }
0xa5: {  	[timem:s11], [sflag:s22] =	dma.local [hbm:s9], s20  }
0xa6: {  	_ =	swait.ge [sflag:s22], s20  }
0xa7: {  	s8 =	ssub.s32 $0x0, s20;
	[sflag:s22] =	ssyncset.done $0x0  }
0xa8: {  	[sflag:s22] =	ssyncadd.s32 s8;
	_ =	sdelay $0x1  }
0xa9: {  	s23 =	simm.s32 $0x1B8B  }
0xaa: {  	_ =	swait.ge [sflag:s23], $0x1  }
0xab: {  	[sflag:s23] =	ssyncset.done $0x0  }
0xac: {  	s25 =	simm.s32 $0x1B8E;
	s24 =	sld [smem:$0x3FFE];
	[sflag:s23] =	ssyncadd.s32 $0xFFFFFFFF  }
0xad: {  	s26 =	simm.s32 $execute0_lowered;
	[smem:$0x3FD2] =	sst s25  }
0xae: {  	s9 =	sshll.u32 s26, $0x1;
	_ =	strace $0x80000046;
	[dreg:$0x1] =	wrdreg $0xFFFFFFFF  }
0xaf: {  	s28 =	simm.s32 $_size_execute0_lowered;
	s7 =	sadd.s32 s7, s9;
	[dreg:$0x0] =	wrdreg $0x0  }
0xb0: {  	s9 =	sshll.u32 s28, $0x1;
	[dreg:$0x2] =	wrdreg s7  }
0xb1: {  	[dreg:$0x3] =	wrdreg s9  }
0xb2: {  	[dreg:$0x4] =	wrdreg $0xC0  }
0xb3: {  	_ =	task [dreg:s11], $0x5FFFF  }
0xb4: {  	[dreg:$0x1] =	wrdreg $0xFFFFFFFF  }
0xb5: {  	[dreg:$0x0] =	wrdreg $0x60  }
0xb6: {  	[dreg:$0x2] =	wrdreg s18  }
0xb7: {  	[dreg:$0x3] =	wrdreg s6  }
0xb8: {  	[dreg:$0x4] =	wrdreg s24  }
0xb9: {  	[dreg:$0x5] =	wrdreg s16  }
0xba: {  	[dreg:$0x6] =	wrdreg s17  }
0xbb: {  	[dreg:$0x7] =	wrdreg s5  }
0xbc: {  	[dreg:$0x8] =	wrdreg $0x9  }
0xbd: {  	_ =	task.clear_ibuf [dreg:s11], $0x9FFFF;
	_ =	strace $0x90000046  }
0xbe: {  	s29 =	simm.s32 $0x9;
	_ =	strace $0x80000048  }
0xbf: {  	_ =	swait.ge [sflag:s29], $0x1  }
0xc0: {  	[sflag:s29] =	ssyncadd.s32 $0xFFFFFFFF  }
0xc1: {  	_ =	strace $0x90000048  }
0xc2: {  	_ =	sfence  }
0xc3: {  	s30 =	sld [smem:$0x0];
	_ =	sdelay $0x2  }
0xc4: {  	s31 =	sshll.u32 s1, $0xD;
	s1 =	sshrl.u32 s1, $0x2  }
0xc5: {  	s3 =	sand.u32 $0x4000, s31;
	s1 =	sadd.s32 s1, s30  }
0xc6: {  	s0 =	sor.u32 s3, s0;
	s1 =	sshll.u32 s1, $0x11  }
0xc7: {  	s0 =	sor.u32 s1, s0  }
0xc8: {  	s0 =	sadd.s32 $0x8F2B, s0  }
0xc9: {  	[sflag:s0] =	ssyncadd.remote.s32 $0x1  }
0xca: {  	_ =	sfence.sel $0xFFFF  }
0xcb: {  	[dreg:$0x0] =	wrdreg $0xFFFFFFFF;
	(pc) =	sbr.abs _section_cstart, $3  }
0xcc: {  	[dreg:$0x1] =	wrdreg $0xFFFFFFFF  }
0xcd: {  	_ =	task.clear_ibuf [dreg:s11], $0x2FFFF;
	_ =	strace $0x9FFFFFFF  }
0xce: {  	(tm) =	ssettm $0x7FFFFFFF  }
0xcf: {  	_ =	shalt  }
tec
execute0_lowered:
.L_overlay_start_1:
0x0: {  	(tag) =	ssettag $0x1  }
0x1: {  	s0 =	rddreg [dreg:$0x0]  }
0x2: {  	s1 =	rddreg [dreg:$0x1]  }
0x3: {  	s2 =	rddreg [dreg:$0x2]  }
0x4: {  	s3 =	rddreg [dreg:$0x3]  }
0x5: {  	s4 =	rddreg [dreg:$0x4];
	s6 =	srdreg.scid  }
0x6: {  	s5 =	rddreg [dreg:$0x5];
	s7 =	stileid.u32;
	s6 =	sand.u32 $0x1, s6  }
0x7: {  	s9 =	simm.s32 $0x0;
	s7 =	sshll.u32 s7, $0x9;
	s8 =	sshll.u32 s6, $0x8  }
0x8: {  	[smem:$0x7FF] =	sst s9;
	s7 =	sor.u32 s8, s7  }
0x9: {  	s6 =	ssub.s32 $0x2, s6;
	_ =	strace $0x80000047;
	s0 =	sadd.s32 s0, s7  }
0xa: {  	s24 =	sshrl.u32 s6, $0x1;
	s25 =	sadd.s32 s1, s7;
	[dreg:$0x7] =	wrdreg s0  }
0xb: {  	s2 =	sadd.s32 s7, s2;
	s29 =	sadd.s32 s3, s7;
	[dreg:$0x8] =	wrdreg s25  }
0xc: {  	s6 =	ssub.s32 s6, s24;
	s30 =	sadd.s32 s4, s7;
	[dreg:$0xa] =	wrdreg s29  }
0xd: {  	s28 =	sshrl.u32 s7, $0x2;
	s26 =	sadd.s32 $0x1000, s2;
	[dreg:$0xb] =	wrdreg s30  }
0xe: {  	s1 =	simm.s32 $0x800;
	s0 =	sadd.s32 s5, s28;
	[dreg:$0x9] =	wrdreg s26  }
0xf: {  	s3 =	simm.s32 $0x1;
	s31 =	smax.u32 s6, $0x1;
	[dreg:$0xc] =	wrdreg s0  }
0x10: {  	v0 =	vimm.s32 $0x0;
	s4 =	simm.s32 $0x0;
	s2 =	simm.s32 $0x10000;
	[dreg:$0xd] =	wrdreg s31  }
.LBB2_1:
0x11: {  	[dreg:$0xe] =	wrdreg s4  }
0x12: {  	s0 =	rddreg [dreg:$0x7]  }
0x13: {  	[tilespmem:s9], [sflag:$0x1] =	stream.strided.gather [hbm4b:s0+s1], $0x4000, s2, s1, $0x38;
	[tilespmem:$0x14200] =	vst v63  }
0x14: {  	_ =	swait.ge [sflag:s3], $0x4000  }
0x15: {  	[sflag:s3] =	ssyncset.done $0x0  }
0x16: {  	s29 =	simm.s32 $0x4000;
	s28 =	rddreg [dreg:$0x8];
	[sflag:s3] =	ssyncadd.s32 $0xFFFFC000  }
0x17: {  	[tilespmem:s29], [sflag:$0x1] =	stream.strided.gather [hbm4b:s28+s1], $0x4000, s2, s1, $0x38;
	[tilespmem:$0x14200] =	vst v63  }
0x18: {  	_ =	swait.ge [sflag:s3], $0x4000  }
0x19: {  	[sflag:s3] =	ssyncset.done $0x0  }
0x1a: {  	s31 =	simm.s32 $0x8000;
	s30 =	rddreg [dreg:$0x9];
	[sflag:s3] =	ssyncadd.s32 $0xFFFFC000  }
0x1b: {  	[tilespmem:s31], [sflag:$0x1] =	stream.strided.gather [hbm4b:s30+s1], $0x4000, s2, s1, $0x38;
	[tilespmem:$0x14200] =	vst v63  }
0x1c: {  	_ =	swait.ge [sflag:s3], $0x4000  }
0x1d: {  	[sflag:s3] =	ssyncset.done $0x0  }
0x1e: {  	s26 =	simm.s32 $0x0;
	s19 =	simm.s32 $0x0;
	[sflag:s3] =	ssyncadd.s32 $0xFFFFC000  }
.LBB2_2:
0x1f: {  	s0 =	sand.u32 $0x70, s26;
	s1 =	sand.u32 $0x7FFFFC00, s19  }
0x20: {  	s22 =	sor.u32 s0, s1  }
0x21: {  	v1 =	vld [tilespmem:s22+$0x8000]  }
0x22: {  	v2 =	vld [tilespmem:s22+$0x4000];
	_ =	sdelay $0x1  }
0x23: {  	v3 =	vld [tilespmem:s22+$0x0];
	_ =	sdelay $0x2  }
0x24: {  	v1 =	vmul.f32 v2, v1;
	_ =	sdelay $0x1  }
0x25: {  	s20 =	sand.u32 $0xFFFFFC00, s19;
	v47 =	vadd.f32 v1, v3  }
0x26: {  	s17 =	sadd.s32 s20, s26  }
0x27: {  	[dreg:$0xf] =	wrdreg s0;
	s0 =	sor.u32 $0x80, s17;
	[tilespmem:s22+$0x10000] =	vst v47  }
0x28: {  	v1 =	vld [tilespmem:s0+$0x8000]  }
0x29: {  	v2 =	vld [tilespmem:s0+$0x4000];
	_ =	sdelay $0x1  }
0x2a: {  	v3 =	vld [tilespmem:s0+$0x0];
	_ =	sdelay $0x2  }
0x2b: {  	v1 =	vmul.f32 v2, v1;
	_ =	sdelay $0x1  }
0x2c: {  	v7 =	vadd.f32 v1, v3;
	_ =	sdelay $0x1  }
0x2d: {  	[tilespmem:s0+$0x10000] =	vst v7  }
0x2e: {  	v1 =	vld [tilespmem:s22+$0x8100]  }
0x2f: {  	v2 =	vld [tilespmem:s22+$0x4100];
	_ =	sdelay $0x1  }
0x30: {  	v3 =	vld [tilespmem:s22+$0x100];
	_ =	sdelay $0x2  }
0x31: {  	v1 =	vmul.f32 v2, v1;
	_ =	sdelay $0x1  }
0x32: {  	v45 =	vadd.f32 v1, v3;
	_ =	sdelay $0x1  }
0x33: {  	s21 =	sor.u32 $0x180, s17;
	[tilespmem:s22+$0x10100] =	vst v45  }
0x34: {  	v1 =	vld [tilespmem:s21+$0x8000]  }
0x35: {  	v2 =	vld [tilespmem:s21+$0x4000];
	_ =	sdelay $0x1  }
0x36: {  	v3 =	vld [tilespmem:s21+$0x0];
	_ =	sdelay $0x2  }
0x37: {  	v1 =	vmul.f32 v2, v1;
	_ =	sdelay $0x1  }
0x38: {  	v46 =	vadd.f32 v1, v3;
	_ =	sdelay $0x1  }
0x39: {  	[tilespmem:s21+$0x10000] =	vst v46  }
0x3a: {  	v1 =	vld [tilespmem:s22+$0x8200]  }
0x3b: {  	v2 =	vld [tilespmem:s22+$0x4200];
	_ =	sdelay $0x1  }
0x3c: {  	v3 =	vld [tilespmem:s22+$0x200];
	_ =	sdelay $0x2  }
0x3d: {  	v1 =	vmul.f32 v2, v1;
	_ =	sdelay $0x1  }
0x3e: {  	v39 =	vadd.f32 v1, v3;
	_ =	sdelay $0x1  }
0x3f: {  	s23 =	sor.u32 $0x280, s17;
	[tilespmem:s22+$0x10200] =	vst v39  }
0x40: {  	v1 =	vld [tilespmem:s23+$0x8000]  }
0x41: {  	v2 =	vld [tilespmem:s23+$0x4000];
	_ =	sdelay $0x1  }
0x42: {  	v3 =	vld [tilespmem:s23+$0x0];
	_ =	sdelay $0x2  }
0x43: {  	v1 =	vmul.f32 v2, v1;
	_ =	sdelay $0x1  }
0x44: {  	v14 =	vadd.f32 v1, v3;
	_ =	sdelay $0x1  }
0x45: {  	[tilespmem:s23+$0x10000] =	vst v14  }
0x46: {  	v1 =	vld [tilespmem:s22+$0x8300]  }
0x47: {  	v2 =	vld [tilespmem:s22+$0x4300];
	_ =	sdelay $0x1  }
0x48: {  	v3 =	vld [tilespmem:s22+$0x300];
	_ =	sdelay $0x2  }
0x49: {  	v1 =	vmul.f32 v2, v1;
	_ =	sdelay $0x1  }
0x4a: {  	v37 =	vadd.f32 v1, v3;
	_ =	sdelay $0x1  }
0x4b: {  	s24 =	sor.u32 $0x380, s17;
	[tilespmem:s22+$0x10300] =	vst v37  }
0x4c: {  	v1 =	vld [tilespmem:s24+$0x8000]  }
0x4d: {  	v2 =	vld [tilespmem:s24+$0x4000];
	_ =	sdelay $0x1  }
0x4e: {  	v3 =	vld [tilespmem:s24+$0x0];
	_ =	sdelay $0x2  }
0x4f: {  	v1 =	vmul.f32 v2, v1;
	_ =	sdelay $0x1  }
0x50: {  	v40 =	vadd.f32 v1, v3;
	_ =	sdelay $0x1  }
0x51: {  	[tilespmem:s24+$0x10000] =	vst v40  }
0x52: {  	v1 =	vld [tilespmem:s22+$0x8800]  }
0x53: {  	v2 =	vld [tilespmem:s22+$0x4800]  }
0x54: {  	s25 =	sor.u32 $0x800, s22  }
0x55: {  	v3 =	vld [tilespmem:s25+$0x0];
	_ =	sdelay $0x2  }
0x56: {  	v1 =	vmul.f32 v2, v1;
	_ =	sdelay $0x1  }
0x57: {  	v19 =	vadd.f32 v1, v3;
	_ =	sdelay $0x1  }
0x58: {  	s28 =	sor.u32 $0x880, s17;
	[tilespmem:s22+$0x10800] =	vst v19  }
0x59: {  	v1 =	vld [tilespmem:s28+$0x8000]  }
0x5a: {  	v2 =	vld [tilespmem:s28+$0x4000];
	_ =	sdelay $0x1  }
0x5b: {  	v3 =	vld [tilespmem:s28+$0x0];
	_ =	sdelay $0x2  }
0x5c: {  	v1 =	vmul.f32 v2, v1;
	_ =	sdelay $0x1  }
0x5d: {  	v38 =	vadd.f32 v1, v3;
	_ =	sdelay $0x1  }
0x5e: {  	[tilespmem:s28+$0x10000] =	vst v38  }
0x5f: {  	v1 =	vld [tilespmem:s22+$0x8900]  }
0x60: {  	v2 =	vld [tilespmem:s22+$0x4900]  }
0x61: {  	s29 =	sor.u32 $0x900, s22  }
0x62: {  	v3 =	vld [tilespmem:s29+$0x0];
	_ =	sdelay $0x2  }
0x63: {  	v1 =	vmul.f32 v2, v1;
	_ =	sdelay $0x1  }
0x64: {  	v41 =	vadd.f32 v1, v3;
	_ =	sdelay $0x1  }
0x65: {  	s29 =	sor.u32 $0x980, s17;
	[tilespmem:s22+$0x10900] =	vst v41  }
0x66: {  	v1 =	vld [tilespmem:s29+$0x8000]  }
0x67: {  	v2 =	vld [tilespmem:s29+$0x4000];
	_ =	sdelay $0x1  }
0x68: {  	v3 =	vld [tilespmem:s29+$0x0];
	_ =	sdelay $0x2  }
0x69: {  	v1 =	vmul.f32 v2, v1;
	_ =	sdelay $0x1  }
0x6a: {  	v42 =	vadd.f32 v1, v3;
	_ =	sdelay $0x1  }
0x6b: {  	[tilespmem:s29+$0x10000] =	vst v42  }
0x6c: {  	v1 =	vld [tilespmem:s22+$0x8A00]  }
0x6d: {  	v2 =	vld [tilespmem:s22+$0x4A00]  }
0x6e: {  	s30 =	sor.u32 $0xA00, s22  }
0x6f: {  	v3 =	vld [tilespmem:s30+$0x0];
	_ =	sdelay $0x2  }
0x70: {  	v1 =	vmul.f32 v2, v1;
	_ =	sdelay $0x1  }
0x71: {  	v26 =	vadd.f32 v1, v3;
	_ =	sdelay $0x1  }
0x72: {  	s30 =	sor.u32 $0xA80, s17;
	[tilespmem:s22+$0x10A00] =	vst v26  }
0x73: {  	v1 =	vld [tilespmem:s30+$0x8000]  }
0x74: {  	v2 =	vld [tilespmem:s30+$0x4000];
	_ =	sdelay $0x1  }
0x75: {  	v3 =	vld [tilespmem:s30+$0x0];
	_ =	sdelay $0x2  }
0x76: {  	v1 =	vmul.f32 v2, v1;
	_ =	sdelay $0x1  }
0x77: {  	v43 =	vadd.f32 v1, v3;
	_ =	sdelay $0x1  }
0x78: {  	[tilespmem:s30+$0x10000] =	vst v43  }
0x79: {  	v1 =	vld [tilespmem:s22+$0x8B00]  }
0x7a: {  	v2 =	vld [tilespmem:s22+$0x4B00]  }
0x7b: {  	s31 =	sor.u32 $0xB00, s22  }
0x7c: {  	v3 =	vld [tilespmem:s31+$0x0];
	_ =	sdelay $0x2  }
0x7d: {  	v1 =	vmul.f32 v2, v1;
	_ =	sdelay $0x1  }
0x7e: {  	v44 =	vadd.f32 v1, v3;
	_ =	sdelay $0x1  }
0x7f: {  	s31 =	sor.u32 $0xB80, s17;
	[tilespmem:s22+$0x10B00] =	vst v44  }
0x80: {  	v1 =	vld [tilespmem:s31+$0x8000]  }
0x81: {  	v2 =	vld [tilespmem:s31+$0x4000];
	_ =	sdelay $0x1  }
0x82: {  	v3 =	vld [tilespmem:s31+$0x0];
	_ =	sdelay $0x2  }
0x83: {  	v1 =	vmul.f32 v2, v1;
	_ =	sdelay $0x1  }
0x84: {  	v36 =	vadd.f32 v1, v3;
	_ =	sdelay $0x1  }
0x85: {  	[tilespmem:s31+$0x10000] =	vst v36  }
0x86: {  	v1 =	vld [tilespmem:s22+$0x9000]  }
0x87: {  	v2 =	vld [tilespmem:s22+$0x5000]  }
0x88: {  	[dreg:$0x10] =	wrdreg s1;
	s1 =	sor.u32 $0x1000, s22  }
0x89: {  	v3 =	vld [tilespmem:s1+$0x0];
	_ =	sdelay $0x2  }
0x8a: {  	v1 =	vmul.f32 v2, v1;
	_ =	sdelay $0x1  }
0x8b: {  	v35 =	vadd.f32 v1, v3;
	_ =	sdelay $0x1  }
0x8c: {  	s20 =	sor.u32 $0x1080, s17;
	[tilespmem:s22+$0x11000] =	vst v35  }
0x8d: {  	v1 =	vld [tilespmem:s20+$0x8000]  }
0x8e: {  	v2 =	vld [tilespmem:s20+$0x4000];
	_ =	sdelay $0x1  }
0x8f: {  	v3 =	vld [tilespmem:s20+$0x0];
	_ =	sdelay $0x2  }
0x90: {  	v1 =	vmul.f32 v2, v1;
	_ =	sdelay $0x1  }
0x91: {  	v34 =	vadd.f32 v1, v3;
	_ =	sdelay $0x1  }
0x92: {  	[tilespmem:s20+$0x10000] =	vst v34  }
0x93: {  	v1 =	vld [tilespmem:s22+$0x9100]  }
0x94: {  	v2 =	vld [tilespmem:s22+$0x5100]  }
0x95: {  	s2 =	sor.u32 $0x1100, s22  }
0x96: {  	v3 =	vld [tilespmem:s2+$0x0];
	_ =	sdelay $0x2  }
0x97: {  	v1 =	vmul.f32 v2, v1;
	_ =	sdelay $0x1  }
0x98: {  	v33 =	vadd.f32 v1, v3;
	_ =	sdelay $0x1  }
0x99: {  	s1 =	sor.u32 $0x1180, s17;
	[tilespmem:s22+$0x11100] =	vst v33  }
0x9a: {  	v1 =	vld [tilespmem:s1+$0x8000]  }
0x9b: {  	v2 =	vld [tilespmem:s1+$0x4000];
	_ =	sdelay $0x1  }
0x9c: {  	v3 =	vld [tilespmem:s1+$0x0];
	_ =	sdelay $0x2  }
0x9d: {  	v1 =	vmul.f32 v2, v1;
	_ =	sdelay $0x1  }
0x9e: {  	v32 =	vadd.f32 v1, v3;
	_ =	sdelay $0x1  }
0x9f: {  	[tilespmem:s1+$0x10000] =	vst v32  }
0xa0: {  	v1 =	vld [tilespmem:s22+$0x9200]  }
0xa1: {  	v2 =	vld [tilespmem:s22+$0x5200]  }
0xa2: {  	s3 =	sor.u32 $0x1200, s22  }
0xa3: {  	v3 =	vld [tilespmem:s3+$0x0];
	_ =	sdelay $0x2  }
0xa4: {  	v1 =	vmul.f32 v2, v1;
	_ =	sdelay $0x1  }
0xa5: {  	v31 =	vadd.f32 v1, v3;
	_ =	sdelay $0x1  }
0xa6: {  	s13 =	sor.u32 $0x1280, s17;
	[tilespmem:s22+$0x11200] =	vst v31  }
0xa7: {  	v1 =	vld [tilespmem:s13+$0x8000]  }
0xa8: {  	v2 =	vld [tilespmem:s13+$0x4000];
	_ =	sdelay $0x1  }
0xa9: {  	v3 =	vld [tilespmem:s13+$0x0];
	_ =	sdelay $0x2  }
0xaa: {  	v1 =	vmul.f32 v2, v1;
	_ =	sdelay $0x1  }
0xab: {  	v30 =	vadd.f32 v1, v3;
	_ =	sdelay $0x1  }
0xac: {  	[tilespmem:s13+$0x10000] =	vst v30  }
0xad: {  	v1 =	vld [tilespmem:s22+$0x9300]  }
0xae: {  	v2 =	vld [tilespmem:s22+$0x5300]  }
0xaf: {  	s4 =	sor.u32 $0x1300, s22  }
0xb0: {  	v3 =	vld [tilespmem:s4+$0x0];
	_ =	sdelay $0x2  }
0xb1: {  	v1 =	vmul.f32 v2, v1;
	_ =	sdelay $0x1  }
0xb2: {  	v29 =	vadd.f32 v1, v3;
	_ =	sdelay $0x1  }
0xb3: {  	s14 =	sor.u32 $0x1380, s17;
	[tilespmem:s22+$0x11300] =	vst v29  }
0xb4: {  	v1 =	vld [tilespmem:s14+$0x8000]  }
0xb5: {  	v2 =	vld [tilespmem:s14+$0x4000];
	_ =	sdelay $0x1  }
0xb6: {  	v3 =	vld [tilespmem:s14+$0x0];
	_ =	sdelay $0x2  }
0xb7: {  	v1 =	vmul.f32 v2, v1;
	_ =	sdelay $0x1  }
0xb8: {  	v28 =	vadd.f32 v1, v3;
	_ =	sdelay $0x1  }
0xb9: {  	[tilespmem:s14+$0x10000] =	vst v28  }
0xba: {  	v1 =	vld [tilespmem:s22+$0x9800]  }
0xbb: {  	v2 =	vld [tilespmem:s22+$0x5800]  }
0xbc: {  	s5 =	sor.u32 $0x1800, s22  }
0xbd: {  	v3 =	vld [tilespmem:s5+$0x0];
	_ =	sdelay $0x2  }
0xbe: {  	v1 =	vmul.f32 v2, v1;
	_ =	sdelay $0x1  }
0xbf: {  	v27 =	vadd.f32 v1, v3;
	_ =	sdelay $0x1  }
0xc0: {  	s15 =	sor.u32 $0x1880, s17;
	[tilespmem:s22+$0x11800] =	vst v27  }
0xc1: {  	v1 =	vld [tilespmem:s15+$0x8000]  }
0xc2: {  	v2 =	vld [tilespmem:s15+$0x4000];
	_ =	sdelay $0x1  }
0xc3: {  	v3 =	vld [tilespmem:s15+$0x0];
	_ =	sdelay $0x2  }
0xc4: {  	v1 =	vmul.f32 v2, v1;
	_ =	sdelay $0x1  }
0xc5: {  	v25 =	vadd.f32 v1, v3;
	_ =	sdelay $0x1  }
0xc6: {  	[tilespmem:s15+$0x10000] =	vst v25  }
0xc7: {  	v1 =	vld [tilespmem:s22+$0x9900]  }
0xc8: {  	v2 =	vld [tilespmem:s22+$0x5900]  }
0xc9: {  	s6 =	sor.u32 $0x1900, s22  }
0xca: {  	v3 =	vld [tilespmem:s6+$0x0];
	_ =	sdelay $0x2  }
0xcb: {  	v1 =	vmul.f32 v2, v1;
	_ =	sdelay $0x1  }
0xcc: {  	v24 =	vadd.f32 v1, v3;
	_ =	sdelay $0x1  }
0xcd: {  	s16 =	sor.u32 $0x1980, s17;
	[tilespmem:s22+$0x11900] =	vst v24  }
0xce: {  	v1 =	vld [tilespmem:s16+$0x8000]  }
0xcf: {  	v2 =	vld [tilespmem:s16+$0x4000];
	_ =	sdelay $0x1  }
0xd0: {  	v3 =	vld [tilespmem:s16+$0x0];
	_ =	sdelay $0x2  }
0xd1: {  	v1 =	vmul.f32 v2, v1;
	_ =	sdelay $0x1  }
0xd2: {  	v23 =	vadd.f32 v1, v3;
	_ =	sdelay $0x1  }
0xd3: {  	[tilespmem:s16+$0x10000] =	vst v23  }
0xd4: {  	v1 =	vld [tilespmem:s22+$0x9A00]  }
0xd5: {  	v2 =	vld [tilespmem:s22+$0x5A00]  }
0xd6: {  	s7 =	sor.u32 $0x1A00, s22  }
0xd7: {  	v3 =	vld [tilespmem:s7+$0x0];
	_ =	sdelay $0x2  }
0xd8: {  	v1 =	vmul.f32 v2, v1;
	_ =	sdelay $0x1  }
0xd9: {  	v22 =	vadd.f32 v1, v3;
	_ =	sdelay $0x1  }
0xda: {  	s2 =	sor.u32 $0x1A80, s17;
	[tilespmem:s22+$0x11A00] =	vst v22  }
0xdb: {  	v1 =	vld [tilespmem:s2+$0x8000]  }
0xdc: {  	v2 =	vld [tilespmem:s2+$0x4000];
	_ =	sdelay $0x1  }
0xdd: {  	v3 =	vld [tilespmem:s2+$0x0];
	_ =	sdelay $0x2  }
0xde: {  	v1 =	vmul.f32 v2, v1;
	_ =	sdelay $0x1  }
0xdf: {  	v21 =	vadd.f32 v1, v3;
	_ =	sdelay $0x1  }
0xe0: {  	[tilespmem:s2+$0x10000] =	vst v21  }
0xe1: {  	v1 =	vld [tilespmem:s22+$0x9B00]  }
0xe2: {  	v2 =	vld [tilespmem:s22+$0x5B00]  }
0xe3: {  	s8 =	sor.u32 $0x1B00, s22  }
0xe4: {  	v3 =	vld [tilespmem:s8+$0x0];
	_ =	sdelay $0x2  }
0xe5: {  	v1 =	vmul.f32 v2, v1;
	_ =	sdelay $0x1  }
0xe6: {  	v20 =	vadd.f32 v1, v3;
	_ =	sdelay $0x1  }
0xe7: {  	s3 =	sor.u32 $0x1B80, s17;
	[tilespmem:s22+$0x11B00] =	vst v20  }
0xe8: {  	v1 =	vld [tilespmem:s3+$0x8000]  }
0xe9: {  	v2 =	vld [tilespmem:s3+$0x4000];
	_ =	sdelay $0x1  }
0xea: {  	v3 =	vld [tilespmem:s3+$0x0];
	_ =	sdelay $0x2  }
0xeb: {  	v1 =	vmul.f32 v2, v1;
	_ =	sdelay $0x1  }
0xec: {  	v18 =	vadd.f32 v1, v3;
	_ =	sdelay $0x1  }
0xed: {  	[tilespmem:s3+$0x10000] =	vst v18  }
0xee: {  	v1 =	vld [tilespmem:s22+$0xA000]  }
0xef: {  	v2 =	vld [tilespmem:s22+$0x6000]  }
0xf0: {  	s9 =	sor.u32 $0x2000, s22  }
0xf1: {  	v3 =	vld [tilespmem:s9+$0x0];
	_ =	sdelay $0x2  }
0xf2: {  	v1 =	vmul.f32 v2, v1;
	_ =	sdelay $0x1  }
0xf3: {  	v17 =	vadd.f32 v1, v3;
	_ =	sdelay $0x1  }
0xf4: {  	s4 =	sor.u32 $0x2080, s17;
	[tilespmem:s22+$0x12000] =	vst v17  }
0xf5: {  	v1 =	vld [tilespmem:s4+$0x8000]  }
0xf6: {  	v2 =	vld [tilespmem:s4+$0x4000];
	_ =	sdelay $0x1  }
0xf7: {  	v3 =	vld [tilespmem:s4+$0x0];
	_ =	sdelay $0x2  }
0xf8: {  	v1 =	vmul.f32 v2, v1;
	_ =	sdelay $0x1  }
0xf9: {  	v16 =	vadd.f32 v1, v3;
	_ =	sdelay $0x1  }
0xfa: {  	[tilespmem:s4+$0x10000] =	vst v16  }
0xfb: {  	v1 =	vld [tilespmem:s22+$0xA100]  }
0xfc: {  	v2 =	vld [tilespmem:s22+$0x6100]  }
0xfd: {  	s10 =	sor.u32 $0x2100, s22  }
0xfe: {  	v3 =	vld [tilespmem:s10+$0x0];
	_ =	sdelay $0x2  }
0xff: {  	v1 =	vmul.f32 v2, v1;
	_ =	sdelay $0x1  }
0x100: {  	v15 =	vadd.f32 v1, v3;
	_ =	sdelay $0x1  }
0x101: {  	s5 =	sor.u32 $0x2180, s17;
	[tilespmem:s22+$0x12100] =	vst v15  }
0x102: {  	v1 =	vld [tilespmem:s5+$0x8000]  }
0x103: {  	v2 =	vld [tilespmem:s5+$0x4000];
	_ =	sdelay $0x1  }
0x104: {  	v3 =	vld [tilespmem:s5+$0x0];
	_ =	sdelay $0x2  }
0x105: {  	v1 =	vmul.f32 v2, v1;
	_ =	sdelay $0x1  }
0x106: {  	v13 =	vadd.f32 v1, v3;
	_ =	sdelay $0x1  }
0x107: {  	[tilespmem:s5+$0x10000] =	vst v13  }
0x108: {  	v1 =	vld [tilespmem:s22+$0xA200]  }
0x109: {  	v2 =	vld [tilespmem:s22+$0x6200]  }
0x10a: {  	s11 =	sor.u32 $0x2200, s22  }
0x10b: {  	v3 =	vld [tilespmem:s11+$0x0];
	_ =	sdelay $0x2  }
0x10c: {  	v1 =	vmul.f32 v2, v1;
	_ =	sdelay $0x1  }
0x10d: {  	v12 =	vadd.f32 v1, v3;
	_ =	sdelay $0x1  }
0x10e: {  	s6 =	sor.u32 $0x2280, s17;
	[tilespmem:s22+$0x12200] =	vst v12  }
0x10f: {  	v1 =	vld [tilespmem:s6+$0x8000]  }
0x110: {  	v2 =	vld [tilespmem:s6+$0x4000];
	_ =	sdelay $0x1  }
0x111: {  	v3 =	vld [tilespmem:s6+$0x0];
	_ =	sdelay $0x2  }
0x112: {  	v1 =	vmul.f32 v2, v1;
	_ =	sdelay $0x1  }
0x113: {  	v11 =	vadd.f32 v1, v3;
	_ =	sdelay $0x1  }
0x114: {  	[tilespmem:s6+$0x10000] =	vst v11  }
0x115: {  	v1 =	vld [tilespmem:s22+$0xA300]  }
0x116: {  	v2 =	vld [tilespmem:s22+$0x6300]  }
0x117: {  	s12 =	sor.u32 $0x2300, s22  }
0x118: {  	v3 =	vld [tilespmem:s12+$0x0];
	_ =	sdelay $0x2  }
0x119: {  	v1 =	vmul.f32 v2, v1;
	_ =	sdelay $0x1  }
0x11a: {  	v10 =	vadd.f32 v1, v3;
	_ =	sdelay $0x1  }
0x11b: {  	s7 =	sor.u32 $0x2380, s17;
	[tilespmem:s22+$0x12300] =	vst v10  }
0x11c: {  	v1 =	vld [tilespmem:s7+$0x8000]  }
0x11d: {  	v2 =	vld [tilespmem:s7+$0x4000];
	_ =	sdelay $0x1  }
0x11e: {  	v3 =	vld [tilespmem:s7+$0x0];
	_ =	sdelay $0x2  }
0x11f: {  	v1 =	vmul.f32 v2, v1;
	_ =	sdelay $0x1  }
0x120: {  	v9 =	vadd.f32 v1, v3;
	_ =	sdelay $0x1  }
0x121: {  	[tilespmem:s7+$0x10000] =	vst v9  }
0x122: {  	v1 =	vld [tilespmem:s22+$0xA800]  }
0x123: {  	v2 =	vld [tilespmem:s22+$0x6800]  }
0x124: {  	s18 =	sor.u32 $0x2800, s22  }
0x125: {  	v3 =	vld [tilespmem:s18+$0x0];
	_ =	sdelay $0x2  }
0x126: {  	v1 =	vmul.f32 v2, v1;
	_ =	sdelay $0x1  }
0x127: {  	v8 =	vadd.f32 v1, v3;
	_ =	sdelay $0x1  }
0x128: {  	s8 =	sor.u32 $0x2880, s17;
	[tilespmem:s22+$0x12800] =	vst v8  }
0x129: {  	v1 =	vld [tilespmem:s8+$0x8000]  }
0x12a: {  	v2 =	vld [tilespmem:s8+$0x4000];
	_ =	sdelay $0x1  }
0x12b: {  	v3 =	vld [tilespmem:s8+$0x0];
	_ =	sdelay $0x2  }
0x12c: {  	v1 =	vmul.f32 v2, v1;
	_ =	sdelay $0x1  }
0x12d: {  	v6 =	vadd.f32 v1, v3;
	_ =	sdelay $0x1  }
0x12e: {  	[tilespmem:s8+$0x10000] =	vst v6  }
0x12f: {  	v1 =	vld [tilespmem:s22+$0xA900]  }
0x130: {  	v2 =	vld [tilespmem:s22+$0x6900]  }
0x131: {  	[dreg:$0x12] =	wrdreg s21;
	s21 =	sor.u32 $0x2900, s22  }
0x132: {  	v3 =	vld [tilespmem:s21+$0x0];
	_ =	sdelay $0x2  }
0x133: {  	v1 =	vmul.f32 v2, v1;
	_ =	sdelay $0x1  }
0x134: {  	v5 =	vadd.f32 v1, v3;
	_ =	sdelay $0x1  }
0x135: {  	s9 =	sor.u32 $0x2980, s17;
	[tilespmem:s22+$0x12900] =	vst v5  }
0x136: {  	v1 =	vld [tilespmem:s9+$0x8000]  }
0x137: {  	v2 =	vld [tilespmem:s9+$0x4000];
	_ =	sdelay $0x1  }
0x138: {  	v3 =	vld [tilespmem:s9+$0x0];
	_ =	sdelay $0x2  }
0x139: {  	v1 =	vmul.f32 v2, v1;
	_ =	sdelay $0x1  }
0x13a: {  	v4 =	vadd.f32 v1, v3;
	_ =	sdelay $0x1  }
0x13b: {  	[tilespmem:s9+$0x10000] =	vst v4  }
0x13c: {  	v1 =	vld [tilespmem:s22+$0xAA00]  }
0x13d: {  	v2 =	vld [tilespmem:s22+$0x6A00]  }
0x13e: {  	[dreg:$0x13] =	wrdreg s23;
	s23 =	sor.u32 $0x2A00, s22  }
0x13f: {  	v3 =	vld [tilespmem:s23+$0x0];
	_ =	sdelay $0x2  }
0x140: {  	v1 =	vmul.f32 v2, v1;
	_ =	sdelay $0x1  }
0x141: {  	v3 =	vadd.f32 v1, v3;
	_ =	sdelay $0x1  }
0x142: {  	s10 =	sor.u32 $0x2A80, s17;
	[tilespmem:s22+$0x12A00] =	vst v3  }
0x143: {  	v1 =	vld [tilespmem:s10+$0x8000]  }
0x144: {  	v2 =	vld [tilespmem:s10+$0x4000];
	_ =	sdelay $0x1  }
0x145: {  	v48 =	vld [tilespmem:s10+$0x0];
	_ =	sdelay $0x2  }
0x146: {  	v1 =	vmul.f32 v2, v1;
	_ =	sdelay $0x1  }
0x147: {  	v2 =	vadd.f32 v1, v48;
	_ =	sdelay $0x1  }
0x148: {  	[tilespmem:s10+$0x10000] =	vst v2  }
0x149: {  	v1 =	vld [tilespmem:s22+$0xAB00]  }
0x14a: {  	v55 =	vld [tilespmem:s22+$0x6B00]  }
0x14b: {  	[dreg:$0x14] =	wrdreg s24;
	s24 =	sor.u32 $0x2B00, s22  }
0x14c: {  	v49 =	vld [tilespmem:s24+$0x0];
	_ =	sdelay $0x2  }
0x14d: {  	vm0 =	vgt.f32 v47, $-Inf;
	v1 =	vmul.f32 v55, v1  }
0x14e: {  	v47 =	vnsel vm0, $0xFF800000, v47  }
0x14f: {  	vm5 =	vlt.f32 v7, $-Inf;
	vm1 =	vgt.f32 v7, $-Inf;
	v1 =	vadd.f32 v1, v49  }
0x150: {  	vm2 =	vgt.f32 v7, v47;
	vm13 =	vmor vm1, vm5  }
0x151: {  	vm5 =	vmneg vm2;
	v58 =	vnsel vm13, $0xFF800000, v7;
	s11 =	sor.u32 $0x2B80, s17;
	[tilespmem:s22+$0x12B00] =	vst v1  }
0x152: {  	v49 =	vsel vm5, v58, v47;
	v57 =	vld [tilespmem:s11+$0x8000]  }
0x153: {  	v7 =	vsel vm5, v47, v7;
	vm6 =	vgt.f32 v45, v49;
	v50 =	vld [tilespmem:s11+$0x4000]  }
0x154: {  	vm1 =	vgt.f32 v45, v7;
	v49 =	vsel vm6, v45, v49  }
0x155: {  	v56 =	vimm.s32 $0x0;
	v62 =	vimm.s32 $0x0;
	v60 =	vld [tilespmem:s11+$0x0];
	v49 =	vsel vm1, v7, v49  }
0x156: {  	v48 =	vsel vm2, $0xFFFFFFFF, v56;
	v45 =	vsel vm1, v45, v7;
	vm7 =	vgt.f32 v46, v49  }
0x157: {  	[tilespmem:$0x1FBC0] =	vst v48;
	vm10 =	vgt.f32 v46, v45;
	v48 =	vsel vm7, $0xFFFFFFFF, v62;
	v63 =	vsel vm7, v46, v49  }
0x158: {  	[tilespmem:$0x1FBE0] =	vst v48;
	v48 =	vsel vm10, v45, v63;
	v61 =	vmul.f32 v50, v57  }
0x159: {  	vm11 =	vgt.f32 v39, v48;
	v50 =	vimm.s32 $0x0  }
0x15a: {  	v45 =	vsel vm10, v46, v45;
	v46 =	vsel vm11, $0xFFFFFFFF, v50;
	v7 =	vadd.f32 v61, v60  }
0x15b: {  	vm2 =	vgt.f32 v39, v45;
	v51 =	vsel vm11, v39, v48;
	[tilespmem:$0x1FBF0] =	vst v46  }
0x15c: {  	v46 =	vsel vm2, v45, v51;
	[tilespmem:s11+$0x10000] =	vst v7  }
0x15d: {  	v39 =	vsel vm2, v39, v45;
	vm12 =	vgt.f32 v14, v46;
	v52 =	vld [tilespmem:s22+$0xB000]  }
0x15e: {  	vm3 =	vgt.f32 v14, v39;
	v46 =	vsel vm12, v14, v46;
	v54 =	vld [tilespmem:s22+$0x7000]  }
0x15f: {  	v59 =	vimm.s32 $0x0;
	v53 =	vimm.s32 $0x0;
	s25 =	sor.u32 $0x3000, s22;
	v46 =	vsel vm3, v39, v46  }
0x160: {  	v56 =	vimm.s32 $0x0;
	v14 =	vsel vm3, v14, v39;
	v55 =	vld [tilespmem:s25+$0x0];
	vm14 =	vgt.f32 v37, v46  }
0x161: {  	vm11 =	vgt.f32 v37, v14;
	v39 =	vsel vm14, $0xFFFFFFFF, v56;
	v57 =	vsel vm14, v37, v46  }
0x162: {  	v58 =	vimm.s32 $0x0;
	v45 =	vsel vm12, $0xFFFFFFFF, v53;
	[tilespmem:$0x1FC10] =	vst v39;
	v39 =	vsel vm11, v14, v57  }
0x163: {  	[tilespmem:$0x1FC00] =	vst v45;
	v37 =	vsel vm11, v37, v14;
	vm15 =	vgt.f32 v40, v39;
	v45 =	vmul.f32 v54, v52  }
0x164: {  	vm4 =	vgt.f32 v40, v37;
	v14 =	vsel vm15, $0xFFFFFFFF, v58;
	v39 =	vsel vm15, v40, v39  }
0x165: {  	v47 =	vsel vm6, $0xFFFFFFFF, v59;
	[tilespmem:$0x1FC20] =	vst v14;
	v39 =	vsel vm4, v37, v39;
	v14 =	vadd.f32 v45, v55  }
0x166: {  	v59 =	vimm.s32 $0x0;
	v37 =	vsel vm4, v40, v37;
	vm6 =	vgt.f32 v19, v39  }
0x167: {  	s12 =	sor.u32 $0x3080, s17;
	v40 =	vsel vm6, $0xFFFFFFFF, v59;
	v39 =	vsel vm6, v19, v39;
	vm6 =	vgt.f32 v19, v37;
	[tilespmem:s22+$0x13000] =	vst v14  }
0x168: {  	v39 =	vsel vm6, v37, v39;
	v60 =	vld [tilespmem:s12+$0x8000]  }
0x169: {  	v62 =	vimm.s32 $0x0;
	v19 =	vsel vm6, v19, v37;
	v61 =	vld [tilespmem:s12+$0x4000];
	vm7 =	vgt.f32 v38, v39  }
0x16a: {  	v37 =	vsel vm7, $0xFFFFFFFF, v62;
	v63 =	vsel vm7, v38, v39;
	vm7 =	vgt.f32 v38, v19  }
0x16b: {  	v46 =	vld [tilespmem:s12+$0x0];
	[tilespmem:$0x1FC40] =	vst v37;
	v37 =	vsel vm7, v19, v63  }
0x16c: {  	[tilespmem:$0x1FBD0] =	vst v47;
	v47 =	vimm.s32 $0x0;
	vm8 =	vgt.f32 v41, v37  }
0x16d: {  	v19 =	vsel vm7, v38, v19;
	v38 =	vsel vm8, $0xFFFFFFFF, v47  }
0x16e: {  	v37 =	vsel vm8, v41, v37;
	vm8 =	vgt.f32 v41, v19;
	v48 =	vmul.f32 v61, v60  }
0x16f: {  	v50 =	vimm.s32 $0x0;
	v37 =	vsel vm8, v19, v37  }
0x170: {  	v49 =	vsel vm8, v41, v19;
	vm9 =	vgt.f32 v42, v37;
	v19 =	vadd.f32 v48, v46  }
0x171: {  	[tilespmem:$0x1FC50] =	vst v38;
	v38 =	vsel vm9, $0xFFFFFFFF, v50;
	v37 =	vsel vm9, v42, v37;
	vm9 =	vgt.f32 v42, v49  }
0x172: {  	vm5 =	vmand vm5, vm13;
	v53 =	vimm.s32 $0x0;
	v37 =	vsel vm9, v49, v37;
	[tilespmem:s12+$0x10000] =	vst v19  }
0x173: {  	v56 =	vimm.s32 $0x0;
	v51 =	vsel vm9, v42, v49;
	vm12 =	vgt.f32 v26, v37;
	v52 =	vld [tilespmem:s22+$0xB100]  }
0x174: {  	[tilespmem:$0x1FC30] =	vst v40;
	v40 =	vsel vm12, $0xFFFFFFFF, v53;
	v37 =	vsel vm12, v26, v37;
	v54 =	vld [tilespmem:s22+$0x7100];
	vm12 =	vgt.f32 v26, v51  }
0x175: {  	v59 =	vimm.s32 $0x0;
	v62 =	vsel vm5, $0x1, v0;
	v37 =	vsel vm12, v51, v37  }
0x176: {  	[dreg:$0x15] =	wrdreg s28;
	s28 =	sor.u32 $0x3100, s22;
	v60 =	vimm.s32 $0x0;
	v26 =	vsel vm12, v26, v51;
	vm14 =	vgt.f32 v43, v37  }
0x177: {  	[tilespmem:$0x1FC60] =	vst v38;
	v55 =	vld [tilespmem:s28+$0x0];
	v38 =	vsel vm14, $0xFFFFFFFF, v56;
	v37 =	vsel vm14, v43, v37;
	vm14 =	vgt.f32 v43, v26  }
0x178: {  	v61 =	vimm.s32 $0x0;
	v46 =	vimm.s32 $0x0;
	v37 =	vsel vm14, v26, v37  }
0x179: {  	v57 =	vsel vm14, v43, v26;
	v58 =	vmul.f32 v54, v52;
	vm15 =	vgt.f32 v44, v37  }
0x17a: {  	v39 =	vsel vm15, $0xFFFFFFFF, v59;
	v37 =	vsel vm15, v44, v37;
	vm15 =	vgt.f32 v44, v57  }
0x17b: {  	v50 =	vimm.s32 $0x0;
	[tilespmem:$0x1FC80] =	vst v38;
	v37 =	vsel vm15, v57, v37;
	v38 =	vsel vm15, v44, v57;
	v44 =	vld [tilespmem:$0x1FBC0]  }
0x17c: {  	v56 =	vimm.s32 $0x0;
	v26 =	vadd.f32 v58, v55;
	vm0 =	vgt.f32 v36, v37  }
0x17d: {  	v47 =	vld [tilespmem:$0x1FBD0];
	[tilespmem:$0x1FC90] =	vst v39;
	v39 =	vsel vm0, $0xFFFFFFFF, v60;
	v37 =	vsel vm0, v36, v37;
	vm0 =	vgt.f32 v36, v38  }
0x17e: {  	[dreg:$0x11] =	wrdreg s0;
	s0 =	sor.u32 $0x3180, s17;
	v49 =	vld [tilespmem:$0x1FBE0];
	v54 =	vimm.s32 $0x0;
	[tilespmem:s22+$0x13100] =	vst v26;
	v60 =	vimm.s32 $0x0;
	v37 =	vsel vm0, v38, v37  }
0x17f: {  	[tilespmem:$0x1FCA0] =	vst v39;
	v39 =	vsel vm0, $0xFFFFFFFF, v61;
	v63 =	vld [tilespmem:s0+$0x8000];
	v36 =	vsel vm0, v36, v38;
	vm0 =	vgt.f32 v35, v37  }
0x180: {  	v45 =	vld [tilespmem:s0+$0x4000];
	vm5 =	vgt.f32 v35, v36;
	vm13 =	vnez.u8 v44;
	v42 =	vsel vm0, $0xFFFFFFFF, v46  }
0x181: {  	v37 =	vsel vm0, v35, v37;
	v35 =	vsel vm5, v35, v36;
	v46 =	vimm.s32 $0x0  }
0x182: {  	[tilespmem:$0x1FCB0] =	vst v39;
	v41 =	vsel vm13, $0x1, v0;
	vm13 =	vnez.u8 v47;
	v37 =	vsel vm5, v36, v37  }
0x183: {  	v53 =	vld [tilespmem:$0x1FBF0];
	[tilespmem:$0x1FCC0] =	vst v42;
	vm0 =	vgt.f32 v34, v35;
	v42 =	vimm.s32 $0x0;
	v39 =	vsel vm13, $0x2, v62  }
0x184: {  	vm13 =	vnez.u8 v49;
	v62 =	vimm.s32 $0x0;
	v49 =	vimm.s32 $0x0  }
0x185: {  	v39 =	vsel vm1, v41, v39;
	v41 =	vsel vm1, $0x2, v41;
	v38 =	vmul.f32 v45, v63  }
0x186: {  	v57 =	vld [tilespmem:$0x1FC00];
	v39 =	vsel vm13, $0x3, v39;
	vm13 =	vgt.f32 v34, v37;
	v52 =	vsel vm10, $0x3, v41  }
0x187: {  	v48 =	vld [tilespmem:s0+$0x0];
	v36 =	vsel vm13, $0xFFFFFFFF, v50;
	v51 =	vsel vm10, v41, v39;
	v37 =	vsel vm13, v34, v37  }
0x188: {  	vm13 =	vnez.u8 v53;
	v55 =	vsel vm2, $0x4, v52;
	v37 =	vsel vm0, v35, v37  }
0x189: {  	[tilespmem:$0x1FCD0] =	vst v36;
	v36 =	vsel vm13, $0x4, v51;
	v35 =	vsel vm0, v34, v35;
	vm10 =	vgt.f32 v33, v37  }
0x18a: {  	v34 =	vsel vm10, $0xFFFFFFFF, v54;
	v37 =	vsel vm10, v33, v37;
	vm10 =	vgt.f32 v33, v35  }
0x18b: {  	v44 =	vld [tilespmem:$0x1FC10];
	vm13 =	vnez.u8 v57;
	v36 =	vsel vm2, v52, v36;
	v37 =	vsel vm10, v35, v37  }
0x18c: {  	v45 =	vld [tilespmem:$0x1FC20];
	v54 =	vimm.s32 $0x0;
	[tilespmem:$0x1FCE0] =	vst v34;
	v34 =	vadd.f32 v38, v48;
	vm1 =	vgt.f32 v32, v37  }
0x18d: {  	v33 =	vsel vm10, v33, v35;
	v38 =	vsel vm3, $0x5, v55;
	v35 =	vsel vm1, $0xFFFFFFFF, v56  }
0x18e: {  	v58 =	vsel vm1, v32, v37;
	[tilespmem:$0x1FCF0] =	vst v35;
	v35 =	vsel vm13, $0x5, v36;
	vm13 =	vgt.f32 v32, v33  }
0x18f: {  	v50 =	vld [tilespmem:$0x1FC30];
	[tilespmem:s0+$0x10000] =	vst v34;
	v39 =	vsel vm13, $0xFFFFFFFF, v60;
	v35 =	vsel vm3, v55, v35;
	v36 =	vsel vm13, v33, v58  }
0x190: {  	v59 =	vld [tilespmem:s22+$0xB200];
	v32 =	vsel vm13, v32, v33;
	vm13 =	vnez.u8 v44;
	v58 =	vimm.s32 $0x0  }
0x191: {  	v61 =	vld [tilespmem:s22+$0x7200];
	vm1 =	vgt.f32 v31, v36;
	v35 =	vsel vm13, $0x6, v35;
	vm13 =	vnez.u8 v45  }
0x192: {  	v33 =	vsel vm1, $0xFFFFFFFF, v62;
	v36 =	vsel vm1, v31, v36;
	vm1 =	vgt.f32 v31, v32  }
0x193: {  	s18 =	sor.u32 $0x3200, s22;
	v35 =	vsel vm11, v38, v35;
	v38 =	vsel vm11, $0x6, v38;
	v36 =	vsel vm1, v32, v36  }
0x194: {  	v63 =	vld [tilespmem:s18+$0x0];
	v35 =	vsel vm13, $0x7, v35;
	v31 =	vsel vm1, v31, v32;
	v48 =	vsel vm4, $0x7, v38  }
0x195: {  	vm13 =	vnez.u8 v50;
	v50 =	vimm.s32 $0x0;
	vm11 =	vgt.f32 v30, v36  }
0x196: {  	v47 =	vmul.f32 v61, v59;
	v35 =	vsel vm4, v38, v35;
	v52 =	vsel vm6, $0x8, v48  }
0x197: {  	v55 =	vld [tilespmem:$0x1FC40];
	v32 =	vsel vm11, $0xFFFFFFFF, v46;
	v36 =	vsel vm11, v30, v36;
	vm11 =	vgt.f32 v30, v31  }
0x198: {  	v61 =	vimm.s32 $0x0;
	v46 =	vimm.s32 $0x0;
	v36 =	vsel vm11, v31, v36  }
0x199: {  	[tilespmem:$0x1FD10] =	vst v33;
	v31 =	vsel vm11, v30, v31;
	v30 =	vadd.f32 v47, v63;
	vm2 =	vgt.f32 v29, v36  }
0x19a: {  	v59 =	vld [tilespmem:$0x1FC50];
	[tilespmem:$0x1FD20] =	vst v32;
	vm3 =	vgt.f32 v29, v31;
	v32 =	vsel vm2, $0xFFFFFFFF, v49;
	v51 =	vsel vm2, v29, v36  }
0x19b: {  	v29 =	vsel vm3, v29, v31;
	[tilespmem:$0x1FD30] =	vst v32;
	v32 =	vsel vm13, $0x8, v35;
	v33 =	vsel vm3, v31, v51  }
0x19c: {  	s18 =	sor.u32 $0x3280, s17;
	v62 =	vld [tilespmem:$0x1FC60];
	[tilespmem:s22+$0x13200] =	vst v30;
	vm13 =	vnez.u8 v55;
	v35 =	vsel vm7, $0x9, v52;
	vm2 =	vgt.f32 v28, v33  }
0x19d: {  	v53 =	vld [tilespmem:s18+$0x8000];
	v32 =	vsel vm6, v48, v32;
	vm6 =	vgt.f32 v28, v29;
	v36 =	vsel vm2, $0xFFFFFFFF, v54  }
0x19e: {  	v56 =	vld [tilespmem:s18+$0x4000];
	v32 =	vsel vm13, $0x9, v32;
	v33 =	vsel vm2, v28, v33;
	v28 =	vsel vm6, v28, v29  }
0x19f: {  	vm13 =	vnez.u8 v59;
	v54 =	vimm.s32 $0x0;
	v33 =	vsel vm6, v29, v33  }
0x1a0: {  	v57 =	vld [tilespmem:s18+$0x0];
	v59 =	vimm.s32 $0x0;
	v32 =	vsel vm7, v52, v32;
	vm2 =	vgt.f32 v27, v33  }
0x1a1: {  	v32 =	vsel vm13, $0xA, v32;
	vm13 =	vnez.u8 v62;
	v37 =	vsel vm2, $0xFFFFFFFF, v58  }
0x1a2: {  	[tilespmem:$0x1FC70] =	vst v40;
	v33 =	vsel vm2, v27, v33;
	vm2 =	vgt.f32 v27, v28;
	v32 =	vsel vm8, v35, v32  }
0x1a3: {  	v38 =	vld [tilespmem:$0x1FC70];
	v35 =	vsel vm8, $0xA, v35;
	v60 =	vmul.f32 v56, v53;
	v33 =	vsel vm2, v28, v33  }
0x1a4: {  	[tilespmem:$0x1FD40] =	vst v36;
	v28 =	vsel vm2, v27, v28;
	v36 =	vsel vm9, $0xB, v35;
	vm4 =	vgt.f32 v25, v33  }
0x1a5: {  	[tilespmem:$0x1FD50] =	vst v37;
	v37 =	vimm.s32 $0x0;
	v27 =	vadd.f32 v60, v57;
	v31 =	vsel vm4, $0xFFFFFFFF, v61  }
0x1a6: {  	v43 =	vld [tilespmem:$0x1FC80];
	v63 =	vsel vm4, v25, v33;
	[tilespmem:$0x1FD60] =	vst v31;
	v31 =	vsel vm13, $0xB, v32;
	vm13 =	vgt.f32 v25, v28  }
0x1a7: {  	v49 =	vld [tilespmem:$0x1FCA0];
	v29 =	vsel vm12, $0xC, v36;
	[tilespmem:s18+$0x10000] =	vst v27;
	v31 =	vsel vm9, v35, v31;
	v32 =	vsel vm13, v28, v63  }
0x1a8: {  	v25 =	vsel vm13, v25, v28;
	vm9 =	vnez.u8 v38;
	v40 =	vld [tilespmem:s22+$0xB300];
	vm4 =	vgt.f32 v24, v32  }
0x1a9: {  	[tilespmem:$0x1FD00] =	vst v39;
	v41 =	vld [tilespmem:s22+$0x7300];
	vm7 =	vgt.f32 v24, v25;
	v28 =	vsel vm4, $0xFFFFFFFF, v37;
	v39 =	vsel vm4, v24, v32  }
0x1aa: {  	v24 =	vsel vm7, v24, v25;
	[tilespmem:$0x1FD70] =	vst v28;
	v28 =	vsel vm9, $0xC, v31;
	v31 =	vsel vm7, v25, v39  }
0x1ab: {  	v45 =	vld [tilespmem:$0x1FC90];
	v35 =	vimm.s32 $0x0;
	vm9 =	vgt.f32 v23, v24;
	vm4 =	vgt.f32 v23, v31  }
0x1ac: {  	v28 =	vsel vm12, v36, v28;
	vm12 =	vnez.u8 v43;
	v33 =	vsel vm4, $0xFFFFFFFF, v42  }
0x1ad: {  	v28 =	vsel vm12, $0xD, v28;
	v31 =	vsel vm4, v23, v31;
	v23 =	vsel vm9, v23, v24  }
0x1ae: {  	v51 =	vld [tilespmem:$0x1FCB0];
	v25 =	vmul.f32 v41, v40;
	vm12 =	vnez.u8 v49;
	v40 =	vimm.s32 $0x0  }
0x1af: {  	v49 =	vimm.s32 $0x0;
	v28 =	vsel vm14, v29, v28;
	v31 =	vsel vm9, v24, v31  }
0x1b0: {  	v55 =	vld [tilespmem:$0x1FCC0];
	v29 =	vsel vm14, $0xD, v29;
	vm14 =	vnez.u8 v45;
	vm8 =	vgt.f32 v22, v31  }
0x1b1: {  	s21 =	sor.u32 $0x3300, s22;
	v28 =	vsel vm14, $0xE, v28;
	vm14 =	vgt.f32 v22, v23;
	v24 =	vsel vm8, $0xFFFFFFFF, v46  }
0x1b2: {  	v44 =	vld [tilespmem:s21+$0x0];
	v47 =	vsel vm15, v29, v28;
	v48 =	vsel vm8, v22, v31;
	v29 =	vsel vm15, $0xE, v29  }
0x1b3: {  	vm8 =	vnez.u8 v51;
	v31 =	vimm.s32 $0x0;
	v28 =	vsel vm14, v23, v48  }
0x1b4: {  	[tilespmem:$0x1FD90] =	vst v24;
	v24 =	vsel vm12, $0xF, v47;
	v23 =	vsel vm14, v22, v23;
	v53 =	vsel vm8, $0xF, v29  }
0x1b5: {  	vm12 =	vnez.u8 v55;
	vm15 =	vgt.f32 v21, v28;
	v24 =	vsel vm8, v29, v24  }
0x1b6: {  	v60 =	vld [tilespmem:$0x1FCD0];
	v22 =	vsel vm15, $0xFFFFFFFF, v50;
	v28 =	vsel vm15, v21, v28;
	vm15 =	vgt.f32 v21, v23  }
0x1b7: {  	[tilespmem:$0x1FDA0] =	vst v22;
	v22 =	vadd.f32 v25, v44;
	v52 =	vsel vm15, v23, v28;
	v21 =	vsel vm15, v21, v23  }
0x1b8: {  	v28 =	vsel vm5, $0x10, v53;
	v44 =	vimm.s32 $0x0;
	vm4 =	vgt.f32 v20, v52  }
0x1b9: {  	s21 =	sor.u32 $0x3380, s17;
	v63 =	vld [tilespmem:$0x1FCE0];
	[tilespmem:s22+$0x13300] =	vst v22;
	v23 =	vsel vm4, $0xFFFFFFFF, v54;
	v56 =	vsel vm4, v20, v52;
	vm4 =	vgt.f32 v20, v21  }
0x1ba: {  	[tilespmem:$0x1FDB0] =	vst v23;
	v23 =	vsel vm12, $0x10, v24;
	v57 =	vld [tilespmem:s21+$0x8000];
	v24 =	vsel vm4, v21, v56;
	v20 =	vsel vm4, v20, v21  }
0x1bb: {  	v58 =	vld [tilespmem:s21+$0x4000];
	vm12 =	vnez.u8 v60;
	v23 =	vsel vm5, v53, v23;
	vm5 =	vgt.f32 v18, v24  }
0x1bc: {  	v36 =	vld [tilespmem:$0x1FCF0];
	vm8 =	vgt.f32 v18, v20;
	v53 =	vimm.s32 $0x0;
	v21 =	vsel vm5, $0xFFFFFFFF, v59  }
0x1bd: {  	v61 =	vsel vm5, v18, v24;
	v18 =	vsel vm8, v18, v20;
	[tilespmem:$0x1FDC0] =	vst v21;
	v21 =	vsel vm12, $0x11, v23  }
0x1be: {  	v38 =	vld [tilespmem:$0x1FD00];
	v23 =	vsel vm8, v20, v61;
	vm12 =	vnez.u8 v63;
	v21 =	vsel vm0, v28, v21  }
0x1bf: {  	v62 =	vld [tilespmem:s21+$0x0];
	v28 =	vsel vm0, $0x11, v28;
	vm5 =	vgt.f32 v17, v23;
	vm0 =	vgt.f32 v17, v18  }
0x1c0: {  	v21 =	vsel vm12, $0x12, v21;
	v20 =	vsel vm5, $0xFFFFFFFF, v31;
	v32 =	vmul.f32 v58, v57  }
0x1c1: {  	[tilespmem:$0x1FD80] =	vst v33;
	v23 =	vsel vm5, v17, v23;
	v33 =	vsel vm10, $0x12, v28;
	vm12 =	vnez.u8 v36  }
0x1c2: {  	v58 =	vimm.s32 $0x0;
	v21 =	vsel vm10, v28, v21;
	v23 =	vsel vm0, v18, v23  }
0x1c3: {  	v41 =	vld [tilespmem:$0x1FD10];
	v18 =	vsel vm0, v17, v18;
	vm10 =	vnez.u8 v38;
	vm5 =	vgt.f32 v16, v23  }
0x1c4: {  	[tilespmem:$0x1FDD0] =	vst v20;
	v28 =	vimm.s32 $0x0;
	v17 =	vadd.f32 v32, v62;
	v20 =	vsel vm5, $0xFFFFFFFF, v35  }
0x1c5: {  	v62 =	vimm.s32 $0x0;
	v32 =	vimm.s32 $0x0;
	v37 =	vsel vm5, v16, v23;
	[tilespmem:$0x1FDE0] =	vst v20  }
0x1c6: {  	v45 =	vld [tilespmem:$0x1FD20];
	v23 =	vsel vm10, $0x13, v33;
	v20 =	vsel vm12, $0x13, v21;
	vm12 =	vgt.f32 v16, v18;
	[tilespmem:s21+$0x10000] =	vst v17  }
0x1c7: {  	v20 =	vsel vm10, v33, v20;
	v21 =	vsel vm12, v18, v37;
	v16 =	vsel vm12, v16, v18;
	v39 =	vld [tilespmem:s22+$0xB800]  }
0x1c8: {  	vm10 =	vnez.u8 v41;
	v42 =	vld [tilespmem:s22+$0x7800];
	v37 =	vimm.s32 $0x0;
	vm5 =	vgt.f32 v15, v21  }
0x1c9: {  	v20 =	vsel vm10, $0x14, v20;
	v24 =	vsel vm5, $0xFFFFFFFF, v40;
	v21 =	vsel vm5, v15, v21  }
0x1ca: {  	s23 =	sor.u32 $0x3800, s22;
	v50 =	vld [tilespmem:$0x1FD30];
	vm5 =	vgt.f32 v15, v16;
	v20 =	vsel vm1, v23, v20;
	v23 =	vsel vm1, $0x14, v23  }
0x1cb: {  	v43 =	vld [tilespmem:s23+$0x0];
	vm10 =	vnez.u8 v45;
	v21 =	vsel vm5, v16, v21;
	v47 =	vsel vm11, $0x15, v23  }
0x1cc: {  	v15 =	vsel vm5, v15, v16;
	vm1 =	vgt.f32 v13, v21;
	v52 =	vsel vm3, $0x16, v47  }
0x1cd: {  	v16 =	vsel vm1, $0xFFFFFFFF, v44;
	v46 =	vsel vm1, v13, v21;
	v48 =	vmul.f32 v42, v39  }
0x1ce: {  	v39 =	vimm.s32 $0x0;
	[tilespmem:$0x1FE00] =	vst v16;
	v16 =	vsel vm10, $0x15, v20;
	vm10 =	vgt.f32 v13, v15  }
0x1cf: {  	v54 =	vld [tilespmem:$0x1FD40];
	v42 =	vimm.s32 $0x0;
	v16 =	vsel vm11, v23, v16;
	v20 =	vsel vm10, v15, v46  }
0x1d0: {  	v15 =	vsel vm10, v13, v15;
	vm11 =	vnez.u8 v50;
	v13 =	vadd.f32 v48, v43  }
0x1d1: {  	v44 =	vimm.s32 $0x0;
	vm1 =	vgt.f32 v12, v20;
	v16 =	vsel vm11, $0x16, v16  }
0x1d2: {  	vm11 =	vgt.f32 v12, v15;
	v18 =	vsel vm1, $0xFFFFFFFF, v49;
	v51 =	vsel vm1, v12, v20;
	[tilespmem:s22+$0x13800] =	vst v13  }
0x1d3: {  	v59 =	vld [tilespmem:$0x1FD50];
	s23 =	sor.u32 $0x3880, s17;
	v16 =	vsel vm3, v47, v16;
	v12 =	vsel vm11, v12, v15;
	[tilespmem:$0x1FE10] =	vst v18;
	v18 =	vsel vm11, v15, v51  }
0x1d4: {  	vm3 =	vnez.u8 v54;
	v20 =	vsel vm6, $0x17, v52;
	v56 =	vld [tilespmem:s23+$0x8000];
	vm1 =	vgt.f32 v11, v18  }
0x1d5: {  	v47 =	vimm.s32 $0x0;
	v49 =	vimm.s32 $0x0;
	v57 =	vld [tilespmem:s23+$0x4000];
	v15 =	vsel vm1, $0xFFFFFFFF, v53  }
0x1d6: {  	v54 =	vimm.s32 $0x0;
	v51 =	vimm.s32 $0x0;
	[tilespmem:$0x1FE20] =	vst v15;
	v15 =	vsel vm3, $0x17, v16  }
0x1d7: {  	v61 =	vld [tilespmem:$0x1FD60];
	v55 =	vsel vm1, v11, v18;
	vm3 =	vgt.f32 v11, v12;
	v15 =	vsel vm6, v52, v15  }
0x1d8: {  	v16 =	vsel vm3, v12, v55;
	v11 =	vsel vm3, v11, v12;
	vm6 =	vnez.u8 v59  }
0x1d9: {  	v59 =	vimm.s32 $0x0;
	vm1 =	vgt.f32 v10, v16;
	v15 =	vsel vm6, $0x18, v15  }
0x1da: {  	v25 =	vld [tilespmem:$0x1FD70];
	vm6 =	vgt.f32 v10, v11;
	v12 =	vmul.f32 v57, v56;
	v57 =	vimm.s32 $0x0  }
0x1db: {  	v21 =	vsel vm1, $0xFFFFFFFF, v58;
	v16 =	vsel vm1, v10, v16;
	v15 =	vsel vm2, v20, v15  }
0x1dc: {  	v20 =	vsel vm2, $0x18, v20;
	vm1 =	vnez.u8 v61;
	v10 =	vsel vm6, v10, v11  }
0x1dd: {  	[tilespmem:$0x1FDF0] =	vst v24;
	v61 =	vimm.s32 $0x0;
	v16 =	vsel vm6, v11, v16;
	v15 =	vsel vm1, $0x19, v15  }
0x1de: {  	[tilespmem:$0x1FE30] =	vst v21;
	vm2 =	vgt.f32 v9, v10;
	v24 =	vsel vm13, $0x19, v20;
	v21 =	vimm.s32 $0x0  }
0x1df: {  	vm1 =	vgt.f32 v9, v16;
	v63 =	vsel vm13, v20, v15;
	vm13 =	vnez.u8 v25  }
0x1e0: {  	v33 =	vld [tilespmem:$0x1FD80];
	v31 =	vsel vm7, $0x1A, v24;
	v20 =	vimm.s32 $0x0;
	v23 =	vsel vm1, v9, v16  }
0x1e1: {  	v60 =	vld [tilespmem:s23+$0x0];
	v25 =	vimm.s32 $0x0;
	v11 =	vsel vm1, $0xFFFFFFFF, v62;
	v15 =	vsel vm2, v10, v23  }
0x1e2: {  	[tilespmem:$0x1FE40] =	vst v11;
	v11 =	vsel vm13, $0x1A, v63;
	v10 =	vsel vm2, v9, v10;
	vm13 =	vgt.f32 v8, v15  }
0x1e3: {  	vm1 =	vgt.f32 v8, v10;
	v11 =	vsel vm7, v24, v11;
	v15 =	vsel vm13, v8, v15  }
0x1e4: {  	v41 =	vld [tilespmem:$0x1FD90];
	v24 =	vimm.s32 $0x0;
	v9 =	vsel vm13, $0xFFFFFFFF, v28;
	v29 =	vsel vm1, v10, v15  }
0x1e5: {  	v8 =	vsel vm1, v8, v10;
	vm13 =	vnez.u8 v33;
	vm7 =	vgt.f32 v6, v29  }
0x1e6: {  	[tilespmem:$0x1FE50] =	vst v9;
	v9 =	vadd.f32 v12, v60;
	v15 =	vsel vm9, $0x1B, v31;
	v10 =	vsel vm7, $0xFFFFFFFF, v32  }
0x1e7: {  	v35 =	vsel vm7, v6, v29;
	[tilespmem:$0x1FE60] =	vst v10;
	v10 =	vsel vm13, $0x1B, v11;
	vm13 =	vgt.f32 v6, v8  }
0x1e8: {  	v43 =	vld [tilespmem:$0x1FDA0];
	[tilespmem:s23+$0x10000] =	vst v9;
	v32 =	vimm.s32 $0x0;
	v16 =	vsel vm13, $0xFFFFFFFF, v37;
	v10 =	vsel vm9, v31, v10  }
0x1e9: {  	v36 =	vld [tilespmem:s22+$0xB900];
	v11 =	vsel vm13, v8, v35;
	v6 =	vsel vm13, v6, v8;
	vm13 =	vnez.u8 v41  }
0x1ea: {  	v38 =	vld [tilespmem:s22+$0x7900];
	v37 =	vimm.s32 $0x0;
	v41 =	vimm.s32 $0x0;
	vm7 =	vgt.f32 v5, v11  }
0x1eb: {  	v50 =	vld [tilespmem:$0x1FDB0];
	v10 =	vsel vm13, $0x1C, v10;
	vm13 =	vgt.f32 v5, v6;
	v8 =	vsel vm7, $0xFFFFFFFF, v39  }
0x1ec: {  	v11 =	vsel vm7, v5, v11;
	v18 =	vsel vm13, $0xFFFFFFFF, v42;
	v10 =	vsel vm14, v15, v10  }
0x1ed: {  	s24 =	sor.u32 $0x3900, s22;
	v15 =	vsel vm14, $0x1C, v15;
	vm14 =	vnez.u8 v43;
	v5 =	vsel vm13, v5, v6  }
0x1ee: {  	v40 =	vld [tilespmem:s24+$0x0];
	v11 =	vsel vm13, v6, v11;
	v10 =	vsel vm14, $0x1D, v10;
	vm13 =	vgt.f32 v4, v5  }
0x1ef: {  	v48 =	vsel vm15, $0x1D, v15;
	vm9 =	vgt.f32 v4, v11;
	v46 =	vmul.f32 v38, v36  }
0x1f0: {  	v55 =	vld [tilespmem:$0x1FDC0];
	v12 =	vsel vm13, $0xFFFFFFFF, v47;
	v10 =	vsel vm15, v15, v10;
	vm15 =	vnez.u8 v50  }
0x1f1: {  	v52 =	vsel vm4, $0x1E, v48;
	v6 =	vsel vm9, $0xFFFFFFFF, v44;
	v45 =	vsel vm9, v4, v11  }
0x1f2: {  	v58 =	vld [tilespmem:$0x1FDD0];
	v36 =	vimm.s32 $0x0;
	v50 =	vimm.s32 $0x0;
	[tilespmem:$0x1FEA0] =	vst v6;
	v6 =	vsel vm13, v5, v45  }
0x1f3: {  	v38 =	vld [tilespmem:$0x1FE60];
	v5 =	vsel vm13, v4, v5;
	v4 =	vadd.f32 v46, v40;
	vm14 =	vgt.f32 v3, v6  }
0x1f4: {  	[tilespmem:$0x1FE80] =	vst v8;
	v46 =	vimm.s32 $0x0;
	vm9 =	vgt.f32 v3, v5;
	v8 =	vsel vm14, $0xFFFFFFFF, v49  }
0x1f5: {  	v6 =	vsel vm14, v3, v6;
	v3 =	vsel vm9, v3, v5;
	vm14 =	vnez.u8 v55  }
0x1f6: {  	v60 =	vld [tilespmem:$0x1FDE0];
	[tilespmem:$0x1FEC0] =	vst v8;
	v8 =	vsel vm15, $0x1E, v10;
	v10 =	vsel vm9, $0xFFFFFFFF, v51;
	v6 =	vsel vm9, v5, v6  }
0x1f7: {  	v62 =	vld [tilespmem:$0x1FDF0];
	s24 =	sor.u32 $0x3980, s17;
	[tilespmem:s22+$0x13900] =	vst v4;
	vm7 =	vgt.f32 v2, v3;
	vm9 =	vnez.u8 v58;
	v8 =	vsel vm4, v48, v8  }
0x1f8: {  	v53 =	vld [tilespmem:s24+$0x8000];
	[tilespmem:$0x1FED0] =	vst v10;
	vm13 =	vgt.f32 v2, v6;
	v10 =	vsel vm8, $0x1F, v52;
	vm4 =	vnez.u8 v38  }
0x1f9: {  	v56 =	vld [tilespmem:s24+$0x4000];
	v11 =	vsel vm13, $0xFFFFFFFF, v54;
	v8 =	vsel vm14, $0x1F, v8;
	v6 =	vsel vm13, v2, v6  }
0x1fa: {  	v2 =	vsel vm7, v2, v3;
	v8 =	vsel vm8, v52, v8;
	v6 =	vsel vm7, v3, v6  }
0x1fb: {  	vm14 =	vnez.u8 v60;
	v3 =	vld [tilespmem:s24+$0x0];
	vm15 =	vgt.f32 v1, v6;
	v8 =	vsel vm9, $0x20, v8  }
0x1fc: {  	[tilespmem:$0x1FEB0] =	vst v12;
	v12 =	vsel vm15, $0xFFFFFFFF, v57;
	v6 =	vsel vm15, v1, v6;
	vm15 =	vgt.f32 v1, v2  }
0x1fd: {  	v15 =	vld [tilespmem:$0x1FE00];
	vm9 =	vnez.u8 v62;
	v8 =	vsel vm0, v10, v8;
	v6 =	vsel vm15, v2, v6  }
0x1fe: {  	v1 =	vsel vm15, v1, v2;
	v2 =	vmul.f32 v56, v53;
	vm13 =	vgt.f32 v7, v6  }
0x1ff: {  	[tilespmem:$0x1FE90] =	vst v18;
	v18 =	vld [tilespmem:$0x1FE10];
	v10 =	vsel vm0, $0x20, v10;
	v53 =	vimm.s32 $0x0;
	v5 =	vsel vm13, $0xFFFFFFFF, v59  }
0x200: {  	[tilespmem:$0x1FE70] =	vst v16;
	v6 =	vsel vm13, v7, v6;
	vm13 =	vgt.f32 v7, v1;
	v2 =	vadd.f32 v2, v3  }
0x201: {  	v39 =	vld [tilespmem:$0x1FE70];
	v3 =	vsel vm12, $0x21, v10;
	[tilespmem:$0x1FF00] =	vst v5;
	v5 =	vsel vm14, $0x21, v8;
	v6 =	vsel vm13, v1, v6  }
0x202: {  	v1 =	vsel vm13, v7, v1;
	vm14 =	vnez.u8 v15;
	vm8 =	vgt.f32 v14, v6  }
0x203: {  	v5 =	vsel vm12, v10, v5;
	vm0 =	vgt.f32 v14, v1;
	v7 =	vsel vm8, $0xFFFFFFFF, v61  }
0x204: {  	[tilespmem:s24+$0x10000] =	vst v2;
	v5 =	vsel vm9, $0x22, v5;
	v6 =	vsel vm8, v14, v6;
	vm8 =	vnez.u8 v18  }
0x205: {  	v63 =	vld [tilespmem:s22+$0xBA00];
	v5 =	vsel vm5, v3, v5;
	v6 =	vsel vm0, v1, v6;
	v3 =	vsel vm5, $0x22, v3  }
0x206: {  	[tilespmem:$0x1FEF0] =	vst v12;
	v12 =	vld [tilespmem:s22+$0x7A00];
	v1 =	vsel vm0, v14, v1;
	v14 =	vimm.s32 $0x0;
	vm5 =	vnez.u8 v39  }
0x207: {  	v23 =	vld [tilespmem:$0x1FE20];
	vm12 =	vgt.f32 v19, v6;
	v5 =	vsel vm14, $0x23, v5;
	vm14 =	vgt.f32 v19, v1  }
0x208: {  	s25 =	sor.u32 $0x3A00, s22;
	v10 =	vsel vm12, $0xFFFFFFFF, v14;
	v6 =	vsel vm12, v19, v6;
	v5 =	vsel vm10, v3, v5  }
0x209: {  	v16 =	vld [tilespmem:s25+$0x0];
	v3 =	vsel vm10, $0x23, v3;
	v6 =	vsel vm14, v1, v6;
	v5 =	vsel vm8, $0x24, v5  }
0x20a: {  	v28 =	vld [tilespmem:$0x1FE30];
	v1 =	vsel vm14, v19, v1;
	vm9 =	vgt.f32 v26, v6;
	v5 =	vsel vm11, v3, v5  }
0x20b: {  	[tilespmem:$0x1FF10] =	vst v7;
	vm10 =	vgt.f32 v26, v1;
	v3 =	vsel vm11, $0x24, v3;
	v7 =	vmul.f32 v12, v63  }
0x20c: {  	[tilespmem:$0x1FEE0] =	vst v11;
	vm11 =	vnez.u8 v23;
	v11 =	vsel vm9, $0xFFFFFFFF, v20;
	v6 =	vsel vm9, v26, v6  }
0x20d: {  	v33 =	vld [tilespmem:$0x1FE40];
	v5 =	vsel vm11, $0x25, v5;
	[tilespmem:$0x1FF30] =	vst v11;
	v11 =	vsel vm10, $0xFFFFFFFF, v21;
	v6 =	vsel vm10, v1, v6  }
0x20e: {  	v1 =	vsel vm10, v26, v1;
	v7 =	vadd.f32 v7, v16;
	v5 =	vsel vm3, v3, v5  }
0x20f: {  	v35 =	vld [tilespmem:$0x1FE50];
	v3 =	vsel vm3, $0x25, v3;
	v26 =	vimm.s32 $0x0;
	vm10 =	vnez.u8 v28  }
0x210: {  	vm12 =	vgt.f32 v34, v6;
	vm8 =	vgt.f32 v34, v1;
	v5 =	vsel vm10, $0x26, v5  }
0x211: {  	v8 =	vsel vm12, $0xFFFFFFFF, v24;
	v6 =	vsel vm12, v34, v6;
	v5 =	vsel vm6, v3, v5  }
0x212: {  	v3 =	vsel vm6, $0x26, v3;
	vm6 =	vnez.u8 v33;
	[tilespmem:$0x1FF50] =	vst v8;
	v8 =	vsel vm8, $0xFFFFFFFF, v25  }
0x213: {  	s25 =	sor.u32 $0x3A80, s17;
	[tilespmem:s22+$0x13A00] =	vst v7;
	v6 =	vsel vm8, v1, v6;
	v1 =	vsel vm8, v34, v1;
	v5 =	vsel vm6, $0x27, v5  }
0x214: {  	v29 =	vld [tilespmem:s25+$0x8000];
	vm8 =	vnez.u8 v35;
	vm9 =	vgt.f32 v30, v6;
	vm12 =	vgt.f32 v30, v1  }
0x215: {  	v31 =	vld [tilespmem:s25+$0x4000];
	v5 =	vsel vm2, v3, v5;
	v3 =	vsel vm2, $0x27, v3;
	v6 =	vsel vm9, v30, v6  }
0x216: {  	v44 =	vld [tilespmem:$0x1FE90];
	[tilespmem:$0x1FF60] =	vst v8;
	v8 =	vsel vm9, $0xFFFFFFFF, v26;
	v5 =	vsel vm8, $0x28, v5;
	v6 =	vsel vm12, v1, v6  }
0x217: {  	v34 =	vld [tilespmem:s25+$0x0];
	v1 =	vsel vm12, v30, v1;
	v5 =	vsel vm1, v3, v5;
	vm11 =	vgt.f32 v27, v6  }
0x218: {  	[tilespmem:$0x1FF40] =	vst v11;
	v11 =	vsel vm11, $0xFFFFFFFF, v32;
	v6 =	vsel vm11, v27, v6;
	vm11 =	vgt.f32 v27, v1  }
0x219: {  	v3 =	vsel vm1, $0x28, v3;
	v5 =	vsel vm4, $0x29, v5;
	v6 =	vsel vm11, v1, v6  }
0x21a: {  	v42 =	vld [tilespmem:$0x1FE80];
	[tilespmem:$0x1FF70] =	vst v8;
	v8 =	vmul.f32 v31, v29;
	v1 =	vsel vm11, v27, v1;
	vm9 =	vgt.f32 v22, v6  }
0x21b: {  	v47 =	vld [tilespmem:$0x1FEA0];
	v12 =	vsel vm9, $0xFFFFFFFF, v36;
	v6 =	vsel vm9, v22, v6;
	vm9 =	vgt.f32 v22, v1  }
0x21c: {  	vm4 =	vnez.u8 v44;
	v8 =	vadd.f32 v8, v34;
	v6 =	vsel vm9, v1, v6  }
0x21d: {  	v48 =	vld [tilespmem:$0x1FEB0];
	v5 =	vsel vm5, v3, v5;
	v1 =	vsel vm9, v22, v1;
	vm10 =	vgt.f32 v17, v6  }
0x21e: {  	v51 =	vld [tilespmem:$0x1FEC0];
	v3 =	vsel vm5, $0x29, v3;
	[tilespmem:s25+$0x10000] =	vst v8;
	vm8 =	vgt.f32 v17, v1;
	v6 =	vsel vm10, v17, v6  }
0x21f: {  	[tilespmem:$0x1FF20] =	vst v10;
	v40 =	vld [tilespmem:s22+$0xBB00];
	v10 =	vsel vm10, $0xFFFFFFFF, v37;
	vm10 =	vnez.u8 v42;
	v6 =	vsel vm8, v1, v6  }
0x220: {  	v43 =	vld [tilespmem:s22+$0x7B00];
	v1 =	vsel vm8, v17, v1;
	v5 =	vsel vm10, $0x2A, v5;
	vm10 =	vnez.u8 v47  }
0x221: {  	vm6 =	vgt.f32 v13, v6;
	v5 =	vsel vm4, v3, v5;
	v3 =	vsel vm4, $0x2A, v3  }
0x222: {  	s28 =	sor.u32 $0x3B00, s22;
	[tilespmem:$0x1FF80] =	vst v11;
	v11 =	vsel vm6, $0xFFFFFFFF, v41;
	v6 =	vsel vm6, v13, v6;
	vm6 =	vgt.f32 v13, v1  }
0x223: {  	v45 =	vld [tilespmem:s28+$0x0];
	vm4 =	vnez.u8 v48;
	v5 =	vsel vm10, $0x2B, v5;
	v6 =	vsel vm6, v1, v6  }
0x224: {  	v52 =	vld [tilespmem:$0x1FED0];
	v1 =	vsel vm6, v13, v1;
	v5 =	vsel vm4, v3, v5;
	v3 =	vsel vm4, $0x2B, v3  }
0x225: {  	v49 =	vmul.f32 v43, v40;
	vm4 =	vnez.u8 v51;
	vm5 =	vgt.f32 v9, v6  }
0x226: {  	v54 =	vld [tilespmem:$0x1FEE0];
	v13 =	vsel vm5, $0xFFFFFFFF, v46;
	v6 =	vsel vm5, v9, v6;
	vm5 =	vgt.f32 v9, v1  }
0x227: {  	v5 =	vsel vm4, $0x2C, v5;
	v6 =	vsel vm5, v1, v6;
	v1 =	vsel vm5, v9, v1  }
0x228: {  	v9 =	vadd.f32 v49, v45;
	vm10 =	vgt.f32 v4, v6;
	vm4 =	vgt.f32 v4, v1  }
0x229: {  	[tilespmem:$0x1FFA0] =	vst v10;
	v10 =	vsel vm10, $0xFFFFFFFF, v50;
	v6 =	vsel vm10, v4, v6;
	vm10 =	vnez.u8 v52  }
0x22a: {  	v57 =	vld [tilespmem:$0x1FEF0];
	v5 =	vsel vm10, v3, v5;
	v6 =	vsel vm4, v1, v6;
	v3 =	vsel vm10, $0x2C, v3  }
0x22b: {  	v59 =	vld [tilespmem:$0x1FF00];
	v1 =	vsel vm4, v4, v1;
	vm10 =	vnez.u8 v54;
	vm2 =	vgt.f32 v2, v6  }
0x22c: {  	s17 =	sor.u32 $0x3B80, s17;
	v61 =	vld [tilespmem:$0x1FF10];
	[tilespmem:s22+$0x13B00] =	vst v9;
	vm3 =	vgt.f32 v2, v1;
	v4 =	vsel vm2, $0xFFFFFFFF, v53;
	v55 =	vsel vm2, v2, v6  }
0x22d: {  	v58 =	vimm.s32 $0x0;
	v56 =	vld [tilespmem:s17+$0x8000];
	[tilespmem:$0x1FFE0] =	vst v4;
	v4 =	vsel vm10, $0x2D, v5;
	v5 =	vsel vm3, v1, v55  }
0x22e: {  	v1 =	vsel vm3, v2, v1;
	v2 =	vld [tilespmem:s17+$0x4000];
	v4 =	vsel vm7, v3, v4;
	v3 =	vsel vm7, $0x2D, v3  }
0x22f: {  	vm7 =	vnez.u8 v57;
	vm10 =	vgt.f32 v7, v5;
	vm2 =	vgt.f32 v7, v1  }
0x230: {  	[tilespmem:$0x1FFD0] =	vst v10;
	v60 =	vld [tilespmem:s17+$0x0];
	v4 =	vsel vm7, $0x2E, v4;
	v10 =	vsel vm10, $0xFFFFFFFF, v58;
	v5 =	vsel vm10, v7, v5  }
0x231: {  	vm7 =	vnez.u8 v59;
	vm10 =	vnez.u8 v61;
	v4 =	vsel vm15, v3, v4  }
0x232: {  	v3 =	vsel vm15, $0x2E, v3;
	v5 =	vsel vm2, v1, v5;
	v4 =	vsel vm7, $0x2F, v4  }
0x233: {  	v1 =	vsel vm2, v7, v1;
	v4 =	vsel vm13, v3, v4;
	v2 =	vmul.f32 v2, v56  }
0x234: {  	vm15 =	vgt.f32 v8, v5;
	v3 =	vsel vm13, $0x2F, v3;
	v4 =	vsel vm10, $0x30, v4  }
0x235: {  	v4 =	vsel vm0, v3, v4;
	v63 =	vadd.f32 v2, v60;
	v2 =	vsel vm0, $0x30, v3;
	v3 =	vld [tilespmem:$0x1FF20]  }
0x236: {  	v5 =	vsel vm15, v8, v5;
	vm13 =	vgt.f32 v8, v1  }
0x237: {  	v25 =	vld [tilespmem:$0x1FF30];
	v5 =	vsel vm13, v1, v5  }
0x238: {  	v1 =	vsel vm13, v8, v1;
	vm10 =	vgt.f32 v9, v5  }
0x239: {  	v26 =	vld [tilespmem:$0x1FF40];
	vm1 =	vgt.f32 v9, v1;
	v62 =	vsel vm10, v9, v5  }
0x23a: {  	v27 =	vld [tilespmem:$0x1FF50];
	v24 =	vsel vm1, v1, v62;
	vm7 =	vnez.u8 v3  }
0x23b: {  	v28 =	vld [tilespmem:$0x1FF60];
	v1 =	vsel vm1, v9, v1;
	v3 =	vsel vm7, $0x31, v4;
	vm7 =	vgt.f32 v63, v24  }
0x23c: {  	v3 =	vsel vm14, v2, v3;
	v2 =	vsel vm14, $0x31, v2;
	vm14 =	vnez.u8 v25  }
0x23d: {  	v29 =	vld [tilespmem:$0x1FF70];
	vm0 =	vgt.f32 v63, v1;
	v4 =	vsel vm7, v63, v24;
	v3 =	vsel vm14, $0x32, v3  }
0x23e: {  	v4 =	vsel vm0, v1, v4;
	v1 =	vsel vm0, v63, v1;
	vm14 =	vnez.u8 v26  }
0x23f: {  	v3 =	vsel vm14, v2, v3;
	v2 =	vsel vm14, $0x32, v2;
	vm14 =	vnez.u8 v27  }
0x240: {  	v1 =	vsub.f32 v4, v1;
	v3 =	vsel vm14, $0x33, v3;
	vm14 =	vnez.u8 v28  }
0x241: {  	v3 =	vsel vm14, v2, v3  }
0x242: {  	v1 =	vmul.f32 $1.442695020e+00, v1;
	v2 =	vsel vm14, $0x33, v2;
	vm14 =	vnez.u8 v29  }
0x243: {  	v3 =	vsel vm14, $0x34, v3  }
0x244: {  	(erf) = vpow2.f32 v1;
	v1 =	vsel vm12, v2, v3;
	v3 =	vld [tilespmem:$0x1FF80];
	_ =	sdelay $0x3  }
0x245: {  	[tilespmem:$0x1FF90] =	vst v12  }
0x246: {  	v2 =	vsel vm12, $0x34, v2;
	vm12 =	vnez.u8 v3;
	v3 =	vld [tilespmem:$0x1FF90];
	_ =	sdelay $0x4  }
0x247: {  	vm14 =	vnez.u8 v3;
	v3 =	vld [tilespmem:$0x1FFA0];
	_ =	sdelay $0x3  }
0x248: {  	[tilespmem:$0x1FFB0] =	vst v11  }
0x249: {  	v1 =	vsel vm12, $0x35, v1;
	vm12 =	vnez.u8 v3;
	v3 =	vld [tilespmem:$0x1FFB0];
	_ =	sdelay $0x3  }
0x24a: {  	[tilespmem:$0x1FFC0] =	vst v13;
	v1 =	vsel vm11, v2, v1  }
0x24b: {  	v1 =	vsel vm14, $0x36, v1;
	vm14 =	vnez.u8 v3;
	v3 =	vld [tilespmem:$0x1FFC0];
	_ =	sdelay $0x2  }
0x24c: {  	v2 =	vsel vm11, $0x35, v2  }
0x24d: {  	v30 =	vpop (erf);
	v1 =	vsel vm9, v2, v1  }
0x24e: {  	v2 =	vsel vm9, $0x36, v2;
	vm9 =	vnez.u8 v3;
	v3 =	vadd.f32 $1.000000000e+00, v30;
	_ =	sdelay $0x1  }
0x24f: {  	(erf) = vrcp.f32 v3;
	v3 =	vld [tilespmem:$0x1FFE0]  }
0x250: {  	v31 =	vld [tilespmem:$0x1FFD0];
	v1 =	vsel vm12, $0x37, v1  }
0x251: {  	v1 =	vsel vm8, v2, v1  }
0x252: {  	v2 =	vsel vm8, $0x37, v2;
	v1 =	vsel vm14, $0x38, v1  }
0x253: {  	[tilespmem:$0x1FFF0] =	vst v10;
	v1 =	vsel vm6, v2, v1  }
0x254: {  	v2 =	vsel vm6, $0x38, v2;
	v1 =	vsel vm9, $0x39, v1;
	vm12 =	vnez.u8 v3;
	v3 =	vld [tilespmem:$0x1FFF0]  }
0x255: {  	vm11 =	vnez.u8 v31;
	v1 =	vsel vm5, v2, v1  }
0x256: {  	v2 =	vsel vm5, $0x39, v2;
	v1 =	vsel vm11, $0x3A, v1  }
0x257: {  	v1 =	vsel vm4, v2, v1  }
0x258: {  	v2 =	vsel vm4, $0x3A, v2;
	v1 =	vsel vm12, $0x3B, v1  }
0x259: {  	v1 =	vsel vm3, v2, v1;
	vm14 =	vnez.u8 v3  }
0x25a: {  	v2 =	vsel vm3, $0x3B, v2;
	v1 =	vsel vm14, $0x3C, v1  }
0x25b: {  	v1 =	vsel vm2, v2, v1  }
0x25c: {  	v2 =	vsel vm2, $0x3C, v2;
	v1 =	vsel vm15, $0x3D, v1  }
0x25d: {  	v1 =	vsel vm13, v2, v1  }
0x25e: {  	v2 =	vsel vm13, $0x3D, v2;
	v1 =	vsel vm10, $0x3E, v1  }
0x25f: {  	v1 =	vsel vm1, v2, v1  }
0x260: {  	v3 =	vpop (erf);
	v2 =	vsel vm1, $0x3E, v2;
	v1 =	vsel vm7, $0x3F, v1  }
0x261: {  	v4 =	vmul.f32 v3, v30;
	v1 =	vsel vm0, v2, v1;
	v2 =	vsel vm0, $0x3F, v2  }
0x262: {  	vm0 =	veq.s32 v2, $0x0;
	vm6 =	veq.s32 v1, $0x0;
	vm7 =	veq.s32 v1, $0x1  }
0x263: {  	vm8 =	veq.s32 v2, $0x1;
	vm9 =	veq.s32 v1, $0x2;
	vm10 =	veq.s32 v2, $0x2  }
0x264: {  	vm11 =	veq.s32 v1, $0x3;
	vm12 =	veq.s32 v2, $0x3;
	vm13 =	veq.s32 v2, $0x4  }
0x265: {  	vm14 =	veq.s32 v1, $0x4;
	vm15 =	veq.s32 v1, $0x5;
	vm4 =	veq.s32 v2, $0x5  }
0x266: {  	vm5 =	veq.s32 v2, $0x6;
	v32 =	vnsel vm6, $0x0, v4;
	v33 =	vnsel vm7, $0x0, v4  }
0x267: {  	v34 =	vnsel vm9, $0x0, v4;
	v35 =	vnsel vm11, $0x0, v4;
	v36 =	vnsel vm14, $0x0, v4  }
0x268: {  	v37 =	vnsel vm15, $0x0, v4;
	vm6 =	veq.s32 v1, $0x6;
	vm7 =	veq.s32 v1, $0x7  }
0x269: {  	vm9 =	veq.s32 v1, $0x8;
	vm11 =	veq.s32 v1, $0x9;
	vm14 =	veq.s32 v1, $0xA  }
0x26a: {  	vm15 =	veq.s32 v1, $0xB;
	v6 =	vsel vm0, v3, v32;
	v7 =	vsel vm8, v3, v33  }
0x26b: {  	v8 =	vsel vm10, v3, v34;
	v9 =	vsel vm12, v3, v35;
	v10 =	vsel vm13, v3, v36  }
0x26c: {  	v11 =	vsel vm4, v3, v37;
	v38 =	vnsel vm6, $0x0, v4;
	vm8 =	veq.s32 v2, $0x7  }
0x26d: {  	v39 =	vnsel vm7, $0x0, v4;
	vm10 =	veq.s32 v2, $0x8;
	v40 =	vnsel vm9, $0x0, v4  }
0x26e: {  	vm12 =	veq.s32 v2, $0x9;
	v41 =	vnsel vm11, $0x0, v4;
	vm13 =	veq.s32 v2, $0xA  }
0x26f: {  	v42 =	vnsel vm14, $0x0, v4;
	vm4 =	veq.s32 v2, $0xB;
	v43 =	vnsel vm15, $0x0, v4  }
0x270: {  	vm6 =	veq.s32 v1, $0xC;
	vm7 =	veq.s32 v1, $0xD;
	vm9 =	veq.s32 v1, $0xE  }
0x271: {  	vm11 =	veq.s32 v1, $0xF;
	vm14 =	veq.s32 v1, $0x10;
	vm15 =	veq.s32 v1, $0x11  }
0x272: {  	v12 =	vsel vm5, v3, v38;
	v13 =	vsel vm8, v3, v39;
	v14 =	vsel vm10, v3, v40  }
0x273: {  	v15 =	vsel vm12, v3, v41;
	v16 =	vsel vm13, v3, v42;
	v17 =	vsel vm4, v3, v43  }
0x274: {  	vm5 =	veq.s32 v2, $0xC;
	v44 =	vnsel vm6, $0x0, v4;
	vm8 =	veq.s32 v2, $0xD  }
0x275: {  	v45 =	vnsel vm7, $0x0, v4;
	vm10 =	veq.s32 v2, $0xE;
	v46 =	vnsel vm9, $0x0, v4  }
0x276: {  	vm12 =	veq.s32 v2, $0xF;
	v47 =	vnsel vm11, $0x0, v4;
	vm13 =	veq.s32 v2, $0x10  }
0x277: {  	v48 =	vnsel vm14, $0x0, v4;
	vm4 =	veq.s32 v2, $0x11;
	v49 =	vnsel vm15, $0x0, v4  }
0x278: {  	[tilespmem:s17+$0x10000] =	vst v63;
	vm6 =	veq.s32 v1, $0x12;
	vm7 =	veq.s32 v1, $0x13;
	vm9 =	veq.s32 v1, $0x14  }
0x279: {  	s28 =	rddreg [dreg:$0x11];
	[tilespmem:s22+$0xC000] =	vst v6;
	vm11 =	veq.s32 v1, $0x15;
	vm14 =	veq.s32 v1, $0x16;
	vm15 =	veq.s32 v1, $0x17  }
0x27a: {  	v18 =	vsel vm5, v3, v44;
	v19 =	vsel vm8, v3, v45;
	v20 =	vsel vm10, v3, v46;
	[tilespmem:s28+$0xC000] =	vst v7  }
0x27b: {  	v50 =	vsel vm12, v3, v47;
	v5 =	vsel vm13, v3, v48;
	v51 =	vsel vm4, v3, v49;
	s28 =	rddreg [dreg:$0x12];
	[tilespmem:s22+$0xC100] =	vst v8  }
0x27c: {  	vm5 =	veq.s32 v2, $0x12;
	v52 =	vnsel vm6, $0x0, v4;
	vm8 =	veq.s32 v2, $0x13;
	[tilespmem:s28+$0xC000] =	vst v9  }
0x27d: {  	v53 =	vnsel vm7, $0x0, v4;
	vm10 =	veq.s32 v2, $0x14;
	v54 =	vnsel vm9, $0x0, v4;
	s28 =	rddreg [dreg:$0x13];
	[tilespmem:s22+$0xC200] =	vst v10  }
0x27e: {  	vm12 =	veq.s32 v2, $0x15;
	v55 =	vnsel vm11, $0x0, v4;
	vm13 =	veq.s32 v2, $0x16;
	[tilespmem:s28+$0xC000] =	vst v11  }
0x27f: {  	v56 =	vnsel vm14, $0x0, v4;
	vm4 =	veq.s32 v2, $0x17;
	v57 =	vnsel vm15, $0x0, v4;
	s28 =	rddreg [dreg:$0x14];
	[tilespmem:s22+$0xC300] =	vst v12  }
0x280: {  	vm6 =	veq.s32 v1, $0x18;
	vm7 =	veq.s32 v1, $0x19;
	vm9 =	veq.s32 v1, $0x1A;
	[tilespmem:s28+$0xC000] =	vst v13  }
0x281: {  	vm11 =	veq.s32 v1, $0x1B;
	vm14 =	veq.s32 v1, $0x1C;
	vm15 =	veq.s32 v1, $0x1D;
	s28 =	rddreg [dreg:$0x15];
	[tilespmem:s22+$0xC800] =	vst v14  }
0x282: {  	v7 =	vsel vm5, v3, v52;
	v8 =	vsel vm8, v3, v53;
	vm5 =	veq.s32 v2, $0x18;
	[tilespmem:s28+$0xC000] =	vst v15  }
0x283: {  	v58 =	vnsel vm6, $0x0, v4;
	vm8 =	veq.s32 v2, $0x19;
	v59 =	vnsel vm7, $0x0, v4;
	[tilespmem:s22+$0xC900] =	vst v16  }
0x284: {  	v60 =	vnsel vm9, $0x0, v4;
	v61 =	vnsel vm11, $0x0, v4;
	v62 =	vnsel vm14, $0x0, v4;
	[tilespmem:s29+$0xC000] =	vst v17  }
0x285: {  	v63 =	vnsel vm15, $0x0, v4;
	vm6 =	veq.s32 v1, $0x1E;
	vm7 =	veq.s32 v1, $0x1F;
	[tilespmem:s22+$0xCA00] =	vst v18  }
0x286: {  	vm9 =	veq.s32 v1, $0x20;
	vm11 =	veq.s32 v1, $0x21;
	vm14 =	veq.s32 v1, $0x22;
	[tilespmem:s30+$0xC000] =	vst v19  }
0x287: {  	vm15 =	veq.s32 v1, $0x23;
	v9 =	vsel vm10, v3, v54;
	vm10 =	veq.s32 v2, $0x1A;
	[tilespmem:s22+$0xCB00] =	vst v20  }
0x288: {  	v23 =	vnsel vm6, $0x0, v4;
	v24 =	vnsel vm7, $0x0, v4;
	v26 =	vnsel vm9, $0x0, v4;
	[tilespmem:s31+$0xC000] =	vst v50  }
0x289: {  	v27 =	vnsel vm11, $0x0, v4;
	v28 =	vnsel vm14, $0x0, v4;
	v29 =	vnsel vm15, $0x0, v4;
	[tilespmem:s22+$0xD000] =	vst v5  }
0x28a: {  	vm6 =	veq.s32 v1, $0x24;
	vm7 =	veq.s32 v1, $0x25;
	vm9 =	veq.s32 v1, $0x26;
	[tilespmem:s20+$0xC000] =	vst v51  }
0x28b: {  	vm11 =	veq.s32 v1, $0x27;
	vm14 =	veq.s32 v1, $0x28;
	vm15 =	veq.s32 v1, $0x29;
	[tilespmem:s22+$0xD100] =	vst v7  }
0x28c: {  	v10 =	vsel vm12, v3, v55;
	vm12 =	veq.s32 v2, $0x1B;
	v30 =	vnsel vm6, $0x0, v4;
	[tilespmem:s1+$0xC000] =	vst v8  }
0x28d: {  	v31 =	vnsel vm7, $0x0, v4;
	v34 =	vnsel vm9, $0x0, v4;
	v35 =	vnsel vm11, $0x0, v4;
	[tilespmem:s22+$0xD200] =	vst v9  }
0x28e: {  	v36 =	vnsel vm14, $0x0, v4;
	v37 =	vnsel vm15, $0x0, v4;
	v11 =	vsel vm13, v3, v56;
	[tilespmem:s13+$0xC000] =	vst v10  }
0x28f: {  	vm6 =	veq.s32 v1, $0x2A;
	vm7 =	veq.s32 v1, $0x2B;
	v12 =	vsel vm4, v3, v57;
	[tilespmem:s22+$0xD300] =	vst v11  }
0x290: {  	vm9 =	veq.s32 v1, $0x2C;
	vm11 =	veq.s32 v1, $0x2D;
	v13 =	vsel vm5, v3, v58;
	[tilespmem:s14+$0xC000] =	vst v12  }
0x291: {  	vm14 =	veq.s32 v1, $0x2E;
	vm15 =	veq.s32 v1, $0x2F;
	v14 =	vsel vm8, v3, v59;
	[tilespmem:s22+$0xD800] =	vst v13  }
0x292: {  	vm13 =	veq.s32 v2, $0x1C;
	v39 =	vnsel vm6, $0x0, v4;
	v15 =	vsel vm10, v3, v60;
	[tilespmem:s15+$0xC000] =	vst v14  }
0x293: {  	v40 =	vnsel vm7, $0x0, v4;
	v41 =	vnsel vm9, $0x0, v4;
	v20 =	vsel vm12, v3, v61;
	[tilespmem:s22+$0xD900] =	vst v15  }
0x294: {  	v42 =	vnsel vm11, $0x0, v4;
	vm4 =	veq.s32 v2, $0x1D;
	v6 =	vsel vm13, v3, v62;
	[tilespmem:s16+$0xC000] =	vst v20  }
0x295: {  	v43 =	vnsel vm14, $0x0, v4;
	v22 =	vsel vm4, v3, v63;
	vm5 =	veq.s32 v2, $0x1E;
	[tilespmem:s22+$0xDA00] =	vst v6  }
0x296: {  	v44 =	vnsel vm15, $0x0, v4;
	vm8 =	veq.s32 v2, $0x1F;
	v7 =	vsel vm5, v3, v23;
	[tilespmem:s2+$0xC000] =	vst v22  }
0x297: {  	vm6 =	veq.s32 v1, $0x30;
	v25 =	vsel vm8, v3, v24;
	vm10 =	veq.s32 v2, $0x20;
	[tilespmem:s22+$0xDB00] =	vst v7  }
0x298: {  	vm7 =	veq.s32 v1, $0x31;
	vm12 =	veq.s32 v2, $0x21;
	v9 =	vsel vm10, v3, v26;
	[tilespmem:s3+$0xC000] =	vst v25  }
0x299: {  	vm9 =	veq.s32 v1, $0x32;
	vm13 =	veq.s32 v2, $0x22;
	v10 =	vsel vm12, v3, v27;
	[tilespmem:s22+$0xE000] =	vst v9  }
0x29a: {  	vm11 =	veq.s32 v1, $0x33;
	vm4 =	veq.s32 v2, $0x23;
	v11 =	vsel vm13, v3, v28;
	[tilespmem:s4+$0xC000] =	vst v10  }
0x29b: {  	vm14 =	veq.s32 v1, $0x34;
	vm5 =	veq.s32 v2, $0x24;
	v12 =	vsel vm4, v3, v29;
	[tilespmem:s22+$0xE100] =	vst v11  }
0x29c: {  	vm15 =	veq.s32 v1, $0x35;
	vm8 =	veq.s32 v2, $0x25;
	v32 =	vsel vm5, v3, v30;
	[tilespmem:s5+$0xC000] =	vst v12  }
0x29d: {  	v46 =	vnsel vm6, $0x0, v4;
	v33 =	vsel vm8, v3, v31;
	vm10 =	veq.s32 v2, $0x26;
	[tilespmem:s22+$0xE200] =	vst v32  }
0x29e: {  	v47 =	vnsel vm7, $0x0, v4;
	vm12 =	veq.s32 v2, $0x27;
	v6 =	vsel vm10, v3, v34;
	[tilespmem:s6+$0xC000] =	vst v33  }
0x29f: {  	v48 =	vnsel vm9, $0x0, v4;
	vm13 =	veq.s32 v2, $0x28;
	v38 =	vsel vm12, v3, v35;
	[tilespmem:s22+$0xE300] =	vst v6  }
0x2a0: {  	v49 =	vnsel vm11, $0x0, v4;
	vm4 =	veq.s32 v2, $0x29;
	v7 =	vsel vm13, v3, v36;
	[tilespmem:s7+$0xC000] =	vst v38  }
0x2a1: {  	vm6 =	veq.s32 v2, $0x36;
	vm5 =	veq.s32 v2, $0x2A;
	v8 =	vsel vm4, v3, v37;
	[tilespmem:s22+$0xE800] =	vst v7  }
0x2a2: {  	vm7 =	veq.s32 v1, $0x36;
	vm8 =	veq.s32 v2, $0x2B;
	v10 =	vsel vm5, v3, v39;
	[tilespmem:s8+$0xC000] =	vst v8  }
0x2a3: {  	vm9 =	veq.s32 v2, $0x37;
	vm10 =	veq.s32 v2, $0x2C;
	v11 =	vsel vm8, v3, v40;
	[tilespmem:s22+$0xE900] =	vst v10  }
0x2a4: {  	vm11 =	veq.s32 v2, $0x38;
	vm12 =	veq.s32 v2, $0x2D;
	v5 =	vsel vm10, v3, v41;
	[tilespmem:s9+$0xC000] =	vst v11  }
0x2a5: {  	v53 =	vnsel vm7, $0x0, v4;
	v45 =	vsel vm12, v3, v42;
	vm13 =	veq.s32 v2, $0x2E;
	[tilespmem:s22+$0xEA00] =	vst v5  }
0x2a6: {  	vm7 =	veq.s32 v2, $0x3B;
	vm4 =	veq.s32 v2, $0x2F;
	v6 =	vsel vm13, v3, v43;
	[tilespmem:s10+$0xC000] =	vst v45  }
0x2a7: {  	v50 =	vnsel vm14, $0x0, v4;
	v9 =	vsel vm4, v3, v44;
	vm5 =	veq.s32 v2, $0x30;
	[tilespmem:s22+$0xEB00] =	vst v6  }
0x2a8: {  	vm14 =	veq.s32 v2, $0x3A;
	vm8 =	veq.s32 v2, $0x31;
	v8 =	vsel vm5, v3, v46;
	[tilespmem:s11+$0xC000] =	vst v9  }
0x2a9: {  	v51 =	vnsel vm15, $0x0, v4;
	vm10 =	veq.s32 v2, $0x32;
	v10 =	vsel vm8, v3, v47;
	[tilespmem:s22+$0xF000] =	vst v8  }
0x2aa: {  	vm15 =	veq.s32 v1, $0x3A;
	vm12 =	veq.s32 v2, $0x33;
	v5 =	vsel vm10, v3, v48;
	[tilespmem:s12+$0xC000] =	vst v10  }
0x2ab: {  	v58 =	vnsel vm15, $0x0, v4;
	vm13 =	veq.s32 v2, $0x34;
	v7 =	vsel vm12, v3, v49;
	[tilespmem:s22+$0xF100] =	vst v5  }
0x2ac: {  	vm12 =	veq.s32 v1, $0x39;
	vm5 =	veq.s32 v2, $0x35;
	v6 =	vsel vm13, v3, v50;
	[tilespmem:s0+$0xC000] =	vst v7  }
0x2ad: {  	v57 =	vnsel vm12, $0x0, v4;
	v52 =	vsel vm5, v3, v51;
	vm8 =	veq.s32 v1, $0x37;
	[tilespmem:s22+$0xF200] =	vst v6  }
0x2ae: {  	v54 =	vnsel vm8, $0x0, v4;
	vm10 =	veq.s32 v1, $0x38;
	v5 =	vsel vm6, v3, v53;
	[tilespmem:s18+$0xC000] =	vst v52  }
0x2af: {  	vm12 =	veq.s32 v1, $0x3E;
	v55 =	vsel vm9, v3, v54;
	v56 =	vnsel vm10, $0x0, v4;
	[tilespmem:s22+$0xF300] =	vst v5  }
0x2b0: {  	v63 =	vnsel vm12, $0x0, v4;
	vm13 =	veq.s32 v2, $0x39;
	v6 =	vsel vm11, v3, v56;
	[tilespmem:s21+$0xC000] =	vst v55  }
0x2b1: {  	vm8 =	veq.s32 v2, $0x3C;
	v60 =	vsel vm13, v3, v57;
	vm6 =	veq.s32 v1, $0x3B;
	[tilespmem:s22+$0xF800] =	vst v6  }
0x2b2: {  	vm9 =	veq.s32 v1, $0x3C;
	v59 =	vnsel vm6, $0x0, v4;
	v5 =	vsel vm14, v3, v58;
	[tilespmem:s23+$0xC000] =	vst v60  }
0x2b3: {  	vm10 =	veq.s32 v1, $0x3D;
	v61 =	vnsel vm9, $0x0, v4;
	v7 =	vsel vm7, v3, v59;
	[tilespmem:s22+$0xF900] =	vst v5  }
0x2b4: {  	v62 =	vnsel vm10, $0x0, v4;
	vm11 =	veq.s32 v2, $0x3D;
	v5 =	vsel vm8, v3, v61;
	[tilespmem:s24+$0xC000] =	vst v7  }
0x2b5: {  	p0 =	sne.s32 s19, $0x780;
	vm13 =	veq.s32 v2, $0x3E;
	vm14 =	veq.s32 v1, $0x3F;
	v6 =	vsel vm11, v3, v62;
	[tilespmem:s22+$0xFA00] =	vst v5  }
.Ltmp0:
0x2b6: {  	s30 =	rddreg [dreg:$0x10];
	vm15 =	veq.s32 v2, $0x3F;
	v4 =	vnsel vm14, $0x0, v4;
	v5 =	vsel vm13, v3, v63;
	[tilespmem:s25+$0xC000] =	vst v6;
	(pc) =	sbr.rel @p0 .LBB2_2-.Ltmp0, $4  }
0x2b7: {  	s31 =	rddreg [dreg:$0xf];
	s0 =	sshrl.u32 s30, $0x2;
	v3 =	vsel vm15, v3, v4;
	[tilespmem:s22+$0xFB00] =	vst v5  }
0x2b8: {  	s0 =	sor.u32 s31, s0;
	[tilespmem:s17+$0xC000] =	vst v3  }
0x2b9: {  	[tilespmem:s0+$0x14000] =	vst v2;
	s0 =	sadd.s32 $0x14000, s0  }
0x2ba: {  	s19 =	sadd.s32 $0x80, s19;
	s26 =	sadd.s32 $0x10, s26;
	[tilespmem:s0+$0x80] =	vst v1  }
0x2bb: {  	s0 =	rddreg [dreg:$0xa]  }
0x2bc: {  	s1 =	simm.s32 $0x800;
	s2 =	simm.s32 $0x10000;
	s3 =	simm.s32 $0xC000  }
0x2bd: {  	[hbm4b:s0+s1] =	stream.strided.scatter [tilespmem:s3], [sflag:$0x1], $0x4000, s2, s1, $0x38;
	[tilespmem:$0x14200] =	vst v63  }
0x2be: {  	s3 =	simm.s32 $0x1  }
0x2bf: {  	_ =	swait.ge [sflag:s3], $0x4000  }
0x2c0: {  	[sflag:s3] =	ssyncset.done $0x0  }
0x2c1: {  	s28 =	rddreg [dreg:$0xb];
	[sflag:s3] =	ssyncadd.s32 $0xFFFFC000  }
0x2c2: {  	[hbm4b:s28+s1] =	stream.strided.scatter [tilespmem:s2], [sflag:$0x1], $0x4000, s2, s1, $0x38;
	[tilespmem:$0x14200] =	vst v63  }
0x2c3: {  	_ =	swait.ge [sflag:s3], $0x4000  }
0x2c4: {  	s9 =	simm.s32 $0x0;
	[sflag:s3] =	ssyncset.done $0x0  }
0x2c5: {  	s4 =	simm.s32 $0x14000;
	s29 =	rddreg [dreg:$0xc];
	[sflag:s3] =	ssyncadd.s32 $0xFFFFC000  }
0x2c6: {  	[hbm4b:s29+s9] =	stream.linear.scatter [tilespmem:s4], [sflag:$0x1], $0x200, $0x38;
	[tilespmem:$0x14200] =	vst v63  }
0x2c7: {  	_ =	swait.ge [sflag:s3], $0x200  }
0x2c8: {  	s30 =	rddreg [dreg:$0xe]  }
0x2c9: {  	s31 =	rddreg [dreg:$0xd];
	s4 =	sadd.s32 $0x1, s30  }
0x2ca: {  	p0 =	sne.s32 s4, s31  }
.Ltmp1:
0x2cb: {  	_ = 	snop;
	(pc) =	sbr.rel @p0 .LBB2_1-.Ltmp1, $3  }
0x2cc: {  	_ =	sdelay $0x1  }
0x2cd: {  	[sflag:s3] =	ssyncset.done $0x0  }
0x2ce: {  	[sflag:s3] =	ssyncadd.s32 $0xFFFFFE00  }
0x2cf: {  	_ =	sfence.sel $0x180000  }
0x2d0: {  	[bflag:$0x0] =	sbarrier.arrive $0xFFFF  }
0x2d1: {  	_ =	strace $0x90000047  }
0x2d2: {  	s0 =	stileid.u32;
	[bflag:$0x2] =	sbarrier.arrive $0xFFFF  }
0x2d3: {  	p0 =	sne.s32 s0, $0x0;
	s0 =	rddreg [dreg:$0x6]  }
0x2d4: {  	s0 =	sadd.s32 @!p0 $0x100000, s0  }
0x2d5: {  	[sflag:s0] =	ssyncadd.tile.s32 @!p0 $0x1;
	_ =	shalt  }
.Lfunc_end2:
_tile_overlayer_lowered:
.L_overlay_start_2:
0x2d6: {  	(tag) =	ssettag $0x2  }
0x2d7: {  	s0 =	rddreg [dreg:$0x0];
	s2 =	stileid.u32  }
0x2d8: {  	s1 =	rddreg [dreg:$0x1];
	p0 =	sne.s32 s2, $0x0  }
0x2d9: {  	s3 =	rddreg [dreg:$0x2];
	[bflag:$0x3] =	sbarrier.arrive $0xFFFF;
	s2 =	simm.s32 @!p0 $0x1C01  }
0x2da: {  	[timem:s3], [sflag:s2] =	dma.local @!p0 [hbm:s0], s1  }
0x2db: {  	s0 =	simm.s32 @!p0 $0x1  }
0x2dc: {  	_ =	swait.ge @!p0 [sflag:s0], s1  }
0x2dd: {  	s1 =	ssub.s32 @!p0 $0x0, s1;
	[sflag:s0] =	ssyncset.done @!p0 $0x0  }
0x2de: {  	[sflag:s0] =	ssyncadd.s32 @!p0 s1  }
0x2df: {  	[bflag:$0x3] =	sbarrier.arrive $0xFFFF  }
0x2e0: {  	_ =	shalt  }

</sc_bundles>
